<compile_context>
chip_gen: v7x
topology: tpu7x:2x2x1
jax: 0.10.2.dev20260603
libtpu: 0.0.44.dev20260713+nightly
codegen_flags: <defaults>
</compile_context>

<pallas_src>
import functools

import jax
import jax.numpy as jnp
from jax import lax
from jax.experimental import pallas as pl
from jax.experimental.pallas import tpu as pltpu
from jax.experimental.pallas import tpu_sc as plsc


@functools.lru_cache(maxsize=None)
def _make_kernel(B, L, D, V):
    info = plsc.get_sparse_core_info()
    NC, NS = info.num_cores, info.num_subcores
    NW = NC * NS
    bags_per_w = B // NW
    C = 4
    NB = 5
    nchunks = bags_per_w // C
    IDX = C * L
    ND = D // 16
    inv_l = 1.0 / L

    mesh = plsc.VectorSubcoreMesh(core_axis_name="c", subcore_axis_name="s")

    @functools.partial(
        pl.kernel,
        mesh=mesh,
        compiler_params=pltpu.CompilerParams(use_tc_tiling_on_sc=False),
        out_type=jax.ShapeDtypeStruct((B, D), jnp.float32),
        scratch_types=[
            pltpu.VMEM((bags_per_w * L,), jnp.int32),
            pltpu.VMEM((NB, IDX, D), jnp.float32),
            pltpu.VMEM((bags_per_w, D), jnp.float32),
        ] + [pltpu.SemaphoreType.DMA] * 5,
    )
    def k(idx_hbm, table_hbm, out_hbm, idx_v, rows_v, out_v, *sems):
        wid = lax.axis_index("s") * NC + lax.axis_index("c")
        bag_base = wid * bags_per_w
        pltpu.sync_copy(idx_hbm.at[pl.ds(bag_base * L, bags_per_w * L)],
                        idx_v)

        def gather_start(g, b):
            pltpu.async_copy(table_hbm.at[idx_v.at[pl.ds(g * IDX, IDX)]],
                             rows_v.at[b], sems[b])

        def gather_wait(b):
            pltpu.make_async_copy(
                table_hbm.at[idx_v.at[pl.ds(0, IDX)]], rows_v.at[b],
                sems[b]).wait()

        def compute(g, b):
            def bag_body(c, _):
                base = c * L

                def lbody(l, accs):
                    r = base + l
                    return tuple(accs[d] + rows_v[b, r, pl.ds(d * 16, 16)]
                                 for d in range(ND))

                accs = lax.fori_loop(
                    0, L, lbody,
                    tuple(jnp.zeros((16,), jnp.float32) for _ in range(ND)),
                    unroll=10)
                row = g * C + c
                for d in range(ND):
                    out_v[row, pl.ds(d * 16, 16)] = accs[d] * inv_l
                return 0

            lax.fori_loop(0, C, bag_body, 0)

        for b in range(NB):
            gather_start(b, b)

        nfull = (nchunks // NB) * NB

        @pl.loop(0, nfull, step=NB)
        def _(j):
            for b in range(NB):
                g = j + b
                gather_wait(b)
                compute(g, b)

                @pl.when(g + NB < nchunks)
                def _():
                    gather_start(g + NB, b)

        for g in range(nfull, nchunks):
            b = g % NB
            gather_wait(b)
            compute(g, b)

        pltpu.sync_copy(out_v, out_hbm.at[pl.ds(bag_base, bags_per_w)])

    return k


def kernel(input_, weight):
    B, L = input_.shape
    V, D = weight.shape
    k = _make_kernel(B, L, D, V)
    return k(input_.reshape(-1), weight)

# --- scband reference (transcript-rebuilt; emitter-appended) ---
"""Pipeline reference for scband-column-parallel-embedding-bag-10531259810375 (READ-ONLY COPY).

The authoritative reference and input builder live on the scoring server;
editing this copy changes nothing except your own understanding.
"""

import jax, jax.numpy as jnp
import numpy as np

NUM_EMBEDDINGS = 1000000
EMBEDDING_DIM = 64
BATCH = 16384
BAG_LEN = 50


def setup_inputs(seed: int = 0) -> dict:
    key = jax.random.key(seed)
    k1, k2 = jax.random.split(key)
    input_ = jax.random.randint(k1, (BATCH, BAG_LEN), 0, NUM_EMBEDDINGS, dtype=jnp.int32)
    # xavier_normal_-style init for the (full, world_size=1) embedding table
    std = float(np.sqrt(2.0 / (NUM_EMBEDDINGS + EMBEDDING_DIM)))
    weight = jax.random.normal(k2, (NUM_EMBEDDINGS, EMBEDDING_DIM), dtype=jnp.float32) * std
    return {"input_": input_, "weight": weight}


def reference(input_, weight):
    # F.embedding_bag with 2-D input and mode='mean': each row of input_ is a bag
    # of fixed length; gather rows from the table then mean-pool over the bag dim.
    gathered = jnp.take(weight, input_, axis=0)  # [B, L, D]
    output = jnp.mean(gathered, axis=1)          # [B, D]
    # world_size == 1 -> comm_func (gather along dim=1) is an identity
    return output

if __name__ == "__main__":
    import jax
    _d = setup_inputs()
    print(jax.jit(kernel)(*tuple(_d.values())))

</pallas_src>

<mosaic_0001>
#map = affine_map<(d0, d1) -> (0)>
#map1 = affine_map<(d0, d1) -> (0, 0)>
module attributes {stable_mosaic.version = 14 : i64} {
  func.func @k(%arg0: i32, %arg1: i32, %arg2: memref<819200xi32, #tpu.memory_space<hbm>>, %arg3: memref<1000000x64xf32, #tpu.memory_space<hbm>>, %arg4: memref<16384x64xf32, #tpu.memory_space<hbm>>, %arg5: memref<25600xi32, #tpu.memory_space<vmem>>, %arg6: memref<5x200x64xf32, #tpu.memory_space<vmem>>, %arg7: memref<512x64xf32, #tpu.memory_space<vmem>>, %arg8: memref<!tpu.dma_semaphore, #tpu.memory_space<semaphore_mem>>, %arg9: memref<!tpu.dma_semaphore, #tpu.memory_space<semaphore_mem>>, %arg10: memref<!tpu.dma_semaphore, #tpu.memory_space<semaphore_mem>>, %arg11: memref<!tpu.dma_semaphore, #tpu.memory_space<semaphore_mem>>, %arg12: memref<!tpu.dma_semaphore, #tpu.memory_space<semaphore_mem>>) attributes {dimension_semantics = [#tpu.dimension_semantics<core_parallel>, #tpu.dimension_semantics<subcore_parallel>], iteration_bounds = array<i64: 2, 16>, scalar_prefetch = 0 : i64, scratch_operands = 8 : i64, tpu.core_type = #tpu.core_type<sc_vector_subcore>, window_params = [{transform_indices = #map}, {transform_indices = #map1}, {transform_indices = #map1}]} {
    %mul3A = arith.constant 2 : i32
    %mul3A_0 = arith.muli %arg1, %mul3A : i32
    %add3A = arith.addi %mul3A_0, %arg0 : i32
    %mul3A_1 = arith.constant 512 : i32
    %mul3A_2 = arith.muli %add3A, %mul3A_1 : i32
    %mul3A_3 = arith.constant 50 : i32
    %mul3A_4 = arith.muli %mul3A_2, %mul3A_3 : i32
    "tpu.region"() ({
      %run_scoped3A = tpu.sem_alloc : memref<!tpu.dma_semaphore, #tpu.memory_space<semaphore_mem>>
      %dma_start3A_108 = tpu.memref_slice %arg2[%mul3A_4] : memref<819200xi32, #tpu.memory_space<hbm>> -> memref<25600xi32, #tpu.memory_space<hbm>>
      %dma_start3A_109 = tpu.memref_slice %arg2[%mul3A_4] : memref<819200xi32, #tpu.memory_space<hbm>> -> memref<25600xi32, #tpu.memory_space<hbm>>
      tpu.enqueue_dma source(%dma_start3A_109 : memref<25600xi32, #tpu.memory_space<hbm>>) target(%arg5 : memref<25600xi32, #tpu.memory_space<vmem>>) target_semaphore(%run_scoped3A : memref<!tpu.dma_semaphore, #tpu.memory_space<semaphore_mem>>)
      %dma_wait3A_110 = tpu.memref_slice %arg2[%mul3A_4] : memref<819200xi32, #tpu.memory_space<hbm>> -> memref<25600xi32, #tpu.memory_space<hbm>>
      %dma_wait3A_111 = tpu.memref_slice %arg2[%mul3A_4] : memref<819200xi32, #tpu.memory_space<hbm>> -> memref<25600xi32, #tpu.memory_space<hbm>>
      tpu.wait_dma2 semaphore(%run_scoped3A : memref<!tpu.dma_semaphore, #tpu.memory_space<semaphore_mem>>) src(%dma_wait3A_111 : memref<25600xi32, #tpu.memory_space<hbm>>) dst(%arg5 : memref<25600xi32, #tpu.memory_space<vmem>>)
      tpu.yield
    }) : () -> ()
    %dma_start3A = arith.constant 0 : i32
    %dma_start3A_5 = arith.constant 0 : i32
    %dma_start3A_6 = arith.constant 0 : i32
    %dma_start3A_7 = tpu.memref_slice %arg6[%dma_start3A, %dma_start3A_5, %dma_start3A_6] : memref<5x200x64xf32, #tpu.memory_space<vmem>> -> memref<1x200x64xf32, #tpu.memory_space<vmem>>
    %dma_start3A_8 = tpu.memref_squeeze %dma_start3A_7 : memref<1x200x64xf32, #tpu.memory_space<vmem>> -> memref<200x64xf32, #tpu.memory_space<vmem>>
    %dma_start3A_9 = arith.constant 0 : i32
    %dma_start3A_10 = tpu.memref_slice %arg5[%dma_start3A_9] : memref<25600xi32, #tpu.memory_space<vmem>> -> memref<200xi32, #tpu.memory_space<vmem>>
    %dma_start3A_11 = arith.constant 0 : i32
    %dma_start3A_12 = arith.constant 0 : i32
    %dma_start3A_13 = tpu.memref_slice %arg3[%dma_start3A_11, %dma_start3A_12] : memref<1000000x64xf32, #tpu.memory_space<hbm>> -> memref<1000000x64xf32, #tpu.memory_space<hbm>>
    tpu.enqueue_indirect_dma source(%dma_start3A_13 : memref<1000000x64xf32, #tpu.memory_space<hbm>>) target(%dma_start3A_8 : memref<200x64xf32, #tpu.memory_space<vmem>>) offsets(%dma_start3A_10 : memref<200xi32, #tpu.memory_space<vmem>>) semaphore(%arg8 : memref<!tpu.dma_semaphore, #tpu.memory_space<semaphore_mem>>)
    %dma_start3A_14 = arith.constant 1 : i32
    %dma_start3A_15 = arith.constant 0 : i32
    %dma_start3A_16 = arith.constant 0 : i32
    %dma_start3A_17 = tpu.memref_slice %arg6[%dma_start3A_14, %dma_start3A_15, %dma_start3A_16] : memref<5x200x64xf32, #tpu.memory_space<vmem>> -> memref<1x200x64xf32, #tpu.memory_space<vmem>>
    %dma_start3A_18 = tpu.memref_squeeze %dma_start3A_17 : memref<1x200x64xf32, #tpu.memory_space<vmem>> -> memref<200x64xf32, #tpu.memory_space<vmem>>
    %dma_start3A_19 = arith.constant 200 : i32
    %dma_start3A_20 = tpu.memref_slice %arg5[%dma_start3A_19] : memref<25600xi32, #tpu.memory_space<vmem>> -> memref<200xi32, #tpu.memory_space<vmem>>
    %dma_start3A_21 = arith.constant 0 : i32
    %dma_start3A_22 = arith.constant 0 : i32
    %dma_start3A_23 = tpu.memref_slice %arg3[%dma_start3A_21, %dma_start3A_22] : memref<1000000x64xf32, #tpu.memory_space<hbm>> -> memref<1000000x64xf32, #tpu.memory_space<hbm>>
    tpu.enqueue_indirect_dma source(%dma_start3A_23 : memref<1000000x64xf32, #tpu.memory_space<hbm>>) target(%dma_start3A_18 : memref<200x64xf32, #tpu.memory_space<vmem>>) offsets(%dma_start3A_20 : memref<200xi32, #tpu.memory_space<vmem>>) semaphore(%arg9 : memref<!tpu.dma_semaphore, #tpu.memory_space<semaphore_mem>>)
    %dma_start3A_24 = arith.constant 2 : i32
    %dma_start3A_25 = arith.constant 0 : i32
    %dma_start3A_26 = arith.constant 0 : i32
    %dma_start3A_27 = tpu.memref_slice %arg6[%dma_start3A_24, %dma_start3A_25, %dma_start3A_26] : memref<5x200x64xf32, #tpu.memory_space<vmem>> -> memref<1x200x64xf32, #tpu.memory_space<vmem>>
    %dma_start3A_28 = tpu.memref_squeeze %dma_start3A_27 : memref<1x200x64xf32, #tpu.memory_space<vmem>> -> memref<200x64xf32, #tpu.memory_space<vmem>>
    %dma_start3A_29 = arith.constant 400 : i32
    %dma_start3A_30 = tpu.memref_slice %arg5[%dma_start3A_29] : memref<25600xi32, #tpu.memory_space<vmem>> -> memref<200xi32, #tpu.memory_space<vmem>>
    %dma_start3A_31 = arith.constant 0 : i32
    %dma_start3A_32 = arith.constant 0 : i32
    %dma_start3A_33 = tpu.memref_slice %arg3[%dma_start3A_31, %dma_start3A_32] : memref<1000000x64xf32, #tpu.memory_space<hbm>> -> memref<1000000x64xf32, #tpu.memory_space<hbm>>
    tpu.enqueue_indirect_dma source(%dma_start3A_33 : memref<1000000x64xf32, #tpu.memory_space<hbm>>) target(%dma_start3A_28 : memref<200x64xf32, #tpu.memory_space<vmem>>) offsets(%dma_start3A_30 : memref<200xi32, #tpu.memory_space<vmem>>) semaphore(%arg10 : memref<!tpu.dma_semaphore, #tpu.memory_space<semaphore_mem>>)
    %dma_start3A_34 = arith.constant 3 : i32
    %dma_start3A_35 = arith.constant 0 : i32
    %dma_start3A_36 = arith.constant 0 : i32
    %dma_start3A_37 = tpu.memref_slice %arg6[%dma_start3A_34, %dma_start3A_35, %dma_start3A_36] : memref<5x200x64xf32, #tpu.memory_space<vmem>> -> memref<1x200x64xf32, #tpu.memory_space<vmem>>
    %dma_start3A_38 = tpu.memref_squeeze %dma_start3A_37 : memref<1x200x64xf32, #tpu.memory_space<vmem>> -> memref<200x64xf32, #tpu.memory_space<vmem>>
    %dma_start3A_39 = arith.constant 600 : i32
    %dma_start3A_40 = tpu.memref_slice %arg5[%dma_start3A_39] : memref<25600xi32, #tpu.memory_space<vmem>> -> memref<200xi32, #tpu.memory_space<vmem>>
    %dma_start3A_41 = arith.constant 0 : i32
    %dma_start3A_42 = arith.constant 0 : i32
    %dma_start3A_43 = tpu.memref_slice %arg3[%dma_start3A_41, %dma_start3A_42] : memref<1000000x64xf32, #tpu.memory_space<hbm>> -> memref<1000000x64xf32, #tpu.memory_space<hbm>>
    tpu.enqueue_indirect_dma source(%dma_start3A_43 : memref<1000000x64xf32, #tpu.memory_space<hbm>>) target(%dma_start3A_38 : memref<200x64xf32, #tpu.memory_space<vmem>>) offsets(%dma_start3A_40 : memref<200xi32, #tpu.memory_space<vmem>>) semaphore(%arg11 : memref<!tpu.dma_semaphore, #tpu.memory_space<semaphore_mem>>)
    %dma_start3A_44 = arith.constant 4 : i32
    %dma_start3A_45 = arith.constant 0 : i32
    %dma_start3A_46 = arith.constant 0 : i32
    %dma_start3A_47 = tpu.memref_slice %arg6[%dma_start3A_44, %dma_start3A_45, %dma_start3A_46] : memref<5x200x64xf32, #tpu.memory_space<vmem>> -> memref<1x200x64xf32, #tpu.memory_space<vmem>>
    %dma_start3A_48 = tpu.memref_squeeze %dma_start3A_47 : memref<1x200x64xf32, #tpu.memory_space<vmem>> -> memref<200x64xf32, #tpu.memory_space<vmem>>
    %dma_start3A_49 = arith.constant 800 : i32
    %dma_start3A_50 = tpu.memref_slice %arg5[%dma_start3A_49] : memref<25600xi32, #tpu.memory_space<vmem>> -> memref<200xi32, #tpu.memory_space<vmem>>
    %dma_start3A_51 = arith.constant 0 : i32
    %dma_start3A_52 = arith.constant 0 : i32
    %dma_start3A_53 = tpu.memref_slice %arg3[%dma_start3A_51, %dma_start3A_52] : memref<1000000x64xf32, #tpu.memory_space<hbm>> -> memref<1000000x64xf32, #tpu.memory_space<hbm>>
    tpu.enqueue_indirect_dma source(%dma_start3A_53 : memref<1000000x64xf32, #tpu.memory_space<hbm>>) target(%dma_start3A_48 : memref<200x64xf32, #tpu.memory_space<vmem>>) offsets(%dma_start3A_50 : memref<200xi32, #tpu.memory_space<vmem>>) semaphore(%arg12 : memref<!tpu.dma_semaphore, #tpu.memory_space<semaphore_mem>>)
    %scan3A = arith.constant 0 : i32
    %scan3A_54 = arith.constant 25 : i32
    %scan3A_55 = arith.addi %scan3A, %scan3A_54 : i32
    %scan3A_56 = arith.constant 1 : i32
    scf.for %scan3A_108 = %scan3A to %scan3A_55 step %scan3A_56  : i32 {
      %mul3A_109 = arith.constant 5 : i32
      %mul3A_110 = arith.muli %scan3A_108, %mul3A_109 : i32
      %add3A_111 = arith.constant 0 : i32
      %add3A_112 = arith.addi %add3A_111, %mul3A_110 : i32
      %add3A_113 = arith.constant 0 : i32
      %add3A_114 = arith.addi %add3A_112, %add3A_113 : i32
      %dma_wait3A_115 = arith.constant 0 : i32
      %dma_wait3A_116 = arith.constant 0 : i32
      %dma_wait3A_117 = arith.constant 0 : i32
      %dma_wait3A_118 = tpu.memref_slice %arg6[%dma_wait3A_115, %dma_wait3A_116, %dma_wait3A_117] : memref<5x200x64xf32, #tpu.memory_space<vmem>> -> memref<1x200x64xf32, #tpu.memory_space<vmem>>
      %dma_wait3A_119 = tpu.memref_squeeze %dma_wait3A_118 : memref<1x200x64xf32, #tpu.memory_space<vmem>> -> memref<200x64xf32, #tpu.memory_space<vmem>>
      %dma_wait3A_120 = arith.constant 0 : i32
      %dma_wait3A_121 = tpu.memref_slice %arg5[%dma_wait3A_120] : memref<25600xi32, #tpu.memory_space<vmem>> -> memref<200xi32, #tpu.memory_space<vmem>>
      %dma_wait3A_122 = arith.constant 0 : i32
      %dma_wait3A_123 = arith.constant 0 : i32
      %dma_wait3A_124 = tpu.memref_slice %arg3[%dma_wait3A_122, %dma_wait3A_123] : memref<1000000x64xf32, #tpu.memory_space<hbm>> -> memref<1000000x64xf32, #tpu.memory_space<hbm>>
      tpu.wait_indirect_dma semaphore(%arg8 : memref<!tpu.dma_semaphore, #tpu.memory_space<semaphore_mem>>) src(%dma_wait3A_124 : memref<1000000x64xf32, #tpu.memory_space<hbm>>) dst(%dma_wait3A_119 : memref<200x64xf32, #tpu.memory_space<vmem>>)
      %scan3A_125 = arith.constant 0 : i32
      %scan3A_126 = arith.constant 0 : i32
      %scan3A_127 = arith.constant 4 : i32
      %scan3A_128 = arith.addi %scan3A_126, %scan3A_127 : i32
      %scan3A_129 = arith.constant 1 : i32
      %scan3A_130 = scf.for %scan3A_240 = %scan3A_126 to %scan3A_128 step %scan3A_129 iter_args(%scan3A_241 = %scan3A_125) -> (i32)  : i32 {
        %mul3A_242 = arith.constant 50 : i32
        %mul3A_243 = arith.muli %scan3A_240, %mul3A_242 : i32
        %broadcast_in_dim3A = arith.constant 0.000000e+00 : f32
        %broadcast_in_dim3A_244 = vector.broadcast %broadcast_in_dim3A : f32 to vector<16xf32>
        %broadcast_in_dim3A_245 = arith.constant 0.000000e+00 : f32
        %broadcast_in_dim3A_246 = vector.broadcast %broadcast_in_dim3A_245 : f32 to vector<16xf32>
        %broadcast_in_dim3A_247 = arith.constant 0.000000e+00 : f32
        %broadcast_in_dim3A_248 = vector.broadcast %broadcast_in_dim3A_247 : f32 to vector<16xf32>
        %broadcast_in_dim3A_249 = arith.constant 0.000000e+00 : f32
        %broadcast_in_dim3A_250 = vector.broadcast %broadcast_in_dim3A_249 : f32 to vector<16xf32>
        %scan3A_251 = arith.constant 0 : i32
        %scan3A_252 = arith.constant 50 : i32
        %scan3A_253 = arith.addi %scan3A_251, %scan3A_252 : i32
        %scan3A_254 = arith.constant 10 : i32
        %scan3A_255:4 = scf.for %scan3A_292 = %scan3A_251 to %scan3A_253 step %scan3A_254 iter_args(%scan3A_293 = %broadcast_in_dim3A_244, %scan3A_294 = %broadcast_in_dim3A_246, %scan3A_295 = %broadcast_in_dim3A_248, %scan3A_296 = %broadcast_in_dim3A_250) -> (vector<16xf32>, vector<16xf32>, vector<16xf32>, vector<16xf32>)  : i32 {
          %add3A_297 = arith.addi %mul3A_243, %scan3A_292 : i32
          %get3A = arith.constant 0 : i32
          %get3A_298 = arith.index_cast %get3A : i32 to index
          %get3A_299 = arith.index_cast %add3A_297 : i32 to index
          %get3A_300 = arith.constant 0 : index
          %get3A_301 = tpu.vector_load %arg6[%get3A_298, %get3A_299, %get3A_300] {strides = array<i32>} : memref<5x200x64xf32, #tpu.memory_space<vmem>>, vector<1x1x16xf32>,
          %get3A_302 = vector.shape_cast %get3A_301 : vector<1x1x16xf32> to vector<16xf32>
          %add3A_303 = arith.addf %scan3A_293, %get3A_302 : vector<16xf32>
          %get3A_304 = arith.constant 0 : i32
          %get3A_305 = arith.index_cast %get3A_304 : i32 to index
          %get3A_306 = arith.index_cast %add3A_297 : i32 to index
          %get3A_307 = arith.constant 16 : index
          %get3A_308 = tpu.vector_load %arg6[%get3A_305, %get3A_306, %get3A_307] {strides = array<i32>} : memref<5x200x64xf32, #tpu.memory_space<vmem>>, vector<1x1x16xf32>,
          %get3A_309 = vector.shape_cast %get3A_308 : vector<1x1x16xf32> to vector<16xf32>
          %add3A_310 = arith.addf %scan3A_294, %get3A_309 : vector<16xf32>
          %get3A_311 = arith.constant 0 : i32
          %get3A_312 = arith.index_cast %get3A_311 : i32 to index
          %get3A_313 = arith.index_cast %add3A_297 : i32 to index
          %get3A_314 = arith.constant 32 : index
          %get3A_315 = tpu.vector_load %arg6[%get3A_312, %get3A_313, %get3A_314] {strides = array<i32>} : memref<5x200x64xf32, #tpu.memory_space<vmem>>, vector<1x1x16xf32>,
          %get3A_316 = vector.shape_cast %get3A_315 : vector<1x1x16xf32> to vector<16xf32>
          %add3A_317 = arith.addf %scan3A_295, %get3A_316 : vector<16xf32>
          %get3A_318 = arith.constant 0 : i32
          %get3A_319 = arith.index_cast %get3A_318 : i32 to index
          %get3A_320 = arith.index_cast %add3A_297 : i32 to index
          %get3A_321 = arith.constant 48 : index
          %get3A_322 = tpu.vector_load %arg6[%get3A_319, %get3A_320, %get3A_321] {strides = array<i32>} : memref<5x200x64xf32, #tpu.memory_space<vmem>>, vector<1x1x16xf32>,
          %get3A_323 = vector.shape_cast %get3A_322 : vector<1x1x16xf32> to vector<16xf32>
          %add3A_324 = arith.addf %scan3A_296, %get3A_323 : vector<16xf32>
          %scan3A_325 = arith.constant 1 : i32
          %scan3A_326 = arith.addi %scan3A_292, %scan3A_325 : i32
          %add3A_327 = arith.addi %mul3A_243, %scan3A_326 : i32
          %get3A_328 = arith.constant 0 : i32
          %get3A_329 = arith.index_cast %get3A_328 : i32 to index
          %get3A_330 = arith.index_cast %add3A_327 : i32 to index
          %get3A_331 = arith.constant 0 : index
          %get3A_332 = tpu.vector_load %arg6[%get3A_329, %get3A_330, %get3A_331] {strides = array<i32>} : memref<5x200x64xf32, #tpu.memory_space<vmem>>, vector<1x1x16xf32>,
          %get3A_333 = vector.shape_cast %get3A_332 : vector<1x1x16xf32> to vector<16xf32>
          %add3A_334 = arith.addf %add3A_303, %get3A_333 : vector<16xf32>
          %get3A_335 = arith.constant 0 : i32
          %get3A_336 = arith.index_cast %get3A_335 : i32 to index
          %get3A_337 = arith.index_cast %add3A_327 : i32 to index
          %get3A_338 = arith.constant 16 : index
          %get3A_339 = tpu.vector_load %arg6[%get3A_336, %get3A_337, %get3A_338] {strides = array<i32>} : memref<5x200x64xf32, #tpu.memory_space<vmem>>, vector<1x1x16xf32>,
          %get3A_340 = vector.shape_cast %get3A_339 : vector<1x1x16xf32> to vector<16xf32>
          %add3A_341 = arith.addf %add3A_310, %get3A_340 : vector<16xf32>
          %get3A_342 = arith.constant 0 : i32
          %get3A_343 = arith.index_cast %get3A_342 : i32 to index
          %get3A_344 = arith.index_cast %add3A_327 : i32 to index
          %get3A_345 = arith.constant 32 : index
          %get3A_346 = tpu.vector_load %arg6[%get3A_343, %get3A_344, %get3A_345] {strides = array<i32>} : memref<5x200x64xf32, #tpu.memory_space<vmem>>, vector<1x1x16xf32>,
          %get3A_347 = vector.shape_cast %get3A_346 : vector<1x1x16xf32> to vector<16xf32>
          %add3A_348 = arith.addf %add3A_317, %get3A_347 : vector<16xf32>
          %get3A_349 = arith.constant 0 : i32
          %get3A_350 = arith.index_cast %get3A_349 : i32 to index
          %get3A_351 = arith.index_cast %add3A_327 : i32 to index
          %get3A_352 = arith.constant 48 : index
          %get3A_353 = tpu.vector_load %arg6[%get3A_350, %get3A_351, %get3A_352] {strides = array<i32>} : memref<5x200x64xf32, #tpu.memory_space<vmem>>, vector<1x1x16xf32>,
          %get3A_354 = vector.shape_cast %get3A_353 : vector<1x1x16xf32> to vector<16xf32>
          %add3A_355 = arith.addf %add3A_324, %get3A_354 : vector<16xf32>
          %scan3A_356 = arith.constant 2 : i32
          %scan3A_357 = arith.addi %scan3A_292, %scan3A_356 : i32
          %add3A_358 = arith.addi %mul3A_243, %scan3A_357 : i32
          %get3A_359 = arith.constant 0 : i32
          %get3A_360 = arith.index_cast %get3A_359 : i32 to index
          %get3A_361 = arith.index_cast %add3A_358 : i32 to index
          %get3A_362 = arith.constant 0 : index
          %get3A_363 = tpu.vector_load %arg6[%get3A_360, %get3A_361, %get3A_362] {strides = array<i32>} : memref<5x200x64xf32, #tpu.memory_space<vmem>>, vector<1x1x16xf32>,
          %get3A_364 = vector.shape_cast %get3A_363 : vector<1x1x16xf32> to vector<16xf32>
          %add3A_365 = arith.addf %add3A_334, %get3A_364 : vector<16xf32>
          %get3A_366 = arith.constant 0 : i32
          %get3A_367 = arith.index_cast %get3A_366 : i32 to index
          %get3A_368 = arith.index_cast %add3A_358 : i32 to index
          %get3A_369 = arith.constant 16 : index
          %get3A_370 = tpu.vector_load %arg6[%get3A_367, %get3A_368, %get3A_369] {strides = array<i32>} : memref<5x200x64xf32, #tpu.memory_space<vmem>>, vector<1x1x16xf32>,
          %get3A_371 = vector.shape_cast %get3A_370 : vector<1x1x16xf32> to vector<16xf32>
          %add3A_372 = arith.addf %add3A_341, %get3A_371 : vector<16xf32>
          %get3A_373 = arith.constant 0 : i32
          %get3A_374 = arith.index_cast %get3A_373 : i32 to index
          %get3A_375 = arith.index_cast %add3A_358 : i32 to index
          %get3A_376 = arith.constant 32 : index
          %get3A_377 = tpu.vector_load %arg6[%get3A_374, %get3A_375, %get3A_376] {strides = array<i32>} : memref<5x200x64xf32, #tpu.memory_space<vmem>>, vector<1x1x16xf32>,
          %get3A_378 = vector.shape_cast %get3A_377 : vector<1x1x16xf32> to vector<16xf32>
          %add3A_379 = arith.addf %add3A_348, %get3A_378 : vector<16xf32>
          %get3A_380 = arith.constant 0 : i32
          %get3A_381 = arith.index_cast %get3A_380 : i32 to index
          %get3A_382 = arith.index_cast %add3A_358 : i32 to index
          %get3A_383 = arith.constant 48 : index
          %get3A_384 = tpu.vector_load %arg6[%get3A_381, %get3A_382, %get3A_383] {strides = array<i32>} : memref<5x200x64xf32, #tpu.memory_space<vmem>>, vector<1x1x16xf32>,
          %get3A_385 = vector.shape_cast %get3A_384 : vector<1x1x16xf32> to vector<16xf32>
          %add3A_386 = arith.addf %add3A_355, %get3A_385 : vector<16xf32>
          %scan3A_387 = arith.constant 3 : i32
          %scan3A_388 = arith.addi %scan3A_292, %scan3A_387 : i32
          %add3A_389 = arith.addi %mul3A_243, %scan3A_388 : i32
          %get3A_390 = arith.constant 0 : i32
          %get3A_391 = arith.index_cast %get3A_390 : i32 to index
          %get3A_392 = arith.index_cast %add3A_389 : i32 to index
          %get3A_393 = arith.constant 0 : index
          %get3A_394 = tpu.vector_load %arg6[%get3A_391, %get3A_392, %get3A_393] {strides = array<i32>} : memref<5x200x64xf32, #tpu.memory_space<vmem>>, vector<1x1x16xf32>,
          %get3A_395 = vector.shape_cast %get3A_394 : vector<1x1x16xf32> to vector<16xf32>
          %add3A_396 = arith.addf %add3A_365, %get3A_395 : vector<16xf32>
          %get3A_397 = arith.constant 0 : i32
          %get3A_398 = arith.index_cast %get3A_397 : i32 to index
          %get3A_399 = arith.index_cast %add3A_389 : i32 to index
          %get3A_400 = arith.constant 16 : index
          %get3A_401 = tpu.vector_load %arg6[%get3A_398, %get3A_399, %get3A_400] {strides = array<i32>} : memref<5x200x64xf32, #tpu.memory_space<vmem>>, vector<1x1x16xf32>,
          %get3A_402 = vector.shape_cast %get3A_401 : vector<1x1x16xf32> to vector<16xf32>
          %add3A_403 = arith.addf %add3A_372, %get3A_402 : vector<16xf32>
          %get3A_404 = arith.constant 0 : i32
          %get3A_405 = arith.index_cast %get3A_404 : i32 to index
          %get3A_406 = arith.index_cast %add3A_389 : i32 to index
          %get3A_407 = arith.constant 32 : index
          %get3A_408 = tpu.vector_load %arg6[%get3A_405, %get3A_406, %get3A_407] {strides = array<i32>} : memref<5x200x64xf32, #tpu.memory_space<vmem>>, vector<1x1x16xf32>,
          %get3A_409 = vector.shape_cast %get3A_408 : vector<1x1x16xf32> to vector<16xf32>
          %add3A_410 = arith.addf %add3A_379, %get3A_409 : vector<16xf32>
          %get3A_411 = arith.constant 0 : i32
          %get3A_412 = arith.index_cast %get3A_411 : i32 to index
          %get3A_413 = arith.index_cast %add3A_389 : i32 to index
          %get3A_414 = arith.constant 48 : index
          %get3A_415 = tpu.vector_load %arg6[%get3A_412, %get3A_413, %get3A_414] {strides = array<i32>} : memref<5x200x64xf32, #tpu.memory_space<vmem>>, vector<1x1x16xf32>,
          %get3A_416 = vector.shape_cast %get3A_415 : vector<1x1x16xf32> to vector<16xf32>
          %add3A_417 = arith.addf %add3A_386, %get3A_416 : vector<16xf32>
          %scan3A_418 = arith.constant 4 : i32
          %scan3A_419 = arith.addi %scan3A_292, %scan3A_418 : i32
          %add3A_420 = arith.addi %mul3A_243, %scan3A_419 : i32
          %get3A_421 = arith.constant 0 : i32
          %get3A_422 = arith.index_cast %get3A_421 : i32 to index
          %get3A_423 = arith.index_cast %add3A_420 : i32 to index
          %get3A_424 = arith.constant 0 : index
          %get3A_425 = tpu.vector_load %arg6[%get3A_422, %get3A_423, %get3A_424] {strides = array<i32>} : memref<5x200x64xf32, #tpu.memory_space<vmem>>, vector<1x1x16xf32>,
          %get3A_426 = vector.shape_cast %get3A_425 : vector<1x1x16xf32> to vector<16xf32>
          %add3A_427 = arith.addf %add3A_396, %get3A_426 : vector<16xf32>
          %get3A_428 = arith.constant 0 : i32
          %get3A_429 = arith.index_cast %get3A_428 : i32 to index
          %get3A_430 = arith.index_cast %add3A_420 : i32 to index
          %get3A_431 = arith.constant 16 : index
          %get3A_432 = tpu.vector_load %arg6[%get3A_429, %get3A_430, %get3A_431] {strides = array<i32>} : memref<5x200x64xf32, #tpu.memory_space<vmem>>, vector<1x1x16xf32>,
          %get3A_433 = vector.shape_cast %get3A_432 : vector<1x1x16xf32> to vector<16xf32>
          %add3A_434 = arith.addf %add3A_403, %get3A_433 : vector<16xf32>
          %get3A_435 = arith.constant 0 : i32
          %get3A_436 = arith.index_cast %get3A_435 : i32 to index
          %get3A_437 = arith.index_cast %add3A_420 : i32 to index
          %get3A_438 = arith.constant 32 : index
          %get3A_439 = tpu.vector_load %arg6[%get3A_436, %get3A_437, %get3A_438] {strides = array<i32>} : memref<5x200x64xf32, #tpu.memory_space<vmem>>, vector<1x1x16xf32>,
          %get3A_440 = vector.shape_cast %get3A_439 : vector<1x1x16xf32> to vector<16xf32>
          %add3A_441 = arith.addf %add3A_410, %get3A_440 : vector<16xf32>
          %get3A_442 = arith.constant 0 : i32
          %get3A_443 = arith.index_cast %get3A_442 : i32 to index
          %get3A_444 = arith.index_cast %add3A_420 : i32 to index
          %get3A_445 = arith.constant 48 : index
          %get3A_446 = tpu.vector_load %arg6[%get3A_443, %get3A_444, %get3A_445] {strides = array<i32>} : memref<5x200x64xf32, #tpu.memory_space<vmem>>, vector<1x1x16xf32>,
          %get3A_447 = vector.shape_cast %get3A_446 : vector<1x1x16xf32> to vector<16xf32>
          %add3A_448 = arith.addf %add3A_417, %get3A_447 : vector<16xf32>
          %scan3A_449 = arith.constant 5 : i32
          %scan3A_450 = arith.addi %scan3A_292, %scan3A_449 : i32
          %add3A_451 = arith.addi %mul3A_243, %scan3A_450 : i32
          %get3A_452 = arith.constant 0 : i32
          %get3A_453 = arith.index_cast %get3A_452 : i32 to index
          %get3A_454 = arith.index_cast %add3A_451 : i32 to index
          %get3A_455 = arith.constant 0 : index
          %get3A_456 = tpu.vector_load %arg6[%get3A_453, %get3A_454, %get3A_455] {strides = array<i32>} : memref<5x200x64xf32, #tpu.memory_space<vmem>>, vector<1x1x16xf32>,
          %get3A_457 = vector.shape_cast %get3A_456 : vector<1x1x16xf32> to vector<16xf32>
          %add3A_458 = arith.addf %add3A_427, %get3A_457 : vector<16xf32>
          %get3A_459 = arith.constant 0 : i32
          %get3A_460 = arith.index_cast %get3A_459 : i32 to index
          %get3A_461 = arith.index_cast %add3A_451 : i32 to index
          %get3A_462 = arith.constant 16 : index
          %get3A_463 = tpu.vector_load %arg6[%get3A_460, %get3A_461, %get3A_462] {strides = array<i32>} : memref<5x200x64xf32, #tpu.memory_space<vmem>>, vector<1x1x16xf32>,
          %get3A_464 = vector.shape_cast %get3A_463 : vector<1x1x16xf32> to vector<16xf32>
          %add3A_465 = arith.addf %add3A_434, %get3A_464 : vector<16xf32>
          %get3A_466 = arith.constant 0 : i32
          %get3A_467 = arith.index_cast %get3A_466 : i32 to index
          %get3A_468 = arith.index_cast %add3A_451 : i32 to index
          %get3A_469 = arith.constant 32 : index
          %get3A_470 = tpu.vector_load %arg6[%get3A_467, %get3A_468, %get3A_469] {strides = array<i32>} : memref<5x200x64xf32, #tpu.memory_space<vmem>>, vector<1x1x16xf32>,
          %get3A_471 = vector.shape_cast %get3A_470 : vector<1x1x16xf32> to vector<16xf32>
          %add3A_472 = arith.addf %add3A_441, %get3A_471 : vector<16xf32>
          %get3A_473 = arith.constant 0 : i32
          %get3A_474 = arith.index_cast %get3A_473 : i32 to index
          %get3A_475 = arith.index_cast %add3A_451 : i32 to index
          %get3A_476 = arith.constant 48 : index
          %get3A_477 = tpu.vector_load %arg6[%get3A_474, %get3A_475, %get3A_476] {strides = array<i32>} : memref<5x200x64xf32, #tpu.memory_space<vmem>>, vector<1x1x16xf32>,
          %get3A_478 = vector.shape_cast %get3A_477 : vector<1x1x16xf32> to vector<16xf32>
          %add3A_479 = arith.addf %add3A_448, %get3A_478 : vector<16xf32>
          %scan3A_480 = arith.constant 6 : i32
          %scan3A_481 = arith.addi %scan3A_292, %scan3A_480 : i32
          %add3A_482 = arith.addi %mul3A_243, %scan3A_481 : i32
          %get3A_483 = arith.constant 0 : i32
          %get3A_484 = arith.index_cast %get3A_483 : i32 to index
          %get3A_485 = arith.index_cast %add3A_482 : i32 to index
          %get3A_486 = arith.constant 0 : index
          %get3A_487 = tpu.vector_load %arg6[%get3A_484, %get3A_485, %get3A_486] {strides = array<i32>} : memref<5x200x64xf32, #tpu.memory_space<vmem>>, vector<1x1x16xf32>,
          %get3A_488 = vector.shape_cast %get3A_487 : vector<1x1x16xf32> to vector<16xf32>
          %add3A_489 = arith.addf %add3A_458, %get3A_488 : vector<16xf32>
          %get3A_490 = arith.constant 0 : i32
          %get3A_491 = arith.index_cast %get3A_490 : i32 to index
          %get3A_492 = arith.index_cast %add3A_482 : i32 to index
          %get3A_493 = arith.constant 16 : index
          %get3A_494 = tpu.vector_load %arg6[%get3A_491, %get3A_492, %get3A_493] {strides = array<i32>} : memref<5x200x64xf32, #tpu.memory_space<vmem>>, vector<1x1x16xf32>,
          %get3A_495 = vector.shape_cast %get3A_494 : vector<1x1x16xf32> to vector<16xf32>
          %add3A_496 = arith.addf %add3A_465, %get3A_495 : vector<16xf32>
          %get3A_497 = arith.constant 0 : i32
          %get3A_498 = arith.index_cast %get3A_497 : i32 to index
          %get3A_499 = arith.index_cast %add3A_482 : i32 to index
          %get3A_500 = arith.constant 32 : index
          %get3A_501 = tpu.vector_load %arg6[%get3A_498, %get3A_499, %get3A_500] {strides = array<i32>} : memref<5x200x64xf32, #tpu.memory_space<vmem>>, vector<1x1x16xf32>,
          %get3A_502 = vector.shape_cast %get3A_501 : vector<1x1x16xf32> to vector<16xf32>
          %add3A_503 = arith.addf %add3A_472, %get3A_502 : vector<16xf32>
          %get3A_504 = arith.constant 0 : i32
          %get3A_505 = arith.index_cast %get3A_504 : i32 to index
          %get3A_506 = arith.index_cast %add3A_482 : i32 to index
          %get3A_507 = arith.constant 48 : index
          %get3A_508 = tpu.vector_load %arg6[%get3A_505, %get3A_506, %get3A_507] {strides = array<i32>} : memref<5x200x64xf32, #tpu.memory_space<vmem>>, vector<1x1x16xf32>,
          %get3A_509 = vector.shape_cast %get3A_508 : vector<1x1x16xf32> to vector<16xf32>
          %add3A_510 = arith.addf %add3A_479, %get3A_509 : vector<16xf32>
          %scan3A_511 = arith.constant 7 : i32
          %scan3A_512 = arith.addi %scan3A_292, %scan3A_511 : i32
          %add3A_513 = arith.addi %mul3A_243, %scan3A_512 : i32
          %get3A_514 = arith.constant 0 : i32
          %get3A_515 = arith.index_cast %get3A_514 : i32 to index
          %get3A_516 = arith.index_cast %add3A_513 : i32 to index
          %get3A_517 = arith.constant 0 : index
          %get3A_518 = tpu.vector_load %arg6[%get3A_515, %get3A_516, %get3A_517] {strides = array<i32>} : memref<5x200x64xf32, #tpu.memory_space<vmem>>, vector<1x1x16xf32>,
          %get3A_519 = vector.shape_cast %get3A_518 : vector<1x1x16xf32> to vector<16xf32>
          %add3A_520 = arith.addf %add3A_489, %get3A_519 : vector<16xf32>
          %get3A_521 = arith.constant 0 : i32
          %get3A_522 = arith.index_cast %get3A_521 : i32 to index
          %get3A_523 = arith.index_cast %add3A_513 : i32 to index
          %get3A_524 = arith.constant 16 : index
          %get3A_525 = tpu.vector_load %arg6[%get3A_522, %get3A_523, %get3A_524] {strides = array<i32>} : memref<5x200x64xf32, #tpu.memory_space<vmem>>, vector<1x1x16xf32>,
          %get3A_526 = vector.shape_cast %get3A_525 : vector<1x1x16xf32> to vector<16xf32>
          %add3A_527 = arith.addf %add3A_496, %get3A_526 : vector<16xf32>
          %get3A_528 = arith.constant 0 : i32
          %get3A_529 = arith.index_cast %get3A_528 : i32 to index
          %get3A_530 = arith.index_cast %add3A_513 : i32 to index
          %get3A_531 = arith.constant 32 : index
          %get3A_532 = tpu.vector_load %arg6[%get3A_529, %get3A_530, %get3A_531] {strides = array<i32>} : memref<5x200x64xf32, #tpu.memory_space<vmem>>, vector<1x1x16xf32>,
          %get3A_533 = vector.shape_cast %get3A_532 : vector<1x1x16xf32> to vector<16xf32>
          %add3A_534 = arith.addf %add3A_503, %get3A_533 : vector<16xf32>
          %get3A_535 = arith.constant 0 : i32
          %get3A_536 = arith.index_cast %get3A_535 : i32 to index
          %get3A_537 = arith.index_cast %add3A_513 : i32 to index
          %get3A_538 = arith.constant 48 : index
          %get3A_539 = tpu.vector_load %arg6[%get3A_536, %get3A_537, %get3A_538] {strides = array<i32>} : memref<5x200x64xf32, #tpu.memory_space<vmem>>, vector<1x1x16xf32>,
          %get3A_540 = vector.shape_cast %get3A_539 : vector<1x1x16xf32> to vector<16xf32>
          %add3A_541 = arith.addf %add3A_510, %get3A_540 : vector<16xf32>
          %scan3A_542 = arith.constant 8 : i32
          %scan3A_543 = arith.addi %scan3A_292, %scan3A_542 : i32
          %add3A_544 = arith.addi %mul3A_243, %scan3A_543 : i32
          %get3A_545 = arith.constant 0 : i32
          %get3A_546 = arith.index_cast %get3A_545 : i32 to index
          %get3A_547 = arith.index_cast %add3A_544 : i32 to index
          %get3A_548 = arith.constant 0 : index
          %get3A_549 = tpu.vector_load %arg6[%get3A_546, %get3A_547, %get3A_548] {strides = array<i32>} : memref<5x200x64xf32, #tpu.memory_space<vmem>>, vector<1x1x16xf32>,
          %get3A_550 = vector.shape_cast %get3A_549 : vector<1x1x16xf32> to vector<16xf32>
          %add3A_551 = arith.addf %add3A_520, %get3A_550 : vector<16xf32>
          %get3A_552 = arith.constant 0 : i32
          %get3A_553 = arith.index_cast %get3A_552 : i32 to index
          %get3A_554 = arith.index_cast %add3A_544 : i32 to index
          %get3A_555 = arith.constant 16 : index
          %get3A_556 = tpu.vector_load %arg6[%get3A_553, %get3A_554, %get3A_555] {strides = array<i32>} : memref<5x200x64xf32, #tpu.memory_space<vmem>>, vector<1x1x16xf32>,
          %get3A_557 = vector.shape_cast %get3A_556 : vector<1x1x16xf32> to vector<16xf32>
          %add3A_558 = arith.addf %add3A_527, %get3A_557 : vector<16xf32>
          %get3A_559 = arith.constant 0 : i32
          %get3A_560 = arith.index_cast %get3A_559 : i32 to index
          %get3A_561 = arith.index_cast %add3A_544 : i32 to index
          %get3A_562 = arith.constant 32 : index
          %get3A_563 = tpu.vector_load %arg6[%get3A_560, %get3A_561, %get3A_562] {strides = array<i32>} : memref<5x200x64xf32, #tpu.memory_space<vmem>>, vector<1x1x16xf32>,
          %get3A_564 = vector.shape_cast %get3A_563 : vector<1x1x16xf32> to vector<16xf32>
          %add3A_565 = arith.addf %add3A_534, %get3A_564 : vector<16xf32>
          %get3A_566 = arith.constant 0 : i32
          %get3A_567 = arith.index_cast %get3A_566 : i32 to index
          %get3A_568 = arith.index_cast %add3A_544 : i32 to index
          %get3A_569 = arith.constant 48 : index
          %get3A_570 = tpu.vector_load %arg6[%get3A_567, %get3A_568, %get3A_569] {strides = array<i32>} : memref<5x200x64xf32, #tpu.memory_space<vmem>>, vector<1x1x16xf32>,
          %get3A_571 = vector.shape_cast %get3A_570 : vector<1x1x16xf32> to vector<16xf32>
          %add3A_572 = arith.addf %add3A_541, %get3A_571 : vector<16xf32>
          %scan3A_573 = arith.constant 9 : i32
          %scan3A_574 = arith.addi %scan3A_292, %scan3A_573 : i32
          %add3A_575 = arith.addi %mul3A_243, %scan3A_574 : i32
          %get3A_576 = arith.constant 0 : i32
          %get3A_577 = arith.index_cast %get3A_576 : i32 to index
          %get3A_578 = arith.index_cast %add3A_575 : i32 to index
          %get3A_579 = arith.constant 0 : index
          %get3A_580 = tpu.vector_load %arg6[%get3A_577, %get3A_578, %get3A_579] {strides = array<i32>} : memref<5x200x64xf32, #tpu.memory_space<vmem>>, vector<1x1x16xf32>,
          %get3A_581 = vector.shape_cast %get3A_580 : vector<1x1x16xf32> to vector<16xf32>
          %add3A_582 = arith.addf %add3A_551, %get3A_581 : vector<16xf32>
          %get3A_583 = arith.constant 0 : i32
          %get3A_584 = arith.index_cast %get3A_583 : i32 to index
          %get3A_585 = arith.index_cast %add3A_575 : i32 to index
          %get3A_586 = arith.constant 16 : index
          %get3A_587 = tpu.vector_load %arg6[%get3A_584, %get3A_585, %get3A_586] {strides = array<i32>} : memref<5x200x64xf32, #tpu.memory_space<vmem>>, vector<1x1x16xf32>,
          %get3A_588 = vector.shape_cast %get3A_587 : vector<1x1x16xf32> to vector<16xf32>
          %add3A_589 = arith.addf %add3A_558, %get3A_588 : vector<16xf32>
          %get3A_590 = arith.constant 0 : i32
          %get3A_591 = arith.index_cast %get3A_590 : i32 to index
          %get3A_592 = arith.index_cast %add3A_575 : i32 to index
          %get3A_593 = arith.constant 32 : index
          %get3A_594 = tpu.vector_load %arg6[%get3A_591, %get3A_592, %get3A_593] {strides = array<i32>} : memref<5x200x64xf32, #tpu.memory_space<vmem>>, vector<1x1x16xf32>,
          %get3A_595 = vector.shape_cast %get3A_594 : vector<1x1x16xf32> to vector<16xf32>
          %add3A_596 = arith.addf %add3A_565, %get3A_595 : vector<16xf32>
          %get3A_597 = arith.constant 0 : i32
          %get3A_598 = arith.index_cast %get3A_597 : i32 to index
          %get3A_599 = arith.index_cast %add3A_575 : i32 to index
          %get3A_600 = arith.constant 48 : index
          %get3A_601 = tpu.vector_load %arg6[%get3A_598, %get3A_599, %get3A_600] {strides = array<i32>} : memref<5x200x64xf32, #tpu.memory_space<vmem>>, vector<1x1x16xf32>,
          %get3A_602 = vector.shape_cast %get3A_601 : vector<1x1x16xf32> to vector<16xf32>
          %add3A_603 = arith.addf %add3A_572, %get3A_602 : vector<16xf32>
          scf.yield %add3A_582, %add3A_589, %add3A_596, %add3A_603 : vector<16xf32>, vector<16xf32>, vector<16xf32>, vector<16xf32>
        }
        %scan3A_256 = arith.constant 50 : i32
        %mul3A_257 = arith.constant 4 : i32
        %mul3A_258 = arith.muli %add3A_114, %mul3A_257 : i32
        %add3A_259 = arith.addi %mul3A_258, %scan3A_240 : i32
        %mul3A_260 = arith.constant 2.000000e-02 : f32
        %mul3A_261 = vector.broadcast %mul3A_260 : f32 to vector<16xf32>
        %mul3A_262 = arith.mulf %scan3A_255#0, %mul3A_261 : vector<16xf32>
        %swap3A = arith.index_cast %add3A_259 : i32 to index
        %swap3A_263 = arith.constant 0 : index
        %swap3A_264 = tpu.vector_load %arg7[%swap3A, %swap3A_263] {strides = array<i32>} : memref<512x64xf32, #tpu.memory_space<vmem>>, vector<1x16xf32>,
        %swap3A_265 = vector.shape_cast %swap3A_264 : vector<1x16xf32> to vector<16xf32>
        %swap3A_266 = vector.shape_cast %mul3A_262 : vector<16xf32> to vector<1x16xf32>
        tpu.vector_store %arg7[%swap3A, %swap3A_263], %swap3A_266 {strides = array<i32>} : memref<512x64xf32, #tpu.memory_space<vmem>>, vector<1x16xf32>,
        %mul3A_267 = arith.constant 2.000000e-02 : f32
        %mul3A_268 = vector.broadcast %mul3A_267 : f32 to vector<16xf32>
        %mul3A_269 = arith.mulf %scan3A_255#1, %mul3A_268 : vector<16xf32>
        %swap3A_270 = arith.index_cast %add3A_259 : i32 to index
        %swap3A_271 = arith.constant 16 : index
        %swap3A_272 = tpu.vector_load %arg7[%swap3A_270, %swap3A_271] {strides = array<i32>} : memref<512x64xf32, #tpu.memory_space<vmem>>, vector<1x16xf32>,
        %swap3A_273 = vector.shape_cast %swap3A_272 : vector<1x16xf32> to vector<16xf32>
        %swap3A_274 = vector.shape_cast %mul3A_269 : vector<16xf32> to vector<1x16xf32>
        tpu.vector_store %arg7[%swap3A_270, %swap3A_271], %swap3A_274 {strides = array<i32>} : memref<512x64xf32, #tpu.memory_space<vmem>>, vector<1x16xf32>,
        %mul3A_275 = arith.constant 2.000000e-02 : f32
        %mul3A_276 = vector.broadcast %mul3A_275 : f32 to vector<16xf32>
        %mul3A_277 = arith.mulf %scan3A_255#2, %mul3A_276 : vector<16xf32>
        %swap3A_278 = arith.index_cast %add3A_259 : i32 to index
        %swap3A_279 = arith.constant 32 : index
        %swap3A_280 = tpu.vector_load %arg7[%swap3A_278, %swap3A_279] {strides = array<i32>} : memref<512x64xf32, #tpu.memory_space<vmem>>, vector<1x16xf32>,
        %swap3A_281 = vector.shape_cast %swap3A_280 : vector<1x16xf32> to vector<16xf32>
        %swap3A_282 = vector.shape_cast %mul3A_277 : vector<16xf32> to vector<1x16xf32>
        tpu.vector_store %arg7[%swap3A_278, %swap3A_279], %swap3A_282 {strides = array<i32>} : memref<512x64xf32, #tpu.memory_space<vmem>>, vector<1x16xf32>,
        %mul3A_283 = arith.constant 2.000000e-02 : f32
        %mul3A_284 = vector.broadcast %mul3A_283 : f32 to vector<16xf32>
        %mul3A_285 = arith.mulf %scan3A_255#3, %mul3A_284 : vector<16xf32>
        %swap3A_286 = arith.index_cast %add3A_259 : i32 to index
        %swap3A_287 = arith.constant 48 : index
        %swap3A_288 = tpu.vector_load %arg7[%swap3A_286, %swap3A_287] {strides = array<i32>} : memref<512x64xf32, #tpu.memory_space<vmem>>, vector<1x16xf32>,
        %swap3A_289 = vector.shape_cast %swap3A_288 : vector<1x16xf32> to vector<16xf32>
        %swap3A_290 = vector.shape_cast %mul3A_285 : vector<16xf32> to vector<1x16xf32>
        tpu.vector_store %arg7[%swap3A_286, %swap3A_287], %swap3A_290 {strides = array<i32>} : memref<512x64xf32, #tpu.memory_space<vmem>>, vector<1x16xf32>,
        %scan3A_291 = arith.constant 0 : i32
        scf.yield %scan3A_291 : i32
      }
      %scan3A_131 = arith.constant 4 : i32
      %add3A_132 = arith.constant 5 : i32
      %add3A_133 = arith.addi %add3A_114, %add3A_132 : i32
      %lt3A = arith.constant 128 : i32
      %lt3A_134 = arith.cmpi slt, %add3A_133, %lt3A : i32
      %convert_element_type3A = arith.extui %lt3A_134 : i1 to i32
      %cond3A = arith.constant 0 : i32
      %cond3A_135 = arith.cmpi ne, %convert_element_type3A, %cond3A : i32
      scf.if %cond3A_135 {
        %add3A_240 = arith.constant 5 : i32
        %add3A_241 = arith.addi %add3A_114, %add3A_240 : i32
        %mul3A_242 = arith.constant 200 : i32
        %mul3A_243 = arith.muli %add3A_241, %mul3A_242 : i32
        %dma_start3A_244 = arith.constant 0 : i32
        %dma_start3A_245 = arith.constant 0 : i32
        %dma_start3A_246 = arith.constant 0 : i32
        %dma_start3A_247 = tpu.memref_slice %arg6[%dma_start3A_244, %dma_start3A_245, %dma_start3A_246] : memref<5x200x64xf32, #tpu.memory_space<vmem>> -> memref<1x200x64xf32, #tpu.memory_space<vmem>>
        %dma_start3A_248 = tpu.memref_squeeze %dma_start3A_247 : memref<1x200x64xf32, #tpu.memory_space<vmem>> -> memref<200x64xf32, #tpu.memory_space<vmem>>
        %dma_start3A_249 = tpu.memref_slice %arg5[%mul3A_243] : memref<25600xi32, #tpu.memory_space<vmem>> -> memref<200xi32, #tpu.memory_space<vmem>>
        %dma_start3A_250 = arith.constant 0 : i32
        %dma_start3A_251 = arith.constant 0 : i32
        %dma_start3A_252 = tpu.memref_slice %arg3[%dma_start3A_250, %dma_start3A_251] : memref<1000000x64xf32, #tpu.memory_space<hbm>> -> memref<1000000x64xf32, #tpu.memory_space<hbm>>
        tpu.enqueue_indirect_dma source(%dma_start3A_252 : memref<1000000x64xf32, #tpu.memory_space<hbm>>) target(%dma_start3A_248 : memref<200x64xf32, #tpu.memory_space<vmem>>) offsets(%dma_start3A_249 : memref<200xi32, #tpu.memory_space<vmem>>) semaphore(%arg8 : memref<!tpu.dma_semaphore, #tpu.memory_space<semaphore_mem>>)
      } else {
      }
      %add3A_136 = arith.constant 1 : i32
      %add3A_137 = arith.addi %add3A_112, %add3A_136 : i32
      %dma_wait3A_138 = arith.constant 1 : i32
      %dma_wait3A_139 = arith.constant 0 : i32
      %dma_wait3A_140 = arith.constant 0 : i32
      %dma_wait3A_141 = tpu.memref_slice %arg6[%dma_wait3A_138, %dma_wait3A_139, %dma_wait3A_140] : memref<5x200x64xf32, #tpu.memory_space<vmem>> -> memref<1x200x64xf32, #tpu.memory_space<vmem>>
      %dma_wait3A_142 = tpu.memref_squeeze %dma_wait3A_141 : memref<1x200x64xf32, #tpu.memory_space<vmem>> -> memref<200x64xf32, #tpu.memory_space<vmem>>
      %dma_wait3A_143 = arith.constant 0 : i32
      %dma_wait3A_144 = tpu.memref_slice %arg5[%dma_wait3A_143] : memref<25600xi32, #tpu.memory_space<vmem>> -> memref<200xi32, #tpu.memory_space<vmem>>
      %dma_wait3A_145 = arith.constant 0 : i32
      %dma_wait3A_146 = arith.constant 0 : i32
      %dma_wait3A_147 = tpu.memref_slice %arg3[%dma_wait3A_145, %dma_wait3A_146] : memref<1000000x64xf32, #tpu.memory_space<hbm>> -> memref<1000000x64xf32, #tpu.memory_space<hbm>>
      tpu.wait_indirect_dma semaphore(%arg9 : memref<!tpu.dma_semaphore, #tpu.memory_space<semaphore_mem>>) src(%dma_wait3A_147 : memref<1000000x64xf32, #tpu.memory_space<hbm>>) dst(%dma_wait3A_142 : memref<200x64xf32, #tpu.memory_space<vmem>>)
      %scan3A_148 = arith.constant 0 : i32
      %scan3A_149 = arith.constant 0 : i32
      %scan3A_150 = arith.constant 4 : i32
      %scan3A_151 = arith.addi %scan3A_149, %scan3A_150 : i32
      %scan3A_152 = arith.constant 1 : i32
      %scan3A_153 = scf.for %scan3A_240 = %scan3A_149 to %scan3A_151 step %scan3A_152 iter_args(%scan3A_241 = %scan3A_148) -> (i32)  : i32 {
        %mul3A_242 = arith.constant 50 : i32
        %mul3A_243 = arith.muli %scan3A_240, %mul3A_242 : i32
        %broadcast_in_dim3A = arith.constant 0.000000e+00 : f32
        %broadcast_in_dim3A_244 = vector.broadcast %broadcast_in_dim3A : f32 to vector<16xf32>
        %broadcast_in_dim3A_245 = arith.constant 0.000000e+00 : f32
        %broadcast_in_dim3A_246 = vector.broadcast %broadcast_in_dim3A_245 : f32 to vector<16xf32>
        %broadcast_in_dim3A_247 = arith.constant 0.000000e+00 : f32
        %broadcast_in_dim3A_248 = vector.broadcast %broadcast_in_dim3A_247 : f32 to vector<16xf32>
        %broadcast_in_dim3A_249 = arith.constant 0.000000e+00 : f32
        %broadcast_in_dim3A_250 = vector.broadcast %broadcast_in_dim3A_249 : f32 to vector<16xf32>
        %scan3A_251 = arith.constant 0 : i32
        %scan3A_252 = arith.constant 50 : i32
        %scan3A_253 = arith.addi %scan3A_251, %scan3A_252 : i32
        %scan3A_254 = arith.constant 10 : i32
        %scan3A_255:4 = scf.for %scan3A_292 = %scan3A_251 to %scan3A_253 step %scan3A_254 iter_args(%scan3A_293 = %broadcast_in_dim3A_244, %scan3A_294 = %broadcast_in_dim3A_246, %scan3A_295 = %broadcast_in_dim3A_248, %scan3A_296 = %broadcast_in_dim3A_250) -> (vector<16xf32>, vector<16xf32>, vector<16xf32>, vector<16xf32>)  : i32 {
          %add3A_297 = arith.addi %mul3A_243, %scan3A_292 : i32
          %get3A = arith.constant 1 : i32
          %get3A_298 = arith.index_cast %get3A : i32 to index
          %get3A_299 = arith.index_cast %add3A_297 : i32 to index
          %get3A_300 = arith.constant 0 : index
          %get3A_301 = tpu.vector_load %arg6[%get3A_298, %get3A_299, %get3A_300] {strides = array<i32>} : memref<5x200x64xf32, #tpu.memory_space<vmem>>, vector<1x1x16xf32>,
          %get3A_302 = vector.shape_cast %get3A_301 : vector<1x1x16xf32> to vector<16xf32>
          %add3A_303 = arith.addf %scan3A_293, %get3A_302 : vector<16xf32>
          %get3A_304 = arith.constant 1 : i32
          %get3A_305 = arith.index_cast %get3A_304 : i32 to index
          %get3A_306 = arith.index_cast %add3A_297 : i32 to index
          %get3A_307 = arith.constant 16 : index
          %get3A_308 = tpu.vector_load %arg6[%get3A_305, %get3A_306, %get3A_307] {strides = array<i32>} : memref<5x200x64xf32, #tpu.memory_space<vmem>>, vector<1x1x16xf32>,
          %get3A_309 = vector.shape_cast %get3A_308 : vector<1x1x16xf32> to vector<16xf32>
          %add3A_310 = arith.addf %scan3A_294, %get3A_309 : vector<16xf32>
          %get3A_311 = arith.constant 1 : i32
          %get3A_312 = arith.index_cast %get3A_311 : i32 to index
          %get3A_313 = arith.index_cast %add3A_297 : i32 to index
          %get3A_314 = arith.constant 32 : index
          %get3A_315 = tpu.vector_load %arg6[%get3A_312, %get3A_313, %get3A_314] {strides = array<i32>} : memref<5x200x64xf32, #tpu.memory_space<vmem>>, vector<1x1x16xf32>,
          %get3A_316 = vector.shape_cast %get3A_315 : vector<1x1x16xf32> to vector<16xf32>
          %add3A_317 = arith.addf %scan3A_295, %get3A_316 : vector<16xf32>
          %get3A_318 = arith.constant 1 : i32
          %get3A_319 = arith.index_cast %get3A_318 : i32 to index
          %get3A_320 = arith.index_cast %add3A_297 : i32 to index
          %get3A_321 = arith.constant 48 : index
          %get3A_322 = tpu.vector_load %arg6[%get3A_319, %get3A_320, %get3A_321] {strides = array<i32>} : memref<5x200x64xf32, #tpu.memory_space<vmem>>, vector<1x1x16xf32>,
          %get3A_323 = vector.shape_cast %get3A_322 : vector<1x1x16xf32> to vector<16xf32>
          %add3A_324 = arith.addf %scan3A_296, %get3A_323 : vector<16xf32>
          %scan3A_325 = arith.constant 1 : i32
          %scan3A_326 = arith.addi %scan3A_292, %scan3A_325 : i32
          %add3A_327 = arith.addi %mul3A_243, %scan3A_326 : i32
          %get3A_328 = arith.constant 1 : i32
          %get3A_329 = arith.index_cast %get3A_328 : i32 to index
          %get3A_330 = arith.index_cast %add3A_327 : i32 to index
          %get3A_331 = arith.constant 0 : index
          %get3A_332 = tpu.vector_load %arg6[%get3A_329, %get3A_330, %get3A_331] {strides = array<i32>} : memref<5x200x64xf32, #tpu.memory_space<vmem>>, vector<1x1x16xf32>,
          %get3A_333 = vector.shape_cast %get3A_332 : vector<1x1x16xf32> to vector<16xf32>
          %add3A_334 = arith.addf %add3A_303, %get3A_333 : vector<16xf32>
          %get3A_335 = arith.constant 1 : i32
          %get3A_336 = arith.index_cast %get3A_335 : i32 to index
          %get3A_337 = arith.index_cast %add3A_327 : i32 to index
          %get3A_338 = arith.constant 16 : index
          %get3A_339 = tpu.vector_load %arg6[%get3A_336, %get3A_337, %get3A_338] {strides = array<i32>} : memref<5x200x64xf32, #tpu.memory_space<vmem>>, vector<1x1x16xf32>,
          %get3A_340 = vector.shape_cast %get3A_339 : vector<1x1x16xf32> to vector<16xf32>
          %add3A_341 = arith.addf %add3A_310, %get3A_340 : vector<16xf32>
          %get3A_342 = arith.constant 1 : i32
          %get3A_343 = arith.index_cast %get3A_342 : i32 to index
          %get3A_344 = arith.index_cast %add3A_327 : i32 to index
          %get3A_345 = arith.constant 32 : index
          %get3A_346 = tpu.vector_load %arg6[%get3A_343, %get3A_344, %get3A_345] {strides = array<i32>} : memref<5x200x64xf32, #tpu.memory_space<vmem>>, vector<1x1x16xf32>,
          %get3A_347 = vector.shape_cast %get3A_346 : vector<1x1x16xf32> to vector<16xf32>
          %add3A_348 = arith.addf %add3A_317, %get3A_347 : vector<16xf32>
          %get3A_349 = arith.constant 1 : i32
          %get3A_350 = arith.index_cast %get3A_349 : i32 to index
          %get3A_351 = arith.index_cast %add3A_327 : i32 to index
          %get3A_352 = arith.constant 48 : index
          %get3A_353 = tpu.vector_load %arg6[%get3A_350, %get3A_351, %get3A_352] {strides = array<i32>} : memref<5x200x64xf32, #tpu.memory_space<vmem>>, vector<1x1x16xf32>,
          %get3A_354 = vector.shape_cast %get3A_353 : vector<1x1x16xf32> to vector<16xf32>
          %add3A_355 = arith.addf %add3A_324, %get3A_354 : vector<16xf32>
          %scan3A_356 = arith.constant 2 : i32
          %scan3A_357 = arith.addi %scan3A_292, %scan3A_356 : i32
          %add3A_358 = arith.addi %mul3A_243, %scan3A_357 : i32
          %get3A_359 = arith.constant 1 : i32
          %get3A_360 = arith.index_cast %get3A_359 : i32 to index
          %get3A_361 = arith.index_cast %add3A_358 : i32 to index
          %get3A_362 = arith.constant 0 : index
          %get3A_363 = tpu.vector_load %arg6[%get3A_360, %get3A_361, %get3A_362] {strides = array<i32>} : memref<5x200x64xf32, #tpu.memory_space<vmem>>, vector<1x1x16xf32>,
          %get3A_364 = vector.shape_cast %get3A_363 : vector<1x1x16xf32> to vector<16xf32>
          %add3A_365 = arith.addf %add3A_334, %get3A_364 : vector<16xf32>
          %get3A_366 = arith.constant 1 : i32
          %get3A_367 = arith.index_cast %get3A_366 : i32 to index
          %get3A_368 = arith.index_cast %add3A_358 : i32 to index
          %get3A_369 = arith.constant 16 : index
          %get3A_370 = tpu.vector_load %arg6[%get3A_367, %get3A_368, %get3A_369] {strides = array<i32>} : memref<5x200x64xf32, #tpu.memory_space<vmem>>, vector<1x1x16xf32>,
          %get3A_371 = vector.shape_cast %get3A_370 : vector<1x1x16xf32> to vector<16xf32>
          %add3A_372 = arith.addf %add3A_341, %get3A_371 : vector<16xf32>
          %get3A_373 = arith.constant 1 : i32
          %get3A_374 = arith.index_cast %get3A_373 : i32 to index
          %get3A_375 = arith.index_cast %add3A_358 : i32 to index
          %get3A_376 = arith.constant 32 : index
          %get3A_377 = tpu.vector_load %arg6[%get3A_374, %get3A_375, %get3A_376] {strides = array<i32>} : memref<5x200x64xf32, #tpu.memory_space<vmem>>, vector<1x1x16xf32>,
          %get3A_378 = vector.shape_cast %get3A_377 : vector<1x1x16xf32> to vector<16xf32>
          %add3A_379 = arith.addf %add3A_348, %get3A_378 : vector<16xf32>
          %get3A_380 = arith.constant 1 : i32
          %get3A_381 = arith.index_cast %get3A_380 : i32 to index
          %get3A_382 = arith.index_cast %add3A_358 : i32 to index
          %get3A_383 = arith.constant 48 : index
          %get3A_384 = tpu.vector_load %arg6[%get3A_381, %get3A_382, %get3A_383] {strides = array<i32>} : memref<5x200x64xf32, #tpu.memory_space<vmem>>, vector<1x1x16xf32>,
          %get3A_385 = vector.shape_cast %get3A_384 : vector<1x1x16xf32> to vector<16xf32>
          %add3A_386 = arith.addf %add3A_355, %get3A_385 : vector<16xf32>
          %scan3A_387 = arith.constant 3 : i32
          %scan3A_388 = arith.addi %scan3A_292, %scan3A_387 : i32
          %add3A_389 = arith.addi %mul3A_243, %scan3A_388 : i32
          %get3A_390 = arith.constant 1 : i32
          %get3A_391 = arith.index_cast %get3A_390 : i32 to index
          %get3A_392 = arith.index_cast %add3A_389 : i32 to index
          %get3A_393 = arith.constant 0 : index
          %get3A_394 = tpu.vector_load %arg6[%get3A_391, %get3A_392, %get3A_393] {strides = array<i32>} : memref<5x200x64xf32, #tpu.memory_space<vmem>>, vector<1x1x16xf32>,
          %get3A_395 = vector.shape_cast %get3A_394 : vector<1x1x16xf32> to vector<16xf32>
          %add3A_396 = arith.addf %add3A_365, %get3A_395 : vector<16xf32>
          %get3A_397 = arith.constant 1 : i32
          %get3A_398 = arith.index_cast %get3A_397 : i32 to index
          %get3A_399 = arith.index_cast %add3A_389 : i32 to index
          %get3A_400 = arith.constant 16 : index
          %get3A_401 = tpu.vector_load %arg6[%get3A_398, %get3A_399, %get3A_400] {strides = array<i32>} : memref<5x200x64xf32, #tpu.memory_space<vmem>>, vector<1x1x16xf32>,
          %get3A_402 = vector.shape_cast %get3A_401 : vector<1x1x16xf32> to vector<16xf32>
          %add3A_403 = arith.addf %add3A_372, %get3A_402 : vector<16xf32>
          %get3A_404 = arith.constant 1 : i32
          %get3A_405 = arith.index_cast %get3A_404 : i32 to index
          %get3A_406 = arith.index_cast %add3A_389 : i32 to index
          %get3A_407 = arith.constant 32 : index
          %get3A_408 = tpu.vector_load %arg6[%get3A_405, %get3A_406, %get3A_407] {strides = array<i32>} : memref<5x200x64xf32, #tpu.memory_space<vmem>>, vector<1x1x16xf32>,
          %get3A_409 = vector.shape_cast %get3A_408 : vector<1x1x16xf32> to vector<16xf32>
          %add3A_410 = arith.addf %add3A_379, %get3A_409 : vector<16xf32>
          %get3A_411 = arith.constant 1 : i32
          %get3A_412 = arith.index_cast %get3A_411 : i32 to index
          %get3A_413 = arith.index_cast %add3A_389 : i32 to index
          %get3A_414 = arith.constant 48 : index
          %get3A_415 = tpu.vector_load %arg6[%get3A_412, %get3A_413, %get3A_414] {strides = array<i32>} : memref<5x200x64xf32, #tpu.memory_space<vmem>>, vector<1x1x16xf32>,
          %get3A_416 = vector.shape_cast %get3A_415 : vector<1x1x16xf32> to vector<16xf32>
          %add3A_417 = arith.addf %add3A_386, %get3A_416 : vector<16xf32>
          %scan3A_418 = arith.constant 4 : i32
          %scan3A_419 = arith.addi %scan3A_292, %scan3A_418 : i32
          %add3A_420 = arith.addi %mul3A_243, %scan3A_419 : i32
          %get3A_421 = arith.constant 1 : i32
          %get3A_422 = arith.index_cast %get3A_421 : i32 to index
          %get3A_423 = arith.index_cast %add3A_420 : i32 to index
          %get3A_424 = arith.constant 0 : index
          %get3A_425 = tpu.vector_load %arg6[%get3A_422, %get3A_423, %get3A_424] {strides = array<i32>} : memref<5x200x64xf32, #tpu.memory_space<vmem>>, vector<1x1x16xf32>,
          %get3A_426 = vector.shape_cast %get3A_425 : vector<1x1x16xf32> to vector<16xf32>
          %add3A_427 = arith.addf %add3A_396, %get3A_426 : vector<16xf32>
          %get3A_428 = arith.constant 1 : i32
          %get3A_429 = arith.index_cast %get3A_428 : i32 to index
          %get3A_430 = arith.index_cast %add3A_420 : i32 to index
          %get3A_431 = arith.constant 16 : index
          %get3A_432 = tpu.vector_load %arg6[%get3A_429, %get3A_430, %get3A_431] {strides = array<i32>} : memref<5x200x64xf32, #tpu.memory_space<vmem>>, vector<1x1x16xf32>,
          %get3A_433 = vector.shape_cast %get3A_432 : vector<1x1x16xf32> to vector<16xf32>
          %add3A_434 = arith.addf %add3A_403, %get3A_433 : vector<16xf32>
          %get3A_435 = arith.constant 1 : i32
          %get3A_436 = arith.index_cast %get3A_435 : i32 to index
          %get3A_437 = arith.index_cast %add3A_420 : i32 to index
          %get3A_438 = arith.constant 32 : index
          %get3A_439 = tpu.vector_load %arg6[%get3A_436, %get3A_437, %get3A_438] {strides = array<i32>} : memref<5x200x64xf32, #tpu.memory_space<vmem>>, vector<1x1x16xf32>,
          %get3A_440 = vector.shape_cast %get3A_439 : vector<1x1x16xf32> to vector<16xf32>
          %add3A_441 = arith.addf %add3A_410, %get3A_440 : vector<16xf32>
          %get3A_442 = arith.constant 1 : i32
          %get3A_443 = arith.index_cast %get3A_442 : i32 to index
          %get3A_444 = arith.index_cast %add3A_420 : i32 to index
          %get3A_445 = arith.constant 48 : index
          %get3A_446 = tpu.vector_load %arg6[%get3A_443, %get3A_444, %get3A_445] {strides = array<i32>} : memref<5x200x64xf32, #tpu.memory_space<vmem>>, vector<1x1x16xf32>,
          %get3A_447 = vector.shape_cast %get3A_446 : vector<1x1x16xf32> to vector<16xf32>
          %add3A_448 = arith.addf %add3A_417, %get3A_447 : vector<16xf32>
          %scan3A_449 = arith.constant 5 : i32
          %scan3A_450 = arith.addi %scan3A_292, %scan3A_449 : i32
          %add3A_451 = arith.addi %mul3A_243, %scan3A_450 : i32
          %get3A_452 = arith.constant 1 : i32
          %get3A_453 = arith.index_cast %get3A_452 : i32 to index
          %get3A_454 = arith.index_cast %add3A_451 : i32 to index
          %get3A_455 = arith.constant 0 : index
          %get3A_456 = tpu.vector_load %arg6[%get3A_453, %get3A_454, %get3A_455] {strides = array<i32>} : memref<5x200x64xf32, #tpu.memory_space<vmem>>, vector<1x1x16xf32>,
          %get3A_457 = vector.shape_cast %get3A_456 : vector<1x1x16xf32> to vector<16xf32>
          %add3A_458 = arith.addf %add3A_427, %get3A_457 : vector<16xf32>
          %get3A_459 = arith.constant 1 : i32
          %get3A_460 = arith.index_cast %get3A_459 : i32 to index
          %get3A_461 = arith.index_cast %add3A_451 : i32 to index
          %get3A_462 = arith.constant 16 : index
          %get3A_463 = tpu.vector_load %arg6[%get3A_460, %get3A_461, %get3A_462] {strides = array<i32>} : memref<5x200x64xf32, #tpu.memory_space<vmem>>, vector<1x1x16xf32>,
          %get3A_464 = vector.shape_cast %get3A_463 : vector<1x1x16xf32> to vector<16xf32>
          %add3A_465 = arith.addf %add3A_434, %get3A_464 : vector<16xf32>
          %get3A_466 = arith.constant 1 : i32
          %get3A_467 = arith.index_cast %get3A_466 : i32 to index
          %get3A_468 = arith.index_cast %add3A_451 : i32 to index
          %get3A_469 = arith.constant 32 : index
          %get3A_470 = tpu.vector_load %arg6[%get3A_467, %get3A_468, %get3A_469] {strides = array<i32>} : memref<5x200x64xf32, #tpu.memory_space<vmem>>, vector<1x1x16xf32>,
          %get3A_471 = vector.shape_cast %get3A_470 : vector<1x1x16xf32> to vector<16xf32>
          %add3A_472 = arith.addf %add3A_441, %get3A_471 : vector<16xf32>
          %get3A_473 = arith.constant 1 : i32
          %get3A_474 = arith.index_cast %get3A_473 : i32 to index
          %get3A_475 = arith.index_cast %add3A_451 : i32 to index
          %get3A_476 = arith.constant 48 : index
          %get3A_477 = tpu.vector_load %arg6[%get3A_474, %get3A_475, %get3A_476] {strides = array<i32>} : memref<5x200x64xf32, #tpu.memory_space<vmem>>, vector<1x1x16xf32>,
          %get3A_478 = vector.shape_cast %get3A_477 : vector<1x1x16xf32> to vector<16xf32>
          %add3A_479 = arith.addf %add3A_448, %get3A_478 : vector<16xf32>
          %scan3A_480 = arith.constant 6 : i32
          %scan3A_481 = arith.addi %scan3A_292, %scan3A_480 : i32
          %add3A_482 = arith.addi %mul3A_243, %scan3A_481 : i32
          %get3A_483 = arith.constant 1 : i32
          %get3A_484 = arith.index_cast %get3A_483 : i32 to index
          %get3A_485 = arith.index_cast %add3A_482 : i32 to index
          %get3A_486 = arith.constant 0 : index
          %get3A_487 = tpu.vector_load %arg6[%get3A_484, %get3A_485, %get3A_486] {strides = array<i32>} : memref<5x200x64xf32, #tpu.memory_space<vmem>>, vector<1x1x16xf32>,
          %get3A_488 = vector.shape_cast %get3A_487 : vector<1x1x16xf32> to vector<16xf32>
          %add3A_489 = arith.addf %add3A_458, %get3A_488 : vector<16xf32>
          %get3A_490 = arith.constant 1 : i32
          %get3A_491 = arith.index_cast %get3A_490 : i32 to index
          %get3A_492 = arith.index_cast %add3A_482 : i32 to index
          %get3A_493 = arith.constant 16 : index
          %get3A_494 = tpu.vector_load %arg6[%get3A_491, %get3A_492, %get3A_493] {strides = array<i32>} : memref<5x200x64xf32, #tpu.memory_space<vmem>>, vector<1x1x16xf32>,
          %get3A_495 = vector.shape_cast %get3A_494 : vector<1x1x16xf32> to vector<16xf32>
          %add3A_496 = arith.addf %add3A_465, %get3A_495 : vector<16xf32>
          %get3A_497 = arith.constant 1 : i32
          %get3A_498 = arith.index_cast %get3A_497 : i32 to index
          %get3A_499 = arith.index_cast %add3A_482 : i32 to index
          %get3A_500 = arith.constant 32 : index
          %get3A_501 = tpu.vector_load %arg6[%get3A_498, %get3A_499, %get3A_500] {strides = array<i32>} : memref<5x200x64xf32, #tpu.memory_space<vmem>>, vector<1x1x16xf32>,
          %get3A_502 = vector.shape_cast %get3A_501 : vector<1x1x16xf32> to vector<16xf32>
          %add3A_503 = arith.addf %add3A_472, %get3A_502 : vector<16xf32>
          %get3A_504 = arith.constant 1 : i32
          %get3A_505 = arith.index_cast %get3A_504 : i32 to index
          %get3A_506 = arith.index_cast %add3A_482 : i32 to index
          %get3A_507 = arith.constant 48 : index
          %get3A_508 = tpu.vector_load %arg6[%get3A_505, %get3A_506, %get3A_507] {strides = array<i32>} : memref<5x200x64xf32, #tpu.memory_space<vmem>>, vector<1x1x16xf32>,
          %get3A_509 = vector.shape_cast %get3A_508 : vector<1x1x16xf32> to vector<16xf32>
          %add3A_510 = arith.addf %add3A_479, %get3A_509 : vector<16xf32>
          %scan3A_511 = arith.constant 7 : i32
          %scan3A_512 = arith.addi %scan3A_292, %scan3A_511 : i32
          %add3A_513 = arith.addi %mul3A_243, %scan3A_512 : i32
          %get3A_514 = arith.constant 1 : i32
          %get3A_515 = arith.index_cast %get3A_514 : i32 to index
          %get3A_516 = arith.index_cast %add3A_513 : i32 to index
          %get3A_517 = arith.constant 0 : index
          %get3A_518 = tpu.vector_load %arg6[%get3A_515, %get3A_516, %get3A_517] {strides = array<i32>} : memref<5x200x64xf32, #tpu.memory_space<vmem>>, vector<1x1x16xf32>,
          %get3A_519 = vector.shape_cast %get3A_518 : vector<1x1x16xf32> to vector<16xf32>
          %add3A_520 = arith.addf %add3A_489, %get3A_519 : vector<16xf32>
          %get3A_521 = arith.constant 1 : i32
          %get3A_522 = arith.index_cast %get3A_521 : i32 to index
          %get3A_523 = arith.index_cast %add3A_513 : i32 to index
          %get3A_524 = arith.constant 16 : index
          %get3A_525 = tpu.vector_load %arg6[%get3A_522, %get3A_523, %get3A_524] {strides = array<i32>} : memref<5x200x64xf32, #tpu.memory_space<vmem>>, vector<1x1x16xf32>,
          %get3A_526 = vector.shape_cast %get3A_525 : vector<1x1x16xf32> to vector<16xf32>
          %add3A_527 = arith.addf %add3A_496, %get3A_526 : vector<16xf32>
          %get3A_528 = arith.constant 1 : i32
          %get3A_529 = arith.index_cast %get3A_528 : i32 to index
          %get3A_530 = arith.index_cast %add3A_513 : i32 to index
          %get3A_531 = arith.constant 32 : index
          %get3A_532 = tpu.vector_load %arg6[%get3A_529, %get3A_530, %get3A_531] {strides = array<i32>} : memref<5x200x64xf32, #tpu.memory_space<vmem>>, vector<1x1x16xf32>,
          %get3A_533 = vector.shape_cast %get3A_532 : vector<1x1x16xf32> to vector<16xf32>
          %add3A_534 = arith.addf %add3A_503, %get3A_533 : vector<16xf32>
          %get3A_535 = arith.constant 1 : i32
          %get3A_536 = arith.index_cast %get3A_535 : i32 to index
          %get3A_537 = arith.index_cast %add3A_513 : i32 to index
          %get3A_538 = arith.constant 48 : index
          %get3A_539 = tpu.vector_load %arg6[%get3A_536, %get3A_537, %get3A_538] {strides = array<i32>} : memref<5x200x64xf32, #tpu.memory_space<vmem>>, vector<1x1x16xf32>,
          %get3A_540 = vector.shape_cast %get3A_539 : vector<1x1x16xf32> to vector<16xf32>
          %add3A_541 = arith.addf %add3A_510, %get3A_540 : vector<16xf32>
          %scan3A_542 = arith.constant 8 : i32
          %scan3A_543 = arith.addi %scan3A_292, %scan3A_542 : i32
          %add3A_544 = arith.addi %mul3A_243, %scan3A_543 : i32
          %get3A_545 = arith.constant 1 : i32
          %get3A_546 = arith.index_cast %get3A_545 : i32 to index
          %get3A_547 = arith.index_cast %add3A_544 : i32 to index
          %get3A_548 = arith.constant 0 : index
          %get3A_549 = tpu.vector_load %arg6[%get3A_546, %get3A_547, %get3A_548] {strides = array<i32>} : memref<5x200x64xf32, #tpu.memory_space<vmem>>, vector<1x1x16xf32>,
          %get3A_550 = vector.shape_cast %get3A_549 : vector<1x1x16xf32> to vector<16xf32>
          %add3A_551 = arith.addf %add3A_520, %get3A_550 : vector<16xf32>
          %get3A_552 = arith.constant 1 : i32
          %get3A_553 = arith.index_cast %get3A_552 : i32 to index
          %get3A_554 = arith.index_cast %add3A_544 : i32 to index
          %get3A_555 = arith.constant 16 : index
          %get3A_556 = tpu.vector_load %arg6[%get3A_553, %get3A_554, %get3A_555] {strides = array<i32>} : memref<5x200x64xf32, #tpu.memory_space<vmem>>, vector<1x1x16xf32>,
          %get3A_557 = vector.shape_cast %get3A_556 : vector<1x1x16xf32> to vector<16xf32>
          %add3A_558 = arith.addf %add3A_527, %get3A_557 : vector<16xf32>
          %get3A_559 = arith.constant 1 : i32
          %get3A_560 = arith.index_cast %get3A_559 : i32 to index
          %get3A_561 = arith.index_cast %add3A_544 : i32 to index
          %get3A_562 = arith.constant 32 : index
          %get3A_563 = tpu.vector_load %arg6[%get3A_560, %get3A_561, %get3A_562] {strides = array<i32>} : memref<5x200x64xf32, #tpu.memory_space<vmem>>, vector<1x1x16xf32>,
          %get3A_564 = vector.shape_cast %get3A_563 : vector<1x1x16xf32> to vector<16xf32>
          %add3A_565 = arith.addf %add3A_534, %get3A_564 : vector<16xf32>
          %get3A_566 = arith.constant 1 : i32
          %get3A_567 = arith.index_cast %get3A_566 : i32 to index
          %get3A_568 = arith.index_cast %add3A_544 : i32 to index
          %get3A_569 = arith.constant 48 : index
          %get3A_570 = tpu.vector_load %arg6[%get3A_567, %get3A_568, %get3A_569] {strides = array<i32>} : memref<5x200x64xf32, #tpu.memory_space<vmem>>, vector<1x1x16xf32>,
          %get3A_571 = vector.shape_cast %get3A_570 : vector<1x1x16xf32> to vector<16xf32>
          %add3A_572 = arith.addf %add3A_541, %get3A_571 : vector<16xf32>
          %scan3A_573 = arith.constant 9 : i32
          %scan3A_574 = arith.addi %scan3A_292, %scan3A_573 : i32
          %add3A_575 = arith.addi %mul3A_243, %scan3A_574 : i32
          %get3A_576 = arith.constant 1 : i32
          %get3A_577 = arith.index_cast %get3A_576 : i32 to index
          %get3A_578 = arith.index_cast %add3A_575 : i32 to index
          %get3A_579 = arith.constant 0 : index
          %get3A_580 = tpu.vector_load %arg6[%get3A_577, %get3A_578, %get3A_579] {strides = array<i32>} : memref<5x200x64xf32, #tpu.memory_space<vmem>>, vector<1x1x16xf32>,
          %get3A_581 = vector.shape_cast %get3A_580 : vector<1x1x16xf32> to vector<16xf32>
          %add3A_582 = arith.addf %add3A_551, %get3A_581 : vector<16xf32>
          %get3A_583 = arith.constant 1 : i32
          %get3A_584 = arith.index_cast %get3A_583 : i32 to index
          %get3A_585 = arith.index_cast %add3A_575 : i32 to index
          %get3A_586 = arith.constant 16 : index
          %get3A_587 = tpu.vector_load %arg6[%get3A_584, %get3A_585, %get3A_586] {strides = array<i32>} : memref<5x200x64xf32, #tpu.memory_space<vmem>>, vector<1x1x16xf32>,
          %get3A_588 = vector.shape_cast %get3A_587 : vector<1x1x16xf32> to vector<16xf32>
          %add3A_589 = arith.addf %add3A_558, %get3A_588 : vector<16xf32>
          %get3A_590 = arith.constant 1 : i32
          %get3A_591 = arith.index_cast %get3A_590 : i32 to index
          %get3A_592 = arith.index_cast %add3A_575 : i32 to index
          %get3A_593 = arith.constant 32 : index
          %get3A_594 = tpu.vector_load %arg6[%get3A_591, %get3A_592, %get3A_593] {strides = array<i32>} : memref<5x200x64xf32, #tpu.memory_space<vmem>>, vector<1x1x16xf32>,
          %get3A_595 = vector.shape_cast %get3A_594 : vector<1x1x16xf32> to vector<16xf32>
          %add3A_596 = arith.addf %add3A_565, %get3A_595 : vector<16xf32>
          %get3A_597 = arith.constant 1 : i32
          %get3A_598 = arith.index_cast %get3A_597 : i32 to index
          %get3A_599 = arith.index_cast %add3A_575 : i32 to index
          %get3A_600 = arith.constant 48 : index
          %get3A_601 = tpu.vector_load %arg6[%get3A_598, %get3A_599, %get3A_600] {strides = array<i32>} : memref<5x200x64xf32, #tpu.memory_space<vmem>>, vector<1x1x16xf32>,
          %get3A_602 = vector.shape_cast %get3A_601 : vector<1x1x16xf32> to vector<16xf32>
          %add3A_603 = arith.addf %add3A_572, %get3A_602 : vector<16xf32>
          scf.yield %add3A_582, %add3A_589, %add3A_596, %add3A_603 : vector<16xf32>, vector<16xf32>, vector<16xf32>, vector<16xf32>
        }
        %scan3A_256 = arith.constant 50 : i32
        %mul3A_257 = arith.constant 4 : i32
        %mul3A_258 = arith.muli %add3A_137, %mul3A_257 : i32
        %add3A_259 = arith.addi %mul3A_258, %scan3A_240 : i32
        %mul3A_260 = arith.constant 2.000000e-02 : f32
        %mul3A_261 = vector.broadcast %mul3A_260 : f32 to vector<16xf32>
        %mul3A_262 = arith.mulf %scan3A_255#0, %mul3A_261 : vector<16xf32>
        %swap3A = arith.index_cast %add3A_259 : i32 to index
        %swap3A_263 = arith.constant 0 : index
        %swap3A_264 = tpu.vector_load %arg7[%swap3A, %swap3A_263] {strides = array<i32>} : memref<512x64xf32, #tpu.memory_space<vmem>>, vector<1x16xf32>,
        %swap3A_265 = vector.shape_cast %swap3A_264 : vector<1x16xf32> to vector<16xf32>
        %swap3A_266 = vector.shape_cast %mul3A_262 : vector<16xf32> to vector<1x16xf32>
        tpu.vector_store %arg7[%swap3A, %swap3A_263], %swap3A_266 {strides = array<i32>} : memref<512x64xf32, #tpu.memory_space<vmem>>, vector<1x16xf32>,
        %mul3A_267 = arith.constant 2.000000e-02 : f32
        %mul3A_268 = vector.broadcast %mul3A_267 : f32 to vector<16xf32>
        %mul3A_269 = arith.mulf %scan3A_255#1, %mul3A_268 : vector<16xf32>
        %swap3A_270 = arith.index_cast %add3A_259 : i32 to index
        %swap3A_271 = arith.constant 16 : index
        %swap3A_272 = tpu.vector_load %arg7[%swap3A_270, %swap3A_271] {strides = array<i32>} : memref<512x64xf32, #tpu.memory_space<vmem>>, vector<1x16xf32>,
        %swap3A_273 = vector.shape_cast %swap3A_272 : vector<1x16xf32> to vector<16xf32>
        %swap3A_274 = vector.shape_cast %mul3A_269 : vector<16xf32> to vector<1x16xf32>
        tpu.vector_store %arg7[%swap3A_270, %swap3A_271], %swap3A_274 {strides = array<i32>} : memref<512x64xf32, #tpu.memory_space<vmem>>, vector<1x16xf32>,
        %mul3A_275 = arith.constant 2.000000e-02 : f32
        %mul3A_276 = vector.broadcast %mul3A_275 : f32 to vector<16xf32>
        %mul3A_277 = arith.mulf %scan3A_255#2, %mul3A_276 : vector<16xf32>
        %swap3A_278 = arith.index_cast %add3A_259 : i32 to index
        %swap3A_279 = arith.constant 32 : index
        %swap3A_280 = tpu.vector_load %arg7[%swap3A_278, %swap3A_279] {strides = array<i32>} : memref<512x64xf32, #tpu.memory_space<vmem>>, vector<1x16xf32>,
        %swap3A_281 = vector.shape_cast %swap3A_280 : vector<1x16xf32> to vector<16xf32>
        %swap3A_282 = vector.shape_cast %mul3A_277 : vector<16xf32> to vector<1x16xf32>
        tpu.vector_store %arg7[%swap3A_278, %swap3A_279], %swap3A_282 {strides = array<i32>} : memref<512x64xf32, #tpu.memory_space<vmem>>, vector<1x16xf32>,
        %mul3A_283 = arith.constant 2.000000e-02 : f32
        %mul3A_284 = vector.broadcast %mul3A_283 : f32 to vector<16xf32>
        %mul3A_285 = arith.mulf %scan3A_255#3, %mul3A_284 : vector<16xf32>
        %swap3A_286 = arith.index_cast %add3A_259 : i32 to index
        %swap3A_287 = arith.constant 48 : index
        %swap3A_288 = tpu.vector_load %arg7[%swap3A_286, %swap3A_287] {strides = array<i32>} : memref<512x64xf32, #tpu.memory_space<vmem>>, vector<1x16xf32>,
        %swap3A_289 = vector.shape_cast %swap3A_288 : vector<1x16xf32> to vector<16xf32>
        %swap3A_290 = vector.shape_cast %mul3A_285 : vector<16xf32> to vector<1x16xf32>
        tpu.vector_store %arg7[%swap3A_286, %swap3A_287], %swap3A_290 {strides = array<i32>} : memref<512x64xf32, #tpu.memory_space<vmem>>, vector<1x16xf32>,
        %scan3A_291 = arith.constant 0 : i32
        scf.yield %scan3A_291 : i32
      }
      %scan3A_154 = arith.constant 4 : i32
      %add3A_155 = arith.constant 5 : i32
      %add3A_156 = arith.addi %add3A_137, %add3A_155 : i32
      %lt3A_157 = arith.constant 128 : i32
      %lt3A_158 = arith.cmpi slt, %add3A_156, %lt3A_157 : i32
      %convert_element_type3A_159 = arith.extui %lt3A_158 : i1 to i32
      %cond3A_160 = arith.constant 0 : i32
      %cond3A_161 = arith.cmpi ne, %convert_element_type3A_159, %cond3A_160 : i32
      scf.if %cond3A_161 {
        %add3A_240 = arith.constant 5 : i32
        %add3A_241 = arith.addi %add3A_137, %add3A_240 : i32
        %mul3A_242 = arith.constant 200 : i32
        %mul3A_243 = arith.muli %add3A_241, %mul3A_242 : i32
        %dma_start3A_244 = arith.constant 1 : i32
        %dma_start3A_245 = arith.constant 0 : i32
        %dma_start3A_246 = arith.constant 0 : i32
        %dma_start3A_247 = tpu.memref_slice %arg6[%dma_start3A_244, %dma_start3A_245, %dma_start3A_246] : memref<5x200x64xf32, #tpu.memory_space<vmem>> -> memref<1x200x64xf32, #tpu.memory_space<vmem>>
        %dma_start3A_248 = tpu.memref_squeeze %dma_start3A_247 : memref<1x200x64xf32, #tpu.memory_space<vmem>> -> memref<200x64xf32, #tpu.memory_space<vmem>>
        %dma_start3A_249 = tpu.memref_slice %arg5[%mul3A_243] : memref<25600xi32, #tpu.memory_space<vmem>> -> memref<200xi32, #tpu.memory_space<vmem>>
        %dma_start3A_250 = arith.constant 0 : i32
        %dma_start3A_251 = arith.constant 0 : i32
        %dma_start3A_252 = tpu.memref_slice %arg3[%dma_start3A_250, %dma_start3A_251] : memref<1000000x64xf32, #tpu.memory_space<hbm>> -> memref<1000000x64xf32, #tpu.memory_space<hbm>>
        tpu.enqueue_indirect_dma source(%dma_start3A_252 : memref<1000000x64xf32, #tpu.memory_space<hbm>>) target(%dma_start3A_248 : memref<200x64xf32, #tpu.memory_space<vmem>>) offsets(%dma_start3A_249 : memref<200xi32, #tpu.memory_space<vmem>>) semaphore(%arg9 : memref<!tpu.dma_semaphore, #tpu.memory_space<semaphore_mem>>)
      } else {
      }
      %add3A_162 = arith.constant 2 : i32
      %add3A_163 = arith.addi %add3A_112, %add3A_162 : i32
      %dma_wait3A_164 = arith.constant 2 : i32
      %dma_wait3A_165 = arith.constant 0 : i32
      %dma_wait3A_166 = arith.constant 0 : i32
      %dma_wait3A_167 = tpu.memref_slice %arg6[%dma_wait3A_164, %dma_wait3A_165, %dma_wait3A_166] : memref<5x200x64xf32, #tpu.memory_space<vmem>> -> memref<1x200x64xf32, #tpu.memory_space<vmem>>
      %dma_wait3A_168 = tpu.memref_squeeze %dma_wait3A_167 : memref<1x200x64xf32, #tpu.memory_space<vmem>> -> memref<200x64xf32, #tpu.memory_space<vmem>>
      %dma_wait3A_169 = arith.constant 0 : i32
      %dma_wait3A_170 = tpu.memref_slice %arg5[%dma_wait3A_169] : memref<25600xi32, #tpu.memory_space<vmem>> -> memref<200xi32, #tpu.memory_space<vmem>>
      %dma_wait3A_171 = arith.constant 0 : i32
      %dma_wait3A_172 = arith.constant 0 : i32
      %dma_wait3A_173 = tpu.memref_slice %arg3[%dma_wait3A_171, %dma_wait3A_172] : memref<1000000x64xf32, #tpu.memory_space<hbm>> -> memref<1000000x64xf32, #tpu.memory_space<hbm>>
      tpu.wait_indirect_dma semaphore(%arg10 : memref<!tpu.dma_semaphore, #tpu.memory_space<semaphore_mem>>) src(%dma_wait3A_173 : memref<1000000x64xf32, #tpu.memory_space<hbm>>) dst(%dma_wait3A_168 : memref<200x64xf32, #tpu.memory_space<vmem>>)
      %scan3A_174 = arith.constant 0 : i32
      %scan3A_175 = arith.constant 0 : i32
      %scan3A_176 = arith.constant 4 : i32
      %scan3A_177 = arith.addi %scan3A_175, %scan3A_176 : i32
      %scan3A_178 = arith.constant 1 : i32
      %scan3A_179 = scf.for %scan3A_240 = %scan3A_175 to %scan3A_177 step %scan3A_178 iter_args(%scan3A_241 = %scan3A_174) -> (i32)  : i32 {
        %mul3A_242 = arith.constant 50 : i32
        %mul3A_243 = arith.muli %scan3A_240, %mul3A_242 : i32
        %broadcast_in_dim3A = arith.constant 0.000000e+00 : f32
        %broadcast_in_dim3A_244 = vector.broadcast %broadcast_in_dim3A : f32 to vector<16xf32>
        %broadcast_in_dim3A_245 = arith.constant 0.000000e+00 : f32
        %broadcast_in_dim3A_246 = vector.broadcast %broadcast_in_dim3A_245 : f32 to vector<16xf32>
        %broadcast_in_dim3A_247 = arith.constant 0.000000e+00 : f32
        %broadcast_in_dim3A_248 = vector.broadcast %broadcast_in_dim3A_247 : f32 to vector<16xf32>
        %broadcast_in_dim3A_249 = arith.constant 0.000000e+00 : f32
        %broadcast_in_dim3A_250 = vector.broadcast %broadcast_in_dim3A_249 : f32 to vector<16xf32>
        %scan3A_251 = arith.constant 0 : i32
        %scan3A_252 = arith.constant 50 : i32
        %scan3A_253 = arith.addi %scan3A_251, %scan3A_252 : i32
        %scan3A_254 = arith.constant 10 : i32
        %scan3A_255:4 = scf.for %scan3A_292 = %scan3A_251 to %scan3A_253 step %scan3A_254 iter_args(%scan3A_293 = %broadcast_in_dim3A_244, %scan3A_294 = %broadcast_in_dim3A_246, %scan3A_295 = %broadcast_in_dim3A_248, %scan3A_296 = %broadcast_in_dim3A_250) -> (vector<16xf32>, vector<16xf32>, vector<16xf32>, vector<16xf32>)  : i32 {
          %add3A_297 = arith.addi %mul3A_243, %scan3A_292 : i32
          %get3A = arith.constant 2 : i32
          %get3A_298 = arith.index_cast %get3A : i32 to index
          %get3A_299 = arith.index_cast %add3A_297 : i32 to index
          %get3A_300 = arith.constant 0 : index
          %get3A_301 = tpu.vector_load %arg6[%get3A_298, %get3A_299, %get3A_300] {strides = array<i32>} : memref<5x200x64xf32, #tpu.memory_space<vmem>>, vector<1x1x16xf32>,
          %get3A_302 = vector.shape_cast %get3A_301 : vector<1x1x16xf32> to vector<16xf32>
          %add3A_303 = arith.addf %scan3A_293, %get3A_302 : vector<16xf32>
          %get3A_304 = arith.constant 2 : i32
          %get3A_305 = arith.index_cast %get3A_304 : i32 to index
          %get3A_306 = arith.index_cast %add3A_297 : i32 to index
          %get3A_307 = arith.constant 16 : index
          %get3A_308 = tpu.vector_load %arg6[%get3A_305, %get3A_306, %get3A_307] {strides = array<i32>} : memref<5x200x64xf32, #tpu.memory_space<vmem>>, vector<1x1x16xf32>,
          %get3A_309 = vector.shape_cast %get3A_308 : vector<1x1x16xf32> to vector<16xf32>
          %add3A_310 = arith.addf %scan3A_294, %get3A_309 : vector<16xf32>
          %get3A_311 = arith.constant 2 : i32
          %get3A_312 = arith.index_cast %get3A_311 : i32 to index
          %get3A_313 = arith.index_cast %add3A_297 : i32 to index
          %get3A_314 = arith.constant 32 : index
          %get3A_315 = tpu.vector_load %arg6[%get3A_312, %get3A_313, %get3A_314] {strides = array<i32>} : memref<5x200x64xf32, #tpu.memory_space<vmem>>, vector<1x1x16xf32>,
          %get3A_316 = vector.shape_cast %get3A_315 : vector<1x1x16xf32> to vector<16xf32>
          %add3A_317 = arith.addf %scan3A_295, %get3A_316 : vector<16xf32>
          %get3A_318 = arith.constant 2 : i32
          %get3A_319 = arith.index_cast %get3A_318 : i32 to index
          %get3A_320 = arith.index_cast %add3A_297 : i32 to index
          %get3A_321 = arith.constant 48 : index
          %get3A_322 = tpu.vector_load %arg6[%get3A_319, %get3A_320, %get3A_321] {strides = array<i32>} : memref<5x200x64xf32, #tpu.memory_space<vmem>>, vector<1x1x16xf32>,
          %get3A_323 = vector.shape_cast %get3A_322 : vector<1x1x16xf32> to vector<16xf32>
          %add3A_324 = arith.addf %scan3A_296, %get3A_323 : vector<16xf32>
          %scan3A_325 = arith.constant 1 : i32
          %scan3A_326 = arith.addi %scan3A_292, %scan3A_325 : i32
          %add3A_327 = arith.addi %mul3A_243, %scan3A_326 : i32
          %get3A_328 = arith.constant 2 : i32
          %get3A_329 = arith.index_cast %get3A_328 : i32 to index
          %get3A_330 = arith.index_cast %add3A_327 : i32 to index
          %get3A_331 = arith.constant 0 : index
          %get3A_332 = tpu.vector_load %arg6[%get3A_329, %get3A_330, %get3A_331] {strides = array<i32>} : memref<5x200x64xf32, #tpu.memory_space<vmem>>, vector<1x1x16xf32>,
          %get3A_333 = vector.shape_cast %get3A_332 : vector<1x1x16xf32> to vector<16xf32>
          %add3A_334 = arith.addf %add3A_303, %get3A_333 : vector<16xf32>
          %get3A_335 = arith.constant 2 : i32
          %get3A_336 = arith.index_cast %get3A_335 : i32 to index
          %get3A_337 = arith.index_cast %add3A_327 : i32 to index
          %get3A_338 = arith.constant 16 : index
          %get3A_339 = tpu.vector_load %arg6[%get3A_336, %get3A_337, %get3A_338] {strides = array<i32>} : memref<5x200x64xf32, #tpu.memory_space<vmem>>, vector<1x1x16xf32>,
          %get3A_340 = vector.shape_cast %get3A_339 : vector<1x1x16xf32> to vector<16xf32>
          %add3A_341 = arith.addf %add3A_310, %get3A_340 : vector<16xf32>
          %get3A_342 = arith.constant 2 : i32
          %get3A_343 = arith.index_cast %get3A_342 : i32 to index
          %get3A_344 = arith.index_cast %add3A_327 : i32 to index
          %get3A_345 = arith.constant 32 : index
          %get3A_346 = tpu.vector_load %arg6[%get3A_343, %get3A_344, %get3A_345] {strides = array<i32>} : memref<5x200x64xf32, #tpu.memory_space<vmem>>, vector<1x1x16xf32>,
          %get3A_347 = vector.shape_cast %get3A_346 : vector<1x1x16xf32> to vector<16xf32>
          %add3A_348 = arith.addf %add3A_317, %get3A_347 : vector<16xf32>
          %get3A_349 = arith.constant 2 : i32
          %get3A_350 = arith.index_cast %get3A_349 : i32 to index
          %get3A_351 = arith.index_cast %add3A_327 : i32 to index
          %get3A_352 = arith.constant 48 : index
          %get3A_353 = tpu.vector_load %arg6[%get3A_350, %get3A_351, %get3A_352] {strides = array<i32>} : memref<5x200x64xf32, #tpu.memory_space<vmem>>, vector<1x1x16xf32>,
          %get3A_354 = vector.shape_cast %get3A_353 : vector<1x1x16xf32> to vector<16xf32>
          %add3A_355 = arith.addf %add3A_324, %get3A_354 : vector<16xf32>
          %scan3A_356 = arith.constant 2 : i32
          %scan3A_357 = arith.addi %scan3A_292, %scan3A_356 : i32
          %add3A_358 = arith.addi %mul3A_243, %scan3A_357 : i32
          %get3A_359 = arith.constant 2 : i32
          %get3A_360 = arith.index_cast %get3A_359 : i32 to index
          %get3A_361 = arith.index_cast %add3A_358 : i32 to index
          %get3A_362 = arith.constant 0 : index
          %get3A_363 = tpu.vector_load %arg6[%get3A_360, %get3A_361, %get3A_362] {strides = array<i32>} : memref<5x200x64xf32, #tpu.memory_space<vmem>>, vector<1x1x16xf32>,
          %get3A_364 = vector.shape_cast %get3A_363 : vector<1x1x16xf32> to vector<16xf32>
          %add3A_365 = arith.addf %add3A_334, %get3A_364 : vector<16xf32>
          %get3A_366 = arith.constant 2 : i32
          %get3A_367 = arith.index_cast %get3A_366 : i32 to index
          %get3A_368 = arith.index_cast %add3A_358 : i32 to index
          %get3A_369 = arith.constant 16 : index
          %get3A_370 = tpu.vector_load %arg6[%get3A_367, %get3A_368, %get3A_369] {strides = array<i32>} : memref<5x200x64xf32, #tpu.memory_space<vmem>>, vector<1x1x16xf32>,
          %get3A_371 = vector.shape_cast %get3A_370 : vector<1x1x16xf32> to vector<16xf32>
          %add3A_372 = arith.addf %add3A_341, %get3A_371 : vector<16xf32>
          %get3A_373 = arith.constant 2 : i32
          %get3A_374 = arith.index_cast %get3A_373 : i32 to index
          %get3A_375 = arith.index_cast %add3A_358 : i32 to index
          %get3A_376 = arith.constant 32 : index
          %get3A_377 = tpu.vector_load %arg6[%get3A_374, %get3A_375, %get3A_376] {strides = array<i32>} : memref<5x200x64xf32, #tpu.memory_space<vmem>>, vector<1x1x16xf32>,
          %get3A_378 = vector.shape_cast %get3A_377 : vector<1x1x16xf32> to vector<16xf32>
          %add3A_379 = arith.addf %add3A_348, %get3A_378 : vector<16xf32>
          %get3A_380 = arith.constant 2 : i32
          %get3A_381 = arith.index_cast %get3A_380 : i32 to index
          %get3A_382 = arith.index_cast %add3A_358 : i32 to index
          %get3A_383 = arith.constant 48 : index
          %get3A_384 = tpu.vector_load %arg6[%get3A_381, %get3A_382, %get3A_383] {strides = array<i32>} : memref<5x200x64xf32, #tpu.memory_space<vmem>>, vector<1x1x16xf32>,
          %get3A_385 = vector.shape_cast %get3A_384 : vector<1x1x16xf32> to vector<16xf32>
          %add3A_386 = arith.addf %add3A_355, %get3A_385 : vector<16xf32>
          %scan3A_387 = arith.constant 3 : i32
          %scan3A_388 = arith.addi %scan3A_292, %scan3A_387 : i32
          %add3A_389 = arith.addi %mul3A_243, %scan3A_388 : i32
          %get3A_390 = arith.constant 2 : i32
          %get3A_391 = arith.index_cast %get3A_390 : i32 to index
          %get3A_392 = arith.index_cast %add3A_389 : i32 to index
          %get3A_393 = arith.constant 0 : index
          %get3A_394 = tpu.vector_load %arg6[%get3A_391, %get3A_392, %get3A_393] {strides = array<i32>} : memref<5x200x64xf32, #tpu.memory_space<vmem>>, vector<1x1x16xf32>,
          %get3A_395 = vector.shape_cast %get3A_394 : vector<1x1x16xf32> to vector<16xf32>
          %add3A_396 = arith.addf %add3A_365, %get3A_395 : vector<16xf32>
          %get3A_397 = arith.constant 2 : i32
          %get3A_398 = arith.index_cast %get3A_397 : i32 to index
          %get3A_399 = arith.index_cast %add3A_389 : i32 to index
          %get3A_400 = arith.constant 16 : index
          %get3A_401 = tpu.vector_load %arg6[%get3A_398, %get3A_399, %get3A_400] {strides = array<i32>} : memref<5x200x64xf32, #tpu.memory_space<vmem>>, vector<1x1x16xf32>,
          %get3A_402 = vector.shape_cast %get3A_401 : vector<1x1x16xf32> to vector<16xf32>
          %add3A_403 = arith.addf %add3A_372, %get3A_402 : vector<16xf32>
          %get3A_404 = arith.constant 2 : i32
          %get3A_405 = arith.index_cast %get3A_404 : i32 to index
          %get3A_406 = arith.index_cast %add3A_389 : i32 to index
          %get3A_407 = arith.constant 32 : index
          %get3A_408 = tpu.vector_load %arg6[%get3A_405, %get3A_406, %get3A_407] {strides = array<i32>} : memref<5x200x64xf32, #tpu.memory_space<vmem>>, vector<1x1x16xf32>,
          %get3A_409 = vector.shape_cast %get3A_408 : vector<1x1x16xf32> to vector<16xf32>
          %add3A_410 = arith.addf %add3A_379, %get3A_409 : vector<16xf32>
          %get3A_411 = arith.constant 2 : i32
          %get3A_412 = arith.index_cast %get3A_411 : i32 to index
          %get3A_413 = arith.index_cast %add3A_389 : i32 to index
          %get3A_414 = arith.constant 48 : index
          %get3A_415 = tpu.vector_load %arg6[%get3A_412, %get3A_413, %get3A_414] {strides = array<i32>} : memref<5x200x64xf32, #tpu.memory_space<vmem>>, vector<1x1x16xf32>,
          %get3A_416 = vector.shape_cast %get3A_415 : vector<1x1x16xf32> to vector<16xf32>
          %add3A_417 = arith.addf %add3A_386, %get3A_416 : vector<16xf32>
          %scan3A_418 = arith.constant 4 : i32
          %scan3A_419 = arith.addi %scan3A_292, %scan3A_418 : i32
          %add3A_420 = arith.addi %mul3A_243, %scan3A_419 : i32
          %get3A_421 = arith.constant 2 : i32
          %get3A_422 = arith.index_cast %get3A_421 : i32 to index
          %get3A_423 = arith.index_cast %add3A_420 : i32 to index
          %get3A_424 = arith.constant 0 : index
          %get3A_425 = tpu.vector_load %arg6[%get3A_422, %get3A_423, %get3A_424] {strides = array<i32>} : memref<5x200x64xf32, #tpu.memory_space<vmem>>, vector<1x1x16xf32>,
          %get3A_426 = vector.shape_cast %get3A_425 : vector<1x1x16xf32> to vector<16xf32>
          %add3A_427 = arith.addf %add3A_396, %get3A_426 : vector<16xf32>
          %get3A_428 = arith.constant 2 : i32
          %get3A_429 = arith.index_cast %get3A_428 : i32 to index
          %get3A_430 = arith.index_cast %add3A_420 : i32 to index
          %get3A_431 = arith.constant 16 : index
          %get3A_432 = tpu.vector_load %arg6[%get3A_429, %get3A_430, %get3A_431] {strides = array<i32>} : memref<5x200x64xf32, #tpu.memory_space<vmem>>, vector<1x1x16xf32>,
          %get3A_433 = vector.shape_cast %get3A_432 : vector<1x1x16xf32> to vector<16xf32>
          %add3A_434 = arith.addf %add3A_403, %get3A_433 : vector<16xf32>
          %get3A_435 = arith.constant 2 : i32
          %get3A_436 = arith.index_cast %get3A_435 : i32 to index
          %get3A_437 = arith.index_cast %add3A_420 : i32 to index
          %get3A_438 = arith.constant 32 : index
          %get3A_439 = tpu.vector_load %arg6[%get3A_436, %get3A_437, %get3A_438] {strides = array<i32>} : memref<5x200x64xf32, #tpu.memory_space<vmem>>, vector<1x1x16xf32>,
          %get3A_440 = vector.shape_cast %get3A_439 : vector<1x1x16xf32> to vector<16xf32>
          %add3A_441 = arith.addf %add3A_410, %get3A_440 : vector<16xf32>
          %get3A_442 = arith.constant 2 : i32
          %get3A_443 = arith.index_cast %get3A_442 : i32 to index
          %get3A_444 = arith.index_cast %add3A_420 : i32 to index
          %get3A_445 = arith.constant 48 : index
          %get3A_446 = tpu.vector_load %arg6[%get3A_443, %get3A_444, %get3A_445] {strides = array<i32>} : memref<5x200x64xf32, #tpu.memory_space<vmem>>, vector<1x1x16xf32>,
          %get3A_447 = vector.shape_cast %get3A_446 : vector<1x1x16xf32> to vector<16xf32>
          %add3A_448 = arith.addf %add3A_417, %get3A_447 : vector<16xf32>
          %scan3A_449 = arith.constant 5 : i32
          %scan3A_450 = arith.addi %scan3A_292, %scan3A_449 : i32
          %add3A_451 = arith.addi %mul3A_243, %scan3A_450 : i32
          %get3A_452 = arith.constant 2 : i32
          %get3A_453 = arith.index_cast %get3A_452 : i32 to index
          %get3A_454 = arith.index_cast %add3A_451 : i32 to index
          %get3A_455 = arith.constant 0 : index
          %get3A_456 = tpu.vector_load %arg6[%get3A_453, %get3A_454, %get3A_455] {strides = array<i32>} : memref<5x200x64xf32, #tpu.memory_space<vmem>>, vector<1x1x16xf32>,
          %get3A_457 = vector.shape_cast %get3A_456 : vector<1x1x16xf32> to vector<16xf32>
          %add3A_458 = arith.addf %add3A_427, %get3A_457 : vector<16xf32>
          %get3A_459 = arith.constant 2 : i32
          %get3A_460 = arith.index_cast %get3A_459 : i32 to index
          %get3A_461 = arith.index_cast %add3A_451 : i32 to index
          %get3A_462 = arith.constant 16 : index
          %get3A_463 = tpu.vector_load %arg6[%get3A_460, %get3A_461, %get3A_462] {strides = array<i32>} : memref<5x200x64xf32, #tpu.memory_space<vmem>>, vector<1x1x16xf32>,
          %get3A_464 = vector.shape_cast %get3A_463 : vector<1x1x16xf32> to vector<16xf32>
          %add3A_465 = arith.addf %add3A_434, %get3A_464 : vector<16xf32>
          %get3A_466 = arith.constant 2 : i32
          %get3A_467 = arith.index_cast %get3A_466 : i32 to index
          %get3A_468 = arith.index_cast %add3A_451 : i32 to index
          %get3A_469 = arith.constant 32 : index
          %get3A_470 = tpu.vector_load %arg6[%get3A_467, %get3A_468, %get3A_469] {strides = array<i32>} : memref<5x200x64xf32, #tpu.memory_space<vmem>>, vector<1x1x16xf32>,
          %get3A_471 = vector.shape_cast %get3A_470 : vector<1x1x16xf32> to vector<16xf32>
          %add3A_472 = arith.addf %add3A_441, %get3A_471 : vector<16xf32>
          %get3A_473 = arith.constant 2 : i32
          %get3A_474 = arith.index_cast %get3A_473 : i32 to index
          %get3A_475 = arith.index_cast %add3A_451 : i32 to index
          %get3A_476 = arith.constant 48 : index
          %get3A_477 = tpu.vector_load %arg6[%get3A_474, %get3A_475, %get3A_476] {strides = array<i32>} : memref<5x200x64xf32, #tpu.memory_space<vmem>>, vector<1x1x16xf32>,
          %get3A_478 = vector.shape_cast %get3A_477 : vector<1x1x16xf32> to vector<16xf32>
          %add3A_479 = arith.addf %add3A_448, %get3A_478 : vector<16xf32>
          %scan3A_480 = arith.constant 6 : i32
          %scan3A_481 = arith.addi %scan3A_292, %scan3A_480 : i32
          %add3A_482 = arith.addi %mul3A_243, %scan3A_481 : i32
          %get3A_483 = arith.constant 2 : i32
          %get3A_484 = arith.index_cast %get3A_483 : i32 to index
          %get3A_485 = arith.index_cast %add3A_482 : i32 to index
          %get3A_486 = arith.constant 0 : index
          %get3A_487 = tpu.vector_load %arg6[%get3A_484, %get3A_485, %get3A_486] {strides = array<i32>} : memref<5x200x64xf32, #tpu.memory_space<vmem>>, vector<1x1x16xf32>,
          %get3A_488 = vector.shape_cast %get3A_487 : vector<1x1x16xf32> to vector<16xf32>
          %add3A_489 = arith.addf %add3A_458, %get3A_488 : vector<16xf32>
          %get3A_490 = arith.constant 2 : i32
          %get3A_491 = arith.index_cast %get3A_490 : i32 to index
          %get3A_492 = arith.index_cast %add3A_482 : i32 to index
          %get3A_493 = arith.constant 16 : index
          %get3A_494 = tpu.vector_load %arg6[%get3A_491, %get3A_492, %get3A_493] {strides = array<i32>} : memref<5x200x64xf32, #tpu.memory_space<vmem>>, vector<1x1x16xf32>,
          %get3A_495 = vector.shape_cast %get3A_494 : vector<1x1x16xf32> to vector<16xf32>
          %add3A_496 = arith.addf %add3A_465, %get3A_495 : vector<16xf32>
          %get3A_497 = arith.constant 2 : i32
          %get3A_498 = arith.index_cast %get3A_497 : i32 to index
          %get3A_499 = arith.index_cast %add3A_482 : i32 to index
          %get3A_500 = arith.constant 32 : index
          %get3A_501 = tpu.vector_load %arg6[%get3A_498, %get3A_499, %get3A_500] {strides = array<i32>} : memref<5x200x64xf32, #tpu.memory_space<vmem>>, vector<1x1x16xf32>,
          %get3A_502 = vector.shape_cast %get3A_501 : vector<1x1x16xf32> to vector<16xf32>
          %add3A_503 = arith.addf %add3A_472, %get3A_502 : vector<16xf32>
          %get3A_504 = arith.constant 2 : i32
          %get3A_505 = arith.index_cast %get3A_504 : i32 to index
          %get3A_506 = arith.index_cast %add3A_482 : i32 to index
          %get3A_507 = arith.constant 48 : index
          %get3A_508 = tpu.vector_load %arg6[%get3A_505, %get3A_506, %get3A_507] {strides = array<i32>} : memref<5x200x64xf32, #tpu.memory_space<vmem>>, vector<1x1x16xf32>,
          %get3A_509 = vector.shape_cast %get3A_508 : vector<1x1x16xf32> to vector<16xf32>
          %add3A_510 = arith.addf %add3A_479, %get3A_509 : vector<16xf32>
          %scan3A_511 = arith.constant 7 : i32
          %scan3A_512 = arith.addi %scan3A_292, %scan3A_511 : i32
          %add3A_513 = arith.addi %mul3A_243, %scan3A_512 : i32
          %get3A_514 = arith.constant 2 : i32
          %get3A_515 = arith.index_cast %get3A_514 : i32 to index
          %get3A_516 = arith.index_cast %add3A_513 : i32 to index
          %get3A_517 = arith.constant 0 : index
          %get3A_518 = tpu.vector_load %arg6[%get3A_515, %get3A_516, %get3A_517] {strides = array<i32>} : memref<5x200x64xf32, #tpu.memory_space<vmem>>, vector<1x1x16xf32>,
          %get3A_519 = vector.shape_cast %get3A_518 : vector<1x1x16xf32> to vector<16xf32>
          %add3A_520 = arith.addf %add3A_489, %get3A_519 : vector<16xf32>
          %get3A_521 = arith.constant 2 : i32
          %get3A_522 = arith.index_cast %get3A_521 : i32 to index
          %get3A_523 = arith.index_cast %add3A_513 : i32 to index
          %get3A_524 = arith.constant 16 : index
          %get3A_525 = tpu.vector_load %arg6[%get3A_522, %get3A_523, %get3A_524] {strides = array<i32>} : memref<5x200x64xf32, #tpu.memory_space<vmem>>, vector<1x1x16xf32>,
          %get3A_526 = vector.shape_cast %get3A_525 : vector<1x1x16xf32> to vector<16xf32>
          %add3A_527 = arith.addf %add3A_496, %get3A_526 : vector<16xf32>
          %get3A_528 = arith.constant 2 : i32
          %get3A_529 = arith.index_cast %get3A_528 : i32 to index
          %get3A_530 = arith.index_cast %add3A_513 : i32 to index
          %get3A_531 = arith.constant 32 : index
          %get3A_532 = tpu.vector_load %arg6[%get3A_529, %get3A_530, %get3A_531] {strides = array<i32>} : memref<5x200x64xf32, #tpu.memory_space<vmem>>, vector<1x1x16xf32>,
          %get3A_533 = vector.shape_cast %get3A_532 : vector<1x1x16xf32> to vector<16xf32>
          %add3A_534 = arith.addf %add3A_503, %get3A_533 : vector<16xf32>
          %get3A_535 = arith.constant 2 : i32
          %get3A_536 = arith.index_cast %get3A_535 : i32 to index
          %get3A_537 = arith.index_cast %add3A_513 : i32 to index
          %get3A_538 = arith.constant 48 : index
          %get3A_539 = tpu.vector_load %arg6[%get3A_536, %get3A_537, %get3A_538] {strides = array<i32>} : memref<5x200x64xf32, #tpu.memory_space<vmem>>, vector<1x1x16xf32>,
          %get3A_540 = vector.shape_cast %get3A_539 : vector<1x1x16xf32> to vector<16xf32>
          %add3A_541 = arith.addf %add3A_510, %get3A_540 : vector<16xf32>
          %scan3A_542 = arith.constant 8 : i32
          %scan3A_543 = arith.addi %scan3A_292, %scan3A_542 : i32
          %add3A_544 = arith.addi %mul3A_243, %scan3A_543 : i32
          %get3A_545 = arith.constant 2 : i32
          %get3A_546 = arith.index_cast %get3A_545 : i32 to index
          %get3A_547 = arith.index_cast %add3A_544 : i32 to index
          %get3A_548 = arith.constant 0 : index
          %get3A_549 = tpu.vector_load %arg6[%get3A_546, %get3A_547, %get3A_548] {strides = array<i32>} : memref<5x200x64xf32, #tpu.memory_space<vmem>>, vector<1x1x16xf32>,
          %get3A_550 = vector.shape_cast %get3A_549 : vector<1x1x16xf32> to vector<16xf32>
          %add3A_551 = arith.addf %add3A_520, %get3A_550 : vector<16xf32>
          %get3A_552 = arith.constant 2 : i32
          %get3A_553 = arith.index_cast %get3A_552 : i32 to index
          %get3A_554 = arith.index_cast %add3A_544 : i32 to index
          %get3A_555 = arith.constant 16 : index
          %get3A_556 = tpu.vector_load %arg6[%get3A_553, %get3A_554, %get3A_555] {strides = array<i32>} : memref<5x200x64xf32, #tpu.memory_space<vmem>>, vector<1x1x16xf32>,
          %get3A_557 = vector.shape_cast %get3A_556 : vector<1x1x16xf32> to vector<16xf32>
          %add3A_558 = arith.addf %add3A_527, %get3A_557 : vector<16xf32>
          %get3A_559 = arith.constant 2 : i32
          %get3A_560 = arith.index_cast %get3A_559 : i32 to index
          %get3A_561 = arith.index_cast %add3A_544 : i32 to index
          %get3A_562 = arith.constant 32 : index
          %get3A_563 = tpu.vector_load %arg6[%get3A_560, %get3A_561, %get3A_562] {strides = array<i32>} : memref<5x200x64xf32, #tpu.memory_space<vmem>>, vector<1x1x16xf32>,
          %get3A_564 = vector.shape_cast %get3A_563 : vector<1x1x16xf32> to vector<16xf32>
          %add3A_565 = arith.addf %add3A_534, %get3A_564 : vector<16xf32>
          %get3A_566 = arith.constant 2 : i32
          %get3A_567 = arith.index_cast %get3A_566 : i32 to index
          %get3A_568 = arith.index_cast %add3A_544 : i32 to index
          %get3A_569 = arith.constant 48 : index
          %get3A_570 = tpu.vector_load %arg6[%get3A_567, %get3A_568, %get3A_569] {strides = array<i32>} : memref<5x200x64xf32, #tpu.memory_space<vmem>>, vector<1x1x16xf32>,
          %get3A_571 = vector.shape_cast %get3A_570 : vector<1x1x16xf32> to vector<16xf32>
          %add3A_572 = arith.addf %add3A_541, %get3A_571 : vector<16xf32>
          %scan3A_573 = arith.constant 9 : i32
          %scan3A_574 = arith.addi %scan3A_292, %scan3A_573 : i32
          %add3A_575 = arith.addi %mul3A_243, %scan3A_574 : i32
          %get3A_576 = arith.constant 2 : i32
          %get3A_577 = arith.index_cast %get3A_576 : i32 to index
          %get3A_578 = arith.index_cast %add3A_575 : i32 to index
          %get3A_579 = arith.constant 0 : index
          %get3A_580 = tpu.vector_load %arg6[%get3A_577, %get3A_578, %get3A_579] {strides = array<i32>} : memref<5x200x64xf32, #tpu.memory_space<vmem>>, vector<1x1x16xf32>,
          %get3A_581 = vector.shape_cast %get3A_580 : vector<1x1x16xf32> to vector<16xf32>
          %add3A_582 = arith.addf %add3A_551, %get3A_581 : vector<16xf32>
          %get3A_583 = arith.constant 2 : i32
          %get3A_584 = arith.index_cast %get3A_583 : i32 to index
          %get3A_585 = arith.index_cast %add3A_575 : i32 to index
          %get3A_586 = arith.constant 16 : index
          %get3A_587 = tpu.vector_load %arg6[%get3A_584, %get3A_585, %get3A_586] {strides = array<i32>} : memref<5x200x64xf32, #tpu.memory_space<vmem>>, vector<1x1x16xf32>,
          %get3A_588 = vector.shape_cast %get3A_587 : vector<1x1x16xf32> to vector<16xf32>
          %add3A_589 = arith.addf %add3A_558, %get3A_588 : vector<16xf32>
          %get3A_590 = arith.constant 2 : i32
          %get3A_591 = arith.index_cast %get3A_590 : i32 to index
          %get3A_592 = arith.index_cast %add3A_575 : i32 to index
          %get3A_593 = arith.constant 32 : index
          %get3A_594 = tpu.vector_load %arg6[%get3A_591, %get3A_592, %get3A_593] {strides = array<i32>} : memref<5x200x64xf32, #tpu.memory_space<vmem>>, vector<1x1x16xf32>,
          %get3A_595 = vector.shape_cast %get3A_594 : vector<1x1x16xf32> to vector<16xf32>
          %add3A_596 = arith.addf %add3A_565, %get3A_595 : vector<16xf32>
          %get3A_597 = arith.constant 2 : i32
          %get3A_598 = arith.index_cast %get3A_597 : i32 to index
          %get3A_599 = arith.index_cast %add3A_575 : i32 to index
          %get3A_600 = arith.constant 48 : index
          %get3A_601 = tpu.vector_load %arg6[%get3A_598, %get3A_599, %get3A_600] {strides = array<i32>} : memref<5x200x64xf32, #tpu.memory_space<vmem>>, vector<1x1x16xf32>,
          %get3A_602 = vector.shape_cast %get3A_601 : vector<1x1x16xf32> to vector<16xf32>
          %add3A_603 = arith.addf %add3A_572, %get3A_602 : vector<16xf32>
          scf.yield %add3A_582, %add3A_589, %add3A_596, %add3A_603 : vector<16xf32>, vector<16xf32>, vector<16xf32>, vector<16xf32>
        }
        %scan3A_256 = arith.constant 50 : i32
        %mul3A_257 = arith.constant 4 : i32
        %mul3A_258 = arith.muli %add3A_163, %mul3A_257 : i32
        %add3A_259 = arith.addi %mul3A_258, %scan3A_240 : i32
        %mul3A_260 = arith.constant 2.000000e-02 : f32
        %mul3A_261 = vector.broadcast %mul3A_260 : f32 to vector<16xf32>
        %mul3A_262 = arith.mulf %scan3A_255#0, %mul3A_261 : vector<16xf32>
        %swap3A = arith.index_cast %add3A_259 : i32 to index
        %swap3A_263 = arith.constant 0 : index
        %swap3A_264 = tpu.vector_load %arg7[%swap3A, %swap3A_263] {strides = array<i32>} : memref<512x64xf32, #tpu.memory_space<vmem>>, vector<1x16xf32>,
        %swap3A_265 = vector.shape_cast %swap3A_264 : vector<1x16xf32> to vector<16xf32>
        %swap3A_266 = vector.shape_cast %mul3A_262 : vector<16xf32> to vector<1x16xf32>
        tpu.vector_store %arg7[%swap3A, %swap3A_263], %swap3A_266 {strides = array<i32>} : memref<512x64xf32, #tpu.memory_space<vmem>>, vector<1x16xf32>,
        %mul3A_267 = arith.constant 2.000000e-02 : f32
        %mul3A_268 = vector.broadcast %mul3A_267 : f32 to vector<16xf32>
        %mul3A_269 = arith.mulf %scan3A_255#1, %mul3A_268 : vector<16xf32>
        %swap3A_270 = arith.index_cast %add3A_259 : i32 to index
        %swap3A_271 = arith.constant 16 : index
        %swap3A_272 = tpu.vector_load %arg7[%swap3A_270, %swap3A_271] {strides = array<i32>} : memref<512x64xf32, #tpu.memory_space<vmem>>, vector<1x16xf32>,
        %swap3A_273 = vector.shape_cast %swap3A_272 : vector<1x16xf32> to vector<16xf32>
        %swap3A_274 = vector.shape_cast %mul3A_269 : vector<16xf32> to vector<1x16xf32>
        tpu.vector_store %arg7[%swap3A_270, %swap3A_271], %swap3A_274 {strides = array<i32>} : memref<512x64xf32, #tpu.memory_space<vmem>>, vector<1x16xf32>,
        %mul3A_275 = arith.constant 2.000000e-02 : f32
        %mul3A_276 = vector.broadcast %mul3A_275 : f32 to vector<16xf32>
        %mul3A_277 = arith.mulf %scan3A_255#2, %mul3A_276 : vector<16xf32>
        %swap3A_278 = arith.index_cast %add3A_259 : i32 to index
        %swap3A_279 = arith.constant 32 : index
        %swap3A_280 = tpu.vector_load %arg7[%swap3A_278, %swap3A_279] {strides = array<i32>} : memref<512x64xf32, #tpu.memory_space<vmem>>, vector<1x16xf32>,
        %swap3A_281 = vector.shape_cast %swap3A_280 : vector<1x16xf32> to vector<16xf32>
        %swap3A_282 = vector.shape_cast %mul3A_277 : vector<16xf32> to vector<1x16xf32>
        tpu.vector_store %arg7[%swap3A_278, %swap3A_279], %swap3A_282 {strides = array<i32>} : memref<512x64xf32, #tpu.memory_space<vmem>>, vector<1x16xf32>,
        %mul3A_283 = arith.constant 2.000000e-02 : f32
        %mul3A_284 = vector.broadcast %mul3A_283 : f32 to vector<16xf32>
        %mul3A_285 = arith.mulf %scan3A_255#3, %mul3A_284 : vector<16xf32>
        %swap3A_286 = arith.index_cast %add3A_259 : i32 to index
        %swap3A_287 = arith.constant 48 : index
        %swap3A_288 = tpu.vector_load %arg7[%swap3A_286, %swap3A_287] {strides = array<i32>} : memref<512x64xf32, #tpu.memory_space<vmem>>, vector<1x16xf32>,
        %swap3A_289 = vector.shape_cast %swap3A_288 : vector<1x16xf32> to vector<16xf32>
        %swap3A_290 = vector.shape_cast %mul3A_285 : vector<16xf32> to vector<1x16xf32>
        tpu.vector_store %arg7[%swap3A_286, %swap3A_287], %swap3A_290 {strides = array<i32>} : memref<512x64xf32, #tpu.memory_space<vmem>>, vector<1x16xf32>,
        %scan3A_291 = arith.constant 0 : i32
        scf.yield %scan3A_291 : i32
      }
      %scan3A_180 = arith.constant 4 : i32
      %add3A_181 = arith.constant 5 : i32
      %add3A_182 = arith.addi %add3A_163, %add3A_181 : i32
      %lt3A_183 = arith.constant 128 : i32
      %lt3A_184 = arith.cmpi slt, %add3A_182, %lt3A_183 : i32
      %convert_element_type3A_185 = arith.extui %lt3A_184 : i1 to i32
      %cond3A_186 = arith.constant 0 : i32
      %cond3A_187 = arith.cmpi ne, %convert_element_type3A_185, %cond3A_186 : i32
      scf.if %cond3A_187 {
        %add3A_240 = arith.constant 5 : i32
        %add3A_241 = arith.addi %add3A_163, %add3A_240 : i32
        %mul3A_242 = arith.constant 200 : i32
        %mul3A_243 = arith.muli %add3A_241, %mul3A_242 : i32
        %dma_start3A_244 = arith.constant 2 : i32
        %dma_start3A_245 = arith.constant 0 : i32
        %dma_start3A_246 = arith.constant 0 : i32
        %dma_start3A_247 = tpu.memref_slice %arg6[%dma_start3A_244, %dma_start3A_245, %dma_start3A_246] : memref<5x200x64xf32, #tpu.memory_space<vmem>> -> memref<1x200x64xf32, #tpu.memory_space<vmem>>
        %dma_start3A_248 = tpu.memref_squeeze %dma_start3A_247 : memref<1x200x64xf32, #tpu.memory_space<vmem>> -> memref<200x64xf32, #tpu.memory_space<vmem>>
        %dma_start3A_249 = tpu.memref_slice %arg5[%mul3A_243] : memref<25600xi32, #tpu.memory_space<vmem>> -> memref<200xi32, #tpu.memory_space<vmem>>
        %dma_start3A_250 = arith.constant 0 : i32
        %dma_start3A_251 = arith.constant 0 : i32
        %dma_start3A_252 = tpu.memref_slice %arg3[%dma_start3A_250, %dma_start3A_251] : memref<1000000x64xf32, #tpu.memory_space<hbm>> -> memref<1000000x64xf32, #tpu.memory_space<hbm>>
        tpu.enqueue_indirect_dma source(%dma_start3A_252 : memref<1000000x64xf32, #tpu.memory_space<hbm>>) target(%dma_start3A_248 : memref<200x64xf32, #tpu.memory_space<vmem>>) offsets(%dma_start3A_249 : memref<200xi32, #tpu.memory_space<vmem>>) semaphore(%arg10 : memref<!tpu.dma_semaphore, #tpu.memory_space<semaphore_mem>>)
      } else {
      }
      %add3A_188 = arith.constant 3 : i32
      %add3A_189 = arith.addi %add3A_112, %add3A_188 : i32
      %dma_wait3A_190 = arith.constant 3 : i32
      %dma_wait3A_191 = arith.constant 0 : i32
      %dma_wait3A_192 = arith.constant 0 : i32
      %dma_wait3A_193 = tpu.memref_slice %arg6[%dma_wait3A_190, %dma_wait3A_191, %dma_wait3A_192] : memref<5x200x64xf32, #tpu.memory_space<vmem>> -> memref<1x200x64xf32, #tpu.memory_space<vmem>>
      %dma_wait3A_194 = tpu.memref_squeeze %dma_wait3A_193 : memref<1x200x64xf32, #tpu.memory_space<vmem>> -> memref<200x64xf32, #tpu.memory_space<vmem>>
      %dma_wait3A_195 = arith.constant 0 : i32
      %dma_wait3A_196 = tpu.memref_slice %arg5[%dma_wait3A_195] : memref<25600xi32, #tpu.memory_space<vmem>> -> memref<200xi32, #tpu.memory_space<vmem>>
      %dma_wait3A_197 = arith.constant 0 : i32
      %dma_wait3A_198 = arith.constant 0 : i32
      %dma_wait3A_199 = tpu.memref_slice %arg3[%dma_wait3A_197, %dma_wait3A_198] : memref<1000000x64xf32, #tpu.memory_space<hbm>> -> memref<1000000x64xf32, #tpu.memory_space<hbm>>
      tpu.wait_indirect_dma semaphore(%arg11 : memref<!tpu.dma_semaphore, #tpu.memory_space<semaphore_mem>>) src(%dma_wait3A_199 : memref<1000000x64xf32, #tpu.memory_space<hbm>>) dst(%dma_wait3A_194 : memref<200x64xf32, #tpu.memory_space<vmem>>)
      %scan3A_200 = arith.constant 0 : i32
      %scan3A_201 = arith.constant 0 : i32
      %scan3A_202 = arith.constant 4 : i32
      %scan3A_203 = arith.addi %scan3A_201, %scan3A_202 : i32
      %scan3A_204 = arith.constant 1 : i32
      %scan3A_205 = scf.for %scan3A_240 = %scan3A_201 to %scan3A_203 step %scan3A_204 iter_args(%scan3A_241 = %scan3A_200) -> (i32)  : i32 {
        %mul3A_242 = arith.constant 50 : i32
        %mul3A_243 = arith.muli %scan3A_240, %mul3A_242 : i32
        %broadcast_in_dim3A = arith.constant 0.000000e+00 : f32
        %broadcast_in_dim3A_244 = vector.broadcast %broadcast_in_dim3A : f32 to vector<16xf32>
        %broadcast_in_dim3A_245 = arith.constant 0.000000e+00 : f32
        %broadcast_in_dim3A_246 = vector.broadcast %broadcast_in_dim3A_245 : f32 to vector<16xf32>
        %broadcast_in_dim3A_247 = arith.constant 0.000000e+00 : f32
        %broadcast_in_dim3A_248 = vector.broadcast %broadcast_in_dim3A_247 : f32 to vector<16xf32>
        %broadcast_in_dim3A_249 = arith.constant 0.000000e+00 : f32
        %broadcast_in_dim3A_250 = vector.broadcast %broadcast_in_dim3A_249 : f32 to vector<16xf32>
        %scan3A_251 = arith.constant 0 : i32
        %scan3A_252 = arith.constant 50 : i32
        %scan3A_253 = arith.addi %scan3A_251, %scan3A_252 : i32
        %scan3A_254 = arith.constant 10 : i32
        %scan3A_255:4 = scf.for %scan3A_292 = %scan3A_251 to %scan3A_253 step %scan3A_254 iter_args(%scan3A_293 = %broadcast_in_dim3A_244, %scan3A_294 = %broadcast_in_dim3A_246, %scan3A_295 = %broadcast_in_dim3A_248, %scan3A_296 = %broadcast_in_dim3A_250) -> (vector<16xf32>, vector<16xf32>, vector<16xf32>, vector<16xf32>)  : i32 {
          %add3A_297 = arith.addi %mul3A_243, %scan3A_292 : i32
          %get3A = arith.constant 3 : i32
          %get3A_298 = arith.index_cast %get3A : i32 to index
          %get3A_299 = arith.index_cast %add3A_297 : i32 to index
          %get3A_300 = arith.constant 0 : index
          %get3A_301 = tpu.vector_load %arg6[%get3A_298, %get3A_299, %get3A_300] {strides = array<i32>} : memref<5x200x64xf32, #tpu.memory_space<vmem>>, vector<1x1x16xf32>,
          %get3A_302 = vector.shape_cast %get3A_301 : vector<1x1x16xf32> to vector<16xf32>
          %add3A_303 = arith.addf %scan3A_293, %get3A_302 : vector<16xf32>
          %get3A_304 = arith.constant 3 : i32
          %get3A_305 = arith.index_cast %get3A_304 : i32 to index
          %get3A_306 = arith.index_cast %add3A_297 : i32 to index
          %get3A_307 = arith.constant 16 : index
          %get3A_308 = tpu.vector_load %arg6[%get3A_305, %get3A_306, %get3A_307] {strides = array<i32>} : memref<5x200x64xf32, #tpu.memory_space<vmem>>, vector<1x1x16xf32>,
          %get3A_309 = vector.shape_cast %get3A_308 : vector<1x1x16xf32> to vector<16xf32>
          %add3A_310 = arith.addf %scan3A_294, %get3A_309 : vector<16xf32>
          %get3A_311 = arith.constant 3 : i32
          %get3A_312 = arith.index_cast %get3A_311 : i32 to index
          %get3A_313 = arith.index_cast %add3A_297 : i32 to index
          %get3A_314 = arith.constant 32 : index
          %get3A_315 = tpu.vector_load %arg6[%get3A_312, %get3A_313, %get3A_314] {strides = array<i32>} : memref<5x200x64xf32, #tpu.memory_space<vmem>>, vector<1x1x16xf32>,
          %get3A_316 = vector.shape_cast %get3A_315 : vector<1x1x16xf32> to vector<16xf32>
          %add3A_317 = arith.addf %scan3A_295, %get3A_316 : vector<16xf32>
          %get3A_318 = arith.constant 3 : i32
          %get3A_319 = arith.index_cast %get3A_318 : i32 to index
          %get3A_320 = arith.index_cast %add3A_297 : i32 to index
          %get3A_321 = arith.constant 48 : index
          %get3A_322 = tpu.vector_load %arg6[%get3A_319, %get3A_320, %get3A_321] {strides = array<i32>} : memref<5x200x64xf32, #tpu.memory_space<vmem>>, vector<1x1x16xf32>,
          %get3A_323 = vector.shape_cast %get3A_322 : vector<1x1x16xf32> to vector<16xf32>
          %add3A_324 = arith.addf %scan3A_296, %get3A_323 : vector<16xf32>
          %scan3A_325 = arith.constant 1 : i32
          %scan3A_326 = arith.addi %scan3A_292, %scan3A_325 : i32
          %add3A_327 = arith.addi %mul3A_243, %scan3A_326 : i32
          %get3A_328 = arith.constant 3 : i32
          %get3A_329 = arith.index_cast %get3A_328 : i32 to index
          %get3A_330 = arith.index_cast %add3A_327 : i32 to index
          %get3A_331 = arith.constant 0 : index
          %get3A_332 = tpu.vector_load %arg6[%get3A_329, %get3A_330, %get3A_331] {strides = array<i32>} : memref<5x200x64xf32, #tpu.memory_space<vmem>>, vector<1x1x16xf32>,
          %get3A_333 = vector.shape_cast %get3A_332 : vector<1x1x16xf32> to vector<16xf32>
          %add3A_334 = arith.addf %add3A_303, %get3A_333 : vector<16xf32>
          %get3A_335 = arith.constant 3 : i32
          %get3A_336 = arith.index_cast %get3A_335 : i32 to index
          %get3A_337 = arith.index_cast %add3A_327 : i32 to index
          %get3A_338 = arith.constant 16 : index
          %get3A_339 = tpu.vector_load %arg6[%get3A_336, %get3A_337, %get3A_338] {strides = array<i32>} : memref<5x200x64xf32, #tpu.memory_space<vmem>>, vector<1x1x16xf32>,
          %get3A_340 = vector.shape_cast %get3A_339 : vector<1x1x16xf32> to vector<16xf32>
          %add3A_341 = arith.addf %add3A_310, %get3A_340 : vector<16xf32>
          %get3A_342 = arith.constant 3 : i32
          %get3A_343 = arith.index_cast %get3A_342 : i32 to index
          %get3A_344 = arith.index_cast %add3A_327 : i32 to index
          %get3A_345 = arith.constant 32 : index
          %get3A_346 = tpu.vector_load %arg6[%get3A_343, %get3A_344, %get3A_345] {strides = array<i32>} : memref<5x200x64xf32, #tpu.memory_space<vmem>>, vector<1x1x16xf32>,
          %get3A_347 = vector.shape_cast %get3A_346 : vector<1x1x16xf32> to vector<16xf32>
          %add3A_348 = arith.addf %add3A_317, %get3A_347 : vector<16xf32>
          %get3A_349 = arith.constant 3 : i32
          %get3A_350 = arith.index_cast %get3A_349 : i32 to index
          %get3A_351 = arith.index_cast %add3A_327 : i32 to index
          %get3A_352 = arith.constant 48 : index
          %get3A_353 = tpu.vector_load %arg6[%get3A_350, %get3A_351, %get3A_352] {strides = array<i32>} : memref<5x200x64xf32, #tpu.memory_space<vmem>>, vector<1x1x16xf32>,
          %get3A_354 = vector.shape_cast %get3A_353 : vector<1x1x16xf32> to vector<16xf32>
          %add3A_355 = arith.addf %add3A_324, %get3A_354 : vector<16xf32>
          %scan3A_356 = arith.constant 2 : i32
          %scan3A_357 = arith.addi %scan3A_292, %scan3A_356 : i32
          %add3A_358 = arith.addi %mul3A_243, %scan3A_357 : i32
          %get3A_359 = arith.constant 3 : i32
          %get3A_360 = arith.index_cast %get3A_359 : i32 to index
          %get3A_361 = arith.index_cast %add3A_358 : i32 to index
          %get3A_362 = arith.constant 0 : index
          %get3A_363 = tpu.vector_load %arg6[%get3A_360, %get3A_361, %get3A_362] {strides = array<i32>} : memref<5x200x64xf32, #tpu.memory_space<vmem>>, vector<1x1x16xf32>,
          %get3A_364 = vector.shape_cast %get3A_363 : vector<1x1x16xf32> to vector<16xf32>
          %add3A_365 = arith.addf %add3A_334, %get3A_364 : vector<16xf32>
          %get3A_366 = arith.constant 3 : i32
          %get3A_367 = arith.index_cast %get3A_366 : i32 to index
          %get3A_368 = arith.index_cast %add3A_358 : i32 to index
          %get3A_369 = arith.constant 16 : index
          %get3A_370 = tpu.vector_load %arg6[%get3A_367, %get3A_368, %get3A_369] {strides = array<i32>} : memref<5x200x64xf32, #tpu.memory_space<vmem>>, vector<1x1x16xf32>,
          %get3A_371 = vector.shape_cast %get3A_370 : vector<1x1x16xf32> to vector<16xf32>
          %add3A_372 = arith.addf %add3A_341, %get3A_371 : vector<16xf32>
          %get3A_373 = arith.constant 3 : i32
          %get3A_374 = arith.index_cast %get3A_373 : i32 to index
          %get3A_375 = arith.index_cast %add3A_358 : i32 to index
          %get3A_376 = arith.constant 32 : index
          %get3A_377 = tpu.vector_load %arg6[%get3A_374, %get3A_375, %get3A_376] {strides = array<i32>} : memref<5x200x64xf32, #tpu.memory_space<vmem>>, vector<1x1x16xf32>,
          %get3A_378 = vector.shape_cast %get3A_377 : vector<1x1x16xf32> to vector<16xf32>
          %add3A_379 = arith.addf %add3A_348, %get3A_378 : vector<16xf32>
          %get3A_380 = arith.constant 3 : i32
          %get3A_381 = arith.index_cast %get3A_380 : i32 to index
          %get3A_382 = arith.index_cast %add3A_358 : i32 to index
          %get3A_383 = arith.constant 48 : index
          %get3A_384 = tpu.vector_load %arg6[%get3A_381, %get3A_382, %get3A_383] {strides = array<i32>} : memref<5x200x64xf32, #tpu.memory_space<vmem>>, vector<1x1x16xf32>,
          %get3A_385 = vector.shape_cast %get3A_384 : vector<1x1x16xf32> to vector<16xf32>
          %add3A_386 = arith.addf %add3A_355, %get3A_385 : vector<16xf32>
          %scan3A_387 = arith.constant 3 : i32
          %scan3A_388 = arith.addi %scan3A_292, %scan3A_387 : i32
          %add3A_389 = arith.addi %mul3A_243, %scan3A_388 : i32
          %get3A_390 = arith.constant 3 : i32
          %get3A_391 = arith.index_cast %get3A_390 : i32 to index
          %get3A_392 = arith.index_cast %add3A_389 : i32 to index
          %get3A_393 = arith.constant 0 : index
          %get3A_394 = tpu.vector_load %arg6[%get3A_391, %get3A_392, %get3A_393] {strides = array<i32>} : memref<5x200x64xf32, #tpu.memory_space<vmem>>, vector<1x1x16xf32>,
          %get3A_395 = vector.shape_cast %get3A_394 : vector<1x1x16xf32> to vector<16xf32>
          %add3A_396 = arith.addf %add3A_365, %get3A_395 : vector<16xf32>
          %get3A_397 = arith.constant 3 : i32
          %get3A_398 = arith.index_cast %get3A_397 : i32 to index
          %get3A_399 = arith.index_cast %add3A_389 : i32 to index
          %get3A_400 = arith.constant 16 : index
          %get3A_401 = tpu.vector_load %arg6[%get3A_398, %get3A_399, %get3A_400] {strides = array<i32>} : memref<5x200x64xf32, #tpu.memory_space<vmem>>, vector<1x1x16xf32>,
          %get3A_402 = vector.shape_cast %get3A_401 : vector<1x1x16xf32> to vector<16xf32>
          %add3A_403 = arith.addf %add3A_372, %get3A_402 : vector<16xf32>
          %get3A_404 = arith.constant 3 : i32
          %get3A_405 = arith.index_cast %get3A_404 : i32 to index
          %get3A_406 = arith.index_cast %add3A_389 : i32 to index
          %get3A_407 = arith.constant 32 : index
          %get3A_408 = tpu.vector_load %arg6[%get3A_405, %get3A_406, %get3A_407] {strides = array<i32>} : memref<5x200x64xf32, #tpu.memory_space<vmem>>, vector<1x1x16xf32>,
          %get3A_409 = vector.shape_cast %get3A_408 : vector<1x1x16xf32> to vector<16xf32>
          %add3A_410 = arith.addf %add3A_379, %get3A_409 : vector<16xf32>
          %get3A_411 = arith.constant 3 : i32
          %get3A_412 = arith.index_cast %get3A_411 : i32 to index
          %get3A_413 = arith.index_cast %add3A_389 : i32 to index
          %get3A_414 = arith.constant 48 : index
          %get3A_415 = tpu.vector_load %arg6[%get3A_412, %get3A_413, %get3A_414] {strides = array<i32>} : memref<5x200x64xf32, #tpu.memory_space<vmem>>, vector<1x1x16xf32>,
          %get3A_416 = vector.shape_cast %get3A_415 : vector<1x1x16xf32> to vector<16xf32>
          %add3A_417 = arith.addf %add3A_386, %get3A_416 : vector<16xf32>
          %scan3A_418 = arith.constant 4 : i32
          %scan3A_419 = arith.addi %scan3A_292, %scan3A_418 : i32
          %add3A_420 = arith.addi %mul3A_243, %scan3A_419 : i32
          %get3A_421 = arith.constant 3 : i32
          %get3A_422 = arith.index_cast %get3A_421 : i32 to index
          %get3A_423 = arith.index_cast %add3A_420 : i32 to index
          %get3A_424 = arith.constant 0 : index
          %get3A_425 = tpu.vector_load %arg6[%get3A_422, %get3A_423, %get3A_424] {strides = array<i32>} : memref<5x200x64xf32, #tpu.memory_space<vmem>>, vector<1x1x16xf32>,
          %get3A_426 = vector.shape_cast %get3A_425 : vector<1x1x16xf32> to vector<16xf32>
          %add3A_427 = arith.addf %add3A_396, %get3A_426 : vector<16xf32>
          %get3A_428 = arith.constant 3 : i32
          %get3A_429 = arith.index_cast %get3A_428 : i32 to index
          %get3A_430 = arith.index_cast %add3A_420 : i32 to index
          %get3A_431 = arith.constant 16 : index
          %get3A_432 = tpu.vector_load %arg6[%get3A_429, %get3A_430, %get3A_431] {strides = array<i32>} : memref<5x200x64xf32, #tpu.memory_space<vmem>>, vector<1x1x16xf32>,
          %get3A_433 = vector.shape_cast %get3A_432 : vector<1x1x16xf32> to vector<16xf32>
          %add3A_434 = arith.addf %add3A_403, %get3A_433 : vector<16xf32>
          %get3A_435 = arith.constant 3 : i32
          %get3A_436 = arith.index_cast %get3A_435 : i32 to index
          %get3A_437 = arith.index_cast %add3A_420 : i32 to index
          %get3A_438 = arith.constant 32 : index
          %get3A_439 = tpu.vector_load %arg6[%get3A_436, %get3A_437, %get3A_438] {strides = array<i32>} : memref<5x200x64xf32, #tpu.memory_space<vmem>>, vector<1x1x16xf32>,
          %get3A_440 = vector.shape_cast %get3A_439 : vector<1x1x16xf32> to vector<16xf32>
          %add3A_441 = arith.addf %add3A_410, %get3A_440 : vector<16xf32>
          %get3A_442 = arith.constant 3 : i32
          %get3A_443 = arith.index_cast %get3A_442 : i32 to index
          %get3A_444 = arith.index_cast %add3A_420 : i32 to index
          %get3A_445 = arith.constant 48 : index
          %get3A_446 = tpu.vector_load %arg6[%get3A_443, %get3A_444, %get3A_445] {strides = array<i32>} : memref<5x200x64xf32, #tpu.memory_space<vmem>>, vector<1x1x16xf32>,
          %get3A_447 = vector.shape_cast %get3A_446 : vector<1x1x16xf32> to vector<16xf32>
          %add3A_448 = arith.addf %add3A_417, %get3A_447 : vector<16xf32>
          %scan3A_449 = arith.constant 5 : i32
          %scan3A_450 = arith.addi %scan3A_292, %scan3A_449 : i32
          %add3A_451 = arith.addi %mul3A_243, %scan3A_450 : i32
          %get3A_452 = arith.constant 3 : i32
          %get3A_453 = arith.index_cast %get3A_452 : i32 to index
          %get3A_454 = arith.index_cast %add3A_451 : i32 to index
          %get3A_455 = arith.constant 0 : index
          %get3A_456 = tpu.vector_load %arg6[%get3A_453, %get3A_454, %get3A_455] {strides = array<i32>} : memref<5x200x64xf32, #tpu.memory_space<vmem>>, vector<1x1x16xf32>,
          %get3A_457 = vector.shape_cast %get3A_456 : vector<1x1x16xf32> to vector<16xf32>
          %add3A_458 = arith.addf %add3A_427, %get3A_457 : vector<16xf32>
          %get3A_459 = arith.constant 3 : i32
          %get3A_460 = arith.index_cast %get3A_459 : i32 to index
          %get3A_461 = arith.index_cast %add3A_451 : i32 to index
          %get3A_462 = arith.constant 16 : index
          %get3A_463 = tpu.vector_load %arg6[%get3A_460, %get3A_461, %get3A_462] {strides = array<i32>} : memref<5x200x64xf32, #tpu.memory_space<vmem>>, vector<1x1x16xf32>,
          %get3A_464 = vector.shape_cast %get3A_463 : vector<1x1x16xf32> to vector<16xf32>
          %add3A_465 = arith.addf %add3A_434, %get3A_464 : vector<16xf32>
          %get3A_466 = arith.constant 3 : i32
          %get3A_467 = arith.index_cast %get3A_466 : i32 to index
          %get3A_468 = arith.index_cast %add3A_451 : i32 to index
          %get3A_469 = arith.constant 32 : index
          %get3A_470 = tpu.vector_load %arg6[%get3A_467, %get3A_468, %get3A_469] {strides = array<i32>} : memref<5x200x64xf32, #tpu.memory_space<vmem>>, vector<1x1x16xf32>,
          %get3A_471 = vector.shape_cast %get3A_470 : vector<1x1x16xf32> to vector<16xf32>
          %add3A_472 = arith.addf %add3A_441, %get3A_471 : vector<16xf32>
          %get3A_473 = arith.constant 3 : i32
          %get3A_474 = arith.index_cast %get3A_473 : i32 to index
          %get3A_475 = arith.index_cast %add3A_451 : i32 to index
          %get3A_476 = arith.constant 48 : index
          %get3A_477 = tpu.vector_load %arg6[%get3A_474, %get3A_475, %get3A_476] {strides = array<i32>} : memref<5x200x64xf32, #tpu.memory_space<vmem>>, vector<1x1x16xf32>,
          %get3A_478 = vector.shape_cast %get3A_477 : vector<1x1x16xf32> to vector<16xf32>
          %add3A_479 = arith.addf %add3A_448, %get3A_478 : vector<16xf32>
          %scan3A_480 = arith.constant 6 : i32
          %scan3A_481 = arith.addi %scan3A_292, %scan3A_480 : i32
          %add3A_482 = arith.addi %mul3A_243, %scan3A_481 : i32
          %get3A_483 = arith.constant 3 : i32
          %get3A_484 = arith.index_cast %get3A_483 : i32 to index
          %get3A_485 = arith.index_cast %add3A_482 : i32 to index
          %get3A_486 = arith.constant 0 : index
          %get3A_487 = tpu.vector_load %arg6[%get3A_484, %get3A_485, %get3A_486] {strides = array<i32>} : memref<5x200x64xf32, #tpu.memory_space<vmem>>, vector<1x1x16xf32>,
          %get3A_488 = vector.shape_cast %get3A_487 : vector<1x1x16xf32> to vector<16xf32>
          %add3A_489 = arith.addf %add3A_458, %get3A_488 : vector<16xf32>
          %get3A_490 = arith.constant 3 : i32
          %get3A_491 = arith.index_cast %get3A_490 : i32 to index
          %get3A_492 = arith.index_cast %add3A_482 : i32 to index
          %get3A_493 = arith.constant 16 : index
          %get3A_494 = tpu.vector_load %arg6[%get3A_491, %get3A_492, %get3A_493] {strides = array<i32>} : memref<5x200x64xf32, #tpu.memory_space<vmem>>, vector<1x1x16xf32>,
          %get3A_495 = vector.shape_cast %get3A_494 : vector<1x1x16xf32> to vector<16xf32>
          %add3A_496 = arith.addf %add3A_465, %get3A_495 : vector<16xf32>
          %get3A_497 = arith.constant 3 : i32
          %get3A_498 = arith.index_cast %get3A_497 : i32 to index
          %get3A_499 = arith.index_cast %add3A_482 : i32 to index
          %get3A_500 = arith.constant 32 : index
          %get3A_501 = tpu.vector_load %arg6[%get3A_498, %get3A_499, %get3A_500] {strides = array<i32>} : memref<5x200x64xf32, #tpu.memory_space<vmem>>, vector<1x1x16xf32>,
          %get3A_502 = vector.shape_cast %get3A_501 : vector<1x1x16xf32> to vector<16xf32>
          %add3A_503 = arith.addf %add3A_472, %get3A_502 : vector<16xf32>
          %get3A_504 = arith.constant 3 : i32
          %get3A_505 = arith.index_cast %get3A_504 : i32 to index
          %get3A_506 = arith.index_cast %add3A_482 : i32 to index
          %get3A_507 = arith.constant 48 : index
          %get3A_508 = tpu.vector_load %arg6[%get3A_505, %get3A_506, %get3A_507] {strides = array<i32>} : memref<5x200x64xf32, #tpu.memory_space<vmem>>, vector<1x1x16xf32>,
          %get3A_509 = vector.shape_cast %get3A_508 : vector<1x1x16xf32> to vector<16xf32>
          %add3A_510 = arith.addf %add3A_479, %get3A_509 : vector<16xf32>
          %scan3A_511 = arith.constant 7 : i32
          %scan3A_512 = arith.addi %scan3A_292, %scan3A_511 : i32
          %add3A_513 = arith.addi %mul3A_243, %scan3A_512 : i32
          %get3A_514 = arith.constant 3 : i32
          %get3A_515 = arith.index_cast %get3A_514 : i32 to index
          %get3A_516 = arith.index_cast %add3A_513 : i32 to index
          %get3A_517 = arith.constant 0 : index
          %get3A_518 = tpu.vector_load %arg6[%get3A_515, %get3A_516, %get3A_517] {strides = array<i32>} : memref<5x200x64xf32, #tpu.memory_space<vmem>>, vector<1x1x16xf32>,
          %get3A_519 = vector.shape_cast %get3A_518 : vector<1x1x16xf32> to vector<16xf32>
          %add3A_520 = arith.addf %add3A_489, %get3A_519 : vector<16xf32>
          %get3A_521 = arith.constant 3 : i32
          %get3A_522 = arith.index_cast %get3A_521 : i32 to index
          %get3A_523 = arith.index_cast %add3A_513 : i32 to index
          %get3A_524 = arith.constant 16 : index
          %get3A_525 = tpu.vector_load %arg6[%get3A_522, %get3A_523, %get3A_524] {strides = array<i32>} : memref<5x200x64xf32, #tpu.memory_space<vmem>>, vector<1x1x16xf32>,
          %get3A_526 = vector.shape_cast %get3A_525 : vector<1x1x16xf32> to vector<16xf32>
          %add3A_527 = arith.addf %add3A_496, %get3A_526 : vector<16xf32>
          %get3A_528 = arith.constant 3 : i32
          %get3A_529 = arith.index_cast %get3A_528 : i32 to index
          %get3A_530 = arith.index_cast %add3A_513 : i32 to index
          %get3A_531 = arith.constant 32 : index
          %get3A_532 = tpu.vector_load %arg6[%get3A_529, %get3A_530, %get3A_531] {strides = array<i32>} : memref<5x200x64xf32, #tpu.memory_space<vmem>>, vector<1x1x16xf32>,
          %get3A_533 = vector.shape_cast %get3A_532 : vector<1x1x16xf32> to vector<16xf32>
          %add3A_534 = arith.addf %add3A_503, %get3A_533 : vector<16xf32>
          %get3A_535 = arith.constant 3 : i32
          %get3A_536 = arith.index_cast %get3A_535 : i32 to index
          %get3A_537 = arith.index_cast %add3A_513 : i32 to index
          %get3A_538 = arith.constant 48 : index
          %get3A_539 = tpu.vector_load %arg6[%get3A_536, %get3A_537, %get3A_538] {strides = array<i32>} : memref<5x200x64xf32, #tpu.memory_space<vmem>>, vector<1x1x16xf32>,
          %get3A_540 = vector.shape_cast %get3A_539 : vector<1x1x16xf32> to vector<16xf32>
          %add3A_541 = arith.addf %add3A_510, %get3A_540 : vector<16xf32>
          %scan3A_542 = arith.constant 8 : i32
          %scan3A_543 = arith.addi %scan3A_292, %scan3A_542 : i32
          %add3A_544 = arith.addi %mul3A_243, %scan3A_543 : i32
          %get3A_545 = arith.constant 3 : i32
          %get3A_546 = arith.index_cast %get3A_545 : i32 to index
          %get3A_547 = arith.index_cast %add3A_544 : i32 to index
          %get3A_548 = arith.constant 0 : index
          %get3A_549 = tpu.vector_load %arg6[%get3A_546, %get3A_547, %get3A_548] {strides = array<i32>} : memref<5x200x64xf32, #tpu.memory_space<vmem>>, vector<1x1x16xf32>,
          %get3A_550 = vector.shape_cast %get3A_549 : vector<1x1x16xf32> to vector<16xf32>
          %add3A_551 = arith.addf %add3A_520, %get3A_550 : vector<16xf32>
          %get3A_552 = arith.constant 3 : i32
          %get3A_553 = arith.index_cast %get3A_552 : i32 to index
          %get3A_554 = arith.index_cast %add3A_544 : i32 to index
          %get3A_555 = arith.constant 16 : index
          %get3A_556 = tpu.vector_load %arg6[%get3A_553, %get3A_554, %get3A_555] {strides = array<i32>} : memref<5x200x64xf32, #tpu.memory_space<vmem>>, vector<1x1x16xf32>,
          %get3A_557 = vector.shape_cast %get3A_556 : vector<1x1x16xf32> to vector<16xf32>
          %add3A_558 = arith.addf %add3A_527, %get3A_557 : vector<16xf32>
          %get3A_559 = arith.constant 3 : i32
          %get3A_560 = arith.index_cast %get3A_559 : i32 to index
          %get3A_561 = arith.index_cast %add3A_544 : i32 to index
          %get3A_562 = arith.constant 32 : index
          %get3A_563 = tpu.vector_load %arg6[%get3A_560, %get3A_561, %get3A_562] {strides = array<i32>} : memref<5x200x64xf32, #tpu.memory_space<vmem>>, vector<1x1x16xf32>,
          %get3A_564 = vector.shape_cast %get3A_563 : vector<1x1x16xf32> to vector<16xf32>
          %add3A_565 = arith.addf %add3A_534, %get3A_564 : vector<16xf32>
          %get3A_566 = arith.constant 3 : i32
          %get3A_567 = arith.index_cast %get3A_566 : i32 to index
          %get3A_568 = arith.index_cast %add3A_544 : i32 to index
          %get3A_569 = arith.constant 48 : index
          %get3A_570 = tpu.vector_load %arg6[%get3A_567, %get3A_568, %get3A_569] {strides = array<i32>} : memref<5x200x64xf32, #tpu.memory_space<vmem>>, vector<1x1x16xf32>,
          %get3A_571 = vector.shape_cast %get3A_570 : vector<1x1x16xf32> to vector<16xf32>
          %add3A_572 = arith.addf %add3A_541, %get3A_571 : vector<16xf32>
          %scan3A_573 = arith.constant 9 : i32
          %scan3A_574 = arith.addi %scan3A_292, %scan3A_573 : i32
          %add3A_575 = arith.addi %mul3A_243, %scan3A_574 : i32
          %get3A_576 = arith.constant 3 : i32
          %get3A_577 = arith.index_cast %get3A_576 : i32 to index
          %get3A_578 = arith.index_cast %add3A_575 : i32 to index
          %get3A_579 = arith.constant 0 : index
          %get3A_580 = tpu.vector_load %arg6[%get3A_577, %get3A_578, %get3A_579] {strides = array<i32>} : memref<5x200x64xf32, #tpu.memory_space<vmem>>, vector<1x1x16xf32>,
          %get3A_581 = vector.shape_cast %get3A_580 : vector<1x1x16xf32> to vector<16xf32>
          %add3A_582 = arith.addf %add3A_551, %get3A_581 : vector<16xf32>
          %get3A_583 = arith.constant 3 : i32
          %get3A_584 = arith.index_cast %get3A_583 : i32 to index
          %get3A_585 = arith.index_cast %add3A_575 : i32 to index
          %get3A_586 = arith.constant 16 : index
          %get3A_587 = tpu.vector_load %arg6[%get3A_584, %get3A_585, %get3A_586] {strides = array<i32>} : memref<5x200x64xf32, #tpu.memory_space<vmem>>, vector<1x1x16xf32>,
          %get3A_588 = vector.shape_cast %get3A_587 : vector<1x1x16xf32> to vector<16xf32>
          %add3A_589 = arith.addf %add3A_558, %get3A_588 : vector<16xf32>
          %get3A_590 = arith.constant 3 : i32
          %get3A_591 = arith.index_cast %get3A_590 : i32 to index
          %get3A_592 = arith.index_cast %add3A_575 : i32 to index
          %get3A_593 = arith.constant 32 : index
          %get3A_594 = tpu.vector_load %arg6[%get3A_591, %get3A_592, %get3A_593] {strides = array<i32>} : memref<5x200x64xf32, #tpu.memory_space<vmem>>, vector<1x1x16xf32>,
          %get3A_595 = vector.shape_cast %get3A_594 : vector<1x1x16xf32> to vector<16xf32>
          %add3A_596 = arith.addf %add3A_565, %get3A_595 : vector<16xf32>
          %get3A_597 = arith.constant 3 : i32
          %get3A_598 = arith.index_cast %get3A_597 : i32 to index
          %get3A_599 = arith.index_cast %add3A_575 : i32 to index
          %get3A_600 = arith.constant 48 : index
          %get3A_601 = tpu.vector_load %arg6[%get3A_598, %get3A_599, %get3A_600] {strides = array<i32>} : memref<5x200x64xf32, #tpu.memory_space<vmem>>, vector<1x1x16xf32>,
          %get3A_602 = vector.shape_cast %get3A_601 : vector<1x1x16xf32> to vector<16xf32>
          %add3A_603 = arith.addf %add3A_572, %get3A_602 : vector<16xf32>
          scf.yield %add3A_582, %add3A_589, %add3A_596, %add3A_603 : vector<16xf32>, vector<16xf32>, vector<16xf32>, vector<16xf32>
        }
        %scan3A_256 = arith.constant 50 : i32
        %mul3A_257 = arith.constant 4 : i32
        %mul3A_258 = arith.muli %add3A_189, %mul3A_257 : i32
        %add3A_259 = arith.addi %mul3A_258, %scan3A_240 : i32
        %mul3A_260 = arith.constant 2.000000e-02 : f32
        %mul3A_261 = vector.broadcast %mul3A_260 : f32 to vector<16xf32>
        %mul3A_262 = arith.mulf %scan3A_255#0, %mul3A_261 : vector<16xf32>
        %swap3A = arith.index_cast %add3A_259 : i32 to index
        %swap3A_263 = arith.constant 0 : index
        %swap3A_264 = tpu.vector_load %arg7[%swap3A, %swap3A_263] {strides = array<i32>} : memref<512x64xf32, #tpu.memory_space<vmem>>, vector<1x16xf32>,
        %swap3A_265 = vector.shape_cast %swap3A_264 : vector<1x16xf32> to vector<16xf32>
        %swap3A_266 = vector.shape_cast %mul3A_262 : vector<16xf32> to vector<1x16xf32>
        tpu.vector_store %arg7[%swap3A, %swap3A_263], %swap3A_266 {strides = array<i32>} : memref<512x64xf32, #tpu.memory_space<vmem>>, vector<1x16xf32>,
        %mul3A_267 = arith.constant 2.000000e-02 : f32
        %mul3A_268 = vector.broadcast %mul3A_267 : f32 to vector<16xf32>
        %mul3A_269 = arith.mulf %scan3A_255#1, %mul3A_268 : vector<16xf32>
        %swap3A_270 = arith.index_cast %add3A_259 : i32 to index
        %swap3A_271 = arith.constant 16 : index
        %swap3A_272 = tpu.vector_load %arg7[%swap3A_270, %swap3A_271] {strides = array<i32>} : memref<512x64xf32, #tpu.memory_space<vmem>>, vector<1x16xf32>,
        %swap3A_273 = vector.shape_cast %swap3A_272 : vector<1x16xf32> to vector<16xf32>
        %swap3A_274 = vector.shape_cast %mul3A_269 : vector<16xf32> to vector<1x16xf32>
        tpu.vector_store %arg7[%swap3A_270, %swap3A_271], %swap3A_274 {strides = array<i32>} : memref<512x64xf32, #tpu.memory_space<vmem>>, vector<1x16xf32>,
        %mul3A_275 = arith.constant 2.000000e-02 : f32
        %mul3A_276 = vector.broadcast %mul3A_275 : f32 to vector<16xf32>
        %mul3A_277 = arith.mulf %scan3A_255#2, %mul3A_276 : vector<16xf32>
        %swap3A_278 = arith.index_cast %add3A_259 : i32 to index
        %swap3A_279 = arith.constant 32 : index
        %swap3A_280 = tpu.vector_load %arg7[%swap3A_278, %swap3A_279] {strides = array<i32>} : memref<512x64xf32, #tpu.memory_space<vmem>>, vector<1x16xf32>,
        %swap3A_281 = vector.shape_cast %swap3A_280 : vector<1x16xf32> to vector<16xf32>
        %swap3A_282 = vector.shape_cast %mul3A_277 : vector<16xf32> to vector<1x16xf32>
        tpu.vector_store %arg7[%swap3A_278, %swap3A_279], %swap3A_282 {strides = array<i32>} : memref<512x64xf32, #tpu.memory_space<vmem>>, vector<1x16xf32>,
        %mul3A_283 = arith.constant 2.000000e-02 : f32
        %mul3A_284 = vector.broadcast %mul3A_283 : f32 to vector<16xf32>
        %mul3A_285 = arith.mulf %scan3A_255#3, %mul3A_284 : vector<16xf32>
        %swap3A_286 = arith.index_cast %add3A_259 : i32 to index
        %swap3A_287 = arith.constant 48 : index
        %swap3A_288 = tpu.vector_load %arg7[%swap3A_286, %swap3A_287] {strides = array<i32>} : memref<512x64xf32, #tpu.memory_space<vmem>>, vector<1x16xf32>,
        %swap3A_289 = vector.shape_cast %swap3A_288 : vector<1x16xf32> to vector<16xf32>
        %swap3A_290 = vector.shape_cast %mul3A_285 : vector<16xf32> to vector<1x16xf32>
        tpu.vector_store %arg7[%swap3A_286, %swap3A_287], %swap3A_290 {strides = array<i32>} : memref<512x64xf32, #tpu.memory_space<vmem>>, vector<1x16xf32>,
        %scan3A_291 = arith.constant 0 : i32
        scf.yield %scan3A_291 : i32
      }
      %scan3A_206 = arith.constant 4 : i32
      %add3A_207 = arith.constant 5 : i32
      %add3A_208 = arith.addi %add3A_189, %add3A_207 : i32
      %lt3A_209 = arith.constant 128 : i32
      %lt3A_210 = arith.cmpi slt, %add3A_208, %lt3A_209 : i32
      %convert_element_type3A_211 = arith.extui %lt3A_210 : i1 to i32
      %cond3A_212 = arith.constant 0 : i32
      %cond3A_213 = arith.cmpi ne, %convert_element_type3A_211, %cond3A_212 : i32
      scf.if %cond3A_213 {
        %add3A_240 = arith.constant 5 : i32
        %add3A_241 = arith.addi %add3A_189, %add3A_240 : i32
        %mul3A_242 = arith.constant 200 : i32
        %mul3A_243 = arith.muli %add3A_241, %mul3A_242 : i32
        %dma_start3A_244 = arith.constant 3 : i32
        %dma_start3A_245 = arith.constant 0 : i32
        %dma_start3A_246 = arith.constant 0 : i32
        %dma_start3A_247 = tpu.memref_slice %arg6[%dma_start3A_244, %dma_start3A_245, %dma_start3A_246] : memref<5x200x64xf32, #tpu.memory_space<vmem>> -> memref<1x200x64xf32, #tpu.memory_space<vmem>>
        %dma_start3A_248 = tpu.memref_squeeze %dma_start3A_247 : memref<1x200x64xf32, #tpu.memory_space<vmem>> -> memref<200x64xf32, #tpu.memory_space<vmem>>
        %dma_start3A_249 = tpu.memref_slice %arg5[%mul3A_243] : memref<25600xi32, #tpu.memory_space<vmem>> -> memref<200xi32, #tpu.memory_space<vmem>>
        %dma_start3A_250 = arith.constant 0 : i32
        %dma_start3A_251 = arith.constant 0 : i32
        %dma_start3A_252 = tpu.memref_slice %arg3[%dma_start3A_250, %dma_start3A_251] : memref<1000000x64xf32, #tpu.memory_space<hbm>> -> memref<1000000x64xf32, #tpu.memory_space<hbm>>
        tpu.enqueue_indirect_dma source(%dma_start3A_252 : memref<1000000x64xf32, #tpu.memory_space<hbm>>) target(%dma_start3A_248 : memref<200x64xf32, #tpu.memory_space<vmem>>) offsets(%dma_start3A_249 : memref<200xi32, #tpu.memory_space<vmem>>) semaphore(%arg11 : memref<!tpu.dma_semaphore, #tpu.memory_space<semaphore_mem>>)
      } else {
      }
      %add3A_214 = arith.constant 4 : i32
      %add3A_215 = arith.addi %add3A_112, %add3A_214 : i32
      %dma_wait3A_216 = arith.constant 4 : i32
      %dma_wait3A_217 = arith.constant 0 : i32
      %dma_wait3A_218 = arith.constant 0 : i32
      %dma_wait3A_219 = tpu.memref_slice %arg6[%dma_wait3A_216, %dma_wait3A_217, %dma_wait3A_218] : memref<5x200x64xf32, #tpu.memory_space<vmem>> -> memref<1x200x64xf32, #tpu.memory_space<vmem>>
      %dma_wait3A_220 = tpu.memref_squeeze %dma_wait3A_219 : memref<1x200x64xf32, #tpu.memory_space<vmem>> -> memref<200x64xf32, #tpu.memory_space<vmem>>
      %dma_wait3A_221 = arith.constant 0 : i32
      %dma_wait3A_222 = tpu.memref_slice %arg5[%dma_wait3A_221] : memref<25600xi32, #tpu.memory_space<vmem>> -> memref<200xi32, #tpu.memory_space<vmem>>
      %dma_wait3A_223 = arith.constant 0 : i32
      %dma_wait3A_224 = arith.constant 0 : i32
      %dma_wait3A_225 = tpu.memref_slice %arg3[%dma_wait3A_223, %dma_wait3A_224] : memref<1000000x64xf32, #tpu.memory_space<hbm>> -> memref<1000000x64xf32, #tpu.memory_space<hbm>>
      tpu.wait_indirect_dma semaphore(%arg12 : memref<!tpu.dma_semaphore, #tpu.memory_space<semaphore_mem>>) src(%dma_wait3A_225 : memref<1000000x64xf32, #tpu.memory_space<hbm>>) dst(%dma_wait3A_220 : memref<200x64xf32, #tpu.memory_space<vmem>>)
      %scan3A_226 = arith.constant 0 : i32
      %scan3A_227 = arith.constant 0 : i32
      %scan3A_228 = arith.constant 4 : i32
      %scan3A_229 = arith.addi %scan3A_227, %scan3A_228 : i32
      %scan3A_230 = arith.constant 1 : i32
      %scan3A_231 = scf.for %scan3A_240 = %scan3A_227 to %scan3A_229 step %scan3A_230 iter_args(%scan3A_241 = %scan3A_226) -> (i32)  : i32 {
        %mul3A_242 = arith.constant 50 : i32
        %mul3A_243 = arith.muli %scan3A_240, %mul3A_242 : i32
        %broadcast_in_dim3A = arith.constant 0.000000e+00 : f32
        %broadcast_in_dim3A_244 = vector.broadcast %broadcast_in_dim3A : f32 to vector<16xf32>
        %broadcast_in_dim3A_245 = arith.constant 0.000000e+00 : f32
        %broadcast_in_dim3A_246 = vector.broadcast %broadcast_in_dim3A_245 : f32 to vector<16xf32>
        %broadcast_in_dim3A_247 = arith.constant 0.000000e+00 : f32
        %broadcast_in_dim3A_248 = vector.broadcast %broadcast_in_dim3A_247 : f32 to vector<16xf32>
        %broadcast_in_dim3A_249 = arith.constant 0.000000e+00 : f32
        %broadcast_in_dim3A_250 = vector.broadcast %broadcast_in_dim3A_249 : f32 to vector<16xf32>
        %scan3A_251 = arith.constant 0 : i32
        %scan3A_252 = arith.constant 50 : i32
        %scan3A_253 = arith.addi %scan3A_251, %scan3A_252 : i32
        %scan3A_254 = arith.constant 10 : i32
        %scan3A_255:4 = scf.for %scan3A_292 = %scan3A_251 to %scan3A_253 step %scan3A_254 iter_args(%scan3A_293 = %broadcast_in_dim3A_244, %scan3A_294 = %broadcast_in_dim3A_246, %scan3A_295 = %broadcast_in_dim3A_248, %scan3A_296 = %broadcast_in_dim3A_250) -> (vector<16xf32>, vector<16xf32>, vector<16xf32>, vector<16xf32>)  : i32 {
          %add3A_297 = arith.addi %mul3A_243, %scan3A_292 : i32
          %get3A = arith.constant 4 : i32
          %get3A_298 = arith.index_cast %get3A : i32 to index
          %get3A_299 = arith.index_cast %add3A_297 : i32 to index
          %get3A_300 = arith.constant 0 : index
          %get3A_301 = tpu.vector_load %arg6[%get3A_298, %get3A_299, %get3A_300] {strides = array<i32>} : memref<5x200x64xf32, #tpu.memory_space<vmem>>, vector<1x1x16xf32>,
          %get3A_302 = vector.shape_cast %get3A_301 : vector<1x1x16xf32> to vector<16xf32>
          %add3A_303 = arith.addf %scan3A_293, %get3A_302 : vector<16xf32>
          %get3A_304 = arith.constant 4 : i32
          %get3A_305 = arith.index_cast %get3A_304 : i32 to index
          %get3A_306 = arith.index_cast %add3A_297 : i32 to index
          %get3A_307 = arith.constant 16 : index
          %get3A_308 = tpu.vector_load %arg6[%get3A_305, %get3A_306, %get3A_307] {strides = array<i32>} : memref<5x200x64xf32, #tpu.memory_space<vmem>>, vector<1x1x16xf32>,
          %get3A_309 = vector.shape_cast %get3A_308 : vector<1x1x16xf32> to vector<16xf32>
          %add3A_310 = arith.addf %scan3A_294, %get3A_309 : vector<16xf32>
          %get3A_311 = arith.constant 4 : i32
          %get3A_312 = arith.index_cast %get3A_311 : i32 to index
          %get3A_313 = arith.index_cast %add3A_297 : i32 to index
          %get3A_314 = arith.constant 32 : index
          %get3A_315 = tpu.vector_load %arg6[%get3A_312, %get3A_313, %get3A_314] {strides = array<i32>} : memref<5x200x64xf32, #tpu.memory_space<vmem>>, vector<1x1x16xf32>,
          %get3A_316 = vector.shape_cast %get3A_315 : vector<1x1x16xf32> to vector<16xf32>
          %add3A_317 = arith.addf %scan3A_295, %get3A_316 : vector<16xf32>
          %get3A_318 = arith.constant 4 : i32
          %get3A_319 = arith.index_cast %get3A_318 : i32 to index
          %get3A_320 = arith.index_cast %add3A_297 : i32 to index
          %get3A_321 = arith.constant 48 : index
          %get3A_322 = tpu.vector_load %arg6[%get3A_319, %get3A_320, %get3A_321] {strides = array<i32>} : memref<5x200x64xf32, #tpu.memory_space<vmem>>, vector<1x1x16xf32>,
          %get3A_323 = vector.shape_cast %get3A_322 : vector<1x1x16xf32> to vector<16xf32>
          %add3A_324 = arith.addf %scan3A_296, %get3A_323 : vector<16xf32>
          %scan3A_325 = arith.constant 1 : i32
          %scan3A_326 = arith.addi %scan3A_292, %scan3A_325 : i32
          %add3A_327 = arith.addi %mul3A_243, %scan3A_326 : i32
          %get3A_328 = arith.constant 4 : i32
          %get3A_329 = arith.index_cast %get3A_328 : i32 to index
          %get3A_330 = arith.index_cast %add3A_327 : i32 to index
          %get3A_331 = arith.constant 0 : index
          %get3A_332 = tpu.vector_load %arg6[%get3A_329, %get3A_330, %get3A_331] {strides = array<i32>} : memref<5x200x64xf32, #tpu.memory_space<vmem>>, vector<1x1x16xf32>,
          %get3A_333 = vector.shape_cast %get3A_332 : vector<1x1x16xf32> to vector<16xf32>
          %add3A_334 = arith.addf %add3A_303, %get3A_333 : vector<16xf32>
          %get3A_335 = arith.constant 4 : i32
          %get3A_336 = arith.index_cast %get3A_335 : i32 to index
          %get3A_337 = arith.index_cast %add3A_327 : i32 to index
          %get3A_338 = arith.constant 16 : index
          %get3A_339 = tpu.vector_load %arg6[%get3A_336, %get3A_337, %get3A_338] {strides = array<i32>} : memref<5x200x64xf32, #tpu.memory_space<vmem>>, vector<1x1x16xf32>,
          %get3A_340 = vector.shape_cast %get3A_339 : vector<1x1x16xf32> to vector<16xf32>
          %add3A_341 = arith.addf %add3A_310, %get3A_340 : vector<16xf32>
          %get3A_342 = arith.constant 4 : i32
          %get3A_343 = arith.index_cast %get3A_342 : i32 to index
          %get3A_344 = arith.index_cast %add3A_327 : i32 to index
          %get3A_345 = arith.constant 32 : index
          %get3A_346 = tpu.vector_load %arg6[%get3A_343, %get3A_344, %get3A_345] {strides = array<i32>} : memref<5x200x64xf32, #tpu.memory_space<vmem>>, vector<1x1x16xf32>,
          %get3A_347 = vector.shape_cast %get3A_346 : vector<1x1x16xf32> to vector<16xf32>
          %add3A_348 = arith.addf %add3A_317, %get3A_347 : vector<16xf32>
          %get3A_349 = arith.constant 4 : i32
          %get3A_350 = arith.index_cast %get3A_349 : i32 to index
          %get3A_351 = arith.index_cast %add3A_327 : i32 to index
          %get3A_352 = arith.constant 48 : index
          %get3A_353 = tpu.vector_load %arg6[%get3A_350, %get3A_351, %get3A_352] {strides = array<i32>} : memref<5x200x64xf32, #tpu.memory_space<vmem>>, vector<1x1x16xf32>,
          %get3A_354 = vector.shape_cast %get3A_353 : vector<1x1x16xf32> to vector<16xf32>
          %add3A_355 = arith.addf %add3A_324, %get3A_354 : vector<16xf32>
          %scan3A_356 = arith.constant 2 : i32
          %scan3A_357 = arith.addi %scan3A_292, %scan3A_356 : i32
          %add3A_358 = arith.addi %mul3A_243, %scan3A_357 : i32
          %get3A_359 = arith.constant 4 : i32
          %get3A_360 = arith.index_cast %get3A_359 : i32 to index
          %get3A_361 = arith.index_cast %add3A_358 : i32 to index
          %get3A_362 = arith.constant 0 : index
          %get3A_363 = tpu.vector_load %arg6[%get3A_360, %get3A_361, %get3A_362] {strides = array<i32>} : memref<5x200x64xf32, #tpu.memory_space<vmem>>, vector<1x1x16xf32>,
          %get3A_364 = vector.shape_cast %get3A_363 : vector<1x1x16xf32> to vector<16xf32>
          %add3A_365 = arith.addf %add3A_334, %get3A_364 : vector<16xf32>
          %get3A_366 = arith.constant 4 : i32
          %get3A_367 = arith.index_cast %get3A_366 : i32 to index
          %get3A_368 = arith.index_cast %add3A_358 : i32 to index
          %get3A_369 = arith.constant 16 : index
          %get3A_370 = tpu.vector_load %arg6[%get3A_367, %get3A_368, %get3A_369] {strides = array<i32>} : memref<5x200x64xf32, #tpu.memory_space<vmem>>, vector<1x1x16xf32>,
          %get3A_371 = vector.shape_cast %get3A_370 : vector<1x1x16xf32> to vector<16xf32>
          %add3A_372 = arith.addf %add3A_341, %get3A_371 : vector<16xf32>
          %get3A_373 = arith.constant 4 : i32
          %get3A_374 = arith.index_cast %get3A_373 : i32 to index
          %get3A_375 = arith.index_cast %add3A_358 : i32 to index
          %get3A_376 = arith.constant 32 : index
          %get3A_377 = tpu.vector_load %arg6[%get3A_374, %get3A_375, %get3A_376] {strides = array<i32>} : memref<5x200x64xf32, #tpu.memory_space<vmem>>, vector<1x1x16xf32>,
          %get3A_378 = vector.shape_cast %get3A_377 : vector<1x1x16xf32> to vector<16xf32>
          %add3A_379 = arith.addf %add3A_348, %get3A_378 : vector<16xf32>
          %get3A_380 = arith.constant 4 : i32
          %get3A_381 = arith.index_cast %get3A_380 : i32 to index
          %get3A_382 = arith.index_cast %add3A_358 : i32 to index
          %get3A_383 = arith.constant 48 : index
          %get3A_384 = tpu.vector_load %arg6[%get3A_381, %get3A_382, %get3A_383] {strides = array<i32>} : memref<5x200x64xf32, #tpu.memory_space<vmem>>, vector<1x1x16xf32>,
          %get3A_385 = vector.shape_cast %get3A_384 : vector<1x1x16xf32> to vector<16xf32>
          %add3A_386 = arith.addf %add3A_355, %get3A_385 : vector<16xf32>
          %scan3A_387 = arith.constant 3 : i32
          %scan3A_388 = arith.addi %scan3A_292, %scan3A_387 : i32
          %add3A_389 = arith.addi %mul3A_243, %scan3A_388 : i32
          %get3A_390 = arith.constant 4 : i32
          %get3A_391 = arith.index_cast %get3A_390 : i32 to index
          %get3A_392 = arith.index_cast %add3A_389 : i32 to index
          %get3A_393 = arith.constant 0 : index
          %get3A_394 = tpu.vector_load %arg6[%get3A_391, %get3A_392, %get3A_393] {strides = array<i32>} : memref<5x200x64xf32, #tpu.memory_space<vmem>>, vector<1x1x16xf32>,
          %get3A_395 = vector.shape_cast %get3A_394 : vector<1x1x16xf32> to vector<16xf32>
          %add3A_396 = arith.addf %add3A_365, %get3A_395 : vector<16xf32>
          %get3A_397 = arith.constant 4 : i32
          %get3A_398 = arith.index_cast %get3A_397 : i32 to index
          %get3A_399 = arith.index_cast %add3A_389 : i32 to index
          %get3A_400 = arith.constant 16 : index
          %get3A_401 = tpu.vector_load %arg6[%get3A_398, %get3A_399, %get3A_400] {strides = array<i32>} : memref<5x200x64xf32, #tpu.memory_space<vmem>>, vector<1x1x16xf32>,
          %get3A_402 = vector.shape_cast %get3A_401 : vector<1x1x16xf32> to vector<16xf32>
          %add3A_403 = arith.addf %add3A_372, %get3A_402 : vector<16xf32>
          %get3A_404 = arith.constant 4 : i32
          %get3A_405 = arith.index_cast %get3A_404 : i32 to index
          %get3A_406 = arith.index_cast %add3A_389 : i32 to index
          %get3A_407 = arith.constant 32 : index
          %get3A_408 = tpu.vector_load %arg6[%get3A_405, %get3A_406, %get3A_407] {strides = array<i32>} : memref<5x200x64xf32, #tpu.memory_space<vmem>>, vector<1x1x16xf32>,
          %get3A_409 = vector.shape_cast %get3A_408 : vector<1x1x16xf32> to vector<16xf32>
          %add3A_410 = arith.addf %add3A_379, %get3A_409 : vector<16xf32>
          %get3A_411 = arith.constant 4 : i32
          %get3A_412 = arith.index_cast %get3A_411 : i32 to index
          %get3A_413 = arith.index_cast %add3A_389 : i32 to index
          %get3A_414 = arith.constant 48 : index
          %get3A_415 = tpu.vector_load %arg6[%get3A_412, %get3A_413, %get3A_414] {strides = array<i32>} : memref<5x200x64xf32, #tpu.memory_space<vmem>>, vector<1x1x16xf32>,
          %get3A_416 = vector.shape_cast %get3A_415 : vector<1x1x16xf32> to vector<16xf32>
          %add3A_417 = arith.addf %add3A_386, %get3A_416 : vector<16xf32>
          %scan3A_418 = arith.constant 4 : i32
          %scan3A_419 = arith.addi %scan3A_292, %scan3A_418 : i32
          %add3A_420 = arith.addi %mul3A_243, %scan3A_419 : i32
          %get3A_421 = arith.constant 4 : i32
          %get3A_422 = arith.index_cast %get3A_421 : i32 to index
          %get3A_423 = arith.index_cast %add3A_420 : i32 to index
          %get3A_424 = arith.constant 0 : index
          %get3A_425 = tpu.vector_load %arg6[%get3A_422, %get3A_423, %get3A_424] {strides = array<i32>} : memref<5x200x64xf32, #tpu.memory_space<vmem>>, vector<1x1x16xf32>,
          %get3A_426 = vector.shape_cast %get3A_425 : vector<1x1x16xf32> to vector<16xf32>
          %add3A_427 = arith.addf %add3A_396, %get3A_426 : vector<16xf32>
          %get3A_428 = arith.constant 4 : i32
          %get3A_429 = arith.index_cast %get3A_428 : i32 to index
          %get3A_430 = arith.index_cast %add3A_420 : i32 to index
          %get3A_431 = arith.constant 16 : index
          %get3A_432 = tpu.vector_load %arg6[%get3A_429, %get3A_430, %get3A_431] {strides = array<i32>} : memref<5x200x64xf32, #tpu.memory_space<vmem>>, vector<1x1x16xf32>,
          %get3A_433 = vector.shape_cast %get3A_432 : vector<1x1x16xf32> to vector<16xf32>
          %add3A_434 = arith.addf %add3A_403, %get3A_433 : vector<16xf32>
          %get3A_435 = arith.constant 4 : i32
          %get3A_436 = arith.index_cast %get3A_435 : i32 to index
          %get3A_437 = arith.index_cast %add3A_420 : i32 to index
          %get3A_438 = arith.constant 32 : index
          %get3A_439 = tpu.vector_load %arg6[%get3A_436, %get3A_437, %get3A_438] {strides = array<i32>} : memref<5x200x64xf32, #tpu.memory_space<vmem>>, vector<1x1x16xf32>,
          %get3A_440 = vector.shape_cast %get3A_439 : vector<1x1x16xf32> to vector<16xf32>
          %add3A_441 = arith.addf %add3A_410, %get3A_440 : vector<16xf32>
          %get3A_442 = arith.constant 4 : i32
          %get3A_443 = arith.index_cast %get3A_442 : i32 to index
          %get3A_444 = arith.index_cast %add3A_420 : i32 to index
          %get3A_445 = arith.constant 48 : index
          %get3A_446 = tpu.vector_load %arg6[%get3A_443, %get3A_444, %get3A_445] {strides = array<i32>} : memref<5x200x64xf32, #tpu.memory_space<vmem>>, vector<1x1x16xf32>,
          %get3A_447 = vector.shape_cast %get3A_446 : vector<1x1x16xf32> to vector<16xf32>
          %add3A_448 = arith.addf %add3A_417, %get3A_447 : vector<16xf32>
          %scan3A_449 = arith.constant 5 : i32
          %scan3A_450 = arith.addi %scan3A_292, %scan3A_449 : i32
          %add3A_451 = arith.addi %mul3A_243, %scan3A_450 : i32
          %get3A_452 = arith.constant 4 : i32
          %get3A_453 = arith.index_cast %get3A_452 : i32 to index
          %get3A_454 = arith.index_cast %add3A_451 : i32 to index
          %get3A_455 = arith.constant 0 : index
          %get3A_456 = tpu.vector_load %arg6[%get3A_453, %get3A_454, %get3A_455] {strides = array<i32>} : memref<5x200x64xf32, #tpu.memory_space<vmem>>, vector<1x1x16xf32>,
          %get3A_457 = vector.shape_cast %get3A_456 : vector<1x1x16xf32> to vector<16xf32>
          %add3A_458 = arith.addf %add3A_427, %get3A_457 : vector<16xf32>
          %get3A_459 = arith.constant 4 : i32
          %get3A_460 = arith.index_cast %get3A_459 : i32 to index
          %get3A_461 = arith.index_cast %add3A_451 : i32 to index
          %get3A_462 = arith.constant 16 : index
          %get3A_463 = tpu.vector_load %arg6[%get3A_460, %get3A_461, %get3A_462] {strides = array<i32>} : memref<5x200x64xf32, #tpu.memory_space<vmem>>, vector<1x1x16xf32>,
          %get3A_464 = vector.shape_cast %get3A_463 : vector<1x1x16xf32> to vector<16xf32>
          %add3A_465 = arith.addf %add3A_434, %get3A_464 : vector<16xf32>
          %get3A_466 = arith.constant 4 : i32
          %get3A_467 = arith.index_cast %get3A_466 : i32 to index
          %get3A_468 = arith.index_cast %add3A_451 : i32 to index
          %get3A_469 = arith.constant 32 : index
          %get3A_470 = tpu.vector_load %arg6[%get3A_467, %get3A_468, %get3A_469] {strides = array<i32>} : memref<5x200x64xf32, #tpu.memory_space<vmem>>, vector<1x1x16xf32>,
          %get3A_471 = vector.shape_cast %get3A_470 : vector<1x1x16xf32> to vector<16xf32>
          %add3A_472 = arith.addf %add3A_441, %get3A_471 : vector<16xf32>
          %get3A_473 = arith.constant 4 : i32
          %get3A_474 = arith.index_cast %get3A_473 : i32 to index
          %get3A_475 = arith.index_cast %add3A_451 : i32 to index
          %get3A_476 = arith.constant 48 : index
          %get3A_477 = tpu.vector_load %arg6[%get3A_474, %get3A_475, %get3A_476] {strides = array<i32>} : memref<5x200x64xf32, #tpu.memory_space<vmem>>, vector<1x1x16xf32>,
          %get3A_478 = vector.shape_cast %get3A_477 : vector<1x1x16xf32> to vector<16xf32>
          %add3A_479 = arith.addf %add3A_448, %get3A_478 : vector<16xf32>
          %scan3A_480 = arith.constant 6 : i32
          %scan3A_481 = arith.addi %scan3A_292, %scan3A_480 : i32
          %add3A_482 = arith.addi %mul3A_243, %scan3A_481 : i32
          %get3A_483 = arith.constant 4 : i32
          %get3A_484 = arith.index_cast %get3A_483 : i32 to index
          %get3A_485 = arith.index_cast %add3A_482 : i32 to index
          %get3A_486 = arith.constant 0 : index
          %get3A_487 = tpu.vector_load %arg6[%get3A_484, %get3A_485, %get3A_486] {strides = array<i32>} : memref<5x200x64xf32, #tpu.memory_space<vmem>>, vector<1x1x16xf32>,
          %get3A_488 = vector.shape_cast %get3A_487 : vector<1x1x16xf32> to vector<16xf32>
          %add3A_489 = arith.addf %add3A_458, %get3A_488 : vector<16xf32>
          %get3A_490 = arith.constant 4 : i32
          %get3A_491 = arith.index_cast %get3A_490 : i32 to index
          %get3A_492 = arith.index_cast %add3A_482 : i32 to index
          %get3A_493 = arith.constant 16 : index
          %get3A_494 = tpu.vector_load %arg6[%get3A_491, %get3A_492, %get3A_493] {strides = array<i32>} : memref<5x200x64xf32, #tpu.memory_space<vmem>>, vector<1x1x16xf32>,
          %get3A_495 = vector.shape_cast %get3A_494 : vector<1x1x16xf32> to vector<16xf32>
          %add3A_496 = arith.addf %add3A_465, %get3A_495 : vector<16xf32>
          %get3A_497 = arith.constant 4 : i32
          %get3A_498 = arith.index_cast %get3A_497 : i32 to index
          %get3A_499 = arith.index_cast %add3A_482 : i32 to index
          %get3A_500 = arith.constant 32 : index
          %get3A_501 = tpu.vector_load %arg6[%get3A_498, %get3A_499, %get3A_500] {strides = array<i32>} : memref<5x200x64xf32, #tpu.memory_space<vmem>>, vector<1x1x16xf32>,
          %get3A_502 = vector.shape_cast %get3A_501 : vector<1x1x16xf32> to vector<16xf32>
          %add3A_503 = arith.addf %add3A_472, %get3A_502 : vector<16xf32>
          %get3A_504 = arith.constant 4 : i32
          %get3A_505 = arith.index_cast %get3A_504 : i32 to index
          %get3A_506 = arith.index_cast %add3A_482 : i32 to index
          %get3A_507 = arith.constant 48 : index
          %get3A_508 = tpu.vector_load %arg6[%get3A_505, %get3A_506, %get3A_507] {strides = array<i32>} : memref<5x200x64xf32, #tpu.memory_space<vmem>>, vector<1x1x16xf32>,
          %get3A_509 = vector.shape_cast %get3A_508 : vector<1x1x16xf32> to vector<16xf32>
          %add3A_510 = arith.addf %add3A_479, %get3A_509 : vector<16xf32>
          %scan3A_511 = arith.constant 7 : i32
          %scan3A_512 = arith.addi %scan3A_292, %scan3A_511 : i32
          %add3A_513 = arith.addi %mul3A_243, %scan3A_512 : i32
          %get3A_514 = arith.constant 4 : i32
          %get3A_515 = arith.index_cast %get3A_514 : i32 to index
          %get3A_516 = arith.index_cast %add3A_513 : i32 to index
          %get3A_517 = arith.constant 0 : index
          %get3A_518 = tpu.vector_load %arg6[%get3A_515, %get3A_516, %get3A_517] {strides = array<i32>} : memref<5x200x64xf32, #tpu.memory_space<vmem>>, vector<1x1x16xf32>,
          %get3A_519 = vector.shape_cast %get3A_518 : vector<1x1x16xf32> to vector<16xf32>
          %add3A_520 = arith.addf %add3A_489, %get3A_519 : vector<16xf32>
          %get3A_521 = arith.constant 4 : i32
          %get3A_522 = arith.index_cast %get3A_521 : i32 to index
          %get3A_523 = arith.index_cast %add3A_513 : i32 to index
          %get3A_524 = arith.constant 16 : index
          %get3A_525 = tpu.vector_load %arg6[%get3A_522, %get3A_523, %get3A_524] {strides = array<i32>} : memref<5x200x64xf32, #tpu.memory_space<vmem>>, vector<1x1x16xf32>,
          %get3A_526 = vector.shape_cast %get3A_525 : vector<1x1x16xf32> to vector<16xf32>
          %add3A_527 = arith.addf %add3A_496, %get3A_526 : vector<16xf32>
          %get3A_528 = arith.constant 4 : i32
          %get3A_529 = arith.index_cast %get3A_528 : i32 to index
          %get3A_530 = arith.index_cast %add3A_513 : i32 to index
          %get3A_531 = arith.constant 32 : index
          %get3A_532 = tpu.vector_load %arg6[%get3A_529, %get3A_530, %get3A_531] {strides = array<i32>} : memref<5x200x64xf32, #tpu.memory_space<vmem>>, vector<1x1x16xf32>,
          %get3A_533 = vector.shape_cast %get3A_532 : vector<1x1x16xf32> to vector<16xf32>
          %add3A_534 = arith.addf %add3A_503, %get3A_533 : vector<16xf32>
          %get3A_535 = arith.constant 4 : i32
          %get3A_536 = arith.index_cast %get3A_535 : i32 to index
          %get3A_537 = arith.index_cast %add3A_513 : i32 to index
          %get3A_538 = arith.constant 48 : index
          %get3A_539 = tpu.vector_load %arg6[%get3A_536, %get3A_537, %get3A_538] {strides = array<i32>} : memref<5x200x64xf32, #tpu.memory_space<vmem>>, vector<1x1x16xf32>,
          %get3A_540 = vector.shape_cast %get3A_539 : vector<1x1x16xf32> to vector<16xf32>
          %add3A_541 = arith.addf %add3A_510, %get3A_540 : vector<16xf32>
          %scan3A_542 = arith.constant 8 : i32
          %scan3A_543 = arith.addi %scan3A_292, %scan3A_542 : i32
          %add3A_544 = arith.addi %mul3A_243, %scan3A_543 : i32
          %get3A_545 = arith.constant 4 : i32
          %get3A_546 = arith.index_cast %get3A_545 : i32 to index
          %get3A_547 = arith.index_cast %add3A_544 : i32 to index
          %get3A_548 = arith.constant 0 : index
          %get3A_549 = tpu.vector_load %arg6[%get3A_546, %get3A_547, %get3A_548] {strides = array<i32>} : memref<5x200x64xf32, #tpu.memory_space<vmem>>, vector<1x1x16xf32>,
          %get3A_550 = vector.shape_cast %get3A_549 : vector<1x1x16xf32> to vector<16xf32>
          %add3A_551 = arith.addf %add3A_520, %get3A_550 : vector<16xf32>
          %get3A_552 = arith.constant 4 : i32
          %get3A_553 = arith.index_cast %get3A_552 : i32 to index
          %get3A_554 = arith.index_cast %add3A_544 : i32 to index
          %get3A_555 = arith.constant 16 : index
          %get3A_556 = tpu.vector_load %arg6[%get3A_553, %get3A_554, %get3A_555] {strides = array<i32>} : memref<5x200x64xf32, #tpu.memory_space<vmem>>, vector<1x1x16xf32>,
          %get3A_557 = vector.shape_cast %get3A_556 : vector<1x1x16xf32> to vector<16xf32>
          %add3A_558 = arith.addf %add3A_527, %get3A_557 : vector<16xf32>
          %get3A_559 = arith.constant 4 : i32
          %get3A_560 = arith.index_cast %get3A_559 : i32 to index
          %get3A_561 = arith.index_cast %add3A_544 : i32 to index
          %get3A_562 = arith.constant 32 : index
          %get3A_563 = tpu.vector_load %arg6[%get3A_560, %get3A_561, %get3A_562] {strides = array<i32>} : memref<5x200x64xf32, #tpu.memory_space<vmem>>, vector<1x1x16xf32>,
          %get3A_564 = vector.shape_cast %get3A_563 : vector<1x1x16xf32> to vector<16xf32>
          %add3A_565 = arith.addf %add3A_534, %get3A_564 : vector<16xf32>
          %get3A_566 = arith.constant 4 : i32
          %get3A_567 = arith.index_cast %get3A_566 : i32 to index
          %get3A_568 = arith.index_cast %add3A_544 : i32 to index
          %get3A_569 = arith.constant 48 : index
          %get3A_570 = tpu.vector_load %arg6[%get3A_567, %get3A_568, %get3A_569] {strides = array<i32>} : memref<5x200x64xf32, #tpu.memory_space<vmem>>, vector<1x1x16xf32>,
          %get3A_571 = vector.shape_cast %get3A_570 : vector<1x1x16xf32> to vector<16xf32>
          %add3A_572 = arith.addf %add3A_541, %get3A_571 : vector<16xf32>
          %scan3A_573 = arith.constant 9 : i32
          %scan3A_574 = arith.addi %scan3A_292, %scan3A_573 : i32
          %add3A_575 = arith.addi %mul3A_243, %scan3A_574 : i32
          %get3A_576 = arith.constant 4 : i32
          %get3A_577 = arith.index_cast %get3A_576 : i32 to index
          %get3A_578 = arith.index_cast %add3A_575 : i32 to index
          %get3A_579 = arith.constant 0 : index
          %get3A_580 = tpu.vector_load %arg6[%get3A_577, %get3A_578, %get3A_579] {strides = array<i32>} : memref<5x200x64xf32, #tpu.memory_space<vmem>>, vector<1x1x16xf32>,
          %get3A_581 = vector.shape_cast %get3A_580 : vector<1x1x16xf32> to vector<16xf32>
          %add3A_582 = arith.addf %add3A_551, %get3A_581 : vector<16xf32>
          %get3A_583 = arith.constant 4 : i32
          %get3A_584 = arith.index_cast %get3A_583 : i32 to index
          %get3A_585 = arith.index_cast %add3A_575 : i32 to index
          %get3A_586 = arith.constant 16 : index
          %get3A_587 = tpu.vector_load %arg6[%get3A_584, %get3A_585, %get3A_586] {strides = array<i32>} : memref<5x200x64xf32, #tpu.memory_space<vmem>>, vector<1x1x16xf32>,
          %get3A_588 = vector.shape_cast %get3A_587 : vector<1x1x16xf32> to vector<16xf32>
          %add3A_589 = arith.addf %add3A_558, %get3A_588 : vector<16xf32>
          %get3A_590 = arith.constant 4 : i32
          %get3A_591 = arith.index_cast %get3A_590 : i32 to index
          %get3A_592 = arith.index_cast %add3A_575 : i32 to index
          %get3A_593 = arith.constant 32 : index
          %get3A_594 = tpu.vector_load %arg6[%get3A_591, %get3A_592, %get3A_593] {strides = array<i32>} : memref<5x200x64xf32, #tpu.memory_space<vmem>>, vector<1x1x16xf32>,
          %get3A_595 = vector.shape_cast %get3A_594 : vector<1x1x16xf32> to vector<16xf32>
          %add3A_596 = arith.addf %add3A_565, %get3A_595 : vector<16xf32>
          %get3A_597 = arith.constant 4 : i32
          %get3A_598 = arith.index_cast %get3A_597 : i32 to index
          %get3A_599 = arith.index_cast %add3A_575 : i32 to index
          %get3A_600 = arith.constant 48 : index
          %get3A_601 = tpu.vector_load %arg6[%get3A_598, %get3A_599, %get3A_600] {strides = array<i32>} : memref<5x200x64xf32, #tpu.memory_space<vmem>>, vector<1x1x16xf32>,
          %get3A_602 = vector.shape_cast %get3A_601 : vector<1x1x16xf32> to vector<16xf32>
          %add3A_603 = arith.addf %add3A_572, %get3A_602 : vector<16xf32>
          scf.yield %add3A_582, %add3A_589, %add3A_596, %add3A_603 : vector<16xf32>, vector<16xf32>, vector<16xf32>, vector<16xf32>
        }
        %scan3A_256 = arith.constant 50 : i32
        %mul3A_257 = arith.constant 4 : i32
        %mul3A_258 = arith.muli %add3A_215, %mul3A_257 : i32
        %add3A_259 = arith.addi %mul3A_258, %scan3A_240 : i32
        %mul3A_260 = arith.constant 2.000000e-02 : f32
        %mul3A_261 = vector.broadcast %mul3A_260 : f32 to vector<16xf32>
        %mul3A_262 = arith.mulf %scan3A_255#0, %mul3A_261 : vector<16xf32>
        %swap3A = arith.index_cast %add3A_259 : i32 to index
        %swap3A_263 = arith.constant 0 : index
        %swap3A_264 = tpu.vector_load %arg7[%swap3A, %swap3A_263] {strides = array<i32>} : memref<512x64xf32, #tpu.memory_space<vmem>>, vector<1x16xf32>,
        %swap3A_265 = vector.shape_cast %swap3A_264 : vector<1x16xf32> to vector<16xf32>
        %swap3A_266 = vector.shape_cast %mul3A_262 : vector<16xf32> to vector<1x16xf32>
        tpu.vector_store %arg7[%swap3A, %swap3A_263], %swap3A_266 {strides = array<i32>} : memref<512x64xf32, #tpu.memory_space<vmem>>, vector<1x16xf32>,
        %mul3A_267 = arith.constant 2.000000e-02 : f32
        %mul3A_268 = vector.broadcast %mul3A_267 : f32 to vector<16xf32>
        %mul3A_269 = arith.mulf %scan3A_255#1, %mul3A_268 : vector<16xf32>
        %swap3A_270 = arith.index_cast %add3A_259 : i32 to index
        %swap3A_271 = arith.constant 16 : index
        %swap3A_272 = tpu.vector_load %arg7[%swap3A_270, %swap3A_271] {strides = array<i32>} : memref<512x64xf32, #tpu.memory_space<vmem>>, vector<1x16xf32>,
        %swap3A_273 = vector.shape_cast %swap3A_272 : vector<1x16xf32> to vector<16xf32>
        %swap3A_274 = vector.shape_cast %mul3A_269 : vector<16xf32> to vector<1x16xf32>
        tpu.vector_store %arg7[%swap3A_270, %swap3A_271], %swap3A_274 {strides = array<i32>} : memref<512x64xf32, #tpu.memory_space<vmem>>, vector<1x16xf32>,
        %mul3A_275 = arith.constant 2.000000e-02 : f32
        %mul3A_276 = vector.broadcast %mul3A_275 : f32 to vector<16xf32>
        %mul3A_277 = arith.mulf %scan3A_255#2, %mul3A_276 : vector<16xf32>
        %swap3A_278 = arith.index_cast %add3A_259 : i32 to index
        %swap3A_279 = arith.constant 32 : index
        %swap3A_280 = tpu.vector_load %arg7[%swap3A_278, %swap3A_279] {strides = array<i32>} : memref<512x64xf32, #tpu.memory_space<vmem>>, vector<1x16xf32>,
        %swap3A_281 = vector.shape_cast %swap3A_280 : vector<1x16xf32> to vector<16xf32>
        %swap3A_282 = vector.shape_cast %mul3A_277 : vector<16xf32> to vector<1x16xf32>
        tpu.vector_store %arg7[%swap3A_278, %swap3A_279], %swap3A_282 {strides = array<i32>} : memref<512x64xf32, #tpu.memory_space<vmem>>, vector<1x16xf32>,
        %mul3A_283 = arith.constant 2.000000e-02 : f32
        %mul3A_284 = vector.broadcast %mul3A_283 : f32 to vector<16xf32>
        %mul3A_285 = arith.mulf %scan3A_255#3, %mul3A_284 : vector<16xf32>
        %swap3A_286 = arith.index_cast %add3A_259 : i32 to index
        %swap3A_287 = arith.constant 48 : index
        %swap3A_288 = tpu.vector_load %arg7[%swap3A_286, %swap3A_287] {strides = array<i32>} : memref<512x64xf32, #tpu.memory_space<vmem>>, vector<1x16xf32>,
        %swap3A_289 = vector.shape_cast %swap3A_288 : vector<1x16xf32> to vector<16xf32>
        %swap3A_290 = vector.shape_cast %mul3A_285 : vector<16xf32> to vector<1x16xf32>
        tpu.vector_store %arg7[%swap3A_286, %swap3A_287], %swap3A_290 {strides = array<i32>} : memref<512x64xf32, #tpu.memory_space<vmem>>, vector<1x16xf32>,
        %scan3A_291 = arith.constant 0 : i32
        scf.yield %scan3A_291 : i32
      }
      %scan3A_232 = arith.constant 4 : i32
      %add3A_233 = arith.constant 5 : i32
      %add3A_234 = arith.addi %add3A_215, %add3A_233 : i32
      %lt3A_235 = arith.constant 128 : i32
      %lt3A_236 = arith.cmpi slt, %add3A_234, %lt3A_235 : i32
      %convert_element_type3A_237 = arith.extui %lt3A_236 : i1 to i32
      %cond3A_238 = arith.constant 0 : i32
      %cond3A_239 = arith.cmpi ne, %convert_element_type3A_237, %cond3A_238 : i32
      scf.if %cond3A_239 {
        %add3A_240 = arith.constant 5 : i32
        %add3A_241 = arith.addi %add3A_215, %add3A_240 : i32
        %mul3A_242 = arith.constant 200 : i32
        %mul3A_243 = arith.muli %add3A_241, %mul3A_242 : i32
        %dma_start3A_244 = arith.constant 4 : i32
        %dma_start3A_245 = arith.constant 0 : i32
        %dma_start3A_246 = arith.constant 0 : i32
        %dma_start3A_247 = tpu.memref_slice %arg6[%dma_start3A_244, %dma_start3A_245, %dma_start3A_246] : memref<5x200x64xf32, #tpu.memory_space<vmem>> -> memref<1x200x64xf32, #tpu.memory_space<vmem>>
        %dma_start3A_248 = tpu.memref_squeeze %dma_start3A_247 : memref<1x200x64xf32, #tpu.memory_space<vmem>> -> memref<200x64xf32, #tpu.memory_space<vmem>>
        %dma_start3A_249 = tpu.memref_slice %arg5[%mul3A_243] : memref<25600xi32, #tpu.memory_space<vmem>> -> memref<200xi32, #tpu.memory_space<vmem>>
        %dma_start3A_250 = arith.constant 0 : i32
        %dma_start3A_251 = arith.constant 0 : i32
        %dma_start3A_252 = tpu.memref_slice %arg3[%dma_start3A_250, %dma_start3A_251] : memref<1000000x64xf32, #tpu.memory_space<hbm>> -> memref<1000000x64xf32, #tpu.memory_space<hbm>>
        tpu.enqueue_indirect_dma source(%dma_start3A_252 : memref<1000000x64xf32, #tpu.memory_space<hbm>>) target(%dma_start3A_248 : memref<200x64xf32, #tpu.memory_space<vmem>>) offsets(%dma_start3A_249 : memref<200xi32, #tpu.memory_space<vmem>>) semaphore(%arg12 : memref<!tpu.dma_semaphore, #tpu.memory_space<semaphore_mem>>)
      } else {
      }
    }
    %scan3A_57 = arith.constant 25 : i32
    %dma_wait3A = arith.constant 0 : i32
    %dma_wait3A_58 = arith.constant 0 : i32
    %dma_wait3A_59 = arith.constant 0 : i32
    %dma_wait3A_60 = tpu.memref_slice %arg6[%dma_wait3A, %dma_wait3A_58, %dma_wait3A_59] : memref<5x200x64xf32, #tpu.memory_space<vmem>> -> memref<1x200x64xf32, #tpu.memory_space<vmem>>
    %dma_wait3A_61 = tpu.memref_squeeze %dma_wait3A_60 : memref<1x200x64xf32, #tpu.memory_space<vmem>> -> memref<200x64xf32, #tpu.memory_space<vmem>>
    %dma_wait3A_62 = arith.constant 0 : i32
    %dma_wait3A_63 = tpu.memref_slice %arg5[%dma_wait3A_62] : memref<25600xi32, #tpu.memory_space<vmem>> -> memref<200xi32, #tpu.memory_space<vmem>>
    %dma_wait3A_64 = arith.constant 0 : i32
    %dma_wait3A_65 = arith.constant 0 : i32
    %dma_wait3A_66 = tpu.memref_slice %arg3[%dma_wait3A_64, %dma_wait3A_65] : memref<1000000x64xf32, #tpu.memory_space<hbm>> -> memref<1000000x64xf32, #tpu.memory_space<hbm>>
    tpu.wait_indirect_dma semaphore(%arg8 : memref<!tpu.dma_semaphore, #tpu.memory_space<semaphore_mem>>) src(%dma_wait3A_66 : memref<1000000x64xf32, #tpu.memory_space<hbm>>) dst(%dma_wait3A_61 : memref<200x64xf32, #tpu.memory_space<vmem>>)
    %scan3A_67 = arith.constant 0 : i32
    %scan3A_68 = arith.constant 0 : i32
    %scan3A_69 = arith.constant 4 : i32
    %scan3A_70 = arith.addi %scan3A_68, %scan3A_69 : i32
    %scan3A_71 = arith.constant 1 : i32
    %scan3A_72 = scf.for %scan3A_108 = %scan3A_68 to %scan3A_70 step %scan3A_71 iter_args(%scan3A_109 = %scan3A_67) -> (i32)  : i32 {
      %mul3A_110 = arith.constant 50 : i32
      %mul3A_111 = arith.muli %scan3A_108, %mul3A_110 : i32
      %broadcast_in_dim3A = arith.constant 0.000000e+00 : f32
      %broadcast_in_dim3A_112 = vector.broadcast %broadcast_in_dim3A : f32 to vector<16xf32>
      %broadcast_in_dim3A_113 = arith.constant 0.000000e+00 : f32
      %broadcast_in_dim3A_114 = vector.broadcast %broadcast_in_dim3A_113 : f32 to vector<16xf32>
      %broadcast_in_dim3A_115 = arith.constant 0.000000e+00 : f32
      %broadcast_in_dim3A_116 = vector.broadcast %broadcast_in_dim3A_115 : f32 to vector<16xf32>
      %broadcast_in_dim3A_117 = arith.constant 0.000000e+00 : f32
      %broadcast_in_dim3A_118 = vector.broadcast %broadcast_in_dim3A_117 : f32 to vector<16xf32>
      %scan3A_119 = arith.constant 0 : i32
      %scan3A_120 = arith.constant 50 : i32
      %scan3A_121 = arith.addi %scan3A_119, %scan3A_120 : i32
      %scan3A_122 = arith.constant 10 : i32
      %scan3A_123:4 = scf.for %scan3A_159 = %scan3A_119 to %scan3A_121 step %scan3A_122 iter_args(%scan3A_160 = %broadcast_in_dim3A_112, %scan3A_161 = %broadcast_in_dim3A_114, %scan3A_162 = %broadcast_in_dim3A_116, %scan3A_163 = %broadcast_in_dim3A_118) -> (vector<16xf32>, vector<16xf32>, vector<16xf32>, vector<16xf32>)  : i32 {
        %add3A_164 = arith.addi %mul3A_111, %scan3A_159 : i32
        %get3A = arith.constant 0 : i32
        %get3A_165 = arith.index_cast %get3A : i32 to index
        %get3A_166 = arith.index_cast %add3A_164 : i32 to index
        %get3A_167 = arith.constant 0 : index
        %get3A_168 = tpu.vector_load %arg6[%get3A_165, %get3A_166, %get3A_167] {strides = array<i32>} : memref<5x200x64xf32, #tpu.memory_space<vmem>>, vector<1x1x16xf32>,
        %get3A_169 = vector.shape_cast %get3A_168 : vector<1x1x16xf32> to vector<16xf32>
        %add3A_170 = arith.addf %scan3A_160, %get3A_169 : vector<16xf32>
        %get3A_171 = arith.constant 0 : i32
        %get3A_172 = arith.index_cast %get3A_171 : i32 to index
        %get3A_173 = arith.index_cast %add3A_164 : i32 to index
        %get3A_174 = arith.constant 16 : index
        %get3A_175 = tpu.vector_load %arg6[%get3A_172, %get3A_173, %get3A_174] {strides = array<i32>} : memref<5x200x64xf32, #tpu.memory_space<vmem>>, vector<1x1x16xf32>,
        %get3A_176 = vector.shape_cast %get3A_175 : vector<1x1x16xf32> to vector<16xf32>
        %add3A_177 = arith.addf %scan3A_161, %get3A_176 : vector<16xf32>
        %get3A_178 = arith.constant 0 : i32
        %get3A_179 = arith.index_cast %get3A_178 : i32 to index
        %get3A_180 = arith.index_cast %add3A_164 : i32 to index
        %get3A_181 = arith.constant 32 : index
        %get3A_182 = tpu.vector_load %arg6[%get3A_179, %get3A_180, %get3A_181] {strides = array<i32>} : memref<5x200x64xf32, #tpu.memory_space<vmem>>, vector<1x1x16xf32>,
        %get3A_183 = vector.shape_cast %get3A_182 : vector<1x1x16xf32> to vector<16xf32>
        %add3A_184 = arith.addf %scan3A_162, %get3A_183 : vector<16xf32>
        %get3A_185 = arith.constant 0 : i32
        %get3A_186 = arith.index_cast %get3A_185 : i32 to index
        %get3A_187 = arith.index_cast %add3A_164 : i32 to index
        %get3A_188 = arith.constant 48 : index
        %get3A_189 = tpu.vector_load %arg6[%get3A_186, %get3A_187, %get3A_188] {strides = array<i32>} : memref<5x200x64xf32, #tpu.memory_space<vmem>>, vector<1x1x16xf32>,
        %get3A_190 = vector.shape_cast %get3A_189 : vector<1x1x16xf32> to vector<16xf32>
        %add3A_191 = arith.addf %scan3A_163, %get3A_190 : vector<16xf32>
        %scan3A_192 = arith.constant 1 : i32
        %scan3A_193 = arith.addi %scan3A_159, %scan3A_192 : i32
        %add3A_194 = arith.addi %mul3A_111, %scan3A_193 : i32
        %get3A_195 = arith.constant 0 : i32
        %get3A_196 = arith.index_cast %get3A_195 : i32 to index
        %get3A_197 = arith.index_cast %add3A_194 : i32 to index
        %get3A_198 = arith.constant 0 : index
        %get3A_199 = tpu.vector_load %arg6[%get3A_196, %get3A_197, %get3A_198] {strides = array<i32>} : memref<5x200x64xf32, #tpu.memory_space<vmem>>, vector<1x1x16xf32>,
        %get3A_200 = vector.shape_cast %get3A_199 : vector<1x1x16xf32> to vector<16xf32>
        %add3A_201 = arith.addf %add3A_170, %get3A_200 : vector<16xf32>
        %get3A_202 = arith.constant 0 : i32
        %get3A_203 = arith.index_cast %get3A_202 : i32 to index
        %get3A_204 = arith.index_cast %add3A_194 : i32 to index
        %get3A_205 = arith.constant 16 : index
        %get3A_206 = tpu.vector_load %arg6[%get3A_203, %get3A_204, %get3A_205] {strides = array<i32>} : memref<5x200x64xf32, #tpu.memory_space<vmem>>, vector<1x1x16xf32>,
        %get3A_207 = vector.shape_cast %get3A_206 : vector<1x1x16xf32> to vector<16xf32>
        %add3A_208 = arith.addf %add3A_177, %get3A_207 : vector<16xf32>
        %get3A_209 = arith.constant 0 : i32
        %get3A_210 = arith.index_cast %get3A_209 : i32 to index
        %get3A_211 = arith.index_cast %add3A_194 : i32 to index
        %get3A_212 = arith.constant 32 : index
        %get3A_213 = tpu.vector_load %arg6[%get3A_210, %get3A_211, %get3A_212] {strides = array<i32>} : memref<5x200x64xf32, #tpu.memory_space<vmem>>, vector<1x1x16xf32>,
        %get3A_214 = vector.shape_cast %get3A_213 : vector<1x1x16xf32> to vector<16xf32>
        %add3A_215 = arith.addf %add3A_184, %get3A_214 : vector<16xf32>
        %get3A_216 = arith.constant 0 : i32
        %get3A_217 = arith.index_cast %get3A_216 : i32 to index
        %get3A_218 = arith.index_cast %add3A_194 : i32 to index
        %get3A_219 = arith.constant 48 : index
        %get3A_220 = tpu.vector_load %arg6[%get3A_217, %get3A_218, %get3A_219] {strides = array<i32>} : memref<5x200x64xf32, #tpu.memory_space<vmem>>, vector<1x1x16xf32>,
        %get3A_221 = vector.shape_cast %get3A_220 : vector<1x1x16xf32> to vector<16xf32>
        %add3A_222 = arith.addf %add3A_191, %get3A_221 : vector<16xf32>
        %scan3A_223 = arith.constant 2 : i32
        %scan3A_224 = arith.addi %scan3A_159, %scan3A_223 : i32
        %add3A_225 = arith.addi %mul3A_111, %scan3A_224 : i32
        %get3A_226 = arith.constant 0 : i32
        %get3A_227 = arith.index_cast %get3A_226 : i32 to index
        %get3A_228 = arith.index_cast %add3A_225 : i32 to index
        %get3A_229 = arith.constant 0 : index
        %get3A_230 = tpu.vector_load %arg6[%get3A_227, %get3A_228, %get3A_229] {strides = array<i32>} : memref<5x200x64xf32, #tpu.memory_space<vmem>>, vector<1x1x16xf32>,
        %get3A_231 = vector.shape_cast %get3A_230 : vector<1x1x16xf32> to vector<16xf32>
        %add3A_232 = arith.addf %add3A_201, %get3A_231 : vector<16xf32>
        %get3A_233 = arith.constant 0 : i32
        %get3A_234 = arith.index_cast %get3A_233 : i32 to index
        %get3A_235 = arith.index_cast %add3A_225 : i32 to index
        %get3A_236 = arith.constant 16 : index
        %get3A_237 = tpu.vector_load %arg6[%get3A_234, %get3A_235, %get3A_236] {strides = array<i32>} : memref<5x200x64xf32, #tpu.memory_space<vmem>>, vector<1x1x16xf32>,
        %get3A_238 = vector.shape_cast %get3A_237 : vector<1x1x16xf32> to vector<16xf32>
        %add3A_239 = arith.addf %add3A_208, %get3A_238 : vector<16xf32>
        %get3A_240 = arith.constant 0 : i32
        %get3A_241 = arith.index_cast %get3A_240 : i32 to index
        %get3A_242 = arith.index_cast %add3A_225 : i32 to index
        %get3A_243 = arith.constant 32 : index
        %get3A_244 = tpu.vector_load %arg6[%get3A_241, %get3A_242, %get3A_243] {strides = array<i32>} : memref<5x200x64xf32, #tpu.memory_space<vmem>>, vector<1x1x16xf32>,
        %get3A_245 = vector.shape_cast %get3A_244 : vector<1x1x16xf32> to vector<16xf32>
        %add3A_246 = arith.addf %add3A_215, %get3A_245 : vector<16xf32>
        %get3A_247 = arith.constant 0 : i32
        %get3A_248 = arith.index_cast %get3A_247 : i32 to index
        %get3A_249 = arith.index_cast %add3A_225 : i32 to index
        %get3A_250 = arith.constant 48 : index
        %get3A_251 = tpu.vector_load %arg6[%get3A_248, %get3A_249, %get3A_250] {strides = array<i32>} : memref<5x200x64xf32, #tpu.memory_space<vmem>>, vector<1x1x16xf32>,
        %get3A_252 = vector.shape_cast %get3A_251 : vector<1x1x16xf32> to vector<16xf32>
        %add3A_253 = arith.addf %add3A_222, %get3A_252 : vector<16xf32>
        %scan3A_254 = arith.constant 3 : i32
        %scan3A_255 = arith.addi %scan3A_159, %scan3A_254 : i32
        %add3A_256 = arith.addi %mul3A_111, %scan3A_255 : i32
        %get3A_257 = arith.constant 0 : i32
        %get3A_258 = arith.index_cast %get3A_257 : i32 to index
        %get3A_259 = arith.index_cast %add3A_256 : i32 to index
        %get3A_260 = arith.constant 0 : index
        %get3A_261 = tpu.vector_load %arg6[%get3A_258, %get3A_259, %get3A_260] {strides = array<i32>} : memref<5x200x64xf32, #tpu.memory_space<vmem>>, vector<1x1x16xf32>,
        %get3A_262 = vector.shape_cast %get3A_261 : vector<1x1x16xf32> to vector<16xf32>
        %add3A_263 = arith.addf %add3A_232, %get3A_262 : vector<16xf32>
        %get3A_264 = arith.constant 0 : i32
        %get3A_265 = arith.index_cast %get3A_264 : i32 to index
        %get3A_266 = arith.index_cast %add3A_256 : i32 to index
        %get3A_267 = arith.constant 16 : index
        %get3A_268 = tpu.vector_load %arg6[%get3A_265, %get3A_266, %get3A_267] {strides = array<i32>} : memref<5x200x64xf32, #tpu.memory_space<vmem>>, vector<1x1x16xf32>,
        %get3A_269 = vector.shape_cast %get3A_268 : vector<1x1x16xf32> to vector<16xf32>
        %add3A_270 = arith.addf %add3A_239, %get3A_269 : vector<16xf32>
        %get3A_271 = arith.constant 0 : i32
        %get3A_272 = arith.index_cast %get3A_271 : i32 to index
        %get3A_273 = arith.index_cast %add3A_256 : i32 to index
        %get3A_274 = arith.constant 32 : index
        %get3A_275 = tpu.vector_load %arg6[%get3A_272, %get3A_273, %get3A_274] {strides = array<i32>} : memref<5x200x64xf32, #tpu.memory_space<vmem>>, vector<1x1x16xf32>,
        %get3A_276 = vector.shape_cast %get3A_275 : vector<1x1x16xf32> to vector<16xf32>
        %add3A_277 = arith.addf %add3A_246, %get3A_276 : vector<16xf32>
        %get3A_278 = arith.constant 0 : i32
        %get3A_279 = arith.index_cast %get3A_278 : i32 to index
        %get3A_280 = arith.index_cast %add3A_256 : i32 to index
        %get3A_281 = arith.constant 48 : index
        %get3A_282 = tpu.vector_load %arg6[%get3A_279, %get3A_280, %get3A_281] {strides = array<i32>} : memref<5x200x64xf32, #tpu.memory_space<vmem>>, vector<1x1x16xf32>,
        %get3A_283 = vector.shape_cast %get3A_282 : vector<1x1x16xf32> to vector<16xf32>
        %add3A_284 = arith.addf %add3A_253, %get3A_283 : vector<16xf32>
        %scan3A_285 = arith.constant 4 : i32
        %scan3A_286 = arith.addi %scan3A_159, %scan3A_285 : i32
        %add3A_287 = arith.addi %mul3A_111, %scan3A_286 : i32
        %get3A_288 = arith.constant 0 : i32
        %get3A_289 = arith.index_cast %get3A_288 : i32 to index
        %get3A_290 = arith.index_cast %add3A_287 : i32 to index
        %get3A_291 = arith.constant 0 : index
        %get3A_292 = tpu.vector_load %arg6[%get3A_289, %get3A_290, %get3A_291] {strides = array<i32>} : memref<5x200x64xf32, #tpu.memory_space<vmem>>, vector<1x1x16xf32>,
        %get3A_293 = vector.shape_cast %get3A_292 : vector<1x1x16xf32> to vector<16xf32>
        %add3A_294 = arith.addf %add3A_263, %get3A_293 : vector<16xf32>
        %get3A_295 = arith.constant 0 : i32
        %get3A_296 = arith.index_cast %get3A_295 : i32 to index
        %get3A_297 = arith.index_cast %add3A_287 : i32 to index
        %get3A_298 = arith.constant 16 : index
        %get3A_299 = tpu.vector_load %arg6[%get3A_296, %get3A_297, %get3A_298] {strides = array<i32>} : memref<5x200x64xf32, #tpu.memory_space<vmem>>, vector<1x1x16xf32>,
        %get3A_300 = vector.shape_cast %get3A_299 : vector<1x1x16xf32> to vector<16xf32>
        %add3A_301 = arith.addf %add3A_270, %get3A_300 : vector<16xf32>
        %get3A_302 = arith.constant 0 : i32
        %get3A_303 = arith.index_cast %get3A_302 : i32 to index
        %get3A_304 = arith.index_cast %add3A_287 : i32 to index
        %get3A_305 = arith.constant 32 : index
        %get3A_306 = tpu.vector_load %arg6[%get3A_303, %get3A_304, %get3A_305] {strides = array<i32>} : memref<5x200x64xf32, #tpu.memory_space<vmem>>, vector<1x1x16xf32>,
        %get3A_307 = vector.shape_cast %get3A_306 : vector<1x1x16xf32> to vector<16xf32>
        %add3A_308 = arith.addf %add3A_277, %get3A_307 : vector<16xf32>
        %get3A_309 = arith.constant 0 : i32
        %get3A_310 = arith.index_cast %get3A_309 : i32 to index
        %get3A_311 = arith.index_cast %add3A_287 : i32 to index
        %get3A_312 = arith.constant 48 : index
        %get3A_313 = tpu.vector_load %arg6[%get3A_310, %get3A_311, %get3A_312] {strides = array<i32>} : memref<5x200x64xf32, #tpu.memory_space<vmem>>, vector<1x1x16xf32>,
        %get3A_314 = vector.shape_cast %get3A_313 : vector<1x1x16xf32> to vector<16xf32>
        %add3A_315 = arith.addf %add3A_284, %get3A_314 : vector<16xf32>
        %scan3A_316 = arith.constant 5 : i32
        %scan3A_317 = arith.addi %scan3A_159, %scan3A_316 : i32
        %add3A_318 = arith.addi %mul3A_111, %scan3A_317 : i32
        %get3A_319 = arith.constant 0 : i32
        %get3A_320 = arith.index_cast %get3A_319 : i32 to index
        %get3A_321 = arith.index_cast %add3A_318 : i32 to index
        %get3A_322 = arith.constant 0 : index
        %get3A_323 = tpu.vector_load %arg6[%get3A_320, %get3A_321, %get3A_322] {strides = array<i32>} : memref<5x200x64xf32, #tpu.memory_space<vmem>>, vector<1x1x16xf32>,
        %get3A_324 = vector.shape_cast %get3A_323 : vector<1x1x16xf32> to vector<16xf32>
        %add3A_325 = arith.addf %add3A_294, %get3A_324 : vector<16xf32>
        %get3A_326 = arith.constant 0 : i32
        %get3A_327 = arith.index_cast %get3A_326 : i32 to index
        %get3A_328 = arith.index_cast %add3A_318 : i32 to index
        %get3A_329 = arith.constant 16 : index
        %get3A_330 = tpu.vector_load %arg6[%get3A_327, %get3A_328, %get3A_329] {strides = array<i32>} : memref<5x200x64xf32, #tpu.memory_space<vmem>>, vector<1x1x16xf32>,
        %get3A_331 = vector.shape_cast %get3A_330 : vector<1x1x16xf32> to vector<16xf32>
        %add3A_332 = arith.addf %add3A_301, %get3A_331 : vector<16xf32>
        %get3A_333 = arith.constant 0 : i32
        %get3A_334 = arith.index_cast %get3A_333 : i32 to index
        %get3A_335 = arith.index_cast %add3A_318 : i32 to index
        %get3A_336 = arith.constant 32 : index
        %get3A_337 = tpu.vector_load %arg6[%get3A_334, %get3A_335, %get3A_336] {strides = array<i32>} : memref<5x200x64xf32, #tpu.memory_space<vmem>>, vector<1x1x16xf32>,
        %get3A_338 = vector.shape_cast %get3A_337 : vector<1x1x16xf32> to vector<16xf32>
        %add3A_339 = arith.addf %add3A_308, %get3A_338 : vector<16xf32>
        %get3A_340 = arith.constant 0 : i32
        %get3A_341 = arith.index_cast %get3A_340 : i32 to index
        %get3A_342 = arith.index_cast %add3A_318 : i32 to index
        %get3A_343 = arith.constant 48 : index
        %get3A_344 = tpu.vector_load %arg6[%get3A_341, %get3A_342, %get3A_343] {strides = array<i32>} : memref<5x200x64xf32, #tpu.memory_space<vmem>>, vector<1x1x16xf32>,
        %get3A_345 = vector.shape_cast %get3A_344 : vector<1x1x16xf32> to vector<16xf32>
        %add3A_346 = arith.addf %add3A_315, %get3A_345 : vector<16xf32>
        %scan3A_347 = arith.constant 6 : i32
        %scan3A_348 = arith.addi %scan3A_159, %scan3A_347 : i32
        %add3A_349 = arith.addi %mul3A_111, %scan3A_348 : i32
        %get3A_350 = arith.constant 0 : i32
        %get3A_351 = arith.index_cast %get3A_350 : i32 to index
        %get3A_352 = arith.index_cast %add3A_349 : i32 to index
        %get3A_353 = arith.constant 0 : index
        %get3A_354 = tpu.vector_load %arg6[%get3A_351, %get3A_352, %get3A_353] {strides = array<i32>} : memref<5x200x64xf32, #tpu.memory_space<vmem>>, vector<1x1x16xf32>,
        %get3A_355 = vector.shape_cast %get3A_354 : vector<1x1x16xf32> to vector<16xf32>
        %add3A_356 = arith.addf %add3A_325, %get3A_355 : vector<16xf32>
        %get3A_357 = arith.constant 0 : i32
        %get3A_358 = arith.index_cast %get3A_357 : i32 to index
        %get3A_359 = arith.index_cast %add3A_349 : i32 to index
        %get3A_360 = arith.constant 16 : index
        %get3A_361 = tpu.vector_load %arg6[%get3A_358, %get3A_359, %get3A_360] {strides = array<i32>} : memref<5x200x64xf32, #tpu.memory_space<vmem>>, vector<1x1x16xf32>,
        %get3A_362 = vector.shape_cast %get3A_361 : vector<1x1x16xf32> to vector<16xf32>
        %add3A_363 = arith.addf %add3A_332, %get3A_362 : vector<16xf32>
        %get3A_364 = arith.constant 0 : i32
        %get3A_365 = arith.index_cast %get3A_364 : i32 to index
        %get3A_366 = arith.index_cast %add3A_349 : i32 to index
        %get3A_367 = arith.constant 32 : index
        %get3A_368 = tpu.vector_load %arg6[%get3A_365, %get3A_366, %get3A_367] {strides = array<i32>} : memref<5x200x64xf32, #tpu.memory_space<vmem>>, vector<1x1x16xf32>,
        %get3A_369 = vector.shape_cast %get3A_368 : vector<1x1x16xf32> to vector<16xf32>
        %add3A_370 = arith.addf %add3A_339, %get3A_369 : vector<16xf32>
        %get3A_371 = arith.constant 0 : i32
        %get3A_372 = arith.index_cast %get3A_371 : i32 to index
        %get3A_373 = arith.index_cast %add3A_349 : i32 to index
        %get3A_374 = arith.constant 48 : index
        %get3A_375 = tpu.vector_load %arg6[%get3A_372, %get3A_373, %get3A_374] {strides = array<i32>} : memref<5x200x64xf32, #tpu.memory_space<vmem>>, vector<1x1x16xf32>,
        %get3A_376 = vector.shape_cast %get3A_375 : vector<1x1x16xf32> to vector<16xf32>
        %add3A_377 = arith.addf %add3A_346, %get3A_376 : vector<16xf32>
        %scan3A_378 = arith.constant 7 : i32
        %scan3A_379 = arith.addi %scan3A_159, %scan3A_378 : i32
        %add3A_380 = arith.addi %mul3A_111, %scan3A_379 : i32
        %get3A_381 = arith.constant 0 : i32
        %get3A_382 = arith.index_cast %get3A_381 : i32 to index
        %get3A_383 = arith.index_cast %add3A_380 : i32 to index
        %get3A_384 = arith.constant 0 : index
        %get3A_385 = tpu.vector_load %arg6[%get3A_382, %get3A_383, %get3A_384] {strides = array<i32>} : memref<5x200x64xf32, #tpu.memory_space<vmem>>, vector<1x1x16xf32>,
        %get3A_386 = vector.shape_cast %get3A_385 : vector<1x1x16xf32> to vector<16xf32>
        %add3A_387 = arith.addf %add3A_356, %get3A_386 : vector<16xf32>
        %get3A_388 = arith.constant 0 : i32
        %get3A_389 = arith.index_cast %get3A_388 : i32 to index
        %get3A_390 = arith.index_cast %add3A_380 : i32 to index
        %get3A_391 = arith.constant 16 : index
        %get3A_392 = tpu.vector_load %arg6[%get3A_389, %get3A_390, %get3A_391] {strides = array<i32>} : memref<5x200x64xf32, #tpu.memory_space<vmem>>, vector<1x1x16xf32>,
        %get3A_393 = vector.shape_cast %get3A_392 : vector<1x1x16xf32> to vector<16xf32>
        %add3A_394 = arith.addf %add3A_363, %get3A_393 : vector<16xf32>
        %get3A_395 = arith.constant 0 : i32
        %get3A_396 = arith.index_cast %get3A_395 : i32 to index
        %get3A_397 = arith.index_cast %add3A_380 : i32 to index
        %get3A_398 = arith.constant 32 : index
        %get3A_399 = tpu.vector_load %arg6[%get3A_396, %get3A_397, %get3A_398] {strides = array<i32>} : memref<5x200x64xf32, #tpu.memory_space<vmem>>, vector<1x1x16xf32>,
        %get3A_400 = vector.shape_cast %get3A_399 : vector<1x1x16xf32> to vector<16xf32>
        %add3A_401 = arith.addf %add3A_370, %get3A_400 : vector<16xf32>
        %get3A_402 = arith.constant 0 : i32
        %get3A_403 = arith.index_cast %get3A_402 : i32 to index
        %get3A_404 = arith.index_cast %add3A_380 : i32 to index
        %get3A_405 = arith.constant 48 : index
        %get3A_406 = tpu.vector_load %arg6[%get3A_403, %get3A_404, %get3A_405] {strides = array<i32>} : memref<5x200x64xf32, #tpu.memory_space<vmem>>, vector<1x1x16xf32>,
        %get3A_407 = vector.shape_cast %get3A_406 : vector<1x1x16xf32> to vector<16xf32>
        %add3A_408 = arith.addf %add3A_377, %get3A_407 : vector<16xf32>
        %scan3A_409 = arith.constant 8 : i32
        %scan3A_410 = arith.addi %scan3A_159, %scan3A_409 : i32
        %add3A_411 = arith.addi %mul3A_111, %scan3A_410 : i32
        %get3A_412 = arith.constant 0 : i32
        %get3A_413 = arith.index_cast %get3A_412 : i32 to index
        %get3A_414 = arith.index_cast %add3A_411 : i32 to index
        %get3A_415 = arith.constant 0 : index
        %get3A_416 = tpu.vector_load %arg6[%get3A_413, %get3A_414, %get3A_415] {strides = array<i32>} : memref<5x200x64xf32, #tpu.memory_space<vmem>>, vector<1x1x16xf32>,
        %get3A_417 = vector.shape_cast %get3A_416 : vector<1x1x16xf32> to vector<16xf32>
        %add3A_418 = arith.addf %add3A_387, %get3A_417 : vector<16xf32>
        %get3A_419 = arith.constant 0 : i32
        %get3A_420 = arith.index_cast %get3A_419 : i32 to index
        %get3A_421 = arith.index_cast %add3A_411 : i32 to index
        %get3A_422 = arith.constant 16 : index
        %get3A_423 = tpu.vector_load %arg6[%get3A_420, %get3A_421, %get3A_422] {strides = array<i32>} : memref<5x200x64xf32, #tpu.memory_space<vmem>>, vector<1x1x16xf32>,
        %get3A_424 = vector.shape_cast %get3A_423 : vector<1x1x16xf32> to vector<16xf32>
        %add3A_425 = arith.addf %add3A_394, %get3A_424 : vector<16xf32>
        %get3A_426 = arith.constant 0 : i32
        %get3A_427 = arith.index_cast %get3A_426 : i32 to index
        %get3A_428 = arith.index_cast %add3A_411 : i32 to index
        %get3A_429 = arith.constant 32 : index
        %get3A_430 = tpu.vector_load %arg6[%get3A_427, %get3A_428, %get3A_429] {strides = array<i32>} : memref<5x200x64xf32, #tpu.memory_space<vmem>>, vector<1x1x16xf32>,
        %get3A_431 = vector.shape_cast %get3A_430 : vector<1x1x16xf32> to vector<16xf32>
        %add3A_432 = arith.addf %add3A_401, %get3A_431 : vector<16xf32>
        %get3A_433 = arith.constant 0 : i32
        %get3A_434 = arith.index_cast %get3A_433 : i32 to index
        %get3A_435 = arith.index_cast %add3A_411 : i32 to index
        %get3A_436 = arith.constant 48 : index
        %get3A_437 = tpu.vector_load %arg6[%get3A_434, %get3A_435, %get3A_436] {strides = array<i32>} : memref<5x200x64xf32, #tpu.memory_space<vmem>>, vector<1x1x16xf32>,
        %get3A_438 = vector.shape_cast %get3A_437 : vector<1x1x16xf32> to vector<16xf32>
        %add3A_439 = arith.addf %add3A_408, %get3A_438 : vector<16xf32>
        %scan3A_440 = arith.constant 9 : i32
        %scan3A_441 = arith.addi %scan3A_159, %scan3A_440 : i32
        %add3A_442 = arith.addi %mul3A_111, %scan3A_441 : i32
        %get3A_443 = arith.constant 0 : i32
        %get3A_444 = arith.index_cast %get3A_443 : i32 to index
        %get3A_445 = arith.index_cast %add3A_442 : i32 to index
        %get3A_446 = arith.constant 0 : index
        %get3A_447 = tpu.vector_load %arg6[%get3A_444, %get3A_445, %get3A_446] {strides = array<i32>} : memref<5x200x64xf32, #tpu.memory_space<vmem>>, vector<1x1x16xf32>,
        %get3A_448 = vector.shape_cast %get3A_447 : vector<1x1x16xf32> to vector<16xf32>
        %add3A_449 = arith.addf %add3A_418, %get3A_448 : vector<16xf32>
        %get3A_450 = arith.constant 0 : i32
        %get3A_451 = arith.index_cast %get3A_450 : i32 to index
        %get3A_452 = arith.index_cast %add3A_442 : i32 to index
        %get3A_453 = arith.constant 16 : index
        %get3A_454 = tpu.vector_load %arg6[%get3A_451, %get3A_452, %get3A_453] {strides = array<i32>} : memref<5x200x64xf32, #tpu.memory_space<vmem>>, vector<1x1x16xf32>,
        %get3A_455 = vector.shape_cast %get3A_454 : vector<1x1x16xf32> to vector<16xf32>
        %add3A_456 = arith.addf %add3A_425, %get3A_455 : vector<16xf32>
        %get3A_457 = arith.constant 0 : i32
        %get3A_458 = arith.index_cast %get3A_457 : i32 to index
        %get3A_459 = arith.index_cast %add3A_442 : i32 to index
        %get3A_460 = arith.constant 32 : index
        %get3A_461 = tpu.vector_load %arg6[%get3A_458, %get3A_459, %get3A_460] {strides = array<i32>} : memref<5x200x64xf32, #tpu.memory_space<vmem>>, vector<1x1x16xf32>,
        %get3A_462 = vector.shape_cast %get3A_461 : vector<1x1x16xf32> to vector<16xf32>
        %add3A_463 = arith.addf %add3A_432, %get3A_462 : vector<16xf32>
        %get3A_464 = arith.constant 0 : i32
        %get3A_465 = arith.index_cast %get3A_464 : i32 to index
        %get3A_466 = arith.index_cast %add3A_442 : i32 to index
        %get3A_467 = arith.constant 48 : index
        %get3A_468 = tpu.vector_load %arg6[%get3A_465, %get3A_466, %get3A_467] {strides = array<i32>} : memref<5x200x64xf32, #tpu.memory_space<vmem>>, vector<1x1x16xf32>,
        %get3A_469 = vector.shape_cast %get3A_468 : vector<1x1x16xf32> to vector<16xf32>
        %add3A_470 = arith.addf %add3A_439, %get3A_469 : vector<16xf32>
        scf.yield %add3A_449, %add3A_456, %add3A_463, %add3A_470 : vector<16xf32>, vector<16xf32>, vector<16xf32>, vector<16xf32>
      }
      %scan3A_124 = arith.constant 50 : i32
      %add3A_125 = arith.constant 500 : i32
      %add3A_126 = arith.addi %add3A_125, %scan3A_108 : i32
      %mul3A_127 = arith.constant 2.000000e-02 : f32
      %mul3A_128 = vector.broadcast %mul3A_127 : f32 to vector<16xf32>
      %mul3A_129 = arith.mulf %scan3A_123#0, %mul3A_128 : vector<16xf32>
      %swap3A = arith.index_cast %add3A_126 : i32 to index
      %swap3A_130 = arith.constant 0 : index
      %swap3A_131 = tpu.vector_load %arg7[%swap3A, %swap3A_130] {strides = array<i32>} : memref<512x64xf32, #tpu.memory_space<vmem>>, vector<1x16xf32>,
      %swap3A_132 = vector.shape_cast %swap3A_131 : vector<1x16xf32> to vector<16xf32>
      %swap3A_133 = vector.shape_cast %mul3A_129 : vector<16xf32> to vector<1x16xf32>
      tpu.vector_store %arg7[%swap3A, %swap3A_130], %swap3A_133 {strides = array<i32>} : memref<512x64xf32, #tpu.memory_space<vmem>>, vector<1x16xf32>,
      %mul3A_134 = arith.constant 2.000000e-02 : f32
      %mul3A_135 = vector.broadcast %mul3A_134 : f32 to vector<16xf32>
      %mul3A_136 = arith.mulf %scan3A_123#1, %mul3A_135 : vector<16xf32>
      %swap3A_137 = arith.index_cast %add3A_126 : i32 to index
      %swap3A_138 = arith.constant 16 : index
      %swap3A_139 = tpu.vector_load %arg7[%swap3A_137, %swap3A_138] {strides = array<i32>} : memref<512x64xf32, #tpu.memory_space<vmem>>, vector<1x16xf32>,
      %swap3A_140 = vector.shape_cast %swap3A_139 : vector<1x16xf32> to vector<16xf32>
      %swap3A_141 = vector.shape_cast %mul3A_136 : vector<16xf32> to vector<1x16xf32>
      tpu.vector_store %arg7[%swap3A_137, %swap3A_138], %swap3A_141 {strides = array<i32>} : memref<512x64xf32, #tpu.memory_space<vmem>>, vector<1x16xf32>,
      %mul3A_142 = arith.constant 2.000000e-02 : f32
      %mul3A_143 = vector.broadcast %mul3A_142 : f32 to vector<16xf32>
      %mul3A_144 = arith.mulf %scan3A_123#2, %mul3A_143 : vector<16xf32>
      %swap3A_145 = arith.index_cast %add3A_126 : i32 to index
      %swap3A_146 = arith.constant 32 : index
      %swap3A_147 = tpu.vector_load %arg7[%swap3A_145, %swap3A_146] {strides = array<i32>} : memref<512x64xf32, #tpu.memory_space<vmem>>, vector<1x16xf32>,
      %swap3A_148 = vector.shape_cast %swap3A_147 : vector<1x16xf32> to vector<16xf32>
      %swap3A_149 = vector.shape_cast %mul3A_144 : vector<16xf32> to vector<1x16xf32>
      tpu.vector_store %arg7[%swap3A_145, %swap3A_146], %swap3A_149 {strides = array<i32>} : memref<512x64xf32, #tpu.memory_space<vmem>>, vector<1x16xf32>,
      %mul3A_150 = arith.constant 2.000000e-02 : f32
      %mul3A_151 = vector.broadcast %mul3A_150 : f32 to vector<16xf32>
      %mul3A_152 = arith.mulf %scan3A_123#3, %mul3A_151 : vector<16xf32>
      %swap3A_153 = arith.index_cast %add3A_126 : i32 to index
      %swap3A_154 = arith.constant 48 : index
      %swap3A_155 = tpu.vector_load %arg7[%swap3A_153, %swap3A_154] {strides = array<i32>} : memref<512x64xf32, #tpu.memory_space<vmem>>, vector<1x16xf32>,
      %swap3A_156 = vector.shape_cast %swap3A_155 : vector<1x16xf32> to vector<16xf32>
      %swap3A_157 = vector.shape_cast %mul3A_152 : vector<16xf32> to vector<1x16xf32>
      tpu.vector_store %arg7[%swap3A_153, %swap3A_154], %swap3A_157 {strides = array<i32>} : memref<512x64xf32, #tpu.memory_space<vmem>>, vector<1x16xf32>,
      %scan3A_158 = arith.constant 0 : i32
      scf.yield %scan3A_158 : i32
    }
    %scan3A_73 = arith.constant 4 : i32
    %dma_wait3A_74 = arith.constant 1 : i32
    %dma_wait3A_75 = arith.constant 0 : i32
    %dma_wait3A_76 = arith.constant 0 : i32
    %dma_wait3A_77 = tpu.memref_slice %arg6[%dma_wait3A_74, %dma_wait3A_75, %dma_wait3A_76] : memref<5x200x64xf32, #tpu.memory_space<vmem>> -> memref<1x200x64xf32, #tpu.memory_space<vmem>>
    %dma_wait3A_78 = tpu.memref_squeeze %dma_wait3A_77 : memref<1x200x64xf32, #tpu.memory_space<vmem>> -> memref<200x64xf32, #tpu.memory_space<vmem>>
    %dma_wait3A_79 = arith.constant 0 : i32
    %dma_wait3A_80 = tpu.memref_slice %arg5[%dma_wait3A_79] : memref<25600xi32, #tpu.memory_space<vmem>> -> memref<200xi32, #tpu.memory_space<vmem>>
    %dma_wait3A_81 = arith.constant 0 : i32
    %dma_wait3A_82 = arith.constant 0 : i32
    %dma_wait3A_83 = tpu.memref_slice %arg3[%dma_wait3A_81, %dma_wait3A_82] : memref<1000000x64xf32, #tpu.memory_space<hbm>> -> memref<1000000x64xf32, #tpu.memory_space<hbm>>
    tpu.wait_indirect_dma semaphore(%arg9 : memref<!tpu.dma_semaphore, #tpu.memory_space<semaphore_mem>>) src(%dma_wait3A_83 : memref<1000000x64xf32, #tpu.memory_space<hbm>>) dst(%dma_wait3A_78 : memref<200x64xf32, #tpu.memory_space<vmem>>)
    %scan3A_84 = arith.constant 0 : i32
    %scan3A_85 = arith.constant 0 : i32
    %scan3A_86 = arith.constant 4 : i32
    %scan3A_87 = arith.addi %scan3A_85, %scan3A_86 : i32
    %scan3A_88 = arith.constant 1 : i32
    %scan3A_89 = scf.for %scan3A_108 = %scan3A_85 to %scan3A_87 step %scan3A_88 iter_args(%scan3A_109 = %scan3A_84) -> (i32)  : i32 {
      %mul3A_110 = arith.constant 50 : i32
      %mul3A_111 = arith.muli %scan3A_108, %mul3A_110 : i32
      %broadcast_in_dim3A = arith.constant 0.000000e+00 : f32
      %broadcast_in_dim3A_112 = vector.broadcast %broadcast_in_dim3A : f32 to vector<16xf32>
      %broadcast_in_dim3A_113 = arith.constant 0.000000e+00 : f32
      %broadcast_in_dim3A_114 = vector.broadcast %broadcast_in_dim3A_113 : f32 to vector<16xf32>
      %broadcast_in_dim3A_115 = arith.constant 0.000000e+00 : f32
      %broadcast_in_dim3A_116 = vector.broadcast %broadcast_in_dim3A_115 : f32 to vector<16xf32>
      %broadcast_in_dim3A_117 = arith.constant 0.000000e+00 : f32
      %broadcast_in_dim3A_118 = vector.broadcast %broadcast_in_dim3A_117 : f32 to vector<16xf32>
      %scan3A_119 = arith.constant 0 : i32
      %scan3A_120 = arith.constant 50 : i32
      %scan3A_121 = arith.addi %scan3A_119, %scan3A_120 : i32
      %scan3A_122 = arith.constant 10 : i32
      %scan3A_123:4 = scf.for %scan3A_159 = %scan3A_119 to %scan3A_121 step %scan3A_122 iter_args(%scan3A_160 = %broadcast_in_dim3A_112, %scan3A_161 = %broadcast_in_dim3A_114, %scan3A_162 = %broadcast_in_dim3A_116, %scan3A_163 = %broadcast_in_dim3A_118) -> (vector<16xf32>, vector<16xf32>, vector<16xf32>, vector<16xf32>)  : i32 {
        %add3A_164 = arith.addi %mul3A_111, %scan3A_159 : i32
        %get3A = arith.constant 1 : i32
        %get3A_165 = arith.index_cast %get3A : i32 to index
        %get3A_166 = arith.index_cast %add3A_164 : i32 to index
        %get3A_167 = arith.constant 0 : index
        %get3A_168 = tpu.vector_load %arg6[%get3A_165, %get3A_166, %get3A_167] {strides = array<i32>} : memref<5x200x64xf32, #tpu.memory_space<vmem>>, vector<1x1x16xf32>,
        %get3A_169 = vector.shape_cast %get3A_168 : vector<1x1x16xf32> to vector<16xf32>
        %add3A_170 = arith.addf %scan3A_160, %get3A_169 : vector<16xf32>
        %get3A_171 = arith.constant 1 : i32
        %get3A_172 = arith.index_cast %get3A_171 : i32 to index
        %get3A_173 = arith.index_cast %add3A_164 : i32 to index
        %get3A_174 = arith.constant 16 : index
        %get3A_175 = tpu.vector_load %arg6[%get3A_172, %get3A_173, %get3A_174] {strides = array<i32>} : memref<5x200x64xf32, #tpu.memory_space<vmem>>, vector<1x1x16xf32>,
        %get3A_176 = vector.shape_cast %get3A_175 : vector<1x1x16xf32> to vector<16xf32>
        %add3A_177 = arith.addf %scan3A_161, %get3A_176 : vector<16xf32>
        %get3A_178 = arith.constant 1 : i32
        %get3A_179 = arith.index_cast %get3A_178 : i32 to index
        %get3A_180 = arith.index_cast %add3A_164 : i32 to index
        %get3A_181 = arith.constant 32 : index
        %get3A_182 = tpu.vector_load %arg6[%get3A_179, %get3A_180, %get3A_181] {strides = array<i32>} : memref<5x200x64xf32, #tpu.memory_space<vmem>>, vector<1x1x16xf32>,
        %get3A_183 = vector.shape_cast %get3A_182 : vector<1x1x16xf32> to vector<16xf32>
        %add3A_184 = arith.addf %scan3A_162, %get3A_183 : vector<16xf32>
        %get3A_185 = arith.constant 1 : i32
        %get3A_186 = arith.index_cast %get3A_185 : i32 to index
        %get3A_187 = arith.index_cast %add3A_164 : i32 to index
        %get3A_188 = arith.constant 48 : index
        %get3A_189 = tpu.vector_load %arg6[%get3A_186, %get3A_187, %get3A_188] {strides = array<i32>} : memref<5x200x64xf32, #tpu.memory_space<vmem>>, vector<1x1x16xf32>,
        %get3A_190 = vector.shape_cast %get3A_189 : vector<1x1x16xf32> to vector<16xf32>
        %add3A_191 = arith.addf %scan3A_163, %get3A_190 : vector<16xf32>
        %scan3A_192 = arith.constant 1 : i32
        %scan3A_193 = arith.addi %scan3A_159, %scan3A_192 : i32
        %add3A_194 = arith.addi %mul3A_111, %scan3A_193 : i32
        %get3A_195 = arith.constant 1 : i32
        %get3A_196 = arith.index_cast %get3A_195 : i32 to index
        %get3A_197 = arith.index_cast %add3A_194 : i32 to index
        %get3A_198 = arith.constant 0 : index
        %get3A_199 = tpu.vector_load %arg6[%get3A_196, %get3A_197, %get3A_198] {strides = array<i32>} : memref<5x200x64xf32, #tpu.memory_space<vmem>>, vector<1x1x16xf32>,
        %get3A_200 = vector.shape_cast %get3A_199 : vector<1x1x16xf32> to vector<16xf32>
        %add3A_201 = arith.addf %add3A_170, %get3A_200 : vector<16xf32>
        %get3A_202 = arith.constant 1 : i32
        %get3A_203 = arith.index_cast %get3A_202 : i32 to index
        %get3A_204 = arith.index_cast %add3A_194 : i32 to index
        %get3A_205 = arith.constant 16 : index
        %get3A_206 = tpu.vector_load %arg6[%get3A_203, %get3A_204, %get3A_205] {strides = array<i32>} : memref<5x200x64xf32, #tpu.memory_space<vmem>>, vector<1x1x16xf32>,
        %get3A_207 = vector.shape_cast %get3A_206 : vector<1x1x16xf32> to vector<16xf32>
        %add3A_208 = arith.addf %add3A_177, %get3A_207 : vector<16xf32>
        %get3A_209 = arith.constant 1 : i32
        %get3A_210 = arith.index_cast %get3A_209 : i32 to index
        %get3A_211 = arith.index_cast %add3A_194 : i32 to index
        %get3A_212 = arith.constant 32 : index
        %get3A_213 = tpu.vector_load %arg6[%get3A_210, %get3A_211, %get3A_212] {strides = array<i32>} : memref<5x200x64xf32, #tpu.memory_space<vmem>>, vector<1x1x16xf32>,
        %get3A_214 = vector.shape_cast %get3A_213 : vector<1x1x16xf32> to vector<16xf32>
        %add3A_215 = arith.addf %add3A_184, %get3A_214 : vector<16xf32>
        %get3A_216 = arith.constant 1 : i32
        %get3A_217 = arith.index_cast %get3A_216 : i32 to index
        %get3A_218 = arith.index_cast %add3A_194 : i32 to index
        %get3A_219 = arith.constant 48 : index
        %get3A_220 = tpu.vector_load %arg6[%get3A_217, %get3A_218, %get3A_219] {strides = array<i32>} : memref<5x200x64xf32, #tpu.memory_space<vmem>>, vector<1x1x16xf32>,
        %get3A_221 = vector.shape_cast %get3A_220 : vector<1x1x16xf32> to vector<16xf32>
        %add3A_222 = arith.addf %add3A_191, %get3A_221 : vector<16xf32>
        %scan3A_223 = arith.constant 2 : i32
        %scan3A_224 = arith.addi %scan3A_159, %scan3A_223 : i32
        %add3A_225 = arith.addi %mul3A_111, %scan3A_224 : i32
        %get3A_226 = arith.constant 1 : i32
        %get3A_227 = arith.index_cast %get3A_226 : i32 to index
        %get3A_228 = arith.index_cast %add3A_225 : i32 to index
        %get3A_229 = arith.constant 0 : index
        %get3A_230 = tpu.vector_load %arg6[%get3A_227, %get3A_228, %get3A_229] {strides = array<i32>} : memref<5x200x64xf32, #tpu.memory_space<vmem>>, vector<1x1x16xf32>,
        %get3A_231 = vector.shape_cast %get3A_230 : vector<1x1x16xf32> to vector<16xf32>
        %add3A_232 = arith.addf %add3A_201, %get3A_231 : vector<16xf32>
        %get3A_233 = arith.constant 1 : i32
        %get3A_234 = arith.index_cast %get3A_233 : i32 to index
        %get3A_235 = arith.index_cast %add3A_225 : i32 to index
        %get3A_236 = arith.constant 16 : index
        %get3A_237 = tpu.vector_load %arg6[%get3A_234, %get3A_235, %get3A_236] {strides = array<i32>} : memref<5x200x64xf32, #tpu.memory_space<vmem>>, vector<1x1x16xf32>,
        %get3A_238 = vector.shape_cast %get3A_237 : vector<1x1x16xf32> to vector<16xf32>
        %add3A_239 = arith.addf %add3A_208, %get3A_238 : vector<16xf32>
        %get3A_240 = arith.constant 1 : i32
        %get3A_241 = arith.index_cast %get3A_240 : i32 to index
        %get3A_242 = arith.index_cast %add3A_225 : i32 to index
        %get3A_243 = arith.constant 32 : index
        %get3A_244 = tpu.vector_load %arg6[%get3A_241, %get3A_242, %get3A_243] {strides = array<i32>} : memref<5x200x64xf32, #tpu.memory_space<vmem>>, vector<1x1x16xf32>,
        %get3A_245 = vector.shape_cast %get3A_244 : vector<1x1x16xf32> to vector<16xf32>
        %add3A_246 = arith.addf %add3A_215, %get3A_245 : vector<16xf32>
        %get3A_247 = arith.constant 1 : i32
        %get3A_248 = arith.index_cast %get3A_247 : i32 to index
        %get3A_249 = arith.index_cast %add3A_225 : i32 to index
        %get3A_250 = arith.constant 48 : index
        %get3A_251 = tpu.vector_load %arg6[%get3A_248, %get3A_249, %get3A_250] {strides = array<i32>} : memref<5x200x64xf32, #tpu.memory_space<vmem>>, vector<1x1x16xf32>,
        %get3A_252 = vector.shape_cast %get3A_251 : vector<1x1x16xf32> to vector<16xf32>
        %add3A_253 = arith.addf %add3A_222, %get3A_252 : vector<16xf32>
        %scan3A_254 = arith.constant 3 : i32
        %scan3A_255 = arith.addi %scan3A_159, %scan3A_254 : i32
        %add3A_256 = arith.addi %mul3A_111, %scan3A_255 : i32
        %get3A_257 = arith.constant 1 : i32
        %get3A_258 = arith.index_cast %get3A_257 : i32 to index
        %get3A_259 = arith.index_cast %add3A_256 : i32 to index
        %get3A_260 = arith.constant 0 : index
        %get3A_261 = tpu.vector_load %arg6[%get3A_258, %get3A_259, %get3A_260] {strides = array<i32>} : memref<5x200x64xf32, #tpu.memory_space<vmem>>, vector<1x1x16xf32>,
        %get3A_262 = vector.shape_cast %get3A_261 : vector<1x1x16xf32> to vector<16xf32>
        %add3A_263 = arith.addf %add3A_232, %get3A_262 : vector<16xf32>
        %get3A_264 = arith.constant 1 : i32
        %get3A_265 = arith.index_cast %get3A_264 : i32 to index
        %get3A_266 = arith.index_cast %add3A_256 : i32 to index
        %get3A_267 = arith.constant 16 : index
        %get3A_268 = tpu.vector_load %arg6[%get3A_265, %get3A_266, %get3A_267] {strides = array<i32>} : memref<5x200x64xf32, #tpu.memory_space<vmem>>, vector<1x1x16xf32>,
        %get3A_269 = vector.shape_cast %get3A_268 : vector<1x1x16xf32> to vector<16xf32>
        %add3A_270 = arith.addf %add3A_239, %get3A_269 : vector<16xf32>
        %get3A_271 = arith.constant 1 : i32
        %get3A_272 = arith.index_cast %get3A_271 : i32 to index
        %get3A_273 = arith.index_cast %add3A_256 : i32 to index
        %get3A_274 = arith.constant 32 : index
        %get3A_275 = tpu.vector_load %arg6[%get3A_272, %get3A_273, %get3A_274] {strides = array<i32>} : memref<5x200x64xf32, #tpu.memory_space<vmem>>, vector<1x1x16xf32>,
        %get3A_276 = vector.shape_cast %get3A_275 : vector<1x1x16xf32> to vector<16xf32>
        %add3A_277 = arith.addf %add3A_246, %get3A_276 : vector<16xf32>
        %get3A_278 = arith.constant 1 : i32
        %get3A_279 = arith.index_cast %get3A_278 : i32 to index
        %get3A_280 = arith.index_cast %add3A_256 : i32 to index
        %get3A_281 = arith.constant 48 : index
        %get3A_282 = tpu.vector_load %arg6[%get3A_279, %get3A_280, %get3A_281] {strides = array<i32>} : memref<5x200x64xf32, #tpu.memory_space<vmem>>, vector<1x1x16xf32>,
        %get3A_283 = vector.shape_cast %get3A_282 : vector<1x1x16xf32> to vector<16xf32>
        %add3A_284 = arith.addf %add3A_253, %get3A_283 : vector<16xf32>
        %scan3A_285 = arith.constant 4 : i32
        %scan3A_286 = arith.addi %scan3A_159, %scan3A_285 : i32
        %add3A_287 = arith.addi %mul3A_111, %scan3A_286 : i32
        %get3A_288 = arith.constant 1 : i32
        %get3A_289 = arith.index_cast %get3A_288 : i32 to index
        %get3A_290 = arith.index_cast %add3A_287 : i32 to index
        %get3A_291 = arith.constant 0 : index
        %get3A_292 = tpu.vector_load %arg6[%get3A_289, %get3A_290, %get3A_291] {strides = array<i32>} : memref<5x200x64xf32, #tpu.memory_space<vmem>>, vector<1x1x16xf32>,
        %get3A_293 = vector.shape_cast %get3A_292 : vector<1x1x16xf32> to vector<16xf32>
        %add3A_294 = arith.addf %add3A_263, %get3A_293 : vector<16xf32>
        %get3A_295 = arith.constant 1 : i32
        %get3A_296 = arith.index_cast %get3A_295 : i32 to index
        %get3A_297 = arith.index_cast %add3A_287 : i32 to index
        %get3A_298 = arith.constant 16 : index
        %get3A_299 = tpu.vector_load %arg6[%get3A_296, %get3A_297, %get3A_298] {strides = array<i32>} : memref<5x200x64xf32, #tpu.memory_space<vmem>>, vector<1x1x16xf32>,
        %get3A_300 = vector.shape_cast %get3A_299 : vector<1x1x16xf32> to vector<16xf32>
        %add3A_301 = arith.addf %add3A_270, %get3A_300 : vector<16xf32>
        %get3A_302 = arith.constant 1 : i32
        %get3A_303 = arith.index_cast %get3A_302 : i32 to index
        %get3A_304 = arith.index_cast %add3A_287 : i32 to index
        %get3A_305 = arith.constant 32 : index
        %get3A_306 = tpu.vector_load %arg6[%get3A_303, %get3A_304, %get3A_305] {strides = array<i32>} : memref<5x200x64xf32, #tpu.memory_space<vmem>>, vector<1x1x16xf32>,
        %get3A_307 = vector.shape_cast %get3A_306 : vector<1x1x16xf32> to vector<16xf32>
        %add3A_308 = arith.addf %add3A_277, %get3A_307 : vector<16xf32>
        %get3A_309 = arith.constant 1 : i32
        %get3A_310 = arith.index_cast %get3A_309 : i32 to index
        %get3A_311 = arith.index_cast %add3A_287 : i32 to index
        %get3A_312 = arith.constant 48 : index
        %get3A_313 = tpu.vector_load %arg6[%get3A_310, %get3A_311, %get3A_312] {strides = array<i32>} : memref<5x200x64xf32, #tpu.memory_space<vmem>>, vector<1x1x16xf32>,
        %get3A_314 = vector.shape_cast %get3A_313 : vector<1x1x16xf32> to vector<16xf32>
        %add3A_315 = arith.addf %add3A_284, %get3A_314 : vector<16xf32>
        %scan3A_316 = arith.constant 5 : i32
        %scan3A_317 = arith.addi %scan3A_159, %scan3A_316 : i32
        %add3A_318 = arith.addi %mul3A_111, %scan3A_317 : i32
        %get3A_319 = arith.constant 1 : i32
        %get3A_320 = arith.index_cast %get3A_319 : i32 to index
        %get3A_321 = arith.index_cast %add3A_318 : i32 to index
        %get3A_322 = arith.constant 0 : index
        %get3A_323 = tpu.vector_load %arg6[%get3A_320, %get3A_321, %get3A_322] {strides = array<i32>} : memref<5x200x64xf32, #tpu.memory_space<vmem>>, vector<1x1x16xf32>,
        %get3A_324 = vector.shape_cast %get3A_323 : vector<1x1x16xf32> to vector<16xf32>
        %add3A_325 = arith.addf %add3A_294, %get3A_324 : vector<16xf32>
        %get3A_326 = arith.constant 1 : i32
        %get3A_327 = arith.index_cast %get3A_326 : i32 to index
        %get3A_328 = arith.index_cast %add3A_318 : i32 to index
        %get3A_329 = arith.constant 16 : index
        %get3A_330 = tpu.vector_load %arg6[%get3A_327, %get3A_328, %get3A_329] {strides = array<i32>} : memref<5x200x64xf32, #tpu.memory_space<vmem>>, vector<1x1x16xf32>,
        %get3A_331 = vector.shape_cast %get3A_330 : vector<1x1x16xf32> to vector<16xf32>
        %add3A_332 = arith.addf %add3A_301, %get3A_331 : vector<16xf32>
        %get3A_333 = arith.constant 1 : i32
        %get3A_334 = arith.index_cast %get3A_333 : i32 to index
        %get3A_335 = arith.index_cast %add3A_318 : i32 to index
        %get3A_336 = arith.constant 32 : index
        %get3A_337 = tpu.vector_load %arg6[%get3A_334, %get3A_335, %get3A_336] {strides = array<i32>} : memref<5x200x64xf32, #tpu.memory_space<vmem>>, vector<1x1x16xf32>,
        %get3A_338 = vector.shape_cast %get3A_337 : vector<1x1x16xf32> to vector<16xf32>
        %add3A_339 = arith.addf %add3A_308, %get3A_338 : vector<16xf32>
        %get3A_340 = arith.constant 1 : i32
        %get3A_341 = arith.index_cast %get3A_340 : i32 to index
        %get3A_342 = arith.index_cast %add3A_318 : i32 to index
        %get3A_343 = arith.constant 48 : index
        %get3A_344 = tpu.vector_load %arg6[%get3A_341, %get3A_342, %get3A_343] {strides = array<i32>} : memref<5x200x64xf32, #tpu.memory_space<vmem>>, vector<1x1x16xf32>,
        %get3A_345 = vector.shape_cast %get3A_344 : vector<1x1x16xf32> to vector<16xf32>
        %add3A_346 = arith.addf %add3A_315, %get3A_345 : vector<16xf32>
        %scan3A_347 = arith.constant 6 : i32
        %scan3A_348 = arith.addi %scan3A_159, %scan3A_347 : i32
        %add3A_349 = arith.addi %mul3A_111, %scan3A_348 : i32
        %get3A_350 = arith.constant 1 : i32
        %get3A_351 = arith.index_cast %get3A_350 : i32 to index
        %get3A_352 = arith.index_cast %add3A_349 : i32 to index
        %get3A_353 = arith.constant 0 : index
        %get3A_354 = tpu.vector_load %arg6[%get3A_351, %get3A_352, %get3A_353] {strides = array<i32>} : memref<5x200x64xf32, #tpu.memory_space<vmem>>, vector<1x1x16xf32>,
        %get3A_355 = vector.shape_cast %get3A_354 : vector<1x1x16xf32> to vector<16xf32>
        %add3A_356 = arith.addf %add3A_325, %get3A_355 : vector<16xf32>
        %get3A_357 = arith.constant 1 : i32
        %get3A_358 = arith.index_cast %get3A_357 : i32 to index
        %get3A_359 = arith.index_cast %add3A_349 : i32 to index
        %get3A_360 = arith.constant 16 : index
        %get3A_361 = tpu.vector_load %arg6[%get3A_358, %get3A_359, %get3A_360] {strides = array<i32>} : memref<5x200x64xf32, #tpu.memory_space<vmem>>, vector<1x1x16xf32>,
        %get3A_362 = vector.shape_cast %get3A_361 : vector<1x1x16xf32> to vector<16xf32>
        %add3A_363 = arith.addf %add3A_332, %get3A_362 : vector<16xf32>
        %get3A_364 = arith.constant 1 : i32
        %get3A_365 = arith.index_cast %get3A_364 : i32 to index
        %get3A_366 = arith.index_cast %add3A_349 : i32 to index
        %get3A_367 = arith.constant 32 : index
        %get3A_368 = tpu.vector_load %arg6[%get3A_365, %get3A_366, %get3A_367] {strides = array<i32>} : memref<5x200x64xf32, #tpu.memory_space<vmem>>, vector<1x1x16xf32>,
        %get3A_369 = vector.shape_cast %get3A_368 : vector<1x1x16xf32> to vector<16xf32>
        %add3A_370 = arith.addf %add3A_339, %get3A_369 : vector<16xf32>
        %get3A_371 = arith.constant 1 : i32
        %get3A_372 = arith.index_cast %get3A_371 : i32 to index
        %get3A_373 = arith.index_cast %add3A_349 : i32 to index
        %get3A_374 = arith.constant 48 : index
        %get3A_375 = tpu.vector_load %arg6[%get3A_372, %get3A_373, %get3A_374] {strides = array<i32>} : memref<5x200x64xf32, #tpu.memory_space<vmem>>, vector<1x1x16xf32>,
        %get3A_376 = vector.shape_cast %get3A_375 : vector<1x1x16xf32> to vector<16xf32>
        %add3A_377 = arith.addf %add3A_346, %get3A_376 : vector<16xf32>
        %scan3A_378 = arith.constant 7 : i32
        %scan3A_379 = arith.addi %scan3A_159, %scan3A_378 : i32
        %add3A_380 = arith.addi %mul3A_111, %scan3A_379 : i32
        %get3A_381 = arith.constant 1 : i32
        %get3A_382 = arith.index_cast %get3A_381 : i32 to index
        %get3A_383 = arith.index_cast %add3A_380 : i32 to index
        %get3A_384 = arith.constant 0 : index
        %get3A_385 = tpu.vector_load %arg6[%get3A_382, %get3A_383, %get3A_384] {strides = array<i32>} : memref<5x200x64xf32, #tpu.memory_space<vmem>>, vector<1x1x16xf32>,
        %get3A_386 = vector.shape_cast %get3A_385 : vector<1x1x16xf32> to vector<16xf32>
        %add3A_387 = arith.addf %add3A_356, %get3A_386 : vector<16xf32>
        %get3A_388 = arith.constant 1 : i32
        %get3A_389 = arith.index_cast %get3A_388 : i32 to index
        %get3A_390 = arith.index_cast %add3A_380 : i32 to index
        %get3A_391 = arith.constant 16 : index
        %get3A_392 = tpu.vector_load %arg6[%get3A_389, %get3A_390, %get3A_391] {strides = array<i32>} : memref<5x200x64xf32, #tpu.memory_space<vmem>>, vector<1x1x16xf32>,
        %get3A_393 = vector.shape_cast %get3A_392 : vector<1x1x16xf32> to vector<16xf32>
        %add3A_394 = arith.addf %add3A_363, %get3A_393 : vector<16xf32>
        %get3A_395 = arith.constant 1 : i32
        %get3A_396 = arith.index_cast %get3A_395 : i32 to index
        %get3A_397 = arith.index_cast %add3A_380 : i32 to index
        %get3A_398 = arith.constant 32 : index
        %get3A_399 = tpu.vector_load %arg6[%get3A_396, %get3A_397, %get3A_398] {strides = array<i32>} : memref<5x200x64xf32, #tpu.memory_space<vmem>>, vector<1x1x16xf32>,
        %get3A_400 = vector.shape_cast %get3A_399 : vector<1x1x16xf32> to vector<16xf32>
        %add3A_401 = arith.addf %add3A_370, %get3A_400 : vector<16xf32>
        %get3A_402 = arith.constant 1 : i32
        %get3A_403 = arith.index_cast %get3A_402 : i32 to index
        %get3A_404 = arith.index_cast %add3A_380 : i32 to index
        %get3A_405 = arith.constant 48 : index
        %get3A_406 = tpu.vector_load %arg6[%get3A_403, %get3A_404, %get3A_405] {strides = array<i32>} : memref<5x200x64xf32, #tpu.memory_space<vmem>>, vector<1x1x16xf32>,
        %get3A_407 = vector.shape_cast %get3A_406 : vector<1x1x16xf32> to vector<16xf32>
        %add3A_408 = arith.addf %add3A_377, %get3A_407 : vector<16xf32>
        %scan3A_409 = arith.constant 8 : i32
        %scan3A_410 = arith.addi %scan3A_159, %scan3A_409 : i32
        %add3A_411 = arith.addi %mul3A_111, %scan3A_410 : i32
        %get3A_412 = arith.constant 1 : i32
        %get3A_413 = arith.index_cast %get3A_412 : i32 to index
        %get3A_414 = arith.index_cast %add3A_411 : i32 to index
        %get3A_415 = arith.constant 0 : index
        %get3A_416 = tpu.vector_load %arg6[%get3A_413, %get3A_414, %get3A_415] {strides = array<i32>} : memref<5x200x64xf32, #tpu.memory_space<vmem>>, vector<1x1x16xf32>,
        %get3A_417 = vector.shape_cast %get3A_416 : vector<1x1x16xf32> to vector<16xf32>
        %add3A_418 = arith.addf %add3A_387, %get3A_417 : vector<16xf32>
        %get3A_419 = arith.constant 1 : i32
        %get3A_420 = arith.index_cast %get3A_419 : i32 to index
        %get3A_421 = arith.index_cast %add3A_411 : i32 to index
        %get3A_422 = arith.constant 16 : index
        %get3A_423 = tpu.vector_load %arg6[%get3A_420, %get3A_421, %get3A_422] {strides = array<i32>} : memref<5x200x64xf32, #tpu.memory_space<vmem>>, vector<1x1x16xf32>,
        %get3A_424 = vector.shape_cast %get3A_423 : vector<1x1x16xf32> to vector<16xf32>
        %add3A_425 = arith.addf %add3A_394, %get3A_424 : vector<16xf32>
        %get3A_426 = arith.constant 1 : i32
        %get3A_427 = arith.index_cast %get3A_426 : i32 to index
        %get3A_428 = arith.index_cast %add3A_411 : i32 to index
        %get3A_429 = arith.constant 32 : index
        %get3A_430 = tpu.vector_load %arg6[%get3A_427, %get3A_428, %get3A_429] {strides = array<i32>} : memref<5x200x64xf32, #tpu.memory_space<vmem>>, vector<1x1x16xf32>,
        %get3A_431 = vector.shape_cast %get3A_430 : vector<1x1x16xf32> to vector<16xf32>
        %add3A_432 = arith.addf %add3A_401, %get3A_431 : vector<16xf32>
        %get3A_433 = arith.constant 1 : i32
        %get3A_434 = arith.index_cast %get3A_433 : i32 to index
        %get3A_435 = arith.index_cast %add3A_411 : i32 to index
        %get3A_436 = arith.constant 48 : index
        %get3A_437 = tpu.vector_load %arg6[%get3A_434, %get3A_435, %get3A_436] {strides = array<i32>} : memref<5x200x64xf32, #tpu.memory_space<vmem>>, vector<1x1x16xf32>,
        %get3A_438 = vector.shape_cast %get3A_437 : vector<1x1x16xf32> to vector<16xf32>
        %add3A_439 = arith.addf %add3A_408, %get3A_438 : vector<16xf32>
        %scan3A_440 = arith.constant 9 : i32
        %scan3A_441 = arith.addi %scan3A_159, %scan3A_440 : i32
        %add3A_442 = arith.addi %mul3A_111, %scan3A_441 : i32
        %get3A_443 = arith.constant 1 : i32
        %get3A_444 = arith.index_cast %get3A_443 : i32 to index
        %get3A_445 = arith.index_cast %add3A_442 : i32 to index
        %get3A_446 = arith.constant 0 : index
        %get3A_447 = tpu.vector_load %arg6[%get3A_444, %get3A_445, %get3A_446] {strides = array<i32>} : memref<5x200x64xf32, #tpu.memory_space<vmem>>, vector<1x1x16xf32>,
        %get3A_448 = vector.shape_cast %get3A_447 : vector<1x1x16xf32> to vector<16xf32>
        %add3A_449 = arith.addf %add3A_418, %get3A_448 : vector<16xf32>
        %get3A_450 = arith.constant 1 : i32
        %get3A_451 = arith.index_cast %get3A_450 : i32 to index
        %get3A_452 = arith.index_cast %add3A_442 : i32 to index
        %get3A_453 = arith.constant 16 : index
        %get3A_454 = tpu.vector_load %arg6[%get3A_451, %get3A_452, %get3A_453] {strides = array<i32>} : memref<5x200x64xf32, #tpu.memory_space<vmem>>, vector<1x1x16xf32>,
        %get3A_455 = vector.shape_cast %get3A_454 : vector<1x1x16xf32> to vector<16xf32>
        %add3A_456 = arith.addf %add3A_425, %get3A_455 : vector<16xf32>
        %get3A_457 = arith.constant 1 : i32
        %get3A_458 = arith.index_cast %get3A_457 : i32 to index
        %get3A_459 = arith.index_cast %add3A_442 : i32 to index
        %get3A_460 = arith.constant 32 : index
        %get3A_461 = tpu.vector_load %arg6[%get3A_458, %get3A_459, %get3A_460] {strides = array<i32>} : memref<5x200x64xf32, #tpu.memory_space<vmem>>, vector<1x1x16xf32>,
        %get3A_462 = vector.shape_cast %get3A_461 : vector<1x1x16xf32> to vector<16xf32>
        %add3A_463 = arith.addf %add3A_432, %get3A_462 : vector<16xf32>
        %get3A_464 = arith.constant 1 : i32
        %get3A_465 = arith.index_cast %get3A_464 : i32 to index
        %get3A_466 = arith.index_cast %add3A_442 : i32 to index
        %get3A_467 = arith.constant 48 : index
        %get3A_468 = tpu.vector_load %arg6[%get3A_465, %get3A_466, %get3A_467] {strides = array<i32>} : memref<5x200x64xf32, #tpu.memory_space<vmem>>, vector<1x1x16xf32>,
        %get3A_469 = vector.shape_cast %get3A_468 : vector<1x1x16xf32> to vector<16xf32>
        %add3A_470 = arith.addf %add3A_439, %get3A_469 : vector<16xf32>
        scf.yield %add3A_449, %add3A_456, %add3A_463, %add3A_470 : vector<16xf32>, vector<16xf32>, vector<16xf32>, vector<16xf32>
      }
      %scan3A_124 = arith.constant 50 : i32
      %add3A_125 = arith.constant 504 : i32
      %add3A_126 = arith.addi %add3A_125, %scan3A_108 : i32
      %mul3A_127 = arith.constant 2.000000e-02 : f32
      %mul3A_128 = vector.broadcast %mul3A_127 : f32 to vector<16xf32>
      %mul3A_129 = arith.mulf %scan3A_123#0, %mul3A_128 : vector<16xf32>
      %swap3A = arith.index_cast %add3A_126 : i32 to index
      %swap3A_130 = arith.constant 0 : index
      %swap3A_131 = tpu.vector_load %arg7[%swap3A, %swap3A_130] {strides = array<i32>} : memref<512x64xf32, #tpu.memory_space<vmem>>, vector<1x16xf32>,
      %swap3A_132 = vector.shape_cast %swap3A_131 : vector<1x16xf32> to vector<16xf32>
      %swap3A_133 = vector.shape_cast %mul3A_129 : vector<16xf32> to vector<1x16xf32>
      tpu.vector_store %arg7[%swap3A, %swap3A_130], %swap3A_133 {strides = array<i32>} : memref<512x64xf32, #tpu.memory_space<vmem>>, vector<1x16xf32>,
      %mul3A_134 = arith.constant 2.000000e-02 : f32
      %mul3A_135 = vector.broadcast %mul3A_134 : f32 to vector<16xf32>
      %mul3A_136 = arith.mulf %scan3A_123#1, %mul3A_135 : vector<16xf32>
      %swap3A_137 = arith.index_cast %add3A_126 : i32 to index
      %swap3A_138 = arith.constant 16 : index
      %swap3A_139 = tpu.vector_load %arg7[%swap3A_137, %swap3A_138] {strides = array<i32>} : memref<512x64xf32, #tpu.memory_space<vmem>>, vector<1x16xf32>,
      %swap3A_140 = vector.shape_cast %swap3A_139 : vector<1x16xf32> to vector<16xf32>
      %swap3A_141 = vector.shape_cast %mul3A_136 : vector<16xf32> to vector<1x16xf32>
      tpu.vector_store %arg7[%swap3A_137, %swap3A_138], %swap3A_141 {strides = array<i32>} : memref<512x64xf32, #tpu.memory_space<vmem>>, vector<1x16xf32>,
      %mul3A_142 = arith.constant 2.000000e-02 : f32
      %mul3A_143 = vector.broadcast %mul3A_142 : f32 to vector<16xf32>
      %mul3A_144 = arith.mulf %scan3A_123#2, %mul3A_143 : vector<16xf32>
      %swap3A_145 = arith.index_cast %add3A_126 : i32 to index
      %swap3A_146 = arith.constant 32 : index
      %swap3A_147 = tpu.vector_load %arg7[%swap3A_145, %swap3A_146] {strides = array<i32>} : memref<512x64xf32, #tpu.memory_space<vmem>>, vector<1x16xf32>,
      %swap3A_148 = vector.shape_cast %swap3A_147 : vector<1x16xf32> to vector<16xf32>
      %swap3A_149 = vector.shape_cast %mul3A_144 : vector<16xf32> to vector<1x16xf32>
      tpu.vector_store %arg7[%swap3A_145, %swap3A_146], %swap3A_149 {strides = array<i32>} : memref<512x64xf32, #tpu.memory_space<vmem>>, vector<1x16xf32>,
      %mul3A_150 = arith.constant 2.000000e-02 : f32
      %mul3A_151 = vector.broadcast %mul3A_150 : f32 to vector<16xf32>
      %mul3A_152 = arith.mulf %scan3A_123#3, %mul3A_151 : vector<16xf32>
      %swap3A_153 = arith.index_cast %add3A_126 : i32 to index
      %swap3A_154 = arith.constant 48 : index
      %swap3A_155 = tpu.vector_load %arg7[%swap3A_153, %swap3A_154] {strides = array<i32>} : memref<512x64xf32, #tpu.memory_space<vmem>>, vector<1x16xf32>,
      %swap3A_156 = vector.shape_cast %swap3A_155 : vector<1x16xf32> to vector<16xf32>
      %swap3A_157 = vector.shape_cast %mul3A_152 : vector<16xf32> to vector<1x16xf32>
      tpu.vector_store %arg7[%swap3A_153, %swap3A_154], %swap3A_157 {strides = array<i32>} : memref<512x64xf32, #tpu.memory_space<vmem>>, vector<1x16xf32>,
      %scan3A_158 = arith.constant 0 : i32
      scf.yield %scan3A_158 : i32
    }
    %scan3A_90 = arith.constant 4 : i32
    %dma_wait3A_91 = arith.constant 2 : i32
    %dma_wait3A_92 = arith.constant 0 : i32
    %dma_wait3A_93 = arith.constant 0 : i32
    %dma_wait3A_94 = tpu.memref_slice %arg6[%dma_wait3A_91, %dma_wait3A_92, %dma_wait3A_93] : memref<5x200x64xf32, #tpu.memory_space<vmem>> -> memref<1x200x64xf32, #tpu.memory_space<vmem>>
    %dma_wait3A_95 = tpu.memref_squeeze %dma_wait3A_94 : memref<1x200x64xf32, #tpu.memory_space<vmem>> -> memref<200x64xf32, #tpu.memory_space<vmem>>
    %dma_wait3A_96 = arith.constant 0 : i32
    %dma_wait3A_97 = tpu.memref_slice %arg5[%dma_wait3A_96] : memref<25600xi32, #tpu.memory_space<vmem>> -> memref<200xi32, #tpu.memory_space<vmem>>
    %dma_wait3A_98 = arith.constant 0 : i32
    %dma_wait3A_99 = arith.constant 0 : i32
    %dma_wait3A_100 = tpu.memref_slice %arg3[%dma_wait3A_98, %dma_wait3A_99] : memref<1000000x64xf32, #tpu.memory_space<hbm>> -> memref<1000000x64xf32, #tpu.memory_space<hbm>>
    tpu.wait_indirect_dma semaphore(%arg10 : memref<!tpu.dma_semaphore, #tpu.memory_space<semaphore_mem>>) src(%dma_wait3A_100 : memref<1000000x64xf32, #tpu.memory_space<hbm>>) dst(%dma_wait3A_95 : memref<200x64xf32, #tpu.memory_space<vmem>>)
    %scan3A_101 = arith.constant 0 : i32
    %scan3A_102 = arith.constant 0 : i32
    %scan3A_103 = arith.constant 4 : i32
    %scan3A_104 = arith.addi %scan3A_102, %scan3A_103 : i32
    %scan3A_105 = arith.constant 1 : i32
    %scan3A_106 = scf.for %scan3A_108 = %scan3A_102 to %scan3A_104 step %scan3A_105 iter_args(%scan3A_109 = %scan3A_101) -> (i32)  : i32 {
      %mul3A_110 = arith.constant 50 : i32
      %mul3A_111 = arith.muli %scan3A_108, %mul3A_110 : i32
      %broadcast_in_dim3A = arith.constant 0.000000e+00 : f32
      %broadcast_in_dim3A_112 = vector.broadcast %broadcast_in_dim3A : f32 to vector<16xf32>
      %broadcast_in_dim3A_113 = arith.constant 0.000000e+00 : f32
      %broadcast_in_dim3A_114 = vector.broadcast %broadcast_in_dim3A_113 : f32 to vector<16xf32>
      %broadcast_in_dim3A_115 = arith.constant 0.000000e+00 : f32
      %broadcast_in_dim3A_116 = vector.broadcast %broadcast_in_dim3A_115 : f32 to vector<16xf32>
      %broadcast_in_dim3A_117 = arith.constant 0.000000e+00 : f32
      %broadcast_in_dim3A_118 = vector.broadcast %broadcast_in_dim3A_117 : f32 to vector<16xf32>
      %scan3A_119 = arith.constant 0 : i32
      %scan3A_120 = arith.constant 50 : i32
      %scan3A_121 = arith.addi %scan3A_119, %scan3A_120 : i32
      %scan3A_122 = arith.constant 10 : i32
      %scan3A_123:4 = scf.for %scan3A_159 = %scan3A_119 to %scan3A_121 step %scan3A_122 iter_args(%scan3A_160 = %broadcast_in_dim3A_112, %scan3A_161 = %broadcast_in_dim3A_114, %scan3A_162 = %broadcast_in_dim3A_116, %scan3A_163 = %broadcast_in_dim3A_118) -> (vector<16xf32>, vector<16xf32>, vector<16xf32>, vector<16xf32>)  : i32 {
        %add3A_164 = arith.addi %mul3A_111, %scan3A_159 : i32
        %get3A = arith.constant 2 : i32
        %get3A_165 = arith.index_cast %get3A : i32 to index
        %get3A_166 = arith.index_cast %add3A_164 : i32 to index
        %get3A_167 = arith.constant 0 : index
        %get3A_168 = tpu.vector_load %arg6[%get3A_165, %get3A_166, %get3A_167] {strides = array<i32>} : memref<5x200x64xf32, #tpu.memory_space<vmem>>, vector<1x1x16xf32>,
        %get3A_169 = vector.shape_cast %get3A_168 : vector<1x1x16xf32> to vector<16xf32>
        %add3A_170 = arith.addf %scan3A_160, %get3A_169 : vector<16xf32>
        %get3A_171 = arith.constant 2 : i32
        %get3A_172 = arith.index_cast %get3A_171 : i32 to index
        %get3A_173 = arith.index_cast %add3A_164 : i32 to index
        %get3A_174 = arith.constant 16 : index
        %get3A_175 = tpu.vector_load %arg6[%get3A_172, %get3A_173, %get3A_174] {strides = array<i32>} : memref<5x200x64xf32, #tpu.memory_space<vmem>>, vector<1x1x16xf32>,
        %get3A_176 = vector.shape_cast %get3A_175 : vector<1x1x16xf32> to vector<16xf32>
        %add3A_177 = arith.addf %scan3A_161, %get3A_176 : vector<16xf32>
        %get3A_178 = arith.constant 2 : i32
        %get3A_179 = arith.index_cast %get3A_178 : i32 to index
        %get3A_180 = arith.index_cast %add3A_164 : i32 to index
        %get3A_181 = arith.constant 32 : index
        %get3A_182 = tpu.vector_load %arg6[%get3A_179, %get3A_180, %get3A_181] {strides = array<i32>} : memref<5x200x64xf32, #tpu.memory_space<vmem>>, vector<1x1x16xf32>,
        %get3A_183 = vector.shape_cast %get3A_182 : vector<1x1x16xf32> to vector<16xf32>
        %add3A_184 = arith.addf %scan3A_162, %get3A_183 : vector<16xf32>
        %get3A_185 = arith.constant 2 : i32
        %get3A_186 = arith.index_cast %get3A_185 : i32 to index
        %get3A_187 = arith.index_cast %add3A_164 : i32 to index
        %get3A_188 = arith.constant 48 : index
        %get3A_189 = tpu.vector_load %arg6[%get3A_186, %get3A_187, %get3A_188] {strides = array<i32>} : memref<5x200x64xf32, #tpu.memory_space<vmem>>, vector<1x1x16xf32>,
        %get3A_190 = vector.shape_cast %get3A_189 : vector<1x1x16xf32> to vector<16xf32>
        %add3A_191 = arith.addf %scan3A_163, %get3A_190 : vector<16xf32>
        %scan3A_192 = arith.constant 1 : i32
        %scan3A_193 = arith.addi %scan3A_159, %scan3A_192 : i32
        %add3A_194 = arith.addi %mul3A_111, %scan3A_193 : i32
        %get3A_195 = arith.constant 2 : i32
        %get3A_196 = arith.index_cast %get3A_195 : i32 to index
        %get3A_197 = arith.index_cast %add3A_194 : i32 to index
        %get3A_198 = arith.constant 0 : index
        %get3A_199 = tpu.vector_load %arg6[%get3A_196, %get3A_197, %get3A_198] {strides = array<i32>} : memref<5x200x64xf32, #tpu.memory_space<vmem>>, vector<1x1x16xf32>,
        %get3A_200 = vector.shape_cast %get3A_199 : vector<1x1x16xf32> to vector<16xf32>
        %add3A_201 = arith.addf %add3A_170, %get3A_200 : vector<16xf32>
        %get3A_202 = arith.constant 2 : i32
        %get3A_203 = arith.index_cast %get3A_202 : i32 to index
        %get3A_204 = arith.index_cast %add3A_194 : i32 to index
        %get3A_205 = arith.constant 16 : index
        %get3A_206 = tpu.vector_load %arg6[%get3A_203, %get3A_204, %get3A_205] {strides = array<i32>} : memref<5x200x64xf32, #tpu.memory_space<vmem>>, vector<1x1x16xf32>,
        %get3A_207 = vector.shape_cast %get3A_206 : vector<1x1x16xf32> to vector<16xf32>
        %add3A_208 = arith.addf %add3A_177, %get3A_207 : vector<16xf32>
        %get3A_209 = arith.constant 2 : i32
        %get3A_210 = arith.index_cast %get3A_209 : i32 to index
        %get3A_211 = arith.index_cast %add3A_194 : i32 to index
        %get3A_212 = arith.constant 32 : index
        %get3A_213 = tpu.vector_load %arg6[%get3A_210, %get3A_211, %get3A_212] {strides = array<i32>} : memref<5x200x64xf32, #tpu.memory_space<vmem>>, vector<1x1x16xf32>,
        %get3A_214 = vector.shape_cast %get3A_213 : vector<1x1x16xf32> to vector<16xf32>
        %add3A_215 = arith.addf %add3A_184, %get3A_214 : vector<16xf32>
        %get3A_216 = arith.constant 2 : i32
        %get3A_217 = arith.index_cast %get3A_216 : i32 to index
        %get3A_218 = arith.index_cast %add3A_194 : i32 to index
        %get3A_219 = arith.constant 48 : index
        %get3A_220 = tpu.vector_load %arg6[%get3A_217, %get3A_218, %get3A_219] {strides = array<i32>} : memref<5x200x64xf32, #tpu.memory_space<vmem>>, vector<1x1x16xf32>,
        %get3A_221 = vector.shape_cast %get3A_220 : vector<1x1x16xf32> to vector<16xf32>
        %add3A_222 = arith.addf %add3A_191, %get3A_221 : vector<16xf32>
        %scan3A_223 = arith.constant 2 : i32
        %scan3A_224 = arith.addi %scan3A_159, %scan3A_223 : i32
        %add3A_225 = arith.addi %mul3A_111, %scan3A_224 : i32
        %get3A_226 = arith.constant 2 : i32
        %get3A_227 = arith.index_cast %get3A_226 : i32 to index
        %get3A_228 = arith.index_cast %add3A_225 : i32 to index
        %get3A_229 = arith.constant 0 : index
        %get3A_230 = tpu.vector_load %arg6[%get3A_227, %get3A_228, %get3A_229] {strides = array<i32>} : memref<5x200x64xf32, #tpu.memory_space<vmem>>, vector<1x1x16xf32>,
        %get3A_231 = vector.shape_cast %get3A_230 : vector<1x1x16xf32> to vector<16xf32>
        %add3A_232 = arith.addf %add3A_201, %get3A_231 : vector<16xf32>
        %get3A_233 = arith.constant 2 : i32
        %get3A_234 = arith.index_cast %get3A_233 : i32 to index
        %get3A_235 = arith.index_cast %add3A_225 : i32 to index
        %get3A_236 = arith.constant 16 : index
        %get3A_237 = tpu.vector_load %arg6[%get3A_234, %get3A_235, %get3A_236] {strides = array<i32>} : memref<5x200x64xf32, #tpu.memory_space<vmem>>, vector<1x1x16xf32>,
        %get3A_238 = vector.shape_cast %get3A_237 : vector<1x1x16xf32> to vector<16xf32>
        %add3A_239 = arith.addf %add3A_208, %get3A_238 : vector<16xf32>
        %get3A_240 = arith.constant 2 : i32
        %get3A_241 = arith.index_cast %get3A_240 : i32 to index
        %get3A_242 = arith.index_cast %add3A_225 : i32 to index
        %get3A_243 = arith.constant 32 : index
        %get3A_244 = tpu.vector_load %arg6[%get3A_241, %get3A_242, %get3A_243] {strides = array<i32>} : memref<5x200x64xf32, #tpu.memory_space<vmem>>, vector<1x1x16xf32>,
        %get3A_245 = vector.shape_cast %get3A_244 : vector<1x1x16xf32> to vector<16xf32>
        %add3A_246 = arith.addf %add3A_215, %get3A_245 : vector<16xf32>
        %get3A_247 = arith.constant 2 : i32
        %get3A_248 = arith.index_cast %get3A_247 : i32 to index
        %get3A_249 = arith.index_cast %add3A_225 : i32 to index
        %get3A_250 = arith.constant 48 : index
        %get3A_251 = tpu.vector_load %arg6[%get3A_248, %get3A_249, %get3A_250] {strides = array<i32>} : memref<5x200x64xf32, #tpu.memory_space<vmem>>, vector<1x1x16xf32>,
        %get3A_252 = vector.shape_cast %get3A_251 : vector<1x1x16xf32> to vector<16xf32>
        %add3A_253 = arith.addf %add3A_222, %get3A_252 : vector<16xf32>
        %scan3A_254 = arith.constant 3 : i32
        %scan3A_255 = arith.addi %scan3A_159, %scan3A_254 : i32
        %add3A_256 = arith.addi %mul3A_111, %scan3A_255 : i32
        %get3A_257 = arith.constant 2 : i32
        %get3A_258 = arith.index_cast %get3A_257 : i32 to index
        %get3A_259 = arith.index_cast %add3A_256 : i32 to index
        %get3A_260 = arith.constant 0 : index
        %get3A_261 = tpu.vector_load %arg6[%get3A_258, %get3A_259, %get3A_260] {strides = array<i32>} : memref<5x200x64xf32, #tpu.memory_space<vmem>>, vector<1x1x16xf32>,
        %get3A_262 = vector.shape_cast %get3A_261 : vector<1x1x16xf32> to vector<16xf32>
        %add3A_263 = arith.addf %add3A_232, %get3A_262 : vector<16xf32>
        %get3A_264 = arith.constant 2 : i32
        %get3A_265 = arith.index_cast %get3A_264 : i32 to index
        %get3A_266 = arith.index_cast %add3A_256 : i32 to index
        %get3A_267 = arith.constant 16 : index
        %get3A_268 = tpu.vector_load %arg6[%get3A_265, %get3A_266, %get3A_267] {strides = array<i32>} : memref<5x200x64xf32, #tpu.memory_space<vmem>>, vector<1x1x16xf32>,
        %get3A_269 = vector.shape_cast %get3A_268 : vector<1x1x16xf32> to vector<16xf32>
        %add3A_270 = arith.addf %add3A_239, %get3A_269 : vector<16xf32>
        %get3A_271 = arith.constant 2 : i32
        %get3A_272 = arith.index_cast %get3A_271 : i32 to index
        %get3A_273 = arith.index_cast %add3A_256 : i32 to index
        %get3A_274 = arith.constant 32 : index
        %get3A_275 = tpu.vector_load %arg6[%get3A_272, %get3A_273, %get3A_274] {strides = array<i32>} : memref<5x200x64xf32, #tpu.memory_space<vmem>>, vector<1x1x16xf32>,
        %get3A_276 = vector.shape_cast %get3A_275 : vector<1x1x16xf32> to vector<16xf32>
        %add3A_277 = arith.addf %add3A_246, %get3A_276 : vector<16xf32>
        %get3A_278 = arith.constant 2 : i32
        %get3A_279 = arith.index_cast %get3A_278 : i32 to index
        %get3A_280 = arith.index_cast %add3A_256 : i32 to index
        %get3A_281 = arith.constant 48 : index
        %get3A_282 = tpu.vector_load %arg6[%get3A_279, %get3A_280, %get3A_281] {strides = array<i32>} : memref<5x200x64xf32, #tpu.memory_space<vmem>>, vector<1x1x16xf32>,
        %get3A_283 = vector.shape_cast %get3A_282 : vector<1x1x16xf32> to vector<16xf32>
        %add3A_284 = arith.addf %add3A_253, %get3A_283 : vector<16xf32>
        %scan3A_285 = arith.constant 4 : i32
        %scan3A_286 = arith.addi %scan3A_159, %scan3A_285 : i32
        %add3A_287 = arith.addi %mul3A_111, %scan3A_286 : i32
        %get3A_288 = arith.constant 2 : i32
        %get3A_289 = arith.index_cast %get3A_288 : i32 to index
        %get3A_290 = arith.index_cast %add3A_287 : i32 to index
        %get3A_291 = arith.constant 0 : index
        %get3A_292 = tpu.vector_load %arg6[%get3A_289, %get3A_290, %get3A_291] {strides = array<i32>} : memref<5x200x64xf32, #tpu.memory_space<vmem>>, vector<1x1x16xf32>,
        %get3A_293 = vector.shape_cast %get3A_292 : vector<1x1x16xf32> to vector<16xf32>
        %add3A_294 = arith.addf %add3A_263, %get3A_293 : vector<16xf32>
        %get3A_295 = arith.constant 2 : i32
        %get3A_296 = arith.index_cast %get3A_295 : i32 to index
        %get3A_297 = arith.index_cast %add3A_287 : i32 to index
        %get3A_298 = arith.constant 16 : index
        %get3A_299 = tpu.vector_load %arg6[%get3A_296, %get3A_297, %get3A_298] {strides = array<i32>} : memref<5x200x64xf32, #tpu.memory_space<vmem>>, vector<1x1x16xf32>,
        %get3A_300 = vector.shape_cast %get3A_299 : vector<1x1x16xf32> to vector<16xf32>
        %add3A_301 = arith.addf %add3A_270, %get3A_300 : vector<16xf32>
        %get3A_302 = arith.constant 2 : i32
        %get3A_303 = arith.index_cast %get3A_302 : i32 to index
        %get3A_304 = arith.index_cast %add3A_287 : i32 to index
        %get3A_305 = arith.constant 32 : index
        %get3A_306 = tpu.vector_load %arg6[%get3A_303, %get3A_304, %get3A_305] {strides = array<i32>} : memref<5x200x64xf32, #tpu.memory_space<vmem>>, vector<1x1x16xf32>,
        %get3A_307 = vector.shape_cast %get3A_306 : vector<1x1x16xf32> to vector<16xf32>
        %add3A_308 = arith.addf %add3A_277, %get3A_307 : vector<16xf32>
        %get3A_309 = arith.constant 2 : i32
        %get3A_310 = arith.index_cast %get3A_309 : i32 to index
        %get3A_311 = arith.index_cast %add3A_287 : i32 to index
        %get3A_312 = arith.constant 48 : index
        %get3A_313 = tpu.vector_load %arg6[%get3A_310, %get3A_311, %get3A_312] {strides = array<i32>} : memref<5x200x64xf32, #tpu.memory_space<vmem>>, vector<1x1x16xf32>,
        %get3A_314 = vector.shape_cast %get3A_313 : vector<1x1x16xf32> to vector<16xf32>
        %add3A_315 = arith.addf %add3A_284, %get3A_314 : vector<16xf32>
        %scan3A_316 = arith.constant 5 : i32
        %scan3A_317 = arith.addi %scan3A_159, %scan3A_316 : i32
        %add3A_318 = arith.addi %mul3A_111, %scan3A_317 : i32
        %get3A_319 = arith.constant 2 : i32
        %get3A_320 = arith.index_cast %get3A_319 : i32 to index
        %get3A_321 = arith.index_cast %add3A_318 : i32 to index
        %get3A_322 = arith.constant 0 : index
        %get3A_323 = tpu.vector_load %arg6[%get3A_320, %get3A_321, %get3A_322] {strides = array<i32>} : memref<5x200x64xf32, #tpu.memory_space<vmem>>, vector<1x1x16xf32>,
        %get3A_324 = vector.shape_cast %get3A_323 : vector<1x1x16xf32> to vector<16xf32>
        %add3A_325 = arith.addf %add3A_294, %get3A_324 : vector<16xf32>
        %get3A_326 = arith.constant 2 : i32
        %get3A_327 = arith.index_cast %get3A_326 : i32 to index
        %get3A_328 = arith.index_cast %add3A_318 : i32 to index
        %get3A_329 = arith.constant 16 : index
        %get3A_330 = tpu.vector_load %arg6[%get3A_327, %get3A_328, %get3A_329] {strides = array<i32>} : memref<5x200x64xf32, #tpu.memory_space<vmem>>, vector<1x1x16xf32>,
        %get3A_331 = vector.shape_cast %get3A_330 : vector<1x1x16xf32> to vector<16xf32>
        %add3A_332 = arith.addf %add3A_301, %get3A_331 : vector<16xf32>
        %get3A_333 = arith.constant 2 : i32
        %get3A_334 = arith.index_cast %get3A_333 : i32 to index
        %get3A_335 = arith.index_cast %add3A_318 : i32 to index
        %get3A_336 = arith.constant 32 : index
        %get3A_337 = tpu.vector_load %arg6[%get3A_334, %get3A_335, %get3A_336] {strides = array<i32>} : memref<5x200x64xf32, #tpu.memory_space<vmem>>, vector<1x1x16xf32>,
        %get3A_338 = vector.shape_cast %get3A_337 : vector<1x1x16xf32> to vector<16xf32>
        %add3A_339 = arith.addf %add3A_308, %get3A_338 : vector<16xf32>
        %get3A_340 = arith.constant 2 : i32
        %get3A_341 = arith.index_cast %get3A_340 : i32 to index
        %get3A_342 = arith.index_cast %add3A_318 : i32 to index
        %get3A_343 = arith.constant 48 : index
        %get3A_344 = tpu.vector_load %arg6[%get3A_341, %get3A_342, %get3A_343] {strides = array<i32>} : memref<5x200x64xf32, #tpu.memory_space<vmem>>, vector<1x1x16xf32>,
        %get3A_345 = vector.shape_cast %get3A_344 : vector<1x1x16xf32> to vector<16xf32>
        %add3A_346 = arith.addf %add3A_315, %get3A_345 : vector<16xf32>
        %scan3A_347 = arith.constant 6 : i32
        %scan3A_348 = arith.addi %scan3A_159, %scan3A_347 : i32
        %add3A_349 = arith.addi %mul3A_111, %scan3A_348 : i32
        %get3A_350 = arith.constant 2 : i32
        %get3A_351 = arith.index_cast %get3A_350 : i32 to index
        %get3A_352 = arith.index_cast %add3A_349 : i32 to index
        %get3A_353 = arith.constant 0 : index
        %get3A_354 = tpu.vector_load %arg6[%get3A_351, %get3A_352, %get3A_353] {strides = array<i32>} : memref<5x200x64xf32, #tpu.memory_space<vmem>>, vector<1x1x16xf32>,
        %get3A_355 = vector.shape_cast %get3A_354 : vector<1x1x16xf32> to vector<16xf32>
        %add3A_356 = arith.addf %add3A_325, %get3A_355 : vector<16xf32>
        %get3A_357 = arith.constant 2 : i32
        %get3A_358 = arith.index_cast %get3A_357 : i32 to index
        %get3A_359 = arith.index_cast %add3A_349 : i32 to index
        %get3A_360 = arith.constant 16 : index
        %get3A_361 = tpu.vector_load %arg6[%get3A_358, %get3A_359, %get3A_360] {strides = array<i32>} : memref<5x200x64xf32, #tpu.memory_space<vmem>>, vector<1x1x16xf32>,
        %get3A_362 = vector.shape_cast %get3A_361 : vector<1x1x16xf32> to vector<16xf32>
        %add3A_363 = arith.addf %add3A_332, %get3A_362 : vector<16xf32>
        %get3A_364 = arith.constant 2 : i32
        %get3A_365 = arith.index_cast %get3A_364 : i32 to index
        %get3A_366 = arith.index_cast %add3A_349 : i32 to index
        %get3A_367 = arith.constant 32 : index
        %get3A_368 = tpu.vector_load %arg6[%get3A_365, %get3A_366, %get3A_367] {strides = array<i32>} : memref<5x200x64xf32, #tpu.memory_space<vmem>>, vector<1x1x16xf32>,
        %get3A_369 = vector.shape_cast %get3A_368 : vector<1x1x16xf32> to vector<16xf32>
        %add3A_370 = arith.addf %add3A_339, %get3A_369 : vector<16xf32>
        %get3A_371 = arith.constant 2 : i32
        %get3A_372 = arith.index_cast %get3A_371 : i32 to index
        %get3A_373 = arith.index_cast %add3A_349 : i32 to index
        %get3A_374 = arith.constant 48 : index
        %get3A_375 = tpu.vector_load %arg6[%get3A_372, %get3A_373, %get3A_374] {strides = array<i32>} : memref<5x200x64xf32, #tpu.memory_space<vmem>>, vector<1x1x16xf32>,
        %get3A_376 = vector.shape_cast %get3A_375 : vector<1x1x16xf32> to vector<16xf32>
        %add3A_377 = arith.addf %add3A_346, %get3A_376 : vector<16xf32>
        %scan3A_378 = arith.constant 7 : i32
        %scan3A_379 = arith.addi %scan3A_159, %scan3A_378 : i32
        %add3A_380 = arith.addi %mul3A_111, %scan3A_379 : i32
        %get3A_381 = arith.constant 2 : i32
        %get3A_382 = arith.index_cast %get3A_381 : i32 to index
        %get3A_383 = arith.index_cast %add3A_380 : i32 to index
        %get3A_384 = arith.constant 0 : index
        %get3A_385 = tpu.vector_load %arg6[%get3A_382, %get3A_383, %get3A_384] {strides = array<i32>} : memref<5x200x64xf32, #tpu.memory_space<vmem>>, vector<1x1x16xf32>,
        %get3A_386 = vector.shape_cast %get3A_385 : vector<1x1x16xf32> to vector<16xf32>
        %add3A_387 = arith.addf %add3A_356, %get3A_386 : vector<16xf32>
        %get3A_388 = arith.constant 2 : i32
        %get3A_389 = arith.index_cast %get3A_388 : i32 to index
        %get3A_390 = arith.index_cast %add3A_380 : i32 to index
        %get3A_391 = arith.constant 16 : index
        %get3A_392 = tpu.vector_load %arg6[%get3A_389, %get3A_390, %get3A_391] {strides = array<i32>} : memref<5x200x64xf32, #tpu.memory_space<vmem>>, vector<1x1x16xf32>,
        %get3A_393 = vector.shape_cast %get3A_392 : vector<1x1x16xf32> to vector<16xf32>
        %add3A_394 = arith.addf %add3A_363, %get3A_393 : vector<16xf32>
        %get3A_395 = arith.constant 2 : i32
        %get3A_396 = arith.index_cast %get3A_395 : i32 to index
        %get3A_397 = arith.index_cast %add3A_380 : i32 to index
        %get3A_398 = arith.constant 32 : index
        %get3A_399 = tpu.vector_load %arg6[%get3A_396, %get3A_397, %get3A_398] {strides = array<i32>} : memref<5x200x64xf32, #tpu.memory_space<vmem>>, vector<1x1x16xf32>,
        %get3A_400 = vector.shape_cast %get3A_399 : vector<1x1x16xf32> to vector<16xf32>
        %add3A_401 = arith.addf %add3A_370, %get3A_400 : vector<16xf32>
        %get3A_402 = arith.constant 2 : i32
        %get3A_403 = arith.index_cast %get3A_402 : i32 to index
        %get3A_404 = arith.index_cast %add3A_380 : i32 to index
        %get3A_405 = arith.constant 48 : index
        %get3A_406 = tpu.vector_load %arg6[%get3A_403, %get3A_404, %get3A_405] {strides = array<i32>} : memref<5x200x64xf32, #tpu.memory_space<vmem>>, vector<1x1x16xf32>,
        %get3A_407 = vector.shape_cast %get3A_406 : vector<1x1x16xf32> to vector<16xf32>
        %add3A_408 = arith.addf %add3A_377, %get3A_407 : vector<16xf32>
        %scan3A_409 = arith.constant 8 : i32
        %scan3A_410 = arith.addi %scan3A_159, %scan3A_409 : i32
        %add3A_411 = arith.addi %mul3A_111, %scan3A_410 : i32
        %get3A_412 = arith.constant 2 : i32
        %get3A_413 = arith.index_cast %get3A_412 : i32 to index
        %get3A_414 = arith.index_cast %add3A_411 : i32 to index
        %get3A_415 = arith.constant 0 : index
        %get3A_416 = tpu.vector_load %arg6[%get3A_413, %get3A_414, %get3A_415] {strides = array<i32>} : memref<5x200x64xf32, #tpu.memory_space<vmem>>, vector<1x1x16xf32>,
        %get3A_417 = vector.shape_cast %get3A_416 : vector<1x1x16xf32> to vector<16xf32>
        %add3A_418 = arith.addf %add3A_387, %get3A_417 : vector<16xf32>
        %get3A_419 = arith.constant 2 : i32
        %get3A_420 = arith.index_cast %get3A_419 : i32 to index
        %get3A_421 = arith.index_cast %add3A_411 : i32 to index
        %get3A_422 = arith.constant 16 : index
        %get3A_423 = tpu.vector_load %arg6[%get3A_420, %get3A_421, %get3A_422] {strides = array<i32>} : memref<5x200x64xf32, #tpu.memory_space<vmem>>, vector<1x1x16xf32>,
        %get3A_424 = vector.shape_cast %get3A_423 : vector<1x1x16xf32> to vector<16xf32>
        %add3A_425 = arith.addf %add3A_394, %get3A_424 : vector<16xf32>
        %get3A_426 = arith.constant 2 : i32
        %get3A_427 = arith.index_cast %get3A_426 : i32 to index
        %get3A_428 = arith.index_cast %add3A_411 : i32 to index
        %get3A_429 = arith.constant 32 : index
        %get3A_430 = tpu.vector_load %arg6[%get3A_427, %get3A_428, %get3A_429] {strides = array<i32>} : memref<5x200x64xf32, #tpu.memory_space<vmem>>, vector<1x1x16xf32>,
        %get3A_431 = vector.shape_cast %get3A_430 : vector<1x1x16xf32> to vector<16xf32>
        %add3A_432 = arith.addf %add3A_401, %get3A_431 : vector<16xf32>
        %get3A_433 = arith.constant 2 : i32
        %get3A_434 = arith.index_cast %get3A_433 : i32 to index
        %get3A_435 = arith.index_cast %add3A_411 : i32 to index
        %get3A_436 = arith.constant 48 : index
        %get3A_437 = tpu.vector_load %arg6[%get3A_434, %get3A_435, %get3A_436] {strides = array<i32>} : memref<5x200x64xf32, #tpu.memory_space<vmem>>, vector<1x1x16xf32>,
        %get3A_438 = vector.shape_cast %get3A_437 : vector<1x1x16xf32> to vector<16xf32>
        %add3A_439 = arith.addf %add3A_408, %get3A_438 : vector<16xf32>
        %scan3A_440 = arith.constant 9 : i32
        %scan3A_441 = arith.addi %scan3A_159, %scan3A_440 : i32
        %add3A_442 = arith.addi %mul3A_111, %scan3A_441 : i32
        %get3A_443 = arith.constant 2 : i32
        %get3A_444 = arith.index_cast %get3A_443 : i32 to index
        %get3A_445 = arith.index_cast %add3A_442 : i32 to index
        %get3A_446 = arith.constant 0 : index
        %get3A_447 = tpu.vector_load %arg6[%get3A_444, %get3A_445, %get3A_446] {strides = array<i32>} : memref<5x200x64xf32, #tpu.memory_space<vmem>>, vector<1x1x16xf32>,
        %get3A_448 = vector.shape_cast %get3A_447 : vector<1x1x16xf32> to vector<16xf32>
        %add3A_449 = arith.addf %add3A_418, %get3A_448 : vector<16xf32>
        %get3A_450 = arith.constant 2 : i32
        %get3A_451 = arith.index_cast %get3A_450 : i32 to index
        %get3A_452 = arith.index_cast %add3A_442 : i32 to index
        %get3A_453 = arith.constant 16 : index
        %get3A_454 = tpu.vector_load %arg6[%get3A_451, %get3A_452, %get3A_453] {strides = array<i32>} : memref<5x200x64xf32, #tpu.memory_space<vmem>>, vector<1x1x16xf32>,
        %get3A_455 = vector.shape_cast %get3A_454 : vector<1x1x16xf32> to vector<16xf32>
        %add3A_456 = arith.addf %add3A_425, %get3A_455 : vector<16xf32>
        %get3A_457 = arith.constant 2 : i32
        %get3A_458 = arith.index_cast %get3A_457 : i32 to index
        %get3A_459 = arith.index_cast %add3A_442 : i32 to index
        %get3A_460 = arith.constant 32 : index
        %get3A_461 = tpu.vector_load %arg6[%get3A_458, %get3A_459, %get3A_460] {strides = array<i32>} : memref<5x200x64xf32, #tpu.memory_space<vmem>>, vector<1x1x16xf32>,
        %get3A_462 = vector.shape_cast %get3A_461 : vector<1x1x16xf32> to vector<16xf32>
        %add3A_463 = arith.addf %add3A_432, %get3A_462 : vector<16xf32>
        %get3A_464 = arith.constant 2 : i32
        %get3A_465 = arith.index_cast %get3A_464 : i32 to index
        %get3A_466 = arith.index_cast %add3A_442 : i32 to index
        %get3A_467 = arith.constant 48 : index
        %get3A_468 = tpu.vector_load %arg6[%get3A_465, %get3A_466, %get3A_467] {strides = array<i32>} : memref<5x200x64xf32, #tpu.memory_space<vmem>>, vector<1x1x16xf32>,
        %get3A_469 = vector.shape_cast %get3A_468 : vector<1x1x16xf32> to vector<16xf32>
        %add3A_470 = arith.addf %add3A_439, %get3A_469 : vector<16xf32>
        scf.yield %add3A_449, %add3A_456, %add3A_463, %add3A_470 : vector<16xf32>, vector<16xf32>, vector<16xf32>, vector<16xf32>
      }
      %scan3A_124 = arith.constant 50 : i32
      %add3A_125 = arith.constant 508 : i32
      %add3A_126 = arith.addi %add3A_125, %scan3A_108 : i32
      %mul3A_127 = arith.constant 2.000000e-02 : f32
      %mul3A_128 = vector.broadcast %mul3A_127 : f32 to vector<16xf32>
      %mul3A_129 = arith.mulf %scan3A_123#0, %mul3A_128 : vector<16xf32>
      %swap3A = arith.index_cast %add3A_126 : i32 to index
      %swap3A_130 = arith.constant 0 : index
      %swap3A_131 = tpu.vector_load %arg7[%swap3A, %swap3A_130] {strides = array<i32>} : memref<512x64xf32, #tpu.memory_space<vmem>>, vector<1x16xf32>,
      %swap3A_132 = vector.shape_cast %swap3A_131 : vector<1x16xf32> to vector<16xf32>
      %swap3A_133 = vector.shape_cast %mul3A_129 : vector<16xf32> to vector<1x16xf32>
      tpu.vector_store %arg7[%swap3A, %swap3A_130], %swap3A_133 {strides = array<i32>} : memref<512x64xf32, #tpu.memory_space<vmem>>, vector<1x16xf32>,
      %mul3A_134 = arith.constant 2.000000e-02 : f32
      %mul3A_135 = vector.broadcast %mul3A_134 : f32 to vector<16xf32>
      %mul3A_136 = arith.mulf %scan3A_123#1, %mul3A_135 : vector<16xf32>
      %swap3A_137 = arith.index_cast %add3A_126 : i32 to index
      %swap3A_138 = arith.constant 16 : index
      %swap3A_139 = tpu.vector_load %arg7[%swap3A_137, %swap3A_138] {strides = array<i32>} : memref<512x64xf32, #tpu.memory_space<vmem>>, vector<1x16xf32>,
      %swap3A_140 = vector.shape_cast %swap3A_139 : vector<1x16xf32> to vector<16xf32>
      %swap3A_141 = vector.shape_cast %mul3A_136 : vector<16xf32> to vector<1x16xf32>
      tpu.vector_store %arg7[%swap3A_137, %swap3A_138], %swap3A_141 {strides = array<i32>} : memref<512x64xf32, #tpu.memory_space<vmem>>, vector<1x16xf32>,
      %mul3A_142 = arith.constant 2.000000e-02 : f32
      %mul3A_143 = vector.broadcast %mul3A_142 : f32 to vector<16xf32>
      %mul3A_144 = arith.mulf %scan3A_123#2, %mul3A_143 : vector<16xf32>
      %swap3A_145 = arith.index_cast %add3A_126 : i32 to index
      %swap3A_146 = arith.constant 32 : index
      %swap3A_147 = tpu.vector_load %arg7[%swap3A_145, %swap3A_146] {strides = array<i32>} : memref<512x64xf32, #tpu.memory_space<vmem>>, vector<1x16xf32>,
      %swap3A_148 = vector.shape_cast %swap3A_147 : vector<1x16xf32> to vector<16xf32>
      %swap3A_149 = vector.shape_cast %mul3A_144 : vector<16xf32> to vector<1x16xf32>
      tpu.vector_store %arg7[%swap3A_145, %swap3A_146], %swap3A_149 {strides = array<i32>} : memref<512x64xf32, #tpu.memory_space<vmem>>, vector<1x16xf32>,
      %mul3A_150 = arith.constant 2.000000e-02 : f32
      %mul3A_151 = vector.broadcast %mul3A_150 : f32 to vector<16xf32>
      %mul3A_152 = arith.mulf %scan3A_123#3, %mul3A_151 : vector<16xf32>
      %swap3A_153 = arith.index_cast %add3A_126 : i32 to index
      %swap3A_154 = arith.constant 48 : index
      %swap3A_155 = tpu.vector_load %arg7[%swap3A_153, %swap3A_154] {strides = array<i32>} : memref<512x64xf32, #tpu.memory_space<vmem>>, vector<1x16xf32>,
      %swap3A_156 = vector.shape_cast %swap3A_155 : vector<1x16xf32> to vector<16xf32>
      %swap3A_157 = vector.shape_cast %mul3A_152 : vector<16xf32> to vector<1x16xf32>
      tpu.vector_store %arg7[%swap3A_153, %swap3A_154], %swap3A_157 {strides = array<i32>} : memref<512x64xf32, #tpu.memory_space<vmem>>, vector<1x16xf32>,
      %scan3A_158 = arith.constant 0 : i32
      scf.yield %scan3A_158 : i32
    }
    %scan3A_107 = arith.constant 4 : i32
    "tpu.region"() ({
      %run_scoped3A = tpu.sem_alloc : memref<!tpu.dma_semaphore, #tpu.memory_space<semaphore_mem>>
      %dma_start3A_108 = arith.constant 0 : i32
      %dma_start3A_109 = tpu.memref_slice %arg4[%mul3A_2, %dma_start3A_108] : memref<16384x64xf32, #tpu.memory_space<hbm>> -> memref<512x64xf32, #tpu.memory_space<hbm>>
      %dma_start3A_110 = arith.constant 0 : i32
      %dma_start3A_111 = tpu.memref_slice %arg4[%mul3A_2, %dma_start3A_110] : memref<16384x64xf32, #tpu.memory_space<hbm>> -> memref<512x64xf32, #tpu.memory_space<hbm>>
      tpu.enqueue_dma source(%arg7 : memref<512x64xf32, #tpu.memory_space<vmem>>) target(%dma_start3A_111 : memref<512x64xf32, #tpu.memory_space<hbm>>) target_semaphore(%run_scoped3A : memref<!tpu.dma_semaphore, #tpu.memory_space<semaphore_mem>>)
      %dma_wait3A_112 = arith.constant 0 : i32
      %dma_wait3A_113 = tpu.memref_slice %arg4[%mul3A_2, %dma_wait3A_112] : memref<16384x64xf32, #tpu.memory_space<hbm>> -> memref<512x64xf32, #tpu.memory_space<hbm>>
      %dma_wait3A_114 = arith.constant 0 : i32
      %dma_wait3A_115 = tpu.memref_slice %arg4[%mul3A_2, %dma_wait3A_114] : memref<16384x64xf32, #tpu.memory_space<hbm>> -> memref<512x64xf32, #tpu.memory_space<hbm>>
      tpu.wait_dma2 semaphore(%run_scoped3A : memref<!tpu.dma_semaphore, #tpu.memory_space<semaphore_mem>>) src(%arg7 : memref<512x64xf32, #tpu.memory_space<vmem>>) dst(%dma_wait3A_115 : memref<512x64xf32, #tpu.memory_space<hbm>>)
      tpu.yield
    }) : () -> ()
    return
  }
}

</mosaic_0001>

<sc_bundles>
// kernel: kernel.3.cloned.1.call-start
scs
__scs_entry_jumppad:
0x0: {  	(pc) =	sbr.rel $0x88, $3  }
0x1: {  	(tag) =	ssettag $0x0;
	lr =	simm.s32 $0x1  }
0x2: {  	[smem:$0x3F9F] =	sst lr;
	_ =	strace $0xD0000000  }
0x3: {  	_ = 	snop  }
0x4: {  	_ = 	snop  }
0x5: {  	_ = 	snop  }
0x6: {  	_ = 	snop  }
0x7: {  	_ = 	snop  }
__scs_overlays_trampoline_lowered:
0x8: {  	[smem:$0x3FAE] =	sst s0  }
0x9: {  	[smem:$0x3FAF] =	sst s1  }
0xa: {  	[smem:$0x3FB0] =	sst s2  }
0xb: {  	[smem:$0x3FB1] =	sst s3  }
0xc: {  	[smem:$0x3FB2] =	sst s4  }
0xd: {  	[smem:$0x3FB3] =	sst s5  }
0xe: {  	[smem:$0x3FB4] =	sst s6  }
0xf: {  	[smem:$0x3FB5] =	sst s7  }
0x10: {  	[smem:$0x3FB6] =	sst s8  }
0x11: {  	[smem:$0x3FB7] =	sst s9;
	s0 =	simm.s32 @!p0 $0x0  }
0x12: {  	s1 =	sld [smem:$0x3F9D];
	s0 =	simm.s32 @p0 $0x1  }
0x13: {  	[smem:$0x3FB8] =	sst s0;
	s0 =	simm.s32 @!p1 $0x0  }
0x14: {  	s2 =	sld [smem:$0x3F9C];
	s0 =	simm.s32 @p1 $0x1  }
0x15: {  	[smem:$0x3FB9] =	sst s0;
	s0 =	simm.s32 @!p2 $0x0  }
0x16: {  	s3 =	sld [smem:$0x3FDB];
	s0 =	simm.s32 @p2 $0x1  }
0x17: {  	s4 =	simm.s32 $0x1BF5;
	[smem:$0x3FBB] =	sst s0  }
0x18: {  	s0 =	sld [smem:$0x3F9E];
	_ =	swait.ge [sflag:s4], $0x0  }
0x19: {  	s7 =	sld [smem:$0x3F9F]  }
0x1a: {  	s8 =	sadd.s32 $0xFFFFE003, lr  }
0x1b: {  	s9 =	sadd.s32 $0xFFFFFEF7, lr;
	s5 =	simm.s32 $0xFFFFFFFF;
	p2 =	slt.u32 s8, $0xFFFFF086  }
0x1c: {  	p1 =	slt.u32 s9, $0xF7A;
	s5 =	simm.s32 @!p2 $0x0  }
0x1d: {  	s5 =	simm.s32 @p1 $0x1;
	p0 =	seq.s32 s7, s2  }
0x1e: {  	s7 =	smul.u32 @!p0 $0xF7A, s2;
	p2 =	seq.s32 @!p0 s5, $0x0  }
0x1f: {  	s9 =	smul.u32 $0xF7A, s1;
	s8 =	simm.s32 @!p0 $0x1BF5;
	p2 =	por !p2, p0  }
0x20: {  	[sflag:s8] =	ssyncset.s32 @!p0 $0xFFFFF086;
	s6 =	sadd.s32 @!p0 s3, s7;
	s7 =	simm.s32 @!p0 $0x108  }
0x21: {  	s3 =	sadd.s32 s3, s9;
	s6 =	sadd.s32 @!p0 $0x88, s6;
	s7 =	simm.s32 @p2 $0x1082  }
0x22: {  	[simem:s7], [sflag:s8] =	dma.local @!p0 [hbm:s6], $0xF7A  }
0x23: {  	s9 =	sor.u32 $0xD0000000, s2;
	s6 =	simm.s32 $0x108;
	_ =	swait.ge @!p0 [sflag:s8], $0x0  }
0x24: {  	s3 =	sadd.s32 $0x88, s3;
	s6 =	simm.s32 @!p1 $0x1082;
	[sflag:s4] =	ssyncset.s32 $0xFFFFF086  }
0x25: {  	[simem:s6], [sflag:s4] =	dma.local [hbm:s3], $0xF7A  }
0x26: {  	[smem:$0x3F9F] =	sst s1;
	(tag) =	ssettag s2;
	_ =	strace s9  }
0x27: {  	s1 =	sld [smem:$0x3FAF]  }
0x28: {  	s2 =	sld [smem:$0x3FB0]  }
0x29: {  	s4 =	sld [smem:$0x3FB2]  }
0x2a: {  	p0 =	seq.s32 s5, $0x0;
	s5 =	sld [smem:$0x3FB3]  }
0x2b: {  	s6 =	sld [smem:$0x3FB4]  }
0x2c: {  	s7 =	sld [smem:$0x3FB5]  }
0x2d: {  	s3 =	simm.s32 $0x108;
	s8 =	sld [smem:$0x3FB6]  }
0x2e: {  	s3 =	simm.s32 @!p0 $0x1082;
	s9 =	sld [smem:$0x3FB7]  }
0x2f: {  	lr =	sadd.s32 s0, s3;
	s0 =	sld [smem:$0x3FAE]  }
0x30: {  	s3 =	sld [smem:$0x3FB1]  }
0x31: {  	[smem:$0x3FBA] =	sst s10  }
0x32: {  	s10 =	sld [smem:$0x3FB8];
	_ =	sdelay $0x3  }
0x33: {  	p0 =	seq.s32 s10, $0x1;
	s10 =	sld [smem:$0x3FBA];
	_ =	sdelay $0x3  }
0x34: {  	[smem:$0x3FBA] =	sst s10  }
0x35: {  	s10 =	sld [smem:$0x3FB9];
	_ =	sdelay $0x3  }
0x36: {  	p1 =	seq.s32 s10, $0x1;
	s10 =	sld [smem:$0x3FBA];
	_ =	sdelay $0x3  }
0x37: {  	[smem:$0x3FBA] =	sst s10  }
0x38: {  	s10 =	sld [smem:$0x3FBB]  }
0x39: {  	_ = 	snop;
	(pc) =	sbr.ind lr, $3  }
0x3a: {  	_ = 	snop  }
0x3b: {  	_ = 	snop  }
0x3c: {  	p2 =	seq.s32 s10, $0x1;
	s10 =	sld [smem:$0x3FBA]  }
0x3d: {  	_ =	shalt  }
0x3e: {  	_ =	shalt  }
0x3f: {  	_ =	shalt  }
0x40: {  	_ =	shalt  }
0x41: {  	_ =	shalt  }
0x42: {  	_ =	shalt  }
0x43: {  	_ =	shalt  }
0x44: {  	_ =	shalt  }
0x45: {  	_ =	shalt  }
0x46: {  	_ =	shalt  }
0x47: {  	_ =	shalt  }
0x48: {  	_ =	shalt  }
0x49: {  	_ =	shalt  }
0x4a: {  	_ =	shalt  }
0x4b: {  	_ =	shalt  }
0x4c: {  	_ =	shalt  }
0x4d: {  	_ =	shalt  }
0x4e: {  	_ =	shalt  }
0x4f: {  	_ =	shalt  }
0x50: {  	_ =	shalt  }
0x51: {  	_ =	shalt  }
0x52: {  	_ =	shalt  }
0x53: {  	_ =	shalt  }
0x54: {  	_ =	shalt  }
0x55: {  	_ =	shalt  }
0x56: {  	_ =	shalt  }
0x57: {  	_ =	shalt  }
0x58: {  	_ =	shalt  }
0x59: {  	_ =	shalt  }
0x5a: {  	_ =	shalt  }
0x5b: {  	_ =	shalt  }
0x5c: {  	_ =	shalt  }
0x5d: {  	_ =	shalt  }
0x5e: {  	_ =	shalt  }
0x5f: {  	_ =	shalt  }
0x60: {  	_ =	shalt  }
0x61: {  	_ =	shalt  }
0x62: {  	_ =	shalt  }
0x63: {  	_ =	shalt  }
0x64: {  	_ =	shalt  }
0x65: {  	_ =	shalt  }
0x66: {  	_ =	shalt  }
0x67: {  	_ =	shalt  }
0x68: {  	_ =	shalt  }
0x69: {  	_ =	shalt  }
0x6a: {  	_ =	shalt  }
0x6b: {  	_ =	shalt  }
0x6c: {  	_ =	shalt  }
0x6d: {  	_ =	shalt  }
0x6e: {  	_ =	shalt  }
0x6f: {  	_ =	shalt  }
0x70: {  	_ =	shalt  }
0x71: {  	_ =	shalt  }
0x72: {  	_ =	shalt  }
0x73: {  	_ =	shalt  }
0x74: {  	_ =	shalt  }
0x75: {  	_ =	shalt  }
0x76: {  	_ =	shalt  }
0x77: {  	_ =	shalt  }
0x78: {  	_ =	shalt  }
0x79: {  	_ =	shalt  }
0x7a: {  	_ =	shalt  }
0x7b: {  	_ =	shalt  }
0x7c: {  	_ =	shalt  }
0x7d: {  	_ =	shalt  }
0x7e: {  	_ =	shalt  }
0x7f: {  	_ =	shalt  }
0x80: {  	_ =	shalt  }
0x81: {  	_ =	shalt  }
0x82: {  	_ =	shalt  }
0x83: {  	_ =	shalt  }
0x84: {  	_ =	shalt  }
0x85: {  	_ =	shalt  }
0x86: {  	_ =	shalt  }
0x87: {  	_ =	shalt  }
.Lfunc_end0:
.L_simem_size_0:
called_computation_lowered:
.L_overlay_start_0:
0x88: {  	s2 =	sld [smem:$0x3FD9]  }
0x89: {  	s3 =	sld [smem:$0x3FFE];
	_ =	sdelay $0x1  }
0x8a: {  	s1 =	srdreg.scid  }
0x8b: {  	s0 =	sand.u32 $0x1, s1  }
0x8c: {  	s17 =	sshll.u32 s0, $0xA;
	s2 =	sadd.s32 s3, s2  }
0x8d: {  	s2 =	sadd.s32 s2, s17  }
0x8e: {  	[smem:$0x3FC6] =	sst s2  }
0x8f: {  	_ = 	snop  }
0x90: {  	s2 =	sld [smem:$0x3FD0];
	(tm) =	ssettm $0x1  }
0x91: {  	s18 =	sld [smem:$0x3FFB];
	_ =	sdelay $0x3  }
0x92: {  	_ =	strace s18  }
0x93: {  	s3 =	sld [smem:$0x3FFC];
	_ =	sdelay $0x3  }
0x94: {  	_ =	strace s3  }
0x95: {  	s3 =	sld [smem:$0x3FFD];
	_ =	sdelay $0x3  }
0x96: {  	_ =	strace s3  }
0x97: {  	_ =	strace $0x8FFFFFFF  }
0x98: {  	s19 =	sld [smem:$0x3FDB];
	_ =	sdelay $0x1  }
0x99: {  	s4 =	simm.s32 $_scs_section_size  }
0x9a: {  	s5 =	simm.s32 $_size__tile_overlayer_lowered;
	s6 =	simm.s32 $_tile_overlayer_lowered  }
0x9b: {  	s22 =	simm.s32 $0x1BFF;
	s21 =	sshll.u32 s6, $0x1;
	s3 =	sadd.s32 s4, s19  }
0x9c: {  	s7 =	simm.s32 $0x0;
	s20 =	sshll.u32 s5, $0x1;
	s5 =	sadd.s32 s21, s3  }
0x9d: {  	[timem:s7], [sflag:s22] =	dma.local [hbm:s5], s20  }
0x9e: {  	_ =	swait.ge [sflag:s22], s20  }
0x9f: {  	s4 =	ssub.s32 $0x0, s20;
	[sflag:s22] =	ssyncset.done $0x0  }
0xa0: {  	[sflag:s22] =	ssyncadd.s32 s4;
	_ =	sdelay $0x1  }
0xa1: {  	s23 =	simm.s32 $0x1B8B  }
0xa2: {  	_ =	swait.ge [sflag:s23], $0x1  }
0xa3: {  	[sflag:s23] =	ssyncset.done $0x0  }
0xa4: {  	s25 =	simm.s32 $0x1B8E;
	s24 =	sld [smem:$0x3FFE];
	[sflag:s23] =	ssyncadd.s32 $0xFFFFFFFF  }
0xa5: {  	s26 =	simm.s32 $execute0_lowered;
	[smem:$0x3FD2] =	sst s25  }
0xa6: {  	s5 =	sshll.u32 s26, $0x1;
	_ =	strace $0x80000046;
	[dreg:$0x1] =	wrdreg $0xFFFFFFFF  }
0xa7: {  	s28 =	simm.s32 $_size_execute0_lowered;
	s3 =	sadd.s32 s3, s5;
	[dreg:$0x0] =	wrdreg $0x0  }
0xa8: {  	s5 =	sshll.u32 s28, $0x1;
	[dreg:$0x2] =	wrdreg s3  }
0xa9: {  	[dreg:$0x3] =	wrdreg s5  }
0xaa: {  	[dreg:$0x4] =	wrdreg $0xC0  }
0xab: {  	_ =	task [dreg:s7], $0x5FFFF  }
0xac: {  	[dreg:$0x1] =	wrdreg $0xFFFFFFFF  }
0xad: {  	[dreg:$0x0] =	wrdreg $0x60  }
0xae: {  	[dreg:$0x2] =	wrdreg s24  }
0xaf: {  	[dreg:$0x3] =	wrdreg s2  }
0xb0: {  	[dreg:$0x4] =	wrdreg $0x9  }
0xb1: {  	_ =	task.clear_ibuf [dreg:s7], $0x5FFFF;
	_ =	strace $0x90000046  }
0xb2: {  	s29 =	simm.s32 $0x9;
	_ =	strace $0x80000048  }
0xb3: {  	_ =	swait.ge [sflag:s29], $0x1  }
0xb4: {  	[sflag:s29] =	ssyncadd.s32 $0xFFFFFFFF  }
0xb5: {  	_ =	strace $0x90000048  }
0xb6: {  	_ =	sfence  }
0xb7: {  	s30 =	sld [smem:$0x0];
	_ =	sdelay $0x2  }
0xb8: {  	s31 =	sshll.u32 s1, $0xD;
	s1 =	sshrl.u32 s1, $0x2  }
0xb9: {  	s3 =	sand.u32 $0x4000, s31;
	s1 =	sadd.s32 s1, s30  }
0xba: {  	s0 =	sor.u32 s3, s0;
	s1 =	sshll.u32 s1, $0x11  }
0xbb: {  	s0 =	sor.u32 s1, s0  }
0xbc: {  	s0 =	sadd.s32 $0x8F2B, s0  }
0xbd: {  	[sflag:s0] =	ssyncadd.remote.s32 $0x1  }
0xbe: {  	_ =	sfence.sel $0xFFFF  }
0xbf: {  	[dreg:$0x0] =	wrdreg $0xFFFFFFFF;
	(pc) =	sbr.abs _section_cstart, $3  }
0xc0: {  	[dreg:$0x1] =	wrdreg $0xFFFFFFFF  }
0xc1: {  	_ =	task.clear_ibuf [dreg:s7], $0x2FFFF;
	_ =	strace $0x9FFFFFFF  }
0xc2: {  	(tm) =	ssettm $0x7FFFFFFF  }
0xc3: {  	_ =	shalt  }
tec
execute0_lowered:
.L_overlay_start_1:
0x0: {  	(tag) =	ssettag $0x1  }
0x1: {  	s1 =	srdreg.scid;
	s3 =	rddreg [dreg:$0x0]  }
0x2: {  	s0 =	stileid.u32;
	s5 =	rddreg [dreg:$0x1]  }
0x3: {  	s9 =	simm.s32 $0x6400;
	s10 =	simm.s32 $0x9600;
	s11 =	simm.s32 $0x190  }
0x4: {  	s12 =	simm.s32 $0xC800;
	s13 =	simm.s32 $0x258;
	s14 =	simm.s32 $0xFA00  }
0x5: {  	s15 =	simm.s32 $0x320;
	s16 =	simm.s32 $0x12C00;
	s17 =	simm.s32 $0x1  }
0x6: {  	s18 =	simm.s32 $0x2;
	s19 =	simm.s32 $0x3;
	s20 =	simm.s32 $0x4  }
0x7: {  	s21 =	simm.s32 $0x5;
	s1 =	sand.u32 $0x1, s1;
	s2 =	sshll.u32 s0, $0x1  }
0x8: {  	s22 =	simm.s32 $0x15E00;
	s23 =	simm.s32 $0x0;
	s4 =	sor.u32 s1, s2  }
0x9: {  	s2 =	simm.s32 $0x0;
	s1 =	ssub.s32 $0x2, s1;
	s6 =	smul.u32 $0xC80, s4  }
0xa: {  	[smem:$0x7FF] =	sst s2;
	s7 =	sshrl.u32 s1, $0x1;
	s8 =	sshll.u32 s4, $0xC  }
0xb: {  	_ =	strace $0x80000047;
	s1 =	ssub.s32 s1, s7;
	s5 =	sadd.s32 s5, s8  }
0xc: {  	s7 =	simm.s32 $0x6;
	s8 =	simm.s32 $0xC8;
	s6 =	sadd.s32 s6, s3  }
0xd: {  	s3 =	sadd.s32 $0xF42A00, s3;
	s4 =	sadd.s32 $0x600, s6;
	s6 =	smax.u32 s1, $0x1  }
.LBB2_1:
0xe: {  	[tilespmem:s2], [sflag:$0x6] =	stream.linear.gather [hbm4b:s4+s2], $0x6400, $0x38;
	[tilespmem:$0x1DE00] =	vst v63  }
0xf: {  	_ =	swait.ge [sflag:s7], $0x6400  }
0x10: {  	[sflag:s7] =	ssyncset.done $0x0  }
0x11: {  	[sflag:s7] =	ssyncadd.s32 $0xFFFF9C00  }
0x12: {  	[tilespmem:s9], [sflag:$0x1] =	stream.indirect.gather [hbm4b:s3+s8], $0x40, s2, s8, $0xb8;
	[tilespmem:$0x1DE00] =	vst v63  }
0x13: {  	_ = 	snop  }
0x14: {  	[tilespmem:s10], [sflag:$0x2] =	stream.indirect.gather [hbm4b:s3+s8], $0x40, s8, s8, $0xb8;
	[tilespmem:$0x1DE00] =	vst v63  }
0x15: {  	_ = 	snop  }
0x16: {  	[tilespmem:s12], [sflag:$0x3] =	stream.indirect.gather [hbm4b:s3+s8], $0x40, s11, s8, $0xb8;
	[tilespmem:$0x1DE00] =	vst v63  }
0x17: {  	_ = 	snop  }
0x18: {  	[tilespmem:s14], [sflag:$0x4] =	stream.indirect.gather [hbm4b:s3+s8], $0x40, s13, s8, $0xb8;
	[tilespmem:$0x1DE00] =	vst v63  }
0x19: {  	s24 =	simm.s32 $0x0  }
0x1a: {  	[tilespmem:s16], [sflag:$0x5] =	stream.indirect.gather [hbm4b:s3+s8], $0x40, s15, s8, $0xb8;
	[tilespmem:$0x1DE00] =	vst v63  }
.LBB2_2:
0x1b: {  	_ =	swait.ge [sflag:s17], $0x3200  }
0x1c: {  	s26 =	smul.u32 $0x14, s24;
	[sflag:s17] =	ssyncset.done $0x0  }
0x1d: {  	s25 =	simm.s32 $0x0;
	s28 =	simm.s32 $0x6540;
	[sflag:s17] =	ssyncadd.s32 $0xFFFFCE00  }
.LBB2_3:
0x1e: {  	v0 =	vld [tilespmem:s28+$0x100]  }
0x1f: {  	v1 =	vld [tilespmem:s28+$0x110]  }
0x20: {  	v2 =	vld [tilespmem:s28+$0xC0]  }
0x21: {  	v3 =	vld [tilespmem:s28+$0xD0]  }
0x22: {  	v9 =	vld [tilespmem:s28+$0x80]  }
0x23: {  	v12 =	vld [tilespmem:s28+$0x90]  }
0x24: {  	v6 =	vld [tilespmem:s28+$0x40]  }
0x25: {  	v8 =	vld [tilespmem:s28+$0x50]  }
0x26: {  	v5 =	vld [tilespmem:s28+$0x0]  }
0x27: {  	v7 =	vld [tilespmem:s28+$0x10]  }
0x28: {  	v4 =	vld [tilespmem:s28+$0xFFFFFFC0]  }
0x29: {  	v10 =	vld [tilespmem:s28+$0xFFFFFFD0]  }
0x2a: {  	v11 =	vld [tilespmem:s28+$0xFFFFFF80]  }
0x2b: {  	v13 =	vld [tilespmem:s28+$0xFFFFFF90]  }
0x2c: {  	v14 =	vld [tilespmem:s28+$0xFFFFFF40]  }
0x2d: {  	v15 =	vld [tilespmem:s28+$0xFFFFFF50]  }
0x2e: {  	v16 =	vld [tilespmem:s28+$0xFFFFFF00]  }
0x2f: {  	v17 =	vld [tilespmem:s28+$0xFFFFFF10]  }
0x30: {  	v18 =	vld [tilespmem:s28+$0xFFFFFEC0]  }
0x31: {  	v19 =	vld [tilespmem:s28+$0xFFFFFED0]  }
0x32: {  	v20 =	vld [tilespmem:s28+$0xFFFFFEE0]  }
0x33: {  	v21 =	vld [tilespmem:s28+$0xFFFFFEF0]  }
0x34: {  	v22 =	vld [tilespmem:s28+$0xFFFFFF20]  }
0x35: {  	v23 =	vld [tilespmem:s28+$0xFFFFFF30]  }
0x36: {  	v24 =	vimm.f32 $0.0e+00;
	v25 =	vld [tilespmem:s28+$0xFFFFFF60]  }
0x37: {  	v26 =	vld [tilespmem:s28+$0xFFFFFF70];
	v18 =	vadd.f32 v18, v24;
	v19 =	vadd.f32 v19, v24  }
0x38: {  	v51 =	vld [tilespmem:s28+$0xFFFFFFA0];
	v20 =	vadd.f32 v20, v24;
	v21 =	vadd.f32 v21, v24  }
0x39: {  	v52 =	vld [tilespmem:s28+$0xFFFFFFB0];
	v16 =	vadd.f32 v16, v18;
	v17 =	vadd.f32 v17, v19  }
0x3a: {  	v55 =	vld [tilespmem:s28+$0xFFFFFFE0];
	v53 =	vadd.f32 v22, v20;
	v54 =	vadd.f32 v23, v21  }
0x3b: {  	v56 =	vld [tilespmem:s28+$0xFFFFFFF0];
	v14 =	vadd.f32 v14, v16;
	v15 =	vadd.f32 v15, v17  }
0x3c: {  	v59 =	vld [tilespmem:s28+$0x20];
	v57 =	vadd.f32 v25, v53;
	v58 =	vadd.f32 v26, v54  }
0x3d: {  	v11 =	vadd.f32 v11, v14;
	v13 =	vadd.f32 v13, v15;
	v14 =	vld [tilespmem:s28+$0x30]  }
0x3e: {  	v61 =	vld [tilespmem:s28+$0x60];
	v15 =	vadd.f32 v51, v57;
	v60 =	vadd.f32 v52, v58  }
0x3f: {  	v11 =	vadd.f32 v4, v11;
	v10 =	vadd.f32 v10, v13;
	v13 =	vld [tilespmem:s28+$0x70]  }
0x40: {  	v15 =	vadd.f32 v55, v15;
	v16 =	vadd.f32 v56, v60;
	v4 =	vld [tilespmem:s28+$0xA0]  }
0x41: {  	v11 =	vadd.f32 v5, v11;
	v10 =	vadd.f32 v7, v10;
	v7 =	vld [tilespmem:s28+$0xB0]  }
0x42: {  	v15 =	vadd.f32 v59, v15;
	v5 =	vld [tilespmem:s28+$0xE0];
	v14 =	vadd.f32 v14, v16  }
0x43: {  	v62 =	vadd.f32 v6, v11;
	v63 =	vadd.f32 v8, v10;
	v8 =	vld [tilespmem:s28+$0xF0]  }
0x44: {  	v11 =	vadd.f32 v61, v15;
	v6 =	vld [tilespmem:s28+$0x120];
	v10 =	vadd.f32 v13, v14  }
0x45: {  	s29 =	simm.s32 $0x0;
	s30 =	sadd.s32 $0x280, s28;
	v13 =	vadd.f32 v9, v62;
	v12 =	vadd.f32 v12, v63;
	v9 =	vld [tilespmem:s28+$0x130]  }
.LBB2_4:
0x46: {  	v14 =	vld [tilespmem:s30+$0x100];
	v4 =	vadd.f32 v4, v11;
	v7 =	vadd.f32 v7, v10  }
0x47: {  	v10 =	vld [tilespmem:s30+$0x110];
	v11 =	vadd.f32 v2, v13;
	v12 =	vadd.f32 v3, v12  }
0x48: {  	v2 =	vld [tilespmem:s30+$0xC0];
	v4 =	vadd.f32 v5, v4;
	v5 =	vadd.f32 v8, v7  }
0x49: {  	v3 =	vld [tilespmem:s30+$0xD0];
	v7 =	vadd.f32 v0, v11;
	v8 =	vadd.f32 v1, v12  }
0x4a: {  	v12 =	vld [tilespmem:s30+$0x80];
	v4 =	vadd.f32 v6, v4;
	v5 =	vadd.f32 v9, v5  }
0x4b: {  	v9 =	vld [tilespmem:s30+$0x90];
	v0 =	vmov v14  }
0x4c: {  	v6 =	vld [tilespmem:s30+$0x40];
	v1 =	vmov v10  }
0x4d: {  	v10 =	vld [tilespmem:s30+$0x50]  }
0x4e: {  	v11 =	vld [tilespmem:s30+$0x0]  }
0x4f: {  	v13 =	vld [tilespmem:s30+$0x10]  }
0x50: {  	v14 =	vld [tilespmem:s30+$0xFFFFFFC0]  }
0x51: {  	v15 =	vld [tilespmem:s30+$0xFFFFFFD0]  }
0x52: {  	v16 =	vld [tilespmem:s30+$0xFFFFFF80]  }
0x53: {  	v17 =	vld [tilespmem:s30+$0xFFFFFF90]  }
0x54: {  	v18 =	vld [tilespmem:s30+$0xFFFFFF40]  }
0x55: {  	v19 =	vld [tilespmem:s30+$0xFFFFFF50]  }
0x56: {  	v20 =	vld [tilespmem:s30+$0xFFFFFF00]  }
0x57: {  	v21 =	vld [tilespmem:s30+$0xFFFFFF10]  }
0x58: {  	v22 =	vld [tilespmem:s30+$0xFFFFFEC0]  }
0x59: {  	v23 =	vld [tilespmem:s30+$0xFFFFFED0]  }
0x5a: {  	v24 =	vld [tilespmem:s30+$0xFFFFFEE0]  }
0x5b: {  	s29 =	sadd.s32 $0xA, s29;
	v25 =	vld [tilespmem:s30+$0xFFFFFEF0]  }
0x5c: {  	p0 =	slt.u32 s29, $0x28;
	v26 =	vld [tilespmem:s30+$0xFFFFFF20]  }
0x5d: {  	v27 =	vld [tilespmem:s30+$0xFFFFFF30]  }
0x5e: {  	v28 =	vld [tilespmem:s30+$0xFFFFFF60]  }
0x5f: {  	v7 =	vadd.f32 v22, v7;
	v8 =	vadd.f32 v23, v8;
	v22 =	vld [tilespmem:s30+$0xFFFFFF70]  }
0x60: {  	v4 =	vadd.f32 v24, v4;
	v5 =	vadd.f32 v25, v5;
	v23 =	vld [tilespmem:s30+$0xFFFFFFA0]  }
0x61: {  	v7 =	vadd.f32 v20, v7;
	v8 =	vadd.f32 v21, v8;
	v20 =	vld [tilespmem:s30+$0xFFFFFFB0]  }
0x62: {  	v4 =	vadd.f32 v26, v4;
	v5 =	vadd.f32 v27, v5;
	v21 =	vld [tilespmem:s30+$0xFFFFFFE0]  }
0x63: {  	v7 =	vadd.f32 v18, v7;
	v8 =	vadd.f32 v19, v8;
	v18 =	vld [tilespmem:s30+$0xFFFFFFF0]  }
0x64: {  	v4 =	vadd.f32 v28, v4;
	v5 =	vadd.f32 v22, v5;
	v19 =	vld [tilespmem:s30+$0x20]  }
0x65: {  	v7 =	vadd.f32 v16, v7;
	v8 =	vadd.f32 v17, v8;
	v16 =	vld [tilespmem:s30+$0x30]  }
0x66: {  	v4 =	vadd.f32 v23, v4;
	v5 =	vadd.f32 v20, v5;
	v17 =	vld [tilespmem:s30+$0x60]  }
0x67: {  	v7 =	vadd.f32 v14, v7;
	v8 =	vadd.f32 v15, v8;
	v14 =	vld [tilespmem:s30+$0x70]  }
0x68: {  	v15 =	vadd.f32 v21, v4;
	v5 =	vadd.f32 v18, v5;
	v4 =	vld [tilespmem:s30+$0xA0]  }
.Ltmp0:
0x69: {  	v11 =	vadd.f32 v11, v7;
	v8 =	vadd.f32 v13, v8;
	v7 =	vld [tilespmem:s30+$0xB0];
	(pc) =	sbr.rel @p0 .LBB2_4-.Ltmp0, $4  }
0x6a: {  	v13 =	vadd.f32 v19, v15;
	v15 =	vadd.f32 v16, v5;
	v5 =	vld [tilespmem:s30+$0xE0]  }
0x6b: {  	v16 =	vadd.f32 v6, v11;
	v18 =	vadd.f32 v10, v8;
	v8 =	vld [tilespmem:s30+$0xF0]  }
0x6c: {  	v11 =	vadd.f32 v17, v13;
	v10 =	vadd.f32 v14, v15;
	v6 =	vld [tilespmem:s30+$0x120]  }
0x6d: {  	v13 =	vadd.f32 v12, v16;
	v12 =	vadd.f32 v9, v18;
	v9 =	vld [tilespmem:s30+$0x130];
	s30 =	sadd.s32 $0x280, s30  }
0x6e: {  	_ = 	snop  }
0x6f: {  	v4 =	vadd.f32 v4, v11;
	v2 =	vadd.f32 v2, v13  }
0x70: {  	v7 =	vadd.f32 v7, v10;
	v3 =	vadd.f32 v3, v12  }
0x71: {  	v4 =	vadd.f32 v5, v4;
	v0 =	vadd.f32 v0, v2  }
0x72: {  	s1 =	sadd.s32 s26, s25;
	s25 =	sadd.s32 $0x1, s25;
	v60 =	vadd.f32 v8, v7;
	v1 =	vadd.f32 v1, v3  }
0x73: {  	s1 =	sshll.u32 s1, $0x6;
	p0 =	sne.s32 s25, $0x4;
	v61 =	vadd.f32 v6, v4;
	v0 =	vmul.f32 $1.999999960e-02, v0  }
.Ltmp1:
0x74: {  	s1 =	sand.u32 $0x3FFFFFC0, s1;
	v2 =	vadd.f32 v9, v60;
	v1 =	vmul.f32 $1.999999960e-02, v1;
	(pc) =	sbr.rel @p0 .LBB2_3-.Ltmp1, $4  }
0x75: {  	v62 =	vmul.f32 $1.999999960e-02, v61;
	[tilespmem:s1+$0x15E00] =	vst v0  }
0x76: {  	v63 =	vmul.f32 $1.999999960e-02, v2;
	[tilespmem:s1+$0x15E10] =	vst v1  }
0x77: {  	[tilespmem:s1+$0x15E20] =	vst v62  }
0x78: {  	s28 =	sadd.s32 $0xC80, s28;
	[tilespmem:s1+$0x15E30] =	vst v63  }
0x79: {  	s1 =	smul.u32 $0xFA0, s24;
	_ =	sdelay $0x1  }
0x7a: {  	s25 =	sshra.s32 s1, $0x2  }
0x7b: {  	s1 =	sadd.s32 $0x3E8, s25  }
0x7c: {  	[tilespmem:s9], [sflag:$0x1] =	stream.indirect.gather [hbm4b:s3+s8], $0x40, s1, s8, $0xb8;
	[tilespmem:$0x1DE00] =	vst v63  }
0x7d: {  	_ =	swait.ge [sflag:s18], $0x3200  }
0x7e: {  	s28 =	sadd.s32 $0x4, s26;
	[sflag:s18] =	ssyncset.done $0x0  }
0x7f: {  	s29 =	simm.s32 $0x0;
	s30 =	simm.s32 $0x9870;
	[sflag:s18] =	ssyncadd.s32 $0xFFFFCE00  }
.LBB2_7:
0x80: {  	v0 =	vld [tilespmem:s30+$0xFFFFFFD0]  }
0x81: {  	v1 =	vld [tilespmem:s30+$0xFFFFFFE0]  }
0x82: {  	v2 =	vld [tilespmem:s30+$0xFFFFFF90]  }
0x83: {  	v3 =	vld [tilespmem:s30+$0xFFFFFFA0]  }
0x84: {  	v9 =	vld [tilespmem:s30+$0xFFFFFF50]  }
0x85: {  	v12 =	vld [tilespmem:s30+$0xFFFFFF60]  }
0x86: {  	v6 =	vld [tilespmem:s30+$0xFFFFFF10]  }
0x87: {  	v8 =	vld [tilespmem:s30+$0xFFFFFF20]  }
0x88: {  	v5 =	vld [tilespmem:s30+$0xFFFFFED0]  }
0x89: {  	v7 =	vld [tilespmem:s30+$0xFFFFFEE0]  }
0x8a: {  	v4 =	vld [tilespmem:s30+$0xFFFFFE90]  }
0x8b: {  	v10 =	vld [tilespmem:s30+$0xFFFFFEA0]  }
0x8c: {  	v11 =	vld [tilespmem:s30+$0xFFFFFE50]  }
0x8d: {  	v13 =	vld [tilespmem:s30+$0xFFFFFE60]  }
0x8e: {  	v14 =	vld [tilespmem:s30+$0xFFFFFE10]  }
0x8f: {  	v15 =	vld [tilespmem:s30+$0xFFFFFE20]  }
0x90: {  	v16 =	vld [tilespmem:s30+$0xFFFFFDD0]  }
0x91: {  	v17 =	vld [tilespmem:s30+$0xFFFFFDE0]  }
0x92: {  	v18 =	vld [tilespmem:s30+$0xFFFFFD90]  }
0x93: {  	v19 =	vld [tilespmem:s30+$0xFFFFFDA0]  }
0x94: {  	v20 =	vld [tilespmem:s30+$0xFFFFFDB0]  }
0x95: {  	v21 =	vld [tilespmem:s30+$0xFFFFFDC0]  }
0x96: {  	v22 =	vld [tilespmem:s30+$0xFFFFFDF0]  }
0x97: {  	v23 =	vld [tilespmem:s30+$0xFFFFFE00]  }
0x98: {  	v24 =	vimm.f32 $0.0e+00;
	v25 =	vld [tilespmem:s30+$0xFFFFFE30]  }
0x99: {  	v26 =	vld [tilespmem:s30+$0xFFFFFE40];
	v18 =	vadd.f32 v18, v24;
	v19 =	vadd.f32 v19, v24  }
0x9a: {  	v51 =	vld [tilespmem:s30+$0xFFFFFE70];
	v20 =	vadd.f32 v20, v24;
	v21 =	vadd.f32 v21, v24  }
0x9b: {  	v52 =	vld [tilespmem:s30+$0xFFFFFE80];
	v16 =	vadd.f32 v16, v18;
	v17 =	vadd.f32 v17, v19  }
0x9c: {  	v55 =	vld [tilespmem:s30+$0xFFFFFEB0];
	v53 =	vadd.f32 v22, v20;
	v54 =	vadd.f32 v23, v21  }
0x9d: {  	v56 =	vld [tilespmem:s30+$0xFFFFFEC0];
	v14 =	vadd.f32 v14, v16;
	v15 =	vadd.f32 v15, v17  }
0x9e: {  	v59 =	vld [tilespmem:s30+$0xFFFFFEF0];
	v57 =	vadd.f32 v25, v53;
	v58 =	vadd.f32 v26, v54  }
0x9f: {  	v11 =	vadd.f32 v11, v14;
	v13 =	vadd.f32 v13, v15;
	v14 =	vld [tilespmem:s30+$0xFFFFFF00]  }
0xa0: {  	v61 =	vld [tilespmem:s30+$0xFFFFFF30];
	v15 =	vadd.f32 v51, v57;
	v60 =	vadd.f32 v52, v58  }
0xa1: {  	v11 =	vadd.f32 v4, v11;
	v10 =	vadd.f32 v10, v13;
	v13 =	vld [tilespmem:s30+$0xFFFFFF40]  }
0xa2: {  	v15 =	vadd.f32 v55, v15;
	v16 =	vadd.f32 v56, v60;
	v4 =	vld [tilespmem:s30+$0xFFFFFF70]  }
0xa3: {  	v11 =	vadd.f32 v5, v11;
	v10 =	vadd.f32 v7, v10;
	v7 =	vld [tilespmem:s30+$0xFFFFFF80]  }
0xa4: {  	v15 =	vadd.f32 v59, v15;
	v5 =	vld [tilespmem:s30+$0xFFFFFFB0];
	v14 =	vadd.f32 v14, v16  }
0xa5: {  	v62 =	vadd.f32 v6, v11;
	v63 =	vadd.f32 v8, v10;
	v8 =	vld [tilespmem:s30+$0xFFFFFFC0]  }
0xa6: {  	v11 =	vadd.f32 v61, v15;
	v6 =	vld [tilespmem:s30+$0xFFFFFFF0];
	v10 =	vadd.f32 v13, v14  }
0xa7: {  	s31 =	simm.s32 $0x0;
	s1 =	sadd.s32 $0x280, s30;
	v13 =	vadd.f32 v9, v62;
	v12 =	vadd.f32 v12, v63;
	v9 =	vld [tilespmem:s30+$0x0]  }
.LBB2_8:
0xa8: {  	v14 =	vld [tilespmem:s1+$0xFFFFFFD0];
	v4 =	vadd.f32 v4, v11;
	v7 =	vadd.f32 v7, v10  }
0xa9: {  	v10 =	vld [tilespmem:s1+$0xFFFFFFE0];
	v11 =	vadd.f32 v2, v13;
	v12 =	vadd.f32 v3, v12  }
0xaa: {  	v2 =	vld [tilespmem:s1+$0xFFFFFF90];
	v4 =	vadd.f32 v5, v4;
	v5 =	vadd.f32 v8, v7  }
0xab: {  	v3 =	vld [tilespmem:s1+$0xFFFFFFA0];
	v7 =	vadd.f32 v0, v11;
	v8 =	vadd.f32 v1, v12  }
0xac: {  	v12 =	vld [tilespmem:s1+$0xFFFFFF50];
	v4 =	vadd.f32 v6, v4;
	v5 =	vadd.f32 v9, v5  }
0xad: {  	v9 =	vld [tilespmem:s1+$0xFFFFFF60];
	v0 =	vmov v14  }
0xae: {  	v6 =	vld [tilespmem:s1+$0xFFFFFF10];
	v1 =	vmov v10  }
0xaf: {  	v10 =	vld [tilespmem:s1+$0xFFFFFF20]  }
0xb0: {  	v11 =	vld [tilespmem:s1+$0xFFFFFED0]  }
0xb1: {  	v13 =	vld [tilespmem:s1+$0xFFFFFEE0]  }
0xb2: {  	v14 =	vld [tilespmem:s1+$0xFFFFFE90]  }
0xb3: {  	v15 =	vld [tilespmem:s1+$0xFFFFFEA0]  }
0xb4: {  	v16 =	vld [tilespmem:s1+$0xFFFFFE50]  }
0xb5: {  	v17 =	vld [tilespmem:s1+$0xFFFFFE60]  }
0xb6: {  	v18 =	vld [tilespmem:s1+$0xFFFFFE10]  }
0xb7: {  	v19 =	vld [tilespmem:s1+$0xFFFFFE20]  }
0xb8: {  	v20 =	vld [tilespmem:s1+$0xFFFFFDD0]  }
0xb9: {  	v21 =	vld [tilespmem:s1+$0xFFFFFDE0]  }
0xba: {  	v22 =	vld [tilespmem:s1+$0xFFFFFD90]  }
0xbb: {  	v23 =	vld [tilespmem:s1+$0xFFFFFDA0]  }
0xbc: {  	v24 =	vld [tilespmem:s1+$0xFFFFFDB0]  }
0xbd: {  	s31 =	sadd.s32 $0xA, s31;
	v25 =	vld [tilespmem:s1+$0xFFFFFDC0]  }
0xbe: {  	p0 =	slt.u32 s31, $0x28;
	v26 =	vld [tilespmem:s1+$0xFFFFFDF0]  }
0xbf: {  	v27 =	vld [tilespmem:s1+$0xFFFFFE00]  }
0xc0: {  	v28 =	vld [tilespmem:s1+$0xFFFFFE30]  }
0xc1: {  	v7 =	vadd.f32 v22, v7;
	v8 =	vadd.f32 v23, v8;
	v22 =	vld [tilespmem:s1+$0xFFFFFE40]  }
0xc2: {  	v4 =	vadd.f32 v24, v4;
	v5 =	vadd.f32 v25, v5;
	v23 =	vld [tilespmem:s1+$0xFFFFFE70]  }
0xc3: {  	v7 =	vadd.f32 v20, v7;
	v8 =	vadd.f32 v21, v8;
	v20 =	vld [tilespmem:s1+$0xFFFFFE80]  }
0xc4: {  	v4 =	vadd.f32 v26, v4;
	v5 =	vadd.f32 v27, v5;
	v21 =	vld [tilespmem:s1+$0xFFFFFEB0]  }
0xc5: {  	v7 =	vadd.f32 v18, v7;
	v8 =	vadd.f32 v19, v8;
	v18 =	vld [tilespmem:s1+$0xFFFFFEC0]  }
0xc6: {  	v4 =	vadd.f32 v28, v4;
	v5 =	vadd.f32 v22, v5;
	v19 =	vld [tilespmem:s1+$0xFFFFFEF0]  }
0xc7: {  	v7 =	vadd.f32 v16, v7;
	v8 =	vadd.f32 v17, v8;
	v16 =	vld [tilespmem:s1+$0xFFFFFF00]  }
0xc8: {  	v4 =	vadd.f32 v23, v4;
	v5 =	vadd.f32 v20, v5;
	v17 =	vld [tilespmem:s1+$0xFFFFFF30]  }
0xc9: {  	v7 =	vadd.f32 v14, v7;
	v8 =	vadd.f32 v15, v8;
	v14 =	vld [tilespmem:s1+$0xFFFFFF40]  }
0xca: {  	v15 =	vadd.f32 v21, v4;
	v5 =	vadd.f32 v18, v5;
	v4 =	vld [tilespmem:s1+$0xFFFFFF70]  }
.Ltmp2:
0xcb: {  	v11 =	vadd.f32 v11, v7;
	v8 =	vadd.f32 v13, v8;
	v7 =	vld [tilespmem:s1+$0xFFFFFF80];
	(pc) =	sbr.rel @p0 .LBB2_8-.Ltmp2, $4  }
0xcc: {  	v13 =	vadd.f32 v19, v15;
	v15 =	vadd.f32 v16, v5;
	v5 =	vld [tilespmem:s1+$0xFFFFFFB0]  }
0xcd: {  	v16 =	vadd.f32 v6, v11;
	v18 =	vadd.f32 v10, v8;
	v8 =	vld [tilespmem:s1+$0xFFFFFFC0]  }
0xce: {  	v11 =	vadd.f32 v17, v13;
	v10 =	vadd.f32 v14, v15;
	v6 =	vld [tilespmem:s1+$0xFFFFFFF0]  }
0xcf: {  	v13 =	vadd.f32 v12, v16;
	v12 =	vadd.f32 v9, v18;
	v9 =	vld [tilespmem:s1+$0x0];
	s1 =	sadd.s32 $0x280, s1  }
0xd0: {  	_ = 	snop  }
0xd1: {  	v4 =	vadd.f32 v4, v11;
	v2 =	vadd.f32 v2, v13  }
0xd2: {  	v7 =	vadd.f32 v7, v10;
	v3 =	vadd.f32 v3, v12  }
0xd3: {  	v4 =	vadd.f32 v5, v4;
	v0 =	vadd.f32 v0, v2  }
0xd4: {  	s1 =	sadd.s32 s28, s29;
	s29 =	sadd.s32 $0x1, s29;
	v60 =	vadd.f32 v8, v7;
	v1 =	vadd.f32 v1, v3  }
0xd5: {  	s1 =	sshll.u32 s1, $0x6;
	p0 =	sne.s32 s29, $0x4;
	v61 =	vadd.f32 v6, v4;
	v0 =	vmul.f32 $1.999999960e-02, v0  }
.Ltmp3:
0xd6: {  	s1 =	sand.u32 $0x3FFFFFC0, s1;
	v2 =	vadd.f32 v9, v60;
	v1 =	vmul.f32 $1.999999960e-02, v1;
	(pc) =	sbr.rel @p0 .LBB2_7-.Ltmp3, $4  }
0xd7: {  	v62 =	vmul.f32 $1.999999960e-02, v61;
	[tilespmem:s1+$0x15E00] =	vst v0  }
0xd8: {  	v63 =	vmul.f32 $1.999999960e-02, v2;
	[tilespmem:s1+$0x15E10] =	vst v1  }
0xd9: {  	[tilespmem:s1+$0x15E20] =	vst v62  }
0xda: {  	s30 =	sadd.s32 $0xC80, s30;
	[tilespmem:s1+$0x15E30] =	vst v63  }
0xdb: {  	s1 =	sadd.s32 $0x4B0, s25  }
0xdc: {  	[tilespmem:s10], [sflag:$0x2] =	stream.indirect.gather [hbm4b:s3+s8], $0x40, s1, s8, $0xb8;
	[tilespmem:$0x1DE00] =	vst v63  }
0xdd: {  	_ =	swait.ge [sflag:s19], $0x3200  }
0xde: {  	s28 =	sadd.s32 $0x8, s26;
	[sflag:s19] =	ssyncset.done $0x0  }
0xdf: {  	s29 =	simm.s32 $0x0;
	s30 =	simm.s32 $0xC800;
	[sflag:s19] =	ssyncadd.s32 $0xFFFFCE00  }
.LBB2_11:
0xe0: {  	v0 =	vld [tilespmem:s30+$0x240]  }
0xe1: {  	v1 =	vld [tilespmem:s30+$0x250]  }
0xe2: {  	v2 =	vld [tilespmem:s30+$0x200]  }
0xe3: {  	v3 =	vld [tilespmem:s30+$0x210]  }
0xe4: {  	v9 =	vld [tilespmem:s30+$0x1C0]  }
0xe5: {  	v12 =	vld [tilespmem:s30+$0x1D0]  }
0xe6: {  	v6 =	vld [tilespmem:s30+$0x180]  }
0xe7: {  	v8 =	vld [tilespmem:s30+$0x190]  }
0xe8: {  	v5 =	vld [tilespmem:s30+$0x140]  }
0xe9: {  	v7 =	vld [tilespmem:s30+$0x150]  }
0xea: {  	v4 =	vld [tilespmem:s30+$0x100]  }
0xeb: {  	v10 =	vld [tilespmem:s30+$0x110]  }
0xec: {  	v11 =	vld [tilespmem:s30+$0xC0]  }
0xed: {  	v13 =	vld [tilespmem:s30+$0xD0]  }
0xee: {  	v14 =	vld [tilespmem:s30+$0x80]  }
0xef: {  	v15 =	vld [tilespmem:s30+$0x90]  }
0xf0: {  	v16 =	vld [tilespmem:s30+$0x40]  }
0xf1: {  	v17 =	vld [tilespmem:s30+$0x50]  }
0xf2: {  	v18 =	vld [tilespmem:s30+$0x0]  }
0xf3: {  	v19 =	vld [tilespmem:s30+$0x10]  }
0xf4: {  	v20 =	vld [tilespmem:s30+$0x20]  }
0xf5: {  	v21 =	vld [tilespmem:s30+$0x30]  }
0xf6: {  	v22 =	vld [tilespmem:s30+$0x60]  }
0xf7: {  	v23 =	vld [tilespmem:s30+$0x70]  }
0xf8: {  	v24 =	vimm.f32 $0.0e+00;
	v25 =	vld [tilespmem:s30+$0xA0]  }
0xf9: {  	v26 =	vld [tilespmem:s30+$0xB0];
	v18 =	vadd.f32 v18, v24;
	v19 =	vadd.f32 v19, v24  }
0xfa: {  	v51 =	vld [tilespmem:s30+$0xE0];
	v20 =	vadd.f32 v20, v24;
	v21 =	vadd.f32 v21, v24  }
0xfb: {  	v52 =	vld [tilespmem:s30+$0xF0];
	v16 =	vadd.f32 v16, v18;
	v17 =	vadd.f32 v17, v19  }
0xfc: {  	v55 =	vld [tilespmem:s30+$0x120];
	v53 =	vadd.f32 v22, v20;
	v54 =	vadd.f32 v23, v21  }
0xfd: {  	v56 =	vld [tilespmem:s30+$0x130];
	v14 =	vadd.f32 v14, v16;
	v15 =	vadd.f32 v15, v17  }
0xfe: {  	v59 =	vld [tilespmem:s30+$0x160];
	v57 =	vadd.f32 v25, v53;
	v58 =	vadd.f32 v26, v54  }
0xff: {  	v11 =	vadd.f32 v11, v14;
	v13 =	vadd.f32 v13, v15;
	v14 =	vld [tilespmem:s30+$0x170]  }
0x100: {  	v61 =	vld [tilespmem:s30+$0x1A0];
	v15 =	vadd.f32 v51, v57;
	v60 =	vadd.f32 v52, v58  }
0x101: {  	v11 =	vadd.f32 v4, v11;
	v10 =	vadd.f32 v10, v13;
	v13 =	vld [tilespmem:s30+$0x1B0]  }
0x102: {  	v15 =	vadd.f32 v55, v15;
	v16 =	vadd.f32 v56, v60;
	v4 =	vld [tilespmem:s30+$0x1E0]  }
0x103: {  	v11 =	vadd.f32 v5, v11;
	v10 =	vadd.f32 v7, v10;
	v7 =	vld [tilespmem:s30+$0x1F0]  }
0x104: {  	v15 =	vadd.f32 v59, v15;
	v5 =	vld [tilespmem:s30+$0x220];
	v14 =	vadd.f32 v14, v16  }
0x105: {  	v62 =	vadd.f32 v6, v11;
	v63 =	vadd.f32 v8, v10;
	v8 =	vld [tilespmem:s30+$0x230]  }
0x106: {  	v11 =	vadd.f32 v61, v15;
	v6 =	vld [tilespmem:s30+$0x260];
	v10 =	vadd.f32 v13, v14  }
0x107: {  	s31 =	simm.s32 $0x0;
	s1 =	sadd.s32 $0x280, s30;
	v13 =	vadd.f32 v9, v62;
	v12 =	vadd.f32 v12, v63;
	v9 =	vld [tilespmem:s30+$0x270]  }
.LBB2_12:
0x108: {  	v14 =	vld [tilespmem:s1+$0x240];
	v4 =	vadd.f32 v4, v11;
	v7 =	vadd.f32 v7, v10  }
0x109: {  	v10 =	vld [tilespmem:s1+$0x250];
	v11 =	vadd.f32 v2, v13;
	v12 =	vadd.f32 v3, v12  }
0x10a: {  	v2 =	vld [tilespmem:s1+$0x200];
	v4 =	vadd.f32 v5, v4;
	v5 =	vadd.f32 v8, v7  }
0x10b: {  	v3 =	vld [tilespmem:s1+$0x210];
	v7 =	vadd.f32 v0, v11;
	v8 =	vadd.f32 v1, v12  }
0x10c: {  	v12 =	vld [tilespmem:s1+$0x1C0];
	v4 =	vadd.f32 v6, v4;
	v5 =	vadd.f32 v9, v5  }
0x10d: {  	v9 =	vld [tilespmem:s1+$0x1D0];
	v0 =	vmov v14  }
0x10e: {  	v6 =	vld [tilespmem:s1+$0x180];
	v1 =	vmov v10  }
0x10f: {  	v10 =	vld [tilespmem:s1+$0x190]  }
0x110: {  	v11 =	vld [tilespmem:s1+$0x140]  }
0x111: {  	v13 =	vld [tilespmem:s1+$0x150]  }
0x112: {  	v14 =	vld [tilespmem:s1+$0x100]  }
0x113: {  	v15 =	vld [tilespmem:s1+$0x110]  }
0x114: {  	v16 =	vld [tilespmem:s1+$0xC0]  }
0x115: {  	v17 =	vld [tilespmem:s1+$0xD0]  }
0x116: {  	v18 =	vld [tilespmem:s1+$0x80]  }
0x117: {  	v19 =	vld [tilespmem:s1+$0x90]  }
0x118: {  	v20 =	vld [tilespmem:s1+$0x40]  }
0x119: {  	v21 =	vld [tilespmem:s1+$0x50]  }
0x11a: {  	v22 =	vld [tilespmem:s1+$0x0]  }
0x11b: {  	v23 =	vld [tilespmem:s1+$0x10]  }
0x11c: {  	v24 =	vld [tilespmem:s1+$0x20]  }
0x11d: {  	s31 =	sadd.s32 $0xA, s31;
	v25 =	vld [tilespmem:s1+$0x30]  }
0x11e: {  	p0 =	slt.u32 s31, $0x28;
	v26 =	vld [tilespmem:s1+$0x60]  }
0x11f: {  	v27 =	vld [tilespmem:s1+$0x70]  }
0x120: {  	v28 =	vld [tilespmem:s1+$0xA0]  }
0x121: {  	v7 =	vadd.f32 v22, v7;
	v8 =	vadd.f32 v23, v8;
	v22 =	vld [tilespmem:s1+$0xB0]  }
0x122: {  	v4 =	vadd.f32 v24, v4;
	v5 =	vadd.f32 v25, v5;
	v23 =	vld [tilespmem:s1+$0xE0]  }
0x123: {  	v7 =	vadd.f32 v20, v7;
	v8 =	vadd.f32 v21, v8;
	v20 =	vld [tilespmem:s1+$0xF0]  }
0x124: {  	v4 =	vadd.f32 v26, v4;
	v5 =	vadd.f32 v27, v5;
	v21 =	vld [tilespmem:s1+$0x120]  }
0x125: {  	v7 =	vadd.f32 v18, v7;
	v8 =	vadd.f32 v19, v8;
	v18 =	vld [tilespmem:s1+$0x130]  }
0x126: {  	v4 =	vadd.f32 v28, v4;
	v5 =	vadd.f32 v22, v5;
	v19 =	vld [tilespmem:s1+$0x160]  }
0x127: {  	v7 =	vadd.f32 v16, v7;
	v8 =	vadd.f32 v17, v8;
	v16 =	vld [tilespmem:s1+$0x170]  }
0x128: {  	v4 =	vadd.f32 v23, v4;
	v5 =	vadd.f32 v20, v5;
	v17 =	vld [tilespmem:s1+$0x1A0]  }
0x129: {  	v7 =	vadd.f32 v14, v7;
	v8 =	vadd.f32 v15, v8;
	v14 =	vld [tilespmem:s1+$0x1B0]  }
0x12a: {  	v15 =	vadd.f32 v21, v4;
	v5 =	vadd.f32 v18, v5;
	v4 =	vld [tilespmem:s1+$0x1E0]  }
.Ltmp4:
0x12b: {  	v11 =	vadd.f32 v11, v7;
	v8 =	vadd.f32 v13, v8;
	v7 =	vld [tilespmem:s1+$0x1F0];
	(pc) =	sbr.rel @p0 .LBB2_12-.Ltmp4, $4  }
0x12c: {  	v13 =	vadd.f32 v19, v15;
	v15 =	vadd.f32 v16, v5;
	v5 =	vld [tilespmem:s1+$0x220]  }
0x12d: {  	v16 =	vadd.f32 v6, v11;
	v18 =	vadd.f32 v10, v8;
	v8 =	vld [tilespmem:s1+$0x230]  }
0x12e: {  	v11 =	vadd.f32 v17, v13;
	v10 =	vadd.f32 v14, v15;
	v6 =	vld [tilespmem:s1+$0x260]  }
0x12f: {  	v13 =	vadd.f32 v12, v16;
	v12 =	vadd.f32 v9, v18;
	v9 =	vld [tilespmem:s1+$0x270];
	s1 =	sadd.s32 $0x280, s1  }
0x130: {  	_ = 	snop  }
0x131: {  	v4 =	vadd.f32 v4, v11;
	v2 =	vadd.f32 v2, v13  }
0x132: {  	v7 =	vadd.f32 v7, v10;
	v3 =	vadd.f32 v3, v12  }
0x133: {  	v4 =	vadd.f32 v5, v4;
	v0 =	vadd.f32 v0, v2  }
0x134: {  	s1 =	sadd.s32 s28, s29;
	s29 =	sadd.s32 $0x1, s29;
	v60 =	vadd.f32 v8, v7;
	v1 =	vadd.f32 v1, v3  }
0x135: {  	s1 =	sshll.u32 s1, $0x6;
	p0 =	sne.s32 s29, $0x4;
	v61 =	vadd.f32 v6, v4;
	v0 =	vmul.f32 $1.999999960e-02, v0  }
.Ltmp5:
0x136: {  	s1 =	sand.u32 $0x3FFFFFC0, s1;
	v2 =	vadd.f32 v9, v60;
	v1 =	vmul.f32 $1.999999960e-02, v1;
	(pc) =	sbr.rel @p0 .LBB2_11-.Ltmp5, $4  }
0x137: {  	v62 =	vmul.f32 $1.999999960e-02, v61;
	[tilespmem:s1+$0x15E00] =	vst v0  }
0x138: {  	v63 =	vmul.f32 $1.999999960e-02, v2;
	[tilespmem:s1+$0x15E10] =	vst v1  }
0x139: {  	[tilespmem:s1+$0x15E20] =	vst v62  }
0x13a: {  	s30 =	sadd.s32 $0xC80, s30;
	[tilespmem:s1+$0x15E30] =	vst v63  }
0x13b: {  	s1 =	sadd.s32 $0x578, s25  }
0x13c: {  	[tilespmem:s12], [sflag:$0x3] =	stream.indirect.gather [hbm4b:s3+s8], $0x40, s1, s8, $0xb8;
	[tilespmem:$0x1DE00] =	vst v63  }
0x13d: {  	_ =	swait.ge [sflag:s20], $0x3200  }
0x13e: {  	s28 =	sadd.s32 $0xC, s26;
	[sflag:s20] =	ssyncset.done $0x0  }
0x13f: {  	s29 =	simm.s32 $0x0;
	s30 =	simm.s32 $0xFA00;
	[sflag:s20] =	ssyncadd.s32 $0xFFFFCE00  }
.LBB2_15:
0x140: {  	v0 =	vld [tilespmem:s30+$0x240]  }
0x141: {  	v1 =	vld [tilespmem:s30+$0x250]  }
0x142: {  	v2 =	vld [tilespmem:s30+$0x200]  }
0x143: {  	v3 =	vld [tilespmem:s30+$0x210]  }
0x144: {  	v9 =	vld [tilespmem:s30+$0x1C0]  }
0x145: {  	v12 =	vld [tilespmem:s30+$0x1D0]  }
0x146: {  	v6 =	vld [tilespmem:s30+$0x180]  }
0x147: {  	v8 =	vld [tilespmem:s30+$0x190]  }
0x148: {  	v5 =	vld [tilespmem:s30+$0x140]  }
0x149: {  	v7 =	vld [tilespmem:s30+$0x150]  }
0x14a: {  	v4 =	vld [tilespmem:s30+$0x100]  }
0x14b: {  	v10 =	vld [tilespmem:s30+$0x110]  }
0x14c: {  	v11 =	vld [tilespmem:s30+$0xC0]  }
0x14d: {  	v13 =	vld [tilespmem:s30+$0xD0]  }
0x14e: {  	v14 =	vld [tilespmem:s30+$0x80]  }
0x14f: {  	v15 =	vld [tilespmem:s30+$0x90]  }
0x150: {  	v16 =	vld [tilespmem:s30+$0x40]  }
0x151: {  	v17 =	vld [tilespmem:s30+$0x50]  }
0x152: {  	v18 =	vld [tilespmem:s30+$0x0]  }
0x153: {  	v19 =	vld [tilespmem:s30+$0x10]  }
0x154: {  	v20 =	vld [tilespmem:s30+$0x20]  }
0x155: {  	v21 =	vld [tilespmem:s30+$0x30]  }
0x156: {  	v22 =	vld [tilespmem:s30+$0x60]  }
0x157: {  	v23 =	vld [tilespmem:s30+$0x70]  }
0x158: {  	v24 =	vimm.f32 $0.0e+00;
	v25 =	vld [tilespmem:s30+$0xA0]  }
0x159: {  	v26 =	vld [tilespmem:s30+$0xB0];
	v18 =	vadd.f32 v18, v24;
	v19 =	vadd.f32 v19, v24  }
0x15a: {  	v51 =	vld [tilespmem:s30+$0xE0];
	v20 =	vadd.f32 v20, v24;
	v21 =	vadd.f32 v21, v24  }
0x15b: {  	v52 =	vld [tilespmem:s30+$0xF0];
	v16 =	vadd.f32 v16, v18;
	v17 =	vadd.f32 v17, v19  }
0x15c: {  	v55 =	vld [tilespmem:s30+$0x120];
	v53 =	vadd.f32 v22, v20;
	v54 =	vadd.f32 v23, v21  }
0x15d: {  	v56 =	vld [tilespmem:s30+$0x130];
	v14 =	vadd.f32 v14, v16;
	v15 =	vadd.f32 v15, v17  }
0x15e: {  	v59 =	vld [tilespmem:s30+$0x160];
	v57 =	vadd.f32 v25, v53;
	v58 =	vadd.f32 v26, v54  }
0x15f: {  	v11 =	vadd.f32 v11, v14;
	v13 =	vadd.f32 v13, v15;
	v14 =	vld [tilespmem:s30+$0x170]  }
0x160: {  	v61 =	vld [tilespmem:s30+$0x1A0];
	v15 =	vadd.f32 v51, v57;
	v60 =	vadd.f32 v52, v58  }
0x161: {  	v11 =	vadd.f32 v4, v11;
	v10 =	vadd.f32 v10, v13;
	v13 =	vld [tilespmem:s30+$0x1B0]  }
0x162: {  	v15 =	vadd.f32 v55, v15;
	v16 =	vadd.f32 v56, v60;
	v4 =	vld [tilespmem:s30+$0x1E0]  }
0x163: {  	v11 =	vadd.f32 v5, v11;
	v10 =	vadd.f32 v7, v10;
	v7 =	vld [tilespmem:s30+$0x1F0]  }
0x164: {  	v15 =	vadd.f32 v59, v15;
	v5 =	vld [tilespmem:s30+$0x220];
	v14 =	vadd.f32 v14, v16  }
0x165: {  	v62 =	vadd.f32 v6, v11;
	v63 =	vadd.f32 v8, v10;
	v8 =	vld [tilespmem:s30+$0x230]  }
0x166: {  	v11 =	vadd.f32 v61, v15;
	v6 =	vld [tilespmem:s30+$0x260];
	v10 =	vadd.f32 v13, v14  }
0x167: {  	s31 =	simm.s32 $0x0;
	s1 =	sadd.s32 $0x280, s30;
	v13 =	vadd.f32 v9, v62;
	v12 =	vadd.f32 v12, v63;
	v9 =	vld [tilespmem:s30+$0x270]  }
.LBB2_16:
0x168: {  	v14 =	vld [tilespmem:s1+$0x240];
	v4 =	vadd.f32 v4, v11;
	v7 =	vadd.f32 v7, v10  }
0x169: {  	v10 =	vld [tilespmem:s1+$0x250];
	v11 =	vadd.f32 v2, v13;
	v12 =	vadd.f32 v3, v12  }
0x16a: {  	v2 =	vld [tilespmem:s1+$0x200];
	v4 =	vadd.f32 v5, v4;
	v5 =	vadd.f32 v8, v7  }
0x16b: {  	v3 =	vld [tilespmem:s1+$0x210];
	v7 =	vadd.f32 v0, v11;
	v8 =	vadd.f32 v1, v12  }
0x16c: {  	v12 =	vld [tilespmem:s1+$0x1C0];
	v4 =	vadd.f32 v6, v4;
	v5 =	vadd.f32 v9, v5  }
0x16d: {  	v9 =	vld [tilespmem:s1+$0x1D0];
	v0 =	vmov v14  }
0x16e: {  	v6 =	vld [tilespmem:s1+$0x180];
	v1 =	vmov v10  }
0x16f: {  	v10 =	vld [tilespmem:s1+$0x190]  }
0x170: {  	v11 =	vld [tilespmem:s1+$0x140]  }
0x171: {  	v13 =	vld [tilespmem:s1+$0x150]  }
0x172: {  	v14 =	vld [tilespmem:s1+$0x100]  }
0x173: {  	v15 =	vld [tilespmem:s1+$0x110]  }
0x174: {  	v16 =	vld [tilespmem:s1+$0xC0]  }
0x175: {  	v17 =	vld [tilespmem:s1+$0xD0]  }
0x176: {  	v18 =	vld [tilespmem:s1+$0x80]  }
0x177: {  	v19 =	vld [tilespmem:s1+$0x90]  }
0x178: {  	v20 =	vld [tilespmem:s1+$0x40]  }
0x179: {  	v21 =	vld [tilespmem:s1+$0x50]  }
0x17a: {  	v22 =	vld [tilespmem:s1+$0x0]  }
0x17b: {  	v23 =	vld [tilespmem:s1+$0x10]  }
0x17c: {  	v24 =	vld [tilespmem:s1+$0x20]  }
0x17d: {  	s31 =	sadd.s32 $0xA, s31;
	v25 =	vld [tilespmem:s1+$0x30]  }
0x17e: {  	p0 =	slt.u32 s31, $0x28;
	v26 =	vld [tilespmem:s1+$0x60]  }
0x17f: {  	v27 =	vld [tilespmem:s1+$0x70]  }
0x180: {  	v28 =	vld [tilespmem:s1+$0xA0]  }
0x181: {  	v7 =	vadd.f32 v22, v7;
	v8 =	vadd.f32 v23, v8;
	v22 =	vld [tilespmem:s1+$0xB0]  }
0x182: {  	v4 =	vadd.f32 v24, v4;
	v5 =	vadd.f32 v25, v5;
	v23 =	vld [tilespmem:s1+$0xE0]  }
0x183: {  	v7 =	vadd.f32 v20, v7;
	v8 =	vadd.f32 v21, v8;
	v20 =	vld [tilespmem:s1+$0xF0]  }
0x184: {  	v4 =	vadd.f32 v26, v4;
	v5 =	vadd.f32 v27, v5;
	v21 =	vld [tilespmem:s1+$0x120]  }
0x185: {  	v7 =	vadd.f32 v18, v7;
	v8 =	vadd.f32 v19, v8;
	v18 =	vld [tilespmem:s1+$0x130]  }
0x186: {  	v4 =	vadd.f32 v28, v4;
	v5 =	vadd.f32 v22, v5;
	v19 =	vld [tilespmem:s1+$0x160]  }
0x187: {  	v7 =	vadd.f32 v16, v7;
	v8 =	vadd.f32 v17, v8;
	v16 =	vld [tilespmem:s1+$0x170]  }
0x188: {  	v4 =	vadd.f32 v23, v4;
	v5 =	vadd.f32 v20, v5;
	v17 =	vld [tilespmem:s1+$0x1A0]  }
0x189: {  	v7 =	vadd.f32 v14, v7;
	v8 =	vadd.f32 v15, v8;
	v14 =	vld [tilespmem:s1+$0x1B0]  }
0x18a: {  	v15 =	vadd.f32 v21, v4;
	v5 =	vadd.f32 v18, v5;
	v4 =	vld [tilespmem:s1+$0x1E0]  }
.Ltmp6:
0x18b: {  	v11 =	vadd.f32 v11, v7;
	v8 =	vadd.f32 v13, v8;
	v7 =	vld [tilespmem:s1+$0x1F0];
	(pc) =	sbr.rel @p0 .LBB2_16-.Ltmp6, $4  }
0x18c: {  	v13 =	vadd.f32 v19, v15;
	v15 =	vadd.f32 v16, v5;
	v5 =	vld [tilespmem:s1+$0x220]  }
0x18d: {  	v16 =	vadd.f32 v6, v11;
	v18 =	vadd.f32 v10, v8;
	v8 =	vld [tilespmem:s1+$0x230]  }
0x18e: {  	v11 =	vadd.f32 v17, v13;
	v10 =	vadd.f32 v14, v15;
	v6 =	vld [tilespmem:s1+$0x260]  }
0x18f: {  	v13 =	vadd.f32 v12, v16;
	v12 =	vadd.f32 v9, v18;
	v9 =	vld [tilespmem:s1+$0x270];
	s1 =	sadd.s32 $0x280, s1  }
0x190: {  	_ = 	snop  }
0x191: {  	v4 =	vadd.f32 v4, v11;
	v2 =	vadd.f32 v2, v13  }
0x192: {  	v7 =	vadd.f32 v7, v10;
	v3 =	vadd.f32 v3, v12  }
0x193: {  	v4 =	vadd.f32 v5, v4;
	v0 =	vadd.f32 v0, v2  }
0x194: {  	s1 =	sadd.s32 s28, s29;
	s29 =	sadd.s32 $0x1, s29;
	v60 =	vadd.f32 v8, v7;
	v1 =	vadd.f32 v1, v3  }
0x195: {  	s1 =	sshll.u32 s1, $0x6;
	p0 =	sne.s32 s29, $0x4;
	v61 =	vadd.f32 v6, v4;
	v0 =	vmul.f32 $1.999999960e-02, v0  }
.Ltmp7:
0x196: {  	s1 =	sand.u32 $0x3FFFFFC0, s1;
	v2 =	vadd.f32 v9, v60;
	v1 =	vmul.f32 $1.999999960e-02, v1;
	(pc) =	sbr.rel @p0 .LBB2_15-.Ltmp7, $4  }
0x197: {  	v62 =	vmul.f32 $1.999999960e-02, v61;
	[tilespmem:s1+$0x15E00] =	vst v0  }
0x198: {  	v63 =	vmul.f32 $1.999999960e-02, v2;
	[tilespmem:s1+$0x15E10] =	vst v1  }
0x199: {  	[tilespmem:s1+$0x15E20] =	vst v62  }
0x19a: {  	s30 =	sadd.s32 $0xC80, s30;
	[tilespmem:s1+$0x15E30] =	vst v63  }
0x19b: {  	p0 =	seq.s32 s24, $0x18  }
0x19c: {  	s1 =	sadd.s32 @!p0 $0x640, s25;
	s28 =	simm.s32 @!p0 $0xC8;
	s29 =	simm.s32 @!p0 $0xFA00  }
0x19d: {  	[tilespmem:s29], [sflag:$0x4] =	stream.indirect.gather @!p0 [hbm4b:s3+s28], $0x40, s1, s28, $0xb8;
	[tilespmem:$0x1DE00] =	vst v63  }
0x19e: {  	_ =	swait.ge [sflag:s21], $0x3200  }
0x19f: {  	s26 =	sadd.s32 $0x10, s26;
	[sflag:s21] =	ssyncset.done $0x0  }
0x1a0: {  	s28 =	simm.s32 $0x0;
	s29 =	simm.s32 $0x12C00;
	[sflag:s21] =	ssyncadd.s32 $0xFFFFCE00  }
.LBB2_19:
0x1a1: {  	v0 =	vld [tilespmem:s29+$0x240]  }
0x1a2: {  	v1 =	vld [tilespmem:s29+$0x250]  }
0x1a3: {  	v2 =	vld [tilespmem:s29+$0x200]  }
0x1a4: {  	v3 =	vld [tilespmem:s29+$0x210]  }
0x1a5: {  	v9 =	vld [tilespmem:s29+$0x1C0]  }
0x1a6: {  	v12 =	vld [tilespmem:s29+$0x1D0]  }
0x1a7: {  	v6 =	vld [tilespmem:s29+$0x180]  }
0x1a8: {  	v8 =	vld [tilespmem:s29+$0x190]  }
0x1a9: {  	v5 =	vld [tilespmem:s29+$0x140]  }
0x1aa: {  	v7 =	vld [tilespmem:s29+$0x150]  }
0x1ab: {  	v4 =	vld [tilespmem:s29+$0x100]  }
0x1ac: {  	v10 =	vld [tilespmem:s29+$0x110]  }
0x1ad: {  	v11 =	vld [tilespmem:s29+$0xC0]  }
0x1ae: {  	v13 =	vld [tilespmem:s29+$0xD0]  }
0x1af: {  	v14 =	vld [tilespmem:s29+$0x80]  }
0x1b0: {  	v15 =	vld [tilespmem:s29+$0x90]  }
0x1b1: {  	v16 =	vld [tilespmem:s29+$0x40]  }
0x1b2: {  	v17 =	vld [tilespmem:s29+$0x50]  }
0x1b3: {  	v18 =	vld [tilespmem:s29+$0x0]  }
0x1b4: {  	v19 =	vld [tilespmem:s29+$0x10]  }
0x1b5: {  	v20 =	vld [tilespmem:s29+$0x20]  }
0x1b6: {  	v21 =	vld [tilespmem:s29+$0x30]  }
0x1b7: {  	v22 =	vld [tilespmem:s29+$0x60]  }
0x1b8: {  	v23 =	vld [tilespmem:s29+$0x70]  }
0x1b9: {  	v24 =	vimm.f32 $0.0e+00;
	v25 =	vld [tilespmem:s29+$0xA0]  }
0x1ba: {  	v26 =	vld [tilespmem:s29+$0xB0];
	v18 =	vadd.f32 v18, v24;
	v19 =	vadd.f32 v19, v24  }
0x1bb: {  	v51 =	vld [tilespmem:s29+$0xE0];
	v20 =	vadd.f32 v20, v24;
	v21 =	vadd.f32 v21, v24  }
0x1bc: {  	v52 =	vld [tilespmem:s29+$0xF0];
	v16 =	vadd.f32 v16, v18;
	v17 =	vadd.f32 v17, v19  }
0x1bd: {  	v55 =	vld [tilespmem:s29+$0x120];
	v53 =	vadd.f32 v22, v20;
	v54 =	vadd.f32 v23, v21  }
0x1be: {  	v56 =	vld [tilespmem:s29+$0x130];
	v14 =	vadd.f32 v14, v16;
	v15 =	vadd.f32 v15, v17  }
0x1bf: {  	v59 =	vld [tilespmem:s29+$0x160];
	v57 =	vadd.f32 v25, v53;
	v58 =	vadd.f32 v26, v54  }
0x1c0: {  	v11 =	vadd.f32 v11, v14;
	v13 =	vadd.f32 v13, v15;
	v14 =	vld [tilespmem:s29+$0x170]  }
0x1c1: {  	v61 =	vld [tilespmem:s29+$0x1A0];
	v15 =	vadd.f32 v51, v57;
	v60 =	vadd.f32 v52, v58  }
0x1c2: {  	v11 =	vadd.f32 v4, v11;
	v10 =	vadd.f32 v10, v13;
	v13 =	vld [tilespmem:s29+$0x1B0]  }
0x1c3: {  	v15 =	vadd.f32 v55, v15;
	v16 =	vadd.f32 v56, v60;
	v4 =	vld [tilespmem:s29+$0x1E0]  }
0x1c4: {  	v11 =	vadd.f32 v5, v11;
	v10 =	vadd.f32 v7, v10;
	v7 =	vld [tilespmem:s29+$0x1F0]  }
0x1c5: {  	v15 =	vadd.f32 v59, v15;
	v5 =	vld [tilespmem:s29+$0x220];
	v14 =	vadd.f32 v14, v16  }
0x1c6: {  	v62 =	vadd.f32 v6, v11;
	v63 =	vadd.f32 v8, v10;
	v8 =	vld [tilespmem:s29+$0x230]  }
0x1c7: {  	v11 =	vadd.f32 v61, v15;
	v6 =	vld [tilespmem:s29+$0x260];
	v10 =	vadd.f32 v13, v14  }
0x1c8: {  	s30 =	simm.s32 $0x0;
	s1 =	sadd.s32 $0x280, s29;
	v13 =	vadd.f32 v9, v62;
	v12 =	vadd.f32 v12, v63;
	v9 =	vld [tilespmem:s29+$0x270]  }
.LBB2_20:
0x1c9: {  	v14 =	vld [tilespmem:s1+$0x240];
	v4 =	vadd.f32 v4, v11;
	v7 =	vadd.f32 v7, v10  }
0x1ca: {  	v10 =	vld [tilespmem:s1+$0x250];
	v11 =	vadd.f32 v2, v13;
	v12 =	vadd.f32 v3, v12  }
0x1cb: {  	v2 =	vld [tilespmem:s1+$0x200];
	v4 =	vadd.f32 v5, v4;
	v5 =	vadd.f32 v8, v7  }
0x1cc: {  	v3 =	vld [tilespmem:s1+$0x210];
	v7 =	vadd.f32 v0, v11;
	v8 =	vadd.f32 v1, v12  }
0x1cd: {  	v12 =	vld [tilespmem:s1+$0x1C0];
	v4 =	vadd.f32 v6, v4;
	v5 =	vadd.f32 v9, v5  }
0x1ce: {  	v9 =	vld [tilespmem:s1+$0x1D0];
	v0 =	vmov v14  }
0x1cf: {  	v6 =	vld [tilespmem:s1+$0x180];
	v1 =	vmov v10  }
0x1d0: {  	v10 =	vld [tilespmem:s1+$0x190]  }
0x1d1: {  	v11 =	vld [tilespmem:s1+$0x140]  }
0x1d2: {  	v13 =	vld [tilespmem:s1+$0x150]  }
0x1d3: {  	v14 =	vld [tilespmem:s1+$0x100]  }
0x1d4: {  	v15 =	vld [tilespmem:s1+$0x110]  }
0x1d5: {  	v16 =	vld [tilespmem:s1+$0xC0]  }
0x1d6: {  	v17 =	vld [tilespmem:s1+$0xD0]  }
0x1d7: {  	v18 =	vld [tilespmem:s1+$0x80]  }
0x1d8: {  	v19 =	vld [tilespmem:s1+$0x90]  }
0x1d9: {  	v20 =	vld [tilespmem:s1+$0x40]  }
0x1da: {  	v21 =	vld [tilespmem:s1+$0x50]  }
0x1db: {  	v22 =	vld [tilespmem:s1+$0x0]  }
0x1dc: {  	v23 =	vld [tilespmem:s1+$0x10]  }
0x1dd: {  	v24 =	vld [tilespmem:s1+$0x20]  }
0x1de: {  	s30 =	sadd.s32 $0xA, s30;
	v25 =	vld [tilespmem:s1+$0x30]  }
0x1df: {  	p1 =	slt.u32 s30, $0x28;
	v26 =	vld [tilespmem:s1+$0x60]  }
0x1e0: {  	v27 =	vld [tilespmem:s1+$0x70]  }
0x1e1: {  	v28 =	vld [tilespmem:s1+$0xA0]  }
0x1e2: {  	v7 =	vadd.f32 v22, v7;
	v8 =	vadd.f32 v23, v8;
	v22 =	vld [tilespmem:s1+$0xB0]  }
0x1e3: {  	v4 =	vadd.f32 v24, v4;
	v5 =	vadd.f32 v25, v5;
	v23 =	vld [tilespmem:s1+$0xE0]  }
0x1e4: {  	v7 =	vadd.f32 v20, v7;
	v8 =	vadd.f32 v21, v8;
	v20 =	vld [tilespmem:s1+$0xF0]  }
0x1e5: {  	v4 =	vadd.f32 v26, v4;
	v5 =	vadd.f32 v27, v5;
	v21 =	vld [tilespmem:s1+$0x120]  }
0x1e6: {  	v7 =	vadd.f32 v18, v7;
	v8 =	vadd.f32 v19, v8;
	v18 =	vld [tilespmem:s1+$0x130]  }
0x1e7: {  	v4 =	vadd.f32 v28, v4;
	v5 =	vadd.f32 v22, v5;
	v19 =	vld [tilespmem:s1+$0x160]  }
0x1e8: {  	v7 =	vadd.f32 v16, v7;
	v8 =	vadd.f32 v17, v8;
	v16 =	vld [tilespmem:s1+$0x170]  }
0x1e9: {  	v4 =	vadd.f32 v23, v4;
	v5 =	vadd.f32 v20, v5;
	v17 =	vld [tilespmem:s1+$0x1A0]  }
0x1ea: {  	v7 =	vadd.f32 v14, v7;
	v8 =	vadd.f32 v15, v8;
	v14 =	vld [tilespmem:s1+$0x1B0]  }
0x1eb: {  	v15 =	vadd.f32 v21, v4;
	v5 =	vadd.f32 v18, v5;
	v4 =	vld [tilespmem:s1+$0x1E0]  }
.Ltmp8:
0x1ec: {  	v11 =	vadd.f32 v11, v7;
	v8 =	vadd.f32 v13, v8;
	v7 =	vld [tilespmem:s1+$0x1F0];
	(pc) =	sbr.rel @p1 .LBB2_20-.Ltmp8, $4  }
0x1ed: {  	v13 =	vadd.f32 v19, v15;
	v15 =	vadd.f32 v16, v5;
	v5 =	vld [tilespmem:s1+$0x220]  }
0x1ee: {  	v16 =	vadd.f32 v6, v11;
	v18 =	vadd.f32 v10, v8;
	v8 =	vld [tilespmem:s1+$0x230]  }
0x1ef: {  	v11 =	vadd.f32 v17, v13;
	v10 =	vadd.f32 v14, v15;
	v6 =	vld [tilespmem:s1+$0x260]  }
0x1f0: {  	v13 =	vadd.f32 v12, v16;
	v12 =	vadd.f32 v9, v18;
	v9 =	vld [tilespmem:s1+$0x270];
	s1 =	sadd.s32 $0x280, s1  }
0x1f1: {  	_ = 	snop  }
0x1f2: {  	v4 =	vadd.f32 v4, v11;
	v2 =	vadd.f32 v2, v13  }
0x1f3: {  	v7 =	vadd.f32 v7, v10;
	v3 =	vadd.f32 v3, v12  }
0x1f4: {  	v4 =	vadd.f32 v5, v4;
	v0 =	vadd.f32 v0, v2  }
0x1f5: {  	s1 =	sadd.s32 s26, s28;
	s28 =	sadd.s32 $0x1, s28;
	v60 =	vadd.f32 v8, v7;
	v1 =	vadd.f32 v1, v3  }
0x1f6: {  	s1 =	sshll.u32 s1, $0x6;
	p1 =	sne.s32 s28, $0x4;
	v61 =	vadd.f32 v6, v4;
	v0 =	vmul.f32 $1.999999960e-02, v0  }
.Ltmp9:
0x1f7: {  	s1 =	sand.u32 $0x3FFFFFC0, s1;
	v2 =	vadd.f32 v9, v60;
	v1 =	vmul.f32 $1.999999960e-02, v1;
	(pc) =	sbr.rel @p1 .LBB2_19-.Ltmp9, $4  }
0x1f8: {  	v62 =	vmul.f32 $1.999999960e-02, v61;
	[tilespmem:s1+$0x15E00] =	vst v0  }
0x1f9: {  	v63 =	vmul.f32 $1.999999960e-02, v2;
	[tilespmem:s1+$0x15E10] =	vst v1  }
0x1fa: {  	[tilespmem:s1+$0x15E20] =	vst v62  }
0x1fb: {  	s29 =	sadd.s32 $0xC80, s29;
	[tilespmem:s1+$0x15E30] =	vst v63  }
.Ltmp10:
0x1fc: {  	(pc) =	sbr.rel @p0 .LBB2_24-.Ltmp10, $1  }
0x1fd: {  	_ =	sdelay $0x3  }
.Ltmp11:
0x1fe: {  	(pc) =	sbr.rel .LBB2_2-.Ltmp11, $3  }
0x1ff: {  	_ =	sdelay $0x1  }
0x200: {  	s1 =	sadd.s32 $0x708, s25;
	s24 =	sadd.s32 $0x1, s24  }
0x201: {  	[tilespmem:s16], [sflag:$0x5] =	stream.indirect.gather [hbm4b:s3+s8], $0x40, s1, s8, $0xb8;
	[tilespmem:$0x1DE00] =	vst v63  }
.LBB2_24:
0x202: {  	_ =	swait.ge [sflag:s17], $0x3200  }
0x203: {  	[sflag:s17] =	ssyncset.done $0x0  }
0x204: {  	s24 =	simm.s32 $0x0;
	s25 =	simm.s32 $0x6540;
	[sflag:s17] =	ssyncadd.s32 $0xFFFFCE00  }
.LBB2_25:
0x205: {  	v0 =	vld [tilespmem:s25+$0x100]  }
0x206: {  	v1 =	vld [tilespmem:s25+$0x110]  }
0x207: {  	v2 =	vld [tilespmem:s25+$0xC0]  }
0x208: {  	v3 =	vld [tilespmem:s25+$0xD0]  }
0x209: {  	v9 =	vld [tilespmem:s25+$0x80]  }
0x20a: {  	v12 =	vld [tilespmem:s25+$0x90]  }
0x20b: {  	v7 =	vld [tilespmem:s25+$0x40]  }
0x20c: {  	v8 =	vld [tilespmem:s25+$0x50]  }
0x20d: {  	v5 =	vld [tilespmem:s25+$0x0]  }
0x20e: {  	v6 =	vld [tilespmem:s25+$0x10]  }
0x20f: {  	v4 =	vld [tilespmem:s25+$0xFFFFFFC0]  }
0x210: {  	v10 =	vld [tilespmem:s25+$0xFFFFFFD0]  }
0x211: {  	v11 =	vld [tilespmem:s25+$0xFFFFFF80]  }
0x212: {  	v13 =	vld [tilespmem:s25+$0xFFFFFF90]  }
0x213: {  	v14 =	vld [tilespmem:s25+$0xFFFFFF40]  }
0x214: {  	v15 =	vld [tilespmem:s25+$0xFFFFFF50]  }
0x215: {  	v16 =	vld [tilespmem:s25+$0xFFFFFF00]  }
0x216: {  	v17 =	vld [tilespmem:s25+$0xFFFFFF10]  }
0x217: {  	v18 =	vld [tilespmem:s25+$0xFFFFFEC0]  }
0x218: {  	v19 =	vld [tilespmem:s25+$0xFFFFFED0]  }
0x219: {  	v20 =	vld [tilespmem:s25+$0xFFFFFEE0]  }
0x21a: {  	v21 =	vld [tilespmem:s25+$0xFFFFFEF0]  }
0x21b: {  	v22 =	vld [tilespmem:s25+$0xFFFFFF20]  }
0x21c: {  	v23 =	vld [tilespmem:s25+$0xFFFFFF30]  }
0x21d: {  	v24 =	vimm.f32 $0.0e+00;
	v25 =	vld [tilespmem:s25+$0xFFFFFF60]  }
0x21e: {  	v26 =	vld [tilespmem:s25+$0xFFFFFF70];
	v18 =	vadd.f32 v18, v24;
	v19 =	vadd.f32 v19, v24  }
0x21f: {  	v51 =	vld [tilespmem:s25+$0xFFFFFFA0];
	v20 =	vadd.f32 v20, v24;
	v21 =	vadd.f32 v21, v24  }
0x220: {  	v52 =	vld [tilespmem:s25+$0xFFFFFFB0];
	v16 =	vadd.f32 v16, v18;
	v17 =	vadd.f32 v17, v19  }
0x221: {  	v55 =	vld [tilespmem:s25+$0xFFFFFFE0];
	v53 =	vadd.f32 v22, v20;
	v54 =	vadd.f32 v23, v21  }
0x222: {  	v56 =	vld [tilespmem:s25+$0xFFFFFFF0];
	v14 =	vadd.f32 v14, v16;
	v15 =	vadd.f32 v15, v17  }
0x223: {  	v59 =	vld [tilespmem:s25+$0x20];
	v57 =	vadd.f32 v25, v53;
	v58 =	vadd.f32 v26, v54  }
0x224: {  	v11 =	vadd.f32 v11, v14;
	v13 =	vadd.f32 v13, v15;
	v14 =	vld [tilespmem:s25+$0x30]  }
0x225: {  	v61 =	vld [tilespmem:s25+$0x60];
	v15 =	vadd.f32 v51, v57;
	v60 =	vadd.f32 v52, v58  }
0x226: {  	v11 =	vadd.f32 v4, v11;
	v10 =	vadd.f32 v10, v13;
	v13 =	vld [tilespmem:s25+$0x70]  }
0x227: {  	v15 =	vadd.f32 v55, v15;
	v16 =	vadd.f32 v56, v60;
	v4 =	vld [tilespmem:s25+$0xA0]  }
0x228: {  	v11 =	vadd.f32 v5, v11;
	v10 =	vadd.f32 v6, v10;
	v6 =	vld [tilespmem:s25+$0xB0]  }
0x229: {  	v15 =	vadd.f32 v59, v15;
	v5 =	vld [tilespmem:s25+$0xE0];
	v14 =	vadd.f32 v14, v16  }
0x22a: {  	v62 =	vadd.f32 v7, v11;
	v63 =	vadd.f32 v8, v10;
	v8 =	vld [tilespmem:s25+$0xF0]  }
0x22b: {  	v11 =	vadd.f32 v61, v15;
	v7 =	vld [tilespmem:s25+$0x120];
	v10 =	vadd.f32 v13, v14  }
0x22c: {  	s26 =	simm.s32 $0x0;
	s1 =	sadd.s32 $0x280, s25;
	v13 =	vadd.f32 v9, v62;
	v12 =	vadd.f32 v12, v63;
	v9 =	vld [tilespmem:s25+$0x130]  }
.LBB2_26:
0x22d: {  	v14 =	vld [tilespmem:s1+$0x100];
	v4 =	vadd.f32 v4, v11;
	v6 =	vadd.f32 v6, v10  }
0x22e: {  	v10 =	vld [tilespmem:s1+$0x110];
	v11 =	vadd.f32 v2, v13;
	v12 =	vadd.f32 v3, v12  }
0x22f: {  	v2 =	vld [tilespmem:s1+$0xC0];
	v4 =	vadd.f32 v5, v4;
	v5 =	vadd.f32 v8, v6  }
0x230: {  	v3 =	vld [tilespmem:s1+$0xD0];
	v6 =	vadd.f32 v0, v11;
	v8 =	vadd.f32 v1, v12  }
0x231: {  	v12 =	vld [tilespmem:s1+$0x80];
	v4 =	vadd.f32 v7, v4;
	v5 =	vadd.f32 v9, v5  }
0x232: {  	v9 =	vld [tilespmem:s1+$0x90];
	v0 =	vmov v14  }
0x233: {  	v7 =	vld [tilespmem:s1+$0x40];
	v1 =	vmov v10  }
0x234: {  	v10 =	vld [tilespmem:s1+$0x50]  }
0x235: {  	v11 =	vld [tilespmem:s1+$0x0]  }
0x236: {  	v13 =	vld [tilespmem:s1+$0x10]  }
0x237: {  	v14 =	vld [tilespmem:s1+$0xFFFFFFC0]  }
0x238: {  	v15 =	vld [tilespmem:s1+$0xFFFFFFD0]  }
0x239: {  	v16 =	vld [tilespmem:s1+$0xFFFFFF80]  }
0x23a: {  	v17 =	vld [tilespmem:s1+$0xFFFFFF90]  }
0x23b: {  	v18 =	vld [tilespmem:s1+$0xFFFFFF40]  }
0x23c: {  	v19 =	vld [tilespmem:s1+$0xFFFFFF50]  }
0x23d: {  	v20 =	vld [tilespmem:s1+$0xFFFFFF00]  }
0x23e: {  	v21 =	vld [tilespmem:s1+$0xFFFFFF10]  }
0x23f: {  	v22 =	vld [tilespmem:s1+$0xFFFFFEC0]  }
0x240: {  	v23 =	vld [tilespmem:s1+$0xFFFFFED0]  }
0x241: {  	v24 =	vld [tilespmem:s1+$0xFFFFFEE0]  }
0x242: {  	s26 =	sadd.s32 $0xA, s26;
	v25 =	vld [tilespmem:s1+$0xFFFFFEF0]  }
0x243: {  	p0 =	slt.u32 s26, $0x28;
	v26 =	vld [tilespmem:s1+$0xFFFFFF20]  }
0x244: {  	v27 =	vld [tilespmem:s1+$0xFFFFFF30]  }
0x245: {  	v28 =	vld [tilespmem:s1+$0xFFFFFF60]  }
0x246: {  	v6 =	vadd.f32 v22, v6;
	v8 =	vadd.f32 v23, v8;
	v22 =	vld [tilespmem:s1+$0xFFFFFF70]  }
0x247: {  	v4 =	vadd.f32 v24, v4;
	v5 =	vadd.f32 v25, v5;
	v23 =	vld [tilespmem:s1+$0xFFFFFFA0]  }
0x248: {  	v6 =	vadd.f32 v20, v6;
	v8 =	vadd.f32 v21, v8;
	v20 =	vld [tilespmem:s1+$0xFFFFFFB0]  }
0x249: {  	v4 =	vadd.f32 v26, v4;
	v5 =	vadd.f32 v27, v5;
	v21 =	vld [tilespmem:s1+$0xFFFFFFE0]  }
0x24a: {  	v6 =	vadd.f32 v18, v6;
	v8 =	vadd.f32 v19, v8;
	v18 =	vld [tilespmem:s1+$0xFFFFFFF0]  }
0x24b: {  	v4 =	vadd.f32 v28, v4;
	v5 =	vadd.f32 v22, v5;
	v19 =	vld [tilespmem:s1+$0x20]  }
0x24c: {  	v6 =	vadd.f32 v16, v6;
	v8 =	vadd.f32 v17, v8;
	v16 =	vld [tilespmem:s1+$0x30]  }
0x24d: {  	v4 =	vadd.f32 v23, v4;
	v5 =	vadd.f32 v20, v5;
	v17 =	vld [tilespmem:s1+$0x60]  }
0x24e: {  	v6 =	vadd.f32 v14, v6;
	v8 =	vadd.f32 v15, v8;
	v14 =	vld [tilespmem:s1+$0x70]  }
0x24f: {  	v15 =	vadd.f32 v21, v4;
	v5 =	vadd.f32 v18, v5;
	v4 =	vld [tilespmem:s1+$0xA0]  }
.Ltmp12:
0x250: {  	v11 =	vadd.f32 v11, v6;
	v8 =	vadd.f32 v13, v8;
	v6 =	vld [tilespmem:s1+$0xB0];
	(pc) =	sbr.rel @p0 .LBB2_26-.Ltmp12, $4  }
0x251: {  	v13 =	vadd.f32 v19, v15;
	v15 =	vadd.f32 v16, v5;
	v5 =	vld [tilespmem:s1+$0xE0]  }
0x252: {  	v16 =	vadd.f32 v7, v11;
	v18 =	vadd.f32 v10, v8;
	v8 =	vld [tilespmem:s1+$0xF0]  }
0x253: {  	v11 =	vadd.f32 v17, v13;
	v10 =	vadd.f32 v14, v15;
	v7 =	vld [tilespmem:s1+$0x120]  }
0x254: {  	v13 =	vadd.f32 v12, v16;
	v12 =	vadd.f32 v9, v18;
	v9 =	vld [tilespmem:s1+$0x130];
	s1 =	sadd.s32 $0x280, s1  }
0x255: {  	_ = 	snop  }
0x256: {  	v4 =	vadd.f32 v4, v11;
	v2 =	vadd.f32 v2, v13  }
0x257: {  	v6 =	vadd.f32 v6, v10;
	v3 =	vadd.f32 v3, v12  }
0x258: {  	v4 =	vadd.f32 v5, v4;
	v0 =	vadd.f32 v0, v2  }
0x259: {  	s1 =	sshll.u32 s24, $0x6;
	s24 =	sadd.s32 $0x1, s24;
	v60 =	vadd.f32 v8, v6;
	v1 =	vadd.f32 v1, v3  }
0x25a: {  	p0 =	sne.s32 s24, $0x4;
	v61 =	vadd.f32 v7, v4;
	v0 =	vmul.f32 $1.999999960e-02, v0  }
.Ltmp13:
0x25b: {  	s1 =	sand.u32 $0x3FFFFFC0, s1;
	v2 =	vadd.f32 v9, v60;
	v1 =	vmul.f32 $1.999999960e-02, v1;
	(pc) =	sbr.rel @p0 .LBB2_25-.Ltmp13, $4  }
0x25c: {  	v62 =	vmul.f32 $1.999999960e-02, v61;
	[tilespmem:s1+$0x1DB00] =	vst v0  }
0x25d: {  	v63 =	vmul.f32 $1.999999960e-02, v2;
	[tilespmem:s1+$0x1DB10] =	vst v1  }
0x25e: {  	[tilespmem:s1+$0x1DB20] =	vst v62  }
0x25f: {  	s25 =	sadd.s32 $0xC80, s25;
	[tilespmem:s1+$0x1DB30] =	vst v63  }
0x260: {  	_ =	swait.ge [sflag:s18], $0x3200  }
0x261: {  	[sflag:s18] =	ssyncset.done $0x0  }
0x262: {  	s24 =	simm.s32 $0x0;
	s25 =	simm.s32 $0x9870;
	[sflag:s18] =	ssyncadd.s32 $0xFFFFCE00  }
.LBB2_29:
0x263: {  	v0 =	vld [tilespmem:s25+$0xFFFFFFD0]  }
0x264: {  	v1 =	vld [tilespmem:s25+$0xFFFFFFE0]  }
0x265: {  	v2 =	vld [tilespmem:s25+$0xFFFFFF90]  }
0x266: {  	v3 =	vld [tilespmem:s25+$0xFFFFFFA0]  }
0x267: {  	v9 =	vld [tilespmem:s25+$0xFFFFFF50]  }
0x268: {  	v12 =	vld [tilespmem:s25+$0xFFFFFF60]  }
0x269: {  	v7 =	vld [tilespmem:s25+$0xFFFFFF10]  }
0x26a: {  	v8 =	vld [tilespmem:s25+$0xFFFFFF20]  }
0x26b: {  	v5 =	vld [tilespmem:s25+$0xFFFFFED0]  }
0x26c: {  	v6 =	vld [tilespmem:s25+$0xFFFFFEE0]  }
0x26d: {  	v4 =	vld [tilespmem:s25+$0xFFFFFE90]  }
0x26e: {  	v10 =	vld [tilespmem:s25+$0xFFFFFEA0]  }
0x26f: {  	v11 =	vld [tilespmem:s25+$0xFFFFFE50]  }
0x270: {  	v13 =	vld [tilespmem:s25+$0xFFFFFE60]  }
0x271: {  	v14 =	vld [tilespmem:s25+$0xFFFFFE10]  }
0x272: {  	v15 =	vld [tilespmem:s25+$0xFFFFFE20]  }
0x273: {  	v16 =	vld [tilespmem:s25+$0xFFFFFDD0]  }
0x274: {  	v17 =	vld [tilespmem:s25+$0xFFFFFDE0]  }
0x275: {  	v18 =	vld [tilespmem:s25+$0xFFFFFD90]  }
0x276: {  	v19 =	vld [tilespmem:s25+$0xFFFFFDA0]  }
0x277: {  	v20 =	vld [tilespmem:s25+$0xFFFFFDB0]  }
0x278: {  	v21 =	vld [tilespmem:s25+$0xFFFFFDC0]  }
0x279: {  	v22 =	vld [tilespmem:s25+$0xFFFFFDF0]  }
0x27a: {  	v23 =	vld [tilespmem:s25+$0xFFFFFE00]  }
0x27b: {  	v24 =	vimm.f32 $0.0e+00;
	v25 =	vld [tilespmem:s25+$0xFFFFFE30]  }
0x27c: {  	v26 =	vld [tilespmem:s25+$0xFFFFFE40];
	v18 =	vadd.f32 v18, v24;
	v19 =	vadd.f32 v19, v24  }
0x27d: {  	v51 =	vld [tilespmem:s25+$0xFFFFFE70];
	v20 =	vadd.f32 v20, v24;
	v21 =	vadd.f32 v21, v24  }
0x27e: {  	v52 =	vld [tilespmem:s25+$0xFFFFFE80];
	v16 =	vadd.f32 v16, v18;
	v17 =	vadd.f32 v17, v19  }
0x27f: {  	v55 =	vld [tilespmem:s25+$0xFFFFFEB0];
	v53 =	vadd.f32 v22, v20;
	v54 =	vadd.f32 v23, v21  }
0x280: {  	v56 =	vld [tilespmem:s25+$0xFFFFFEC0];
	v14 =	vadd.f32 v14, v16;
	v15 =	vadd.f32 v15, v17  }
0x281: {  	v59 =	vld [tilespmem:s25+$0xFFFFFEF0];
	v57 =	vadd.f32 v25, v53;
	v58 =	vadd.f32 v26, v54  }
0x282: {  	v11 =	vadd.f32 v11, v14;
	v13 =	vadd.f32 v13, v15;
	v14 =	vld [tilespmem:s25+$0xFFFFFF00]  }
0x283: {  	v61 =	vld [tilespmem:s25+$0xFFFFFF30];
	v15 =	vadd.f32 v51, v57;
	v60 =	vadd.f32 v52, v58  }
0x284: {  	v11 =	vadd.f32 v4, v11;
	v10 =	vadd.f32 v10, v13;
	v13 =	vld [tilespmem:s25+$0xFFFFFF40]  }
0x285: {  	v15 =	vadd.f32 v55, v15;
	v16 =	vadd.f32 v56, v60;
	v4 =	vld [tilespmem:s25+$0xFFFFFF70]  }
0x286: {  	v11 =	vadd.f32 v5, v11;
	v10 =	vadd.f32 v6, v10;
	v6 =	vld [tilespmem:s25+$0xFFFFFF80]  }
0x287: {  	v15 =	vadd.f32 v59, v15;
	v5 =	vld [tilespmem:s25+$0xFFFFFFB0];
	v14 =	vadd.f32 v14, v16  }
0x288: {  	v62 =	vadd.f32 v7, v11;
	v63 =	vadd.f32 v8, v10;
	v8 =	vld [tilespmem:s25+$0xFFFFFFC0]  }
0x289: {  	v11 =	vadd.f32 v61, v15;
	v7 =	vld [tilespmem:s25+$0xFFFFFFF0];
	v10 =	vadd.f32 v13, v14  }
0x28a: {  	s26 =	simm.s32 $0x0;
	s1 =	sadd.s32 $0x280, s25;
	v13 =	vadd.f32 v9, v62;
	v12 =	vadd.f32 v12, v63;
	v9 =	vld [tilespmem:s25+$0x0]  }
.LBB2_30:
0x28b: {  	v14 =	vld [tilespmem:s1+$0xFFFFFFD0];
	v4 =	vadd.f32 v4, v11;
	v6 =	vadd.f32 v6, v10  }
0x28c: {  	v10 =	vld [tilespmem:s1+$0xFFFFFFE0];
	v11 =	vadd.f32 v2, v13;
	v12 =	vadd.f32 v3, v12  }
0x28d: {  	v2 =	vld [tilespmem:s1+$0xFFFFFF90];
	v4 =	vadd.f32 v5, v4;
	v5 =	vadd.f32 v8, v6  }
0x28e: {  	v3 =	vld [tilespmem:s1+$0xFFFFFFA0];
	v6 =	vadd.f32 v0, v11;
	v8 =	vadd.f32 v1, v12  }
0x28f: {  	v12 =	vld [tilespmem:s1+$0xFFFFFF50];
	v4 =	vadd.f32 v7, v4;
	v5 =	vadd.f32 v9, v5  }
0x290: {  	v9 =	vld [tilespmem:s1+$0xFFFFFF60];
	v0 =	vmov v14  }
0x291: {  	v7 =	vld [tilespmem:s1+$0xFFFFFF10];
	v1 =	vmov v10  }
0x292: {  	v10 =	vld [tilespmem:s1+$0xFFFFFF20]  }
0x293: {  	v11 =	vld [tilespmem:s1+$0xFFFFFED0]  }
0x294: {  	v13 =	vld [tilespmem:s1+$0xFFFFFEE0]  }
0x295: {  	v14 =	vld [tilespmem:s1+$0xFFFFFE90]  }
0x296: {  	v15 =	vld [tilespmem:s1+$0xFFFFFEA0]  }
0x297: {  	v16 =	vld [tilespmem:s1+$0xFFFFFE50]  }
0x298: {  	v17 =	vld [tilespmem:s1+$0xFFFFFE60]  }
0x299: {  	v18 =	vld [tilespmem:s1+$0xFFFFFE10]  }
0x29a: {  	v19 =	vld [tilespmem:s1+$0xFFFFFE20]  }
0x29b: {  	v20 =	vld [tilespmem:s1+$0xFFFFFDD0]  }
0x29c: {  	v21 =	vld [tilespmem:s1+$0xFFFFFDE0]  }
0x29d: {  	v22 =	vld [tilespmem:s1+$0xFFFFFD90]  }
0x29e: {  	v23 =	vld [tilespmem:s1+$0xFFFFFDA0]  }
0x29f: {  	v24 =	vld [tilespmem:s1+$0xFFFFFDB0]  }
0x2a0: {  	s26 =	sadd.s32 $0xA, s26;
	v25 =	vld [tilespmem:s1+$0xFFFFFDC0]  }
0x2a1: {  	p0 =	slt.u32 s26, $0x28;
	v26 =	vld [tilespmem:s1+$0xFFFFFDF0]  }
0x2a2: {  	v27 =	vld [tilespmem:s1+$0xFFFFFE00]  }
0x2a3: {  	v28 =	vld [tilespmem:s1+$0xFFFFFE30]  }
0x2a4: {  	v6 =	vadd.f32 v22, v6;
	v8 =	vadd.f32 v23, v8;
	v22 =	vld [tilespmem:s1+$0xFFFFFE40]  }
0x2a5: {  	v4 =	vadd.f32 v24, v4;
	v5 =	vadd.f32 v25, v5;
	v23 =	vld [tilespmem:s1+$0xFFFFFE70]  }
0x2a6: {  	v6 =	vadd.f32 v20, v6;
	v8 =	vadd.f32 v21, v8;
	v20 =	vld [tilespmem:s1+$0xFFFFFE80]  }
0x2a7: {  	v4 =	vadd.f32 v26, v4;
	v5 =	vadd.f32 v27, v5;
	v21 =	vld [tilespmem:s1+$0xFFFFFEB0]  }
0x2a8: {  	v6 =	vadd.f32 v18, v6;
	v8 =	vadd.f32 v19, v8;
	v18 =	vld [tilespmem:s1+$0xFFFFFEC0]  }
0x2a9: {  	v4 =	vadd.f32 v28, v4;
	v5 =	vadd.f32 v22, v5;
	v19 =	vld [tilespmem:s1+$0xFFFFFEF0]  }
0x2aa: {  	v6 =	vadd.f32 v16, v6;
	v8 =	vadd.f32 v17, v8;
	v16 =	vld [tilespmem:s1+$0xFFFFFF00]  }
0x2ab: {  	v4 =	vadd.f32 v23, v4;
	v5 =	vadd.f32 v20, v5;
	v17 =	vld [tilespmem:s1+$0xFFFFFF30]  }
0x2ac: {  	v6 =	vadd.f32 v14, v6;
	v8 =	vadd.f32 v15, v8;
	v14 =	vld [tilespmem:s1+$0xFFFFFF40]  }
0x2ad: {  	v15 =	vadd.f32 v21, v4;
	v5 =	vadd.f32 v18, v5;
	v4 =	vld [tilespmem:s1+$0xFFFFFF70]  }
.Ltmp14:
0x2ae: {  	v11 =	vadd.f32 v11, v6;
	v8 =	vadd.f32 v13, v8;
	v6 =	vld [tilespmem:s1+$0xFFFFFF80];
	(pc) =	sbr.rel @p0 .LBB2_30-.Ltmp14, $4  }
0x2af: {  	v13 =	vadd.f32 v19, v15;
	v15 =	vadd.f32 v16, v5;
	v5 =	vld [tilespmem:s1+$0xFFFFFFB0]  }
0x2b0: {  	v16 =	vadd.f32 v7, v11;
	v18 =	vadd.f32 v10, v8;
	v8 =	vld [tilespmem:s1+$0xFFFFFFC0]  }
0x2b1: {  	v11 =	vadd.f32 v17, v13;
	v10 =	vadd.f32 v14, v15;
	v7 =	vld [tilespmem:s1+$0xFFFFFFF0]  }
0x2b2: {  	v13 =	vadd.f32 v12, v16;
	v12 =	vadd.f32 v9, v18;
	v9 =	vld [tilespmem:s1+$0x0];
	s1 =	sadd.s32 $0x280, s1  }
0x2b3: {  	_ = 	snop  }
0x2b4: {  	v4 =	vadd.f32 v4, v11;
	v2 =	vadd.f32 v2, v13  }
0x2b5: {  	v6 =	vadd.f32 v6, v10;
	v3 =	vadd.f32 v3, v12  }
0x2b6: {  	v4 =	vadd.f32 v5, v4;
	v0 =	vadd.f32 v0, v2  }
0x2b7: {  	s1 =	sshll.u32 s24, $0x6;
	s24 =	sadd.s32 $0x1, s24;
	v60 =	vadd.f32 v8, v6;
	v1 =	vadd.f32 v1, v3  }
0x2b8: {  	p0 =	sne.s32 s24, $0x4;
	v61 =	vadd.f32 v7, v4;
	v0 =	vmul.f32 $1.999999960e-02, v0  }
.Ltmp15:
0x2b9: {  	s1 =	sand.u32 $0x3FFFFFC0, s1;
	v2 =	vadd.f32 v9, v60;
	v1 =	vmul.f32 $1.999999960e-02, v1;
	(pc) =	sbr.rel @p0 .LBB2_29-.Ltmp15, $4  }
0x2ba: {  	v62 =	vmul.f32 $1.999999960e-02, v61;
	[tilespmem:s1+$0x1DC00] =	vst v0  }
0x2bb: {  	v63 =	vmul.f32 $1.999999960e-02, v2;
	[tilespmem:s1+$0x1DC10] =	vst v1  }
0x2bc: {  	[tilespmem:s1+$0x1DC20] =	vst v62  }
0x2bd: {  	s25 =	sadd.s32 $0xC80, s25;
	[tilespmem:s1+$0x1DC30] =	vst v63  }
0x2be: {  	_ =	swait.ge [sflag:s19], $0x3200  }
0x2bf: {  	[sflag:s19] =	ssyncset.done $0x0  }
0x2c0: {  	s24 =	simm.s32 $0x0;
	s25 =	simm.s32 $0xC800;
	[sflag:s19] =	ssyncadd.s32 $0xFFFFCE00  }
.LBB2_33:
0x2c1: {  	v0 =	vld [tilespmem:s25+$0x240]  }
0x2c2: {  	v1 =	vld [tilespmem:s25+$0x250]  }
0x2c3: {  	v2 =	vld [tilespmem:s25+$0x200]  }
0x2c4: {  	v3 =	vld [tilespmem:s25+$0x210]  }
0x2c5: {  	v9 =	vld [tilespmem:s25+$0x1C0]  }
0x2c6: {  	v12 =	vld [tilespmem:s25+$0x1D0]  }
0x2c7: {  	v7 =	vld [tilespmem:s25+$0x180]  }
0x2c8: {  	v8 =	vld [tilespmem:s25+$0x190]  }
0x2c9: {  	v5 =	vld [tilespmem:s25+$0x140]  }
0x2ca: {  	v6 =	vld [tilespmem:s25+$0x150]  }
0x2cb: {  	v4 =	vld [tilespmem:s25+$0x100]  }
0x2cc: {  	v10 =	vld [tilespmem:s25+$0x110]  }
0x2cd: {  	v11 =	vld [tilespmem:s25+$0xC0]  }
0x2ce: {  	v13 =	vld [tilespmem:s25+$0xD0]  }
0x2cf: {  	v14 =	vld [tilespmem:s25+$0x80]  }
0x2d0: {  	v15 =	vld [tilespmem:s25+$0x90]  }
0x2d1: {  	v16 =	vld [tilespmem:s25+$0x40]  }
0x2d2: {  	v17 =	vld [tilespmem:s25+$0x50]  }
0x2d3: {  	v18 =	vld [tilespmem:s25+$0x0]  }
0x2d4: {  	v19 =	vld [tilespmem:s25+$0x10]  }
0x2d5: {  	v20 =	vld [tilespmem:s25+$0x20]  }
0x2d6: {  	v21 =	vld [tilespmem:s25+$0x30]  }
0x2d7: {  	v22 =	vld [tilespmem:s25+$0x60]  }
0x2d8: {  	v23 =	vld [tilespmem:s25+$0x70]  }
0x2d9: {  	v24 =	vimm.f32 $0.0e+00;
	v25 =	vld [tilespmem:s25+$0xA0]  }
0x2da: {  	v26 =	vld [tilespmem:s25+$0xB0];
	v18 =	vadd.f32 v18, v24;
	v19 =	vadd.f32 v19, v24  }
0x2db: {  	v51 =	vld [tilespmem:s25+$0xE0];
	v20 =	vadd.f32 v20, v24;
	v21 =	vadd.f32 v21, v24  }
0x2dc: {  	v52 =	vld [tilespmem:s25+$0xF0];
	v16 =	vadd.f32 v16, v18;
	v17 =	vadd.f32 v17, v19  }
0x2dd: {  	v55 =	vld [tilespmem:s25+$0x120];
	v53 =	vadd.f32 v22, v20;
	v54 =	vadd.f32 v23, v21  }
0x2de: {  	v56 =	vld [tilespmem:s25+$0x130];
	v14 =	vadd.f32 v14, v16;
	v15 =	vadd.f32 v15, v17  }
0x2df: {  	v59 =	vld [tilespmem:s25+$0x160];
	v57 =	vadd.f32 v25, v53;
	v58 =	vadd.f32 v26, v54  }
0x2e0: {  	v11 =	vadd.f32 v11, v14;
	v13 =	vadd.f32 v13, v15;
	v14 =	vld [tilespmem:s25+$0x170]  }
0x2e1: {  	v61 =	vld [tilespmem:s25+$0x1A0];
	v15 =	vadd.f32 v51, v57;
	v60 =	vadd.f32 v52, v58  }
0x2e2: {  	v11 =	vadd.f32 v4, v11;
	v10 =	vadd.f32 v10, v13;
	v13 =	vld [tilespmem:s25+$0x1B0]  }
0x2e3: {  	v15 =	vadd.f32 v55, v15;
	v16 =	vadd.f32 v56, v60;
	v4 =	vld [tilespmem:s25+$0x1E0]  }
0x2e4: {  	v11 =	vadd.f32 v5, v11;
	v10 =	vadd.f32 v6, v10;
	v6 =	vld [tilespmem:s25+$0x1F0]  }
0x2e5: {  	v15 =	vadd.f32 v59, v15;
	v5 =	vld [tilespmem:s25+$0x220];
	v14 =	vadd.f32 v14, v16  }
0x2e6: {  	v62 =	vadd.f32 v7, v11;
	v63 =	vadd.f32 v8, v10;
	v8 =	vld [tilespmem:s25+$0x230]  }
0x2e7: {  	v11 =	vadd.f32 v61, v15;
	v7 =	vld [tilespmem:s25+$0x260];
	v10 =	vadd.f32 v13, v14  }
0x2e8: {  	s26 =	simm.s32 $0x0;
	s1 =	sadd.s32 $0x280, s25;
	v13 =	vadd.f32 v9, v62;
	v12 =	vadd.f32 v12, v63;
	v9 =	vld [tilespmem:s25+$0x270]  }
.LBB2_34:
0x2e9: {  	v14 =	vld [tilespmem:s1+$0x240];
	v4 =	vadd.f32 v4, v11;
	v6 =	vadd.f32 v6, v10  }
0x2ea: {  	v10 =	vld [tilespmem:s1+$0x250];
	v11 =	vadd.f32 v2, v13;
	v12 =	vadd.f32 v3, v12  }
0x2eb: {  	v2 =	vld [tilespmem:s1+$0x200];
	v4 =	vadd.f32 v5, v4;
	v5 =	vadd.f32 v8, v6  }
0x2ec: {  	v3 =	vld [tilespmem:s1+$0x210];
	v6 =	vadd.f32 v0, v11;
	v8 =	vadd.f32 v1, v12  }
0x2ed: {  	v12 =	vld [tilespmem:s1+$0x1C0];
	v4 =	vadd.f32 v7, v4;
	v5 =	vadd.f32 v9, v5  }
0x2ee: {  	v9 =	vld [tilespmem:s1+$0x1D0];
	v0 =	vmov v14  }
0x2ef: {  	v7 =	vld [tilespmem:s1+$0x180];
	v1 =	vmov v10  }
0x2f0: {  	v10 =	vld [tilespmem:s1+$0x190]  }
0x2f1: {  	v11 =	vld [tilespmem:s1+$0x140]  }
0x2f2: {  	v13 =	vld [tilespmem:s1+$0x150]  }
0x2f3: {  	v14 =	vld [tilespmem:s1+$0x100]  }
0x2f4: {  	v15 =	vld [tilespmem:s1+$0x110]  }
0x2f5: {  	v16 =	vld [tilespmem:s1+$0xC0]  }
0x2f6: {  	v17 =	vld [tilespmem:s1+$0xD0]  }
0x2f7: {  	v18 =	vld [tilespmem:s1+$0x80]  }
0x2f8: {  	v19 =	vld [tilespmem:s1+$0x90]  }
0x2f9: {  	v20 =	vld [tilespmem:s1+$0x40]  }
0x2fa: {  	v21 =	vld [tilespmem:s1+$0x50]  }
0x2fb: {  	v22 =	vld [tilespmem:s1+$0x0]  }
0x2fc: {  	v23 =	vld [tilespmem:s1+$0x10]  }
0x2fd: {  	v24 =	vld [tilespmem:s1+$0x20]  }
0x2fe: {  	s26 =	sadd.s32 $0xA, s26;
	v25 =	vld [tilespmem:s1+$0x30]  }
0x2ff: {  	p0 =	slt.u32 s26, $0x28;
	v26 =	vld [tilespmem:s1+$0x60]  }
0x300: {  	v27 =	vld [tilespmem:s1+$0x70]  }
0x301: {  	v28 =	vld [tilespmem:s1+$0xA0]  }
0x302: {  	v6 =	vadd.f32 v22, v6;
	v8 =	vadd.f32 v23, v8;
	v22 =	vld [tilespmem:s1+$0xB0]  }
0x303: {  	v4 =	vadd.f32 v24, v4;
	v5 =	vadd.f32 v25, v5;
	v23 =	vld [tilespmem:s1+$0xE0]  }
0x304: {  	v6 =	vadd.f32 v20, v6;
	v8 =	vadd.f32 v21, v8;
	v20 =	vld [tilespmem:s1+$0xF0]  }
0x305: {  	v4 =	vadd.f32 v26, v4;
	v5 =	vadd.f32 v27, v5;
	v21 =	vld [tilespmem:s1+$0x120]  }
0x306: {  	v6 =	vadd.f32 v18, v6;
	v8 =	vadd.f32 v19, v8;
	v18 =	vld [tilespmem:s1+$0x130]  }
0x307: {  	v4 =	vadd.f32 v28, v4;
	v5 =	vadd.f32 v22, v5;
	v19 =	vld [tilespmem:s1+$0x160]  }
0x308: {  	v6 =	vadd.f32 v16, v6;
	v8 =	vadd.f32 v17, v8;
	v16 =	vld [tilespmem:s1+$0x170]  }
0x309: {  	v4 =	vadd.f32 v23, v4;
	v5 =	vadd.f32 v20, v5;
	v17 =	vld [tilespmem:s1+$0x1A0]  }
0x30a: {  	v6 =	vadd.f32 v14, v6;
	v8 =	vadd.f32 v15, v8;
	v14 =	vld [tilespmem:s1+$0x1B0]  }
0x30b: {  	v15 =	vadd.f32 v21, v4;
	v5 =	vadd.f32 v18, v5;
	v4 =	vld [tilespmem:s1+$0x1E0]  }
.Ltmp16:
0x30c: {  	v11 =	vadd.f32 v11, v6;
	v8 =	vadd.f32 v13, v8;
	v6 =	vld [tilespmem:s1+$0x1F0];
	(pc) =	sbr.rel @p0 .LBB2_34-.Ltmp16, $4  }
0x30d: {  	v13 =	vadd.f32 v19, v15;
	v15 =	vadd.f32 v16, v5;
	v5 =	vld [tilespmem:s1+$0x220]  }
0x30e: {  	v16 =	vadd.f32 v7, v11;
	v18 =	vadd.f32 v10, v8;
	v8 =	vld [tilespmem:s1+$0x230]  }
0x30f: {  	v11 =	vadd.f32 v17, v13;
	v10 =	vadd.f32 v14, v15;
	v7 =	vld [tilespmem:s1+$0x260]  }
0x310: {  	v13 =	vadd.f32 v12, v16;
	v12 =	vadd.f32 v9, v18;
	v9 =	vld [tilespmem:s1+$0x270];
	s1 =	sadd.s32 $0x280, s1  }
0x311: {  	_ = 	snop  }
0x312: {  	v4 =	vadd.f32 v4, v11;
	v2 =	vadd.f32 v2, v13  }
0x313: {  	v6 =	vadd.f32 v6, v10;
	v3 =	vadd.f32 v3, v12  }
0x314: {  	v4 =	vadd.f32 v5, v4;
	v0 =	vadd.f32 v0, v2  }
0x315: {  	s1 =	sshll.u32 s24, $0x6;
	s24 =	sadd.s32 $0x1, s24;
	v60 =	vadd.f32 v8, v6;
	v1 =	vadd.f32 v1, v3  }
0x316: {  	p0 =	sne.s32 s24, $0x4;
	v61 =	vadd.f32 v7, v4;
	v0 =	vmul.f32 $1.999999960e-02, v0  }
.Ltmp17:
0x317: {  	s1 =	sand.u32 $0x3FFFFFC0, s1;
	v2 =	vadd.f32 v9, v60;
	v1 =	vmul.f32 $1.999999960e-02, v1;
	(pc) =	sbr.rel @p0 .LBB2_33-.Ltmp17, $4  }
0x318: {  	v62 =	vmul.f32 $1.999999960e-02, v61;
	[tilespmem:s1+$0x1DD00] =	vst v0  }
0x319: {  	v63 =	vmul.f32 $1.999999960e-02, v2;
	[tilespmem:s1+$0x1DD10] =	vst v1  }
0x31a: {  	[tilespmem:s1+$0x1DD20] =	vst v62  }
0x31b: {  	s25 =	sadd.s32 $0xC80, s25;
	[tilespmem:s1+$0x1DD30] =	vst v63  }
0x31c: {  	s23 =	sadd.s32 $0x1, s23  }
0x31d: {  	p0 =	sne.s32 s23, s6  }
.Ltmp18:
0x31e: {  	_ = 	snop;
	(pc) =	sbr.rel @p0 .LBB2_1-.Ltmp18, $4  }
0x31f: {  	[hbm4b:s5+s2] =	stream.linear.scatter [tilespmem:s22], [sflag:$0x6], $0x8000, $0x38;
	[tilespmem:$0x1DE00] =	vst v63  }
0x320: {  	_ =	swait.ge [sflag:s7], $0x8000  }
0x321: {  	[sflag:s7] =	ssyncset.done $0x0  }
0x322: {  	[sflag:s7] =	ssyncadd.s32 $0xFFFF8000  }
0x323: {  	_ =	sfence.sel $0x180000  }
0x324: {  	[bflag:$0x0] =	sbarrier.arrive $0xFFFF  }
0x325: {  	_ =	strace $0x90000047  }
0x326: {  	[bflag:$0x2] =	sbarrier.arrive $0xFFFF  }
0x327: {  	p0 =	sne.s32 s0, $0x0;
	s0 =	rddreg [dreg:$0x2]  }
0x328: {  	s0 =	sadd.s32 @!p0 $0x100000, s0  }
0x329: {  	[sflag:s0] =	ssyncadd.tile.s32 @!p0 $0x1;
	_ =	shalt  }
.Lfunc_end2:
_tile_overlayer_lowered:
.L_overlay_start_2:
0x32a: {  	(tag) =	ssettag $0x2  }
0x32b: {  	s0 =	rddreg [dreg:$0x0];
	s2 =	stileid.u32  }
0x32c: {  	s1 =	rddreg [dreg:$0x1];
	p0 =	sne.s32 s2, $0x0  }
0x32d: {  	s3 =	rddreg [dreg:$0x2];
	[bflag:$0x3] =	sbarrier.arrive $0xFFFF;
	s2 =	simm.s32 @!p0 $0x1C06  }
0x32e: {  	[timem:s3], [sflag:s2] =	dma.local @!p0 [hbm:s0], s1  }
0x32f: {  	s0 =	simm.s32 @!p0 $0x6  }
0x330: {  	_ =	swait.ge @!p0 [sflag:s0], s1  }
0x331: {  	s1 =	ssub.s32 @!p0 $0x0, s1;
	[sflag:s0] =	ssyncset.done @!p0 $0x0  }
0x332: {  	[sflag:s0] =	ssyncadd.s32 @!p0 s1  }
0x333: {  	[bflag:$0x3] =	sbarrier.arrive $0xFFFF  }
0x334: {  	_ =	shalt  }

</sc_bundles>
